<compile_context>
chip_gen: v7x
topology: tpu7x:2x2x1
jax: 0.10.2.dev20260603
libtpu: 0.0.44.dev20260713+nightly
codegen_flags: <defaults>
</compile_context>

<pallas_src>
import functools

import jax
import jax.numpy as jnp
from jax import lax
from jax.experimental import pallas as pl
from jax.experimental.pallas import tpu as pltpu
from jax.experimental.pallas import tpu_sc as plsc

VOCAB = 1000000
EMB = 32
BATCH = 16384
HIST = 50

NC, NS = 2, 16
NW = NC * NS
COLS = BATCH // NW
RH = 2
NSTEP = HIST // RH
NBUF = 2

_mesh = plsc.VectorSubcoreMesh(core_axis_name="c", subcore_axis_name="s")


@functools.partial(
    pl.kernel,
    out_type=jax.ShapeDtypeStruct((HIST, BATCH, EMB), jnp.float32),
    mesh=_mesh,
    scratch_types=[
        pltpu.VMEM((NBUF, RH, COLS), jnp.int32),
        pltpu.VMEM((NBUF, RH, COLS, EMB), jnp.float32),
        [pltpu.SemaphoreType.DMA] * NBUF,
        [pltpu.SemaphoreType.DMA] * NBUF,
    ],
    compiler_params=pltpu.CompilerParams(use_tc_tiling_on_sc=False),
)
def _gather_kernel(xt_hbm, table_hbm, out_hbm, idx_v, rows_v,
                   gsem, wsem):
    wid = lax.axis_index("s") * NC + lax.axis_index("c")
    c0 = wid * COLS

    gathers = [None] * NBUF
    writes = [None] * NBUF

    def start_gather(i, b):
        pltpu.sync_copy(xt_hbm.at[pl.ds(i * RH, RH), pl.ds(c0, COLS)],
                        idx_v.at[b])
        gathers[b] = [
            pltpu.async_copy(table_hbm.at[idx_v.at[b, r]], rows_v.at[b, r],
                             gsem[b])
            for r in range(RH)
        ]

    for b in range(NBUF):
        start_gather(b, b)
    for i in range(NSTEP):
        b = i % NBUF
        for g in gathers[b]:
            g.wait()
        writes[b] = pltpu.async_copy(
            rows_v.at[b],
            out_hbm.at[pl.ds(i * RH, RH), pl.ds(c0, COLS), :],
            wsem[b])
        j = i + NBUF
        if j < NSTEP:
            writes[b].wait()
            start_gather(j, b)
    for b in range(NBUF):
        writes[b].wait()


def kernel(x, table):
    out = _gather_kernel(x.T.astype(jnp.int32), table)
    return out.transpose(1, 0, 2)

# --- scband reference (transcript-rebuilt; emitter-appended) ---
"""Pipeline reference for scband-codebook-55611236548684 (READ-ONLY COPY).

The authoritative reference and input builder live on the scoring server;
editing this copy changes nothing except your own understanding.
"""

import jax, jax.numpy as jnp
import numpy as np

VOCAB = 1000000
EMB = 32
BATCH = 16384
HIST = 50

def setup_inputs(seed: int = 0) -> dict:
    key = jax.random.key(seed)
    k_idx, k_tab = jax.random.split(key)
    x = jax.random.randint(k_idx, (BATCH, HIST), 0, VOCAB, dtype=jnp.int64)
    table = jax.random.normal(k_tab, (VOCAB, EMB), dtype=jnp.float32)
    return {"x": x, "table": table}

def reference(x, table):
    # nn.Embedding forward: gather rows of the table by index
    return jnp.take(table, x, axis=0)

if __name__ == "__main__":
    import jax
    _d = setup_inputs()
    print(jax.jit(kernel)(*tuple(_d.values())))

</pallas_src>

<mosaic_0001>
#map = affine_map<(d0, d1) -> (0, 0)>
#map1 = affine_map<(d0, d1) -> (0, 0, 0)>
module attributes {stable_mosaic.version = 14 : i64} {
  func.func @_gather_kernel(%arg0: i32, %arg1: i32, %arg2: memref<50x16384xi32, #tpu.memory_space<hbm>>, %arg3: memref<1000000x32xf32, #tpu.memory_space<hbm>>, %arg4: memref<50x16384x32xf32, #tpu.memory_space<hbm>>, %arg5: memref<2x2x512xi32, #tpu.memory_space<vmem>>, %arg6: memref<2x2x512x32xf32, #tpu.memory_space<vmem>>, %arg7: memref<!tpu.dma_semaphore, #tpu.memory_space<semaphore_mem>>, %arg8: memref<!tpu.dma_semaphore, #tpu.memory_space<semaphore_mem>>, %arg9: memref<!tpu.dma_semaphore, #tpu.memory_space<semaphore_mem>>, %arg10: memref<!tpu.dma_semaphore, #tpu.memory_space<semaphore_mem>>) attributes {dimension_semantics = [#tpu.dimension_semantics<core_parallel>, #tpu.dimension_semantics<subcore_parallel>], iteration_bounds = array<i64: 2, 16>, scalar_prefetch = 0 : i64, scratch_operands = 6 : i64, tpu.core_type = #tpu.core_type<sc_vector_subcore>, window_params = [{transform_indices = #map}, {transform_indices = #map}, {transform_indices = #map1}]} {
    %mul3A = arith.constant 2 : i32
    %mul3A_0 = arith.muli %arg1, %mul3A : i32
    %add3A = arith.addi %mul3A_0, %arg0 : i32
    %mul3A_1 = arith.constant 512 : i32
    %mul3A_2 = arith.muli %add3A, %mul3A_1 : i32
    %run_scoped3A = arith.constant 0 : i32
    "tpu.region"() ({
      %run_scoped3A_2275 = tpu.sem_alloc : memref<!tpu.dma_semaphore, #tpu.memory_space<semaphore_mem>>
      %dma_start3A_2276 = arith.constant 0 : i32
      %dma_start3A_2277 = arith.constant 0 : i32
      %dma_start3A_2278 = tpu.memref_slice %arg5[%run_scoped3A, %dma_start3A_2276, %dma_start3A_2277] : memref<2x2x512xi32, #tpu.memory_space<vmem>> -> memref<1x2x512xi32, #tpu.memory_space<vmem>>
      %dma_start3A_2279 = tpu.memref_squeeze %dma_start3A_2278 : memref<1x2x512xi32, #tpu.memory_space<vmem>> -> memref<2x512xi32, #tpu.memory_space<vmem>>
      %dma_start3A_2280 = arith.constant 0 : i32
      %dma_start3A_2281 = tpu.memref_slice %arg2[%dma_start3A_2280, %mul3A_2] : memref<50x16384xi32, #tpu.memory_space<hbm>> -> memref<2x512xi32, #tpu.memory_space<hbm>>
      %dma_start3A_2282 = arith.constant 0 : i32
      %dma_start3A_2283 = arith.constant 0 : i32
      %dma_start3A_2284 = tpu.memref_slice %arg5[%run_scoped3A, %dma_start3A_2282, %dma_start3A_2283] : memref<2x2x512xi32, #tpu.memory_space<vmem>> -> memref<1x2x512xi32, #tpu.memory_space<vmem>>
      %dma_start3A_2285 = tpu.memref_squeeze %dma_start3A_2284 : memref<1x2x512xi32, #tpu.memory_space<vmem>> -> memref<2x512xi32, #tpu.memory_space<vmem>>
      %dma_start3A_2286 = arith.constant 0 : i32
      %dma_start3A_2287 = tpu.memref_slice %arg2[%dma_start3A_2286, %mul3A_2] : memref<50x16384xi32, #tpu.memory_space<hbm>> -> memref<2x512xi32, #tpu.memory_space<hbm>>
      tpu.enqueue_dma source(%dma_start3A_2287 : memref<2x512xi32, #tpu.memory_space<hbm>>) target(%dma_start3A_2285 : memref<2x512xi32, #tpu.memory_space<vmem>>) target_semaphore(%run_scoped3A_2275 : memref<!tpu.dma_semaphore, #tpu.memory_space<semaphore_mem>>)
      %dma_wait3A_2288 = arith.constant 0 : i32
      %dma_wait3A_2289 = arith.constant 0 : i32
      %dma_wait3A_2290 = tpu.memref_slice %arg5[%run_scoped3A, %dma_wait3A_2288, %dma_wait3A_2289] : memref<2x2x512xi32, #tpu.memory_space<vmem>> -> memref<1x2x512xi32, #tpu.memory_space<vmem>>
      %dma_wait3A_2291 = tpu.memref_squeeze %dma_wait3A_2290 : memref<1x2x512xi32, #tpu.memory_space<vmem>> -> memref<2x512xi32, #tpu.memory_space<vmem>>
      %dma_wait3A_2292 = arith.constant 0 : i32
      %dma_wait3A_2293 = tpu.memref_slice %arg2[%dma_wait3A_2292, %mul3A_2] : memref<50x16384xi32, #tpu.memory_space<hbm>> -> memref<2x512xi32, #tpu.memory_space<hbm>>
      %dma_wait3A_2294 = arith.constant 0 : i32
      %dma_wait3A_2295 = arith.constant 0 : i32
      %dma_wait3A_2296 = tpu.memref_slice %arg5[%run_scoped3A, %dma_wait3A_2294, %dma_wait3A_2295] : memref<2x2x512xi32, #tpu.memory_space<vmem>> -> memref<1x2x512xi32, #tpu.memory_space<vmem>>
      %dma_wait3A_2297 = tpu.memref_squeeze %dma_wait3A_2296 : memref<1x2x512xi32, #tpu.memory_space<vmem>> -> memref<2x512xi32, #tpu.memory_space<vmem>>
      %dma_wait3A_2298 = arith.constant 0 : i32
      %dma_wait3A_2299 = tpu.memref_slice %arg2[%dma_wait3A_2298, %mul3A_2] : memref<50x16384xi32, #tpu.memory_space<hbm>> -> memref<2x512xi32, #tpu.memory_space<hbm>>
      tpu.wait_dma2 semaphore(%run_scoped3A_2275 : memref<!tpu.dma_semaphore, #tpu.memory_space<semaphore_mem>>) src(%dma_wait3A_2299 : memref<2x512xi32, #tpu.memory_space<hbm>>) dst(%dma_wait3A_2297 : memref<2x512xi32, #tpu.memory_space<vmem>>)
      tpu.yield
    }) : () -> ()
    %dma_start3A = arith.constant 0 : i32
    %dma_start3A_3 = arith.constant 0 : i32
    %dma_start3A_4 = arith.constant 0 : i32
    %dma_start3A_5 = arith.constant 0 : i32
    %dma_start3A_6 = arith.constant 0 : i32
    %dma_start3A_7 = arith.constant 0 : i32
    %dma_start3A_8 = tpu.memref_slice %arg6[%dma_start3A_4, %dma_start3A_5, %dma_start3A_6, %dma_start3A_7] : memref<2x2x512x32xf32, #tpu.memory_space<vmem>> -> memref<1x1x512x32xf32, #tpu.memory_space<vmem>>
    %dma_start3A_9 = tpu.memref_squeeze %dma_start3A_8 : memref<1x1x512x32xf32, #tpu.memory_space<vmem>> -> memref<512x32xf32, #tpu.memory_space<vmem>>
    %dma_start3A_10 = arith.constant 0 : i32
    %dma_start3A_11 = tpu.memref_slice %arg5[%dma_start3A, %dma_start3A_3, %dma_start3A_10] : memref<2x2x512xi32, #tpu.memory_space<vmem>> -> memref<1x1x512xi32, #tpu.memory_space<vmem>>
    %dma_start3A_12 = tpu.memref_squeeze %dma_start3A_11 : memref<1x1x512xi32, #tpu.memory_space<vmem>> -> memref<512xi32, #tpu.memory_space<vmem>>
    %dma_start3A_13 = arith.constant 0 : i32
    %dma_start3A_14 = arith.constant 0 : i32
    %dma_start3A_15 = tpu.memref_slice %arg3[%dma_start3A_13, %dma_start3A_14] : memref<1000000x32xf32, #tpu.memory_space<hbm>> -> memref<1000000x32xf32, #tpu.memory_space<hbm>>
    tpu.enqueue_indirect_dma source(%dma_start3A_15 : memref<1000000x32xf32, #tpu.memory_space<hbm>>) target(%dma_start3A_9 : memref<512x32xf32, #tpu.memory_space<vmem>>) offsets(%dma_start3A_12 : memref<512xi32, #tpu.memory_space<vmem>>) semaphore(%arg7 : memref<!tpu.dma_semaphore, #tpu.memory_space<semaphore_mem>>)
    %dma_start3A_16 = arith.constant 0 : i32
    %dma_start3A_17 = arith.constant 1 : i32
    %dma_start3A_18 = arith.constant 0 : i32
    %dma_start3A_19 = arith.constant 1 : i32
    %dma_start3A_20 = arith.constant 0 : i32
    %dma_start3A_21 = arith.constant 0 : i32
    %dma_start3A_22 = tpu.memref_slice %arg6[%dma_start3A_18, %dma_start3A_19, %dma_start3A_20, %dma_start3A_21] : memref<2x2x512x32xf32, #tpu.memory_space<vmem>> -> memref<1x1x512x32xf32, #tpu.memory_space<vmem>>
    %dma_start3A_23 = tpu.memref_squeeze %dma_start3A_22 : memref<1x1x512x32xf32, #tpu.memory_space<vmem>> -> memref<512x32xf32, #tpu.memory_space<vmem>>
    %dma_start3A_24 = arith.constant 0 : i32
    %dma_start3A_25 = tpu.memref_slice %arg5[%dma_start3A_16, %dma_start3A_17, %dma_start3A_24] : memref<2x2x512xi32, #tpu.memory_space<vmem>> -> memref<1x1x512xi32, #tpu.memory_space<vmem>>
    %dma_start3A_26 = tpu.memref_squeeze %dma_start3A_25 : memref<1x1x512xi32, #tpu.memory_space<vmem>> -> memref<512xi32, #tpu.memory_space<vmem>>
    %dma_start3A_27 = arith.constant 0 : i32
    %dma_start3A_28 = arith.constant 0 : i32
    %dma_start3A_29 = tpu.memref_slice %arg3[%dma_start3A_27, %dma_start3A_28] : memref<1000000x32xf32, #tpu.memory_space<hbm>> -> memref<1000000x32xf32, #tpu.memory_space<hbm>>
    tpu.enqueue_indirect_dma source(%dma_start3A_29 : memref<1000000x32xf32, #tpu.memory_space<hbm>>) target(%dma_start3A_23 : memref<512x32xf32, #tpu.memory_space<vmem>>) offsets(%dma_start3A_26 : memref<512xi32, #tpu.memory_space<vmem>>) semaphore(%arg7 : memref<!tpu.dma_semaphore, #tpu.memory_space<semaphore_mem>>)
    %run_scoped3A_30 = arith.constant 1 : i32
    "tpu.region"() ({
      %run_scoped3A_2275 = tpu.sem_alloc : memref<!tpu.dma_semaphore, #tpu.memory_space<semaphore_mem>>
      %dma_start3A_2276 = arith.constant 0 : i32
      %dma_start3A_2277 = arith.constant 0 : i32
      %dma_start3A_2278 = tpu.memref_slice %arg5[%run_scoped3A_30, %dma_start3A_2276, %dma_start3A_2277] : memref<2x2x512xi32, #tpu.memory_space<vmem>> -> memref<1x2x512xi32, #tpu.memory_space<vmem>>
      %dma_start3A_2279 = tpu.memref_squeeze %dma_start3A_2278 : memref<1x2x512xi32, #tpu.memory_space<vmem>> -> memref<2x512xi32, #tpu.memory_space<vmem>>
      %dma_start3A_2280 = arith.constant 2 : i32
      %dma_start3A_2281 = tpu.memref_slice %arg2[%dma_start3A_2280, %mul3A_2] : memref<50x16384xi32, #tpu.memory_space<hbm>> -> memref<2x512xi32, #tpu.memory_space<hbm>>
      %dma_start3A_2282 = arith.constant 0 : i32
      %dma_start3A_2283 = arith.constant 0 : i32
      %dma_start3A_2284 = tpu.memref_slice %arg5[%run_scoped3A_30, %dma_start3A_2282, %dma_start3A_2283] : memref<2x2x512xi32, #tpu.memory_space<vmem>> -> memref<1x2x512xi32, #tpu.memory_space<vmem>>
      %dma_start3A_2285 = tpu.memref_squeeze %dma_start3A_2284 : memref<1x2x512xi32, #tpu.memory_space<vmem>> -> memref<2x512xi32, #tpu.memory_space<vmem>>
      %dma_start3A_2286 = arith.constant 2 : i32
      %dma_start3A_2287 = tpu.memref_slice %arg2[%dma_start3A_2286, %mul3A_2] : memref<50x16384xi32, #tpu.memory_space<hbm>> -> memref<2x512xi32, #tpu.memory_space<hbm>>
      tpu.enqueue_dma source(%dma_start3A_2287 : memref<2x512xi32, #tpu.memory_space<hbm>>) target(%dma_start3A_2285 : memref<2x512xi32, #tpu.memory_space<vmem>>) target_semaphore(%run_scoped3A_2275 : memref<!tpu.dma_semaphore, #tpu.memory_space<semaphore_mem>>)
      %dma_wait3A_2288 = arith.constant 0 : i32
      %dma_wait3A_2289 = arith.constant 0 : i32
      %dma_wait3A_2290 = tpu.memref_slice %arg5[%run_scoped3A_30, %dma_wait3A_2288, %dma_wait3A_2289] : memref<2x2x512xi32, #tpu.memory_space<vmem>> -> memref<1x2x512xi32, #tpu.memory_space<vmem>>
      %dma_wait3A_2291 = tpu.memref_squeeze %dma_wait3A_2290 : memref<1x2x512xi32, #tpu.memory_space<vmem>> -> memref<2x512xi32, #tpu.memory_space<vmem>>
      %dma_wait3A_2292 = arith.constant 2 : i32
      %dma_wait3A_2293 = tpu.memref_slice %arg2[%dma_wait3A_2292, %mul3A_2] : memref<50x16384xi32, #tpu.memory_space<hbm>> -> memref<2x512xi32, #tpu.memory_space<hbm>>
      %dma_wait3A_2294 = arith.constant 0 : i32
      %dma_wait3A_2295 = arith.constant 0 : i32
      %dma_wait3A_2296 = tpu.memref_slice %arg5[%run_scoped3A_30, %dma_wait3A_2294, %dma_wait3A_2295] : memref<2x2x512xi32, #tpu.memory_space<vmem>> -> memref<1x2x512xi32, #tpu.memory_space<vmem>>
      %dma_wait3A_2297 = tpu.memref_squeeze %dma_wait3A_2296 : memref<1x2x512xi32, #tpu.memory_space<vmem>> -> memref<2x512xi32, #tpu.memory_space<vmem>>
      %dma_wait3A_2298 = arith.constant 2 : i32
      %dma_wait3A_2299 = tpu.memref_slice %arg2[%dma_wait3A_2298, %mul3A_2] : memref<50x16384xi32, #tpu.memory_space<hbm>> -> memref<2x512xi32, #tpu.memory_space<hbm>>
      tpu.wait_dma2 semaphore(%run_scoped3A_2275 : memref<!tpu.dma_semaphore, #tpu.memory_space<semaphore_mem>>) src(%dma_wait3A_2299 : memref<2x512xi32, #tpu.memory_space<hbm>>) dst(%dma_wait3A_2297 : memref<2x512xi32, #tpu.memory_space<vmem>>)
      tpu.yield
    }) : () -> ()
    %dma_start3A_31 = arith.constant 1 : i32
    %dma_start3A_32 = arith.constant 0 : i32
    %dma_start3A_33 = arith.constant 1 : i32
    %dma_start3A_34 = arith.constant 0 : i32
    %dma_start3A_35 = arith.constant 0 : i32
    %dma_start3A_36 = arith.constant 0 : i32
    %dma_start3A_37 = tpu.memref_slice %arg6[%dma_start3A_33, %dma_start3A_34, %dma_start3A_35, %dma_start3A_36] : memref<2x2x512x32xf32, #tpu.memory_space<vmem>> -> memref<1x1x512x32xf32, #tpu.memory_space<vmem>>
    %dma_start3A_38 = tpu.memref_squeeze %dma_start3A_37 : memref<1x1x512x32xf32, #tpu.memory_space<vmem>> -> memref<512x32xf32, #tpu.memory_space<vmem>>
    %dma_start3A_39 = arith.constant 0 : i32
    %dma_start3A_40 = tpu.memref_slice %arg5[%dma_start3A_31, %dma_start3A_32, %dma_start3A_39] : memref<2x2x512xi32, #tpu.memory_space<vmem>> -> memref<1x1x512xi32, #tpu.memory_space<vmem>>
    %dma_start3A_41 = tpu.memref_squeeze %dma_start3A_40 : memref<1x1x512xi32, #tpu.memory_space<vmem>> -> memref<512xi32, #tpu.memory_space<vmem>>
    %dma_start3A_42 = arith.constant 0 : i32
    %dma_start3A_43 = arith.constant 0 : i32
    %dma_start3A_44 = tpu.memref_slice %arg3[%dma_start3A_42, %dma_start3A_43] : memref<1000000x32xf32, #tpu.memory_space<hbm>> -> memref<1000000x32xf32, #tpu.memory_space<hbm>>
    tpu.enqueue_indirect_dma source(%dma_start3A_44 : memref<1000000x32xf32, #tpu.memory_space<hbm>>) target(%dma_start3A_38 : memref<512x32xf32, #tpu.memory_space<vmem>>) offsets(%dma_start3A_41 : memref<512xi32, #tpu.memory_space<vmem>>) semaphore(%arg8 : memref<!tpu.dma_semaphore, #tpu.memory_space<semaphore_mem>>)
    %dma_start3A_45 = arith.constant 1 : i32
    %dma_start3A_46 = arith.constant 1 : i32
    %dma_start3A_47 = arith.constant 1 : i32
    %dma_start3A_48 = arith.constant 1 : i32
    %dma_start3A_49 = arith.constant 0 : i32
    %dma_start3A_50 = arith.constant 0 : i32
    %dma_start3A_51 = tpu.memref_slice %arg6[%dma_start3A_47, %dma_start3A_48, %dma_start3A_49, %dma_start3A_50] : memref<2x2x512x32xf32, #tpu.memory_space<vmem>> -> memref<1x1x512x32xf32, #tpu.memory_space<vmem>>
    %dma_start3A_52 = tpu.memref_squeeze %dma_start3A_51 : memref<1x1x512x32xf32, #tpu.memory_space<vmem>> -> memref<512x32xf32, #tpu.memory_space<vmem>>
    %dma_start3A_53 = arith.constant 0 : i32
    %dma_start3A_54 = tpu.memref_slice %arg5[%dma_start3A_45, %dma_start3A_46, %dma_start3A_53] : memref<2x2x512xi32, #tpu.memory_space<vmem>> -> memref<1x1x512xi32, #tpu.memory_space<vmem>>
    %dma_start3A_55 = tpu.memref_squeeze %dma_start3A_54 : memref<1x1x512xi32, #tpu.memory_space<vmem>> -> memref<512xi32, #tpu.memory_space<vmem>>
    %dma_start3A_56 = arith.constant 0 : i32
    %dma_start3A_57 = arith.constant 0 : i32
    %dma_start3A_58 = tpu.memref_slice %arg3[%dma_start3A_56, %dma_start3A_57] : memref<1000000x32xf32, #tpu.memory_space<hbm>> -> memref<1000000x32xf32, #tpu.memory_space<hbm>>
    tpu.enqueue_indirect_dma source(%dma_start3A_58 : memref<1000000x32xf32, #tpu.memory_space<hbm>>) target(%dma_start3A_52 : memref<512x32xf32, #tpu.memory_space<vmem>>) offsets(%dma_start3A_55 : memref<512xi32, #tpu.memory_space<vmem>>) semaphore(%arg8 : memref<!tpu.dma_semaphore, #tpu.memory_space<semaphore_mem>>)
    %dma_wait3A = arith.constant 0 : i32
    %dma_wait3A_59 = arith.constant 0 : i32
    %dma_wait3A_60 = arith.constant 0 : i32
    %dma_wait3A_61 = arith.constant 0 : i32
    %dma_wait3A_62 = arith.constant 0 : i32
    %dma_wait3A_63 = arith.constant 0 : i32
    %dma_wait3A_64 = tpu.memref_slice %arg6[%dma_wait3A_60, %dma_wait3A_61, %dma_wait3A_62, %dma_wait3A_63] : memref<2x2x512x32xf32, #tpu.memory_space<vmem>> -> memref<1x1x512x32xf32, #tpu.memory_space<vmem>>
    %dma_wait3A_65 = tpu.memref_squeeze %dma_wait3A_64 : memref<1x1x512x32xf32, #tpu.memory_space<vmem>> -> memref<512x32xf32, #tpu.memory_space<vmem>>
    %dma_wait3A_66 = arith.constant 0 : i32
    %dma_wait3A_67 = tpu.memref_slice %arg5[%dma_wait3A, %dma_wait3A_59, %dma_wait3A_66] : memref<2x2x512xi32, #tpu.memory_space<vmem>> -> memref<1x1x512xi32, #tpu.memory_space<vmem>>
    %dma_wait3A_68 = tpu.memref_squeeze %dma_wait3A_67 : memref<1x1x512xi32, #tpu.memory_space<vmem>> -> memref<512xi32, #tpu.memory_space<vmem>>
    %dma_wait3A_69 = arith.constant 0 : i32
    %dma_wait3A_70 = arith.constant 0 : i32
    %dma_wait3A_71 = tpu.memref_slice %arg3[%dma_wait3A_69, %dma_wait3A_70] : memref<1000000x32xf32, #tpu.memory_space<hbm>> -> memref<1000000x32xf32, #tpu.memory_space<hbm>>
    tpu.wait_indirect_dma semaphore(%arg7 : memref<!tpu.dma_semaphore, #tpu.memory_space<semaphore_mem>>) src(%dma_wait3A_71 : memref<1000000x32xf32, #tpu.memory_space<hbm>>) dst(%dma_wait3A_65 : memref<512x32xf32, #tpu.memory_space<vmem>>)
    %dma_wait3A_72 = arith.constant 0 : i32
    %dma_wait3A_73 = arith.constant 1 : i32
    %dma_wait3A_74 = arith.constant 0 : i32
    %dma_wait3A_75 = arith.constant 1 : i32
    %dma_wait3A_76 = arith.constant 0 : i32
    %dma_wait3A_77 = arith.constant 0 : i32
    %dma_wait3A_78 = tpu.memref_slice %arg6[%dma_wait3A_74, %dma_wait3A_75, %dma_wait3A_76, %dma_wait3A_77] : memref<2x2x512x32xf32, #tpu.memory_space<vmem>> -> memref<1x1x512x32xf32, #tpu.memory_space<vmem>>
    %dma_wait3A_79 = tpu.memref_squeeze %dma_wait3A_78 : memref<1x1x512x32xf32, #tpu.memory_space<vmem>> -> memref<512x32xf32, #tpu.memory_space<vmem>>
    %dma_wait3A_80 = arith.constant 0 : i32
    %dma_wait3A_81 = tpu.memref_slice %arg5[%dma_wait3A_72, %dma_wait3A_73, %dma_wait3A_80] : memref<2x2x512xi32, #tpu.memory_space<vmem>> -> memref<1x1x512xi32, #tpu.memory_space<vmem>>
    %dma_wait3A_82 = tpu.memref_squeeze %dma_wait3A_81 : memref<1x1x512xi32, #tpu.memory_space<vmem>> -> memref<512xi32, #tpu.memory_space<vmem>>
    %dma_wait3A_83 = arith.constant 0 : i32
    %dma_wait3A_84 = arith.constant 0 : i32
    %dma_wait3A_85 = tpu.memref_slice %arg3[%dma_wait3A_83, %dma_wait3A_84] : memref<1000000x32xf32, #tpu.memory_space<hbm>> -> memref<1000000x32xf32, #tpu.memory_space<hbm>>
    tpu.wait_indirect_dma semaphore(%arg7 : memref<!tpu.dma_semaphore, #tpu.memory_space<semaphore_mem>>) src(%dma_wait3A_85 : memref<1000000x32xf32, #tpu.memory_space<hbm>>) dst(%dma_wait3A_79 : memref<512x32xf32, #tpu.memory_space<vmem>>)
    %dma_start3A_86 = arith.constant 0 : i32
    %dma_start3A_87 = arith.constant 0 : i32
    %dma_start3A_88 = arith.constant 0 : i32
    %dma_start3A_89 = arith.constant 0 : i32
    %dma_start3A_90 = tpu.memref_slice %arg6[%dma_start3A_86, %dma_start3A_87, %dma_start3A_88, %dma_start3A_89] : memref<2x2x512x32xf32, #tpu.memory_space<vmem>> -> memref<1x2x512x32xf32, #tpu.memory_space<vmem>>
    %dma_start3A_91 = tpu.memref_squeeze %dma_start3A_90 : memref<1x2x512x32xf32, #tpu.memory_space<vmem>> -> memref<2x512x32xf32, #tpu.memory_space<vmem>>
    %dma_start3A_92 = arith.constant 0 : i32
    %dma_start3A_93 = arith.constant 0 : i32
    %dma_start3A_94 = tpu.memref_slice %arg4[%dma_start3A_92, %mul3A_2, %dma_start3A_93] : memref<50x16384x32xf32, #tpu.memory_space<hbm>> -> memref<2x512x32xf32, #tpu.memory_space<hbm>>
    %dma_start3A_95 = arith.constant 0 : i32
    %dma_start3A_96 = arith.constant 0 : i32
    %dma_start3A_97 = tpu.memref_slice %arg4[%dma_start3A_95, %mul3A_2, %dma_start3A_96] : memref<50x16384x32xf32, #tpu.memory_space<hbm>> -> memref<2x512x32xf32, #tpu.memory_space<hbm>>
    %dma_start3A_98 = arith.constant 0 : i32
    %dma_start3A_99 = arith.constant 0 : i32
    %dma_start3A_100 = arith.constant 0 : i32
    %dma_start3A_101 = tpu.memref_slice %arg6[%dma_start3A_86, %dma_start3A_98, %dma_start3A_99, %dma_start3A_100] : memref<2x2x512x32xf32, #tpu.memory_space<vmem>> -> memref<1x2x512x32xf32, #tpu.memory_space<vmem>>
    %dma_start3A_102 = tpu.memref_squeeze %dma_start3A_101 : memref<1x2x512x32xf32, #tpu.memory_space<vmem>> -> memref<2x512x32xf32, #tpu.memory_space<vmem>>
    tpu.enqueue_dma source(%dma_start3A_102 : memref<2x512x32xf32, #tpu.memory_space<vmem>>) target(%dma_start3A_97 : memref<2x512x32xf32, #tpu.memory_space<hbm>>) target_semaphore(%arg9 : memref<!tpu.dma_semaphore, #tpu.memory_space<semaphore_mem>>)
    %dma_wait3A_103 = arith.constant 0 : i32
    %dma_wait3A_104 = arith.constant 0 : i32
    %dma_wait3A_105 = arith.constant 0 : i32
    %dma_wait3A_106 = arith.constant 0 : i32
    %dma_wait3A_107 = tpu.memref_slice %arg6[%dma_wait3A_103, %dma_wait3A_104, %dma_wait3A_105, %dma_wait3A_106] : memref<2x2x512x32xf32, #tpu.memory_space<vmem>> -> memref<1x2x512x32xf32, #tpu.memory_space<vmem>>
    %dma_wait3A_108 = tpu.memref_squeeze %dma_wait3A_107 : memref<1x2x512x32xf32, #tpu.memory_space<vmem>> -> memref<2x512x32xf32, #tpu.memory_space<vmem>>
    %dma_wait3A_109 = arith.constant 0 : i32
    %dma_wait3A_110 = arith.constant 0 : i32
    %dma_wait3A_111 = tpu.memref_slice %arg4[%dma_wait3A_109, %mul3A_2, %dma_wait3A_110] : memref<50x16384x32xf32, #tpu.memory_space<hbm>> -> memref<2x512x32xf32, #tpu.memory_space<hbm>>
    %dma_wait3A_112 = arith.constant 0 : i32
    %dma_wait3A_113 = arith.constant 0 : i32
    %dma_wait3A_114 = tpu.memref_slice %arg4[%dma_wait3A_112, %mul3A_2, %dma_wait3A_113] : memref<50x16384x32xf32, #tpu.memory_space<hbm>> -> memref<2x512x32xf32, #tpu.memory_space<hbm>>
    %dma_wait3A_115 = arith.constant 0 : i32
    %dma_wait3A_116 = arith.constant 0 : i32
    %dma_wait3A_117 = arith.constant 0 : i32
    %dma_wait3A_118 = tpu.memref_slice %arg6[%dma_wait3A_103, %dma_wait3A_115, %dma_wait3A_116, %dma_wait3A_117] : memref<2x2x512x32xf32, #tpu.memory_space<vmem>> -> memref<1x2x512x32xf32, #tpu.memory_space<vmem>>
    %dma_wait3A_119 = tpu.memref_squeeze %dma_wait3A_118 : memref<1x2x512x32xf32, #tpu.memory_space<vmem>> -> memref<2x512x32xf32, #tpu.memory_space<vmem>>
    tpu.wait_dma2 semaphore(%arg9 : memref<!tpu.dma_semaphore, #tpu.memory_space<semaphore_mem>>) src(%dma_wait3A_119 : memref<2x512x32xf32, #tpu.memory_space<vmem>>) dst(%dma_wait3A_114 : memref<2x512x32xf32, #tpu.memory_space<hbm>>)
    %run_scoped3A_120 = arith.constant 0 : i32
    "tpu.region"() ({
      %run_scoped3A_2275 = tpu.sem_alloc : memref<!tpu.dma_semaphore, #tpu.memory_space<semaphore_mem>>
      %dma_start3A_2276 = arith.constant 0 : i32
      %dma_start3A_2277 = arith.constant 0 : i32
      %dma_start3A_2278 = tpu.memref_slice %arg5[%run_scoped3A_120, %dma_start3A_2276, %dma_start3A_2277] : memref<2x2x512xi32, #tpu.memory_space<vmem>> -> memref<1x2x512xi32, #tpu.memory_space<vmem>>
      %dma_start3A_2279 = tpu.memref_squeeze %dma_start3A_2278 : memref<1x2x512xi32, #tpu.memory_space<vmem>> -> memref<2x512xi32, #tpu.memory_space<vmem>>
      %dma_start3A_2280 = arith.constant 4 : i32
      %dma_start3A_2281 = tpu.memref_slice %arg2[%dma_start3A_2280, %mul3A_2] : memref<50x16384xi32, #tpu.memory_space<hbm>> -> memref<2x512xi32, #tpu.memory_space<hbm>>
      %dma_start3A_2282 = arith.constant 0 : i32
      %dma_start3A_2283 = arith.constant 0 : i32
      %dma_start3A_2284 = tpu.memref_slice %arg5[%run_scoped3A_120, %dma_start3A_2282, %dma_start3A_2283] : memref<2x2x512xi32, #tpu.memory_space<vmem>> -> memref<1x2x512xi32, #tpu.memory_space<vmem>>
      %dma_start3A_2285 = tpu.memref_squeeze %dma_start3A_2284 : memref<1x2x512xi32, #tpu.memory_space<vmem>> -> memref<2x512xi32, #tpu.memory_space<vmem>>
      %dma_start3A_2286 = arith.constant 4 : i32
      %dma_start3A_2287 = tpu.memref_slice %arg2[%dma_start3A_2286, %mul3A_2] : memref<50x16384xi32, #tpu.memory_space<hbm>> -> memref<2x512xi32, #tpu.memory_space<hbm>>
      tpu.enqueue_dma source(%dma_start3A_2287 : memref<2x512xi32, #tpu.memory_space<hbm>>) target(%dma_start3A_2285 : memref<2x512xi32, #tpu.memory_space<vmem>>) target_semaphore(%run_scoped3A_2275 : memref<!tpu.dma_semaphore, #tpu.memory_space<semaphore_mem>>)
      %dma_wait3A_2288 = arith.constant 0 : i32
      %dma_wait3A_2289 = arith.constant 0 : i32
      %dma_wait3A_2290 = tpu.memref_slice %arg5[%run_scoped3A_120, %dma_wait3A_2288, %dma_wait3A_2289] : memref<2x2x512xi32, #tpu.memory_space<vmem>> -> memref<1x2x512xi32, #tpu.memory_space<vmem>>
      %dma_wait3A_2291 = tpu.memref_squeeze %dma_wait3A_2290 : memref<1x2x512xi32, #tpu.memory_space<vmem>> -> memref<2x512xi32, #tpu.memory_space<vmem>>
      %dma_wait3A_2292 = arith.constant 4 : i32
      %dma_wait3A_2293 = tpu.memref_slice %arg2[%dma_wait3A_2292, %mul3A_2] : memref<50x16384xi32, #tpu.memory_space<hbm>> -> memref<2x512xi32, #tpu.memory_space<hbm>>
      %dma_wait3A_2294 = arith.constant 0 : i32
      %dma_wait3A_2295 = arith.constant 0 : i32
      %dma_wait3A_2296 = tpu.memref_slice %arg5[%run_scoped3A_120, %dma_wait3A_2294, %dma_wait3A_2295] : memref<2x2x512xi32, #tpu.memory_space<vmem>> -> memref<1x2x512xi32, #tpu.memory_space<vmem>>
      %dma_wait3A_2297 = tpu.memref_squeeze %dma_wait3A_2296 : memref<1x2x512xi32, #tpu.memory_space<vmem>> -> memref<2x512xi32, #tpu.memory_space<vmem>>
      %dma_wait3A_2298 = arith.constant 4 : i32
      %dma_wait3A_2299 = tpu.memref_slice %arg2[%dma_wait3A_2298, %mul3A_2] : memref<50x16384xi32, #tpu.memory_space<hbm>> -> memref<2x512xi32, #tpu.memory_space<hbm>>
      tpu.wait_dma2 semaphore(%run_scoped3A_2275 : memref<!tpu.dma_semaphore, #tpu.memory_space<semaphore_mem>>) src(%dma_wait3A_2299 : memref<2x512xi32, #tpu.memory_space<hbm>>) dst(%dma_wait3A_2297 : memref<2x512xi32, #tpu.memory_space<vmem>>)
      tpu.yield
    }) : () -> ()
    %dma_start3A_121 = arith.constant 0 : i32
    %dma_start3A_122 = arith.constant 0 : i32
    %dma_start3A_123 = arith.constant 0 : i32
    %dma_start3A_124 = arith.constant 0 : i32
    %dma_start3A_125 = arith.constant 0 : i32
    %dma_start3A_126 = arith.constant 0 : i32
    %dma_start3A_127 = tpu.memref_slice %arg6[%dma_start3A_123, %dma_start3A_124, %dma_start3A_125, %dma_start3A_126] : memref<2x2x512x32xf32, #tpu.memory_space<vmem>> -> memref<1x1x512x32xf32, #tpu.memory_space<vmem>>
    %dma_start3A_128 = tpu.memref_squeeze %dma_start3A_127 : memref<1x1x512x32xf32, #tpu.memory_space<vmem>> -> memref<512x32xf32, #tpu.memory_space<vmem>>
    %dma_start3A_129 = arith.constant 0 : i32
    %dma_start3A_130 = tpu.memref_slice %arg5[%dma_start3A_121, %dma_start3A_122, %dma_start3A_129] : memref<2x2x512xi32, #tpu.memory_space<vmem>> -> memref<1x1x512xi32, #tpu.memory_space<vmem>>
    %dma_start3A_131 = tpu.memref_squeeze %dma_start3A_130 : memref<1x1x512xi32, #tpu.memory_space<vmem>> -> memref<512xi32, #tpu.memory_space<vmem>>
    %dma_start3A_132 = arith.constant 0 : i32
    %dma_start3A_133 = arith.constant 0 : i32
    %dma_start3A_134 = tpu.memref_slice %arg3[%dma_start3A_132, %dma_start3A_133] : memref<1000000x32xf32, #tpu.memory_space<hbm>> -> memref<1000000x32xf32, #tpu.memory_space<hbm>>
    tpu.enqueue_indirect_dma source(%dma_start3A_134 : memref<1000000x32xf32, #tpu.memory_space<hbm>>) target(%dma_start3A_128 : memref<512x32xf32, #tpu.memory_space<vmem>>) offsets(%dma_start3A_131 : memref<512xi32, #tpu.memory_space<vmem>>) semaphore(%arg7 : memref<!tpu.dma_semaphore, #tpu.memory_space<semaphore_mem>>)
    %dma_start3A_135 = arith.constant 0 : i32
    %dma_start3A_136 = arith.constant 1 : i32
    %dma_start3A_137 = arith.constant 0 : i32
    %dma_start3A_138 = arith.constant 1 : i32
    %dma_start3A_139 = arith.constant 0 : i32
    %dma_start3A_140 = arith.constant 0 : i32
    %dma_start3A_141 = tpu.memref_slice %arg6[%dma_start3A_137, %dma_start3A_138, %dma_start3A_139, %dma_start3A_140] : memref<2x2x512x32xf32, #tpu.memory_space<vmem>> -> memref<1x1x512x32xf32, #tpu.memory_space<vmem>>
    %dma_start3A_142 = tpu.memref_squeeze %dma_start3A_141 : memref<1x1x512x32xf32, #tpu.memory_space<vmem>> -> memref<512x32xf32, #tpu.memory_space<vmem>>
    %dma_start3A_143 = arith.constant 0 : i32
    %dma_start3A_144 = tpu.memref_slice %arg5[%dma_start3A_135, %dma_start3A_136, %dma_start3A_143] : memref<2x2x512xi32, #tpu.memory_space<vmem>> -> memref<1x1x512xi32, #tpu.memory_space<vmem>>
    %dma_start3A_145 = tpu.memref_squeeze %dma_start3A_144 : memref<1x1x512xi32, #tpu.memory_space<vmem>> -> memref<512xi32, #tpu.memory_space<vmem>>
    %dma_start3A_146 = arith.constant 0 : i32
    %dma_start3A_147 = arith.constant 0 : i32
    %dma_start3A_148 = tpu.memref_slice %arg3[%dma_start3A_146, %dma_start3A_147] : memref<1000000x32xf32, #tpu.memory_space<hbm>> -> memref<1000000x32xf32, #tpu.memory_space<hbm>>
    tpu.enqueue_indirect_dma source(%dma_start3A_148 : memref<1000000x32xf32, #tpu.memory_space<hbm>>) target(%dma_start3A_142 : memref<512x32xf32, #tpu.memory_space<vmem>>) offsets(%dma_start3A_145 : memref<512xi32, #tpu.memory_space<vmem>>) semaphore(%arg7 : memref<!tpu.dma_semaphore, #tpu.memory_space<semaphore_mem>>)
    %dma_wait3A_149 = arith.constant 1 : i32
    %dma_wait3A_150 = arith.constant 0 : i32
    %dma_wait3A_151 = arith.constant 1 : i32
    %dma_wait3A_152 = arith.constant 0 : i32
    %dma_wait3A_153 = arith.constant 0 : i32
    %dma_wait3A_154 = arith.constant 0 : i32
    %dma_wait3A_155 = tpu.memref_slice %arg6[%dma_wait3A_151, %dma_wait3A_152, %dma_wait3A_153, %dma_wait3A_154] : memref<2x2x512x32xf32, #tpu.memory_space<vmem>> -> memref<1x1x512x32xf32, #tpu.memory_space<vmem>>
    %dma_wait3A_156 = tpu.memref_squeeze %dma_wait3A_155 : memref<1x1x512x32xf32, #tpu.memory_space<vmem>> -> memref<512x32xf32, #tpu.memory_space<vmem>>
    %dma_wait3A_157 = arith.constant 0 : i32
    %dma_wait3A_158 = tpu.memref_slice %arg5[%dma_wait3A_149, %dma_wait3A_150, %dma_wait3A_157] : memref<2x2x512xi32, #tpu.memory_space<vmem>> -> memref<1x1x512xi32, #tpu.memory_space<vmem>>
    %dma_wait3A_159 = tpu.memref_squeeze %dma_wait3A_158 : memref<1x1x512xi32, #tpu.memory_space<vmem>> -> memref<512xi32, #tpu.memory_space<vmem>>
    %dma_wait3A_160 = arith.constant 0 : i32
    %dma_wait3A_161 = arith.constant 0 : i32
    %dma_wait3A_162 = tpu.memref_slice %arg3[%dma_wait3A_160, %dma_wait3A_161] : memref<1000000x32xf32, #tpu.memory_space<hbm>> -> memref<1000000x32xf32, #tpu.memory_space<hbm>>
    tpu.wait_indirect_dma semaphore(%arg8 : memref<!tpu.dma_semaphore, #tpu.memory_space<semaphore_mem>>) src(%dma_wait3A_162 : memref<1000000x32xf32, #tpu.memory_space<hbm>>) dst(%dma_wait3A_156 : memref<512x32xf32, #tpu.memory_space<vmem>>)
    %dma_wait3A_163 = arith.constant 1 : i32
    %dma_wait3A_164 = arith.constant 1 : i32
    %dma_wait3A_165 = arith.constant 1 : i32
    %dma_wait3A_166 = arith.constant 1 : i32
    %dma_wait3A_167 = arith.constant 0 : i32
    %dma_wait3A_168 = arith.constant 0 : i32
    %dma_wait3A_169 = tpu.memref_slice %arg6[%dma_wait3A_165, %dma_wait3A_166, %dma_wait3A_167, %dma_wait3A_168] : memref<2x2x512x32xf32, #tpu.memory_space<vmem>> -> memref<1x1x512x32xf32, #tpu.memory_space<vmem>>
    %dma_wait3A_170 = tpu.memref_squeeze %dma_wait3A_169 : memref<1x1x512x32xf32, #tpu.memory_space<vmem>> -> memref<512x32xf32, #tpu.memory_space<vmem>>
    %dma_wait3A_171 = arith.constant 0 : i32
    %dma_wait3A_172 = tpu.memref_slice %arg5[%dma_wait3A_163, %dma_wait3A_164, %dma_wait3A_171] : memref<2x2x512xi32, #tpu.memory_space<vmem>> -> memref<1x1x512xi32, #tpu.memory_space<vmem>>
    %dma_wait3A_173 = tpu.memref_squeeze %dma_wait3A_172 : memref<1x1x512xi32, #tpu.memory_space<vmem>> -> memref<512xi32, #tpu.memory_space<vmem>>
    %dma_wait3A_174 = arith.constant 0 : i32
    %dma_wait3A_175 = arith.constant 0 : i32
    %dma_wait3A_176 = tpu.memref_slice %arg3[%dma_wait3A_174, %dma_wait3A_175] : memref<1000000x32xf32, #tpu.memory_space<hbm>> -> memref<1000000x32xf32, #tpu.memory_space<hbm>>
    tpu.wait_indirect_dma semaphore(%arg8 : memref<!tpu.dma_semaphore, #tpu.memory_space<semaphore_mem>>) src(%dma_wait3A_176 : memref<1000000x32xf32, #tpu.memory_space<hbm>>) dst(%dma_wait3A_170 : memref<512x32xf32, #tpu.memory_space<vmem>>)
    %dma_start3A_177 = arith.constant 1 : i32
    %dma_start3A_178 = arith.constant 0 : i32
    %dma_start3A_179 = arith.constant 0 : i32
    %dma_start3A_180 = arith.constant 0 : i32
    %dma_start3A_181 = tpu.memref_slice %arg6[%dma_start3A_177, %dma_start3A_178, %dma_start3A_179, %dma_start3A_180] : memref<2x2x512x32xf32, #tpu.memory_space<vmem>> -> memref<1x2x512x32xf32, #tpu.memory_space<vmem>>
    %dma_start3A_182 = tpu.memref_squeeze %dma_start3A_181 : memref<1x2x512x32xf32, #tpu.memory_space<vmem>> -> memref<2x512x32xf32, #tpu.memory_space<vmem>>
    %dma_start3A_183 = arith.constant 2 : i32
    %dma_start3A_184 = arith.constant 0 : i32
    %dma_start3A_185 = tpu.memref_slice %arg4[%dma_start3A_183, %mul3A_2, %dma_start3A_184] : memref<50x16384x32xf32, #tpu.memory_space<hbm>> -> memref<2x512x32xf32, #tpu.memory_space<hbm>>
    %dma_start3A_186 = arith.constant 2 : i32
    %dma_start3A_187 = arith.constant 0 : i32
    %dma_start3A_188 = tpu.memref_slice %arg4[%dma_start3A_186, %mul3A_2, %dma_start3A_187] : memref<50x16384x32xf32, #tpu.memory_space<hbm>> -> memref<2x512x32xf32, #tpu.memory_space<hbm>>
    %dma_start3A_189 = arith.constant 0 : i32
    %dma_start3A_190 = arith.constant 0 : i32
    %dma_start3A_191 = arith.constant 0 : i32
    %dma_start3A_192 = tpu.memref_slice %arg6[%dma_start3A_177, %dma_start3A_189, %dma_start3A_190, %dma_start3A_191] : memref<2x2x512x32xf32, #tpu.memory_space<vmem>> -> memref<1x2x512x32xf32, #tpu.memory_space<vmem>>
    %dma_start3A_193 = tpu.memref_squeeze %dma_start3A_192 : memref<1x2x512x32xf32, #tpu.memory_space<vmem>> -> memref<2x512x32xf32, #tpu.memory_space<vmem>>
    tpu.enqueue_dma source(%dma_start3A_193 : memref<2x512x32xf32, #tpu.memory_space<vmem>>) target(%dma_start3A_188 : memref<2x512x32xf32, #tpu.memory_space<hbm>>) target_semaphore(%arg10 : memref<!tpu.dma_semaphore, #tpu.memory_space<semaphore_mem>>)
    %dma_wait3A_194 = arith.constant 1 : i32
    %dma_wait3A_195 = arith.constant 0 : i32
    %dma_wait3A_196 = arith.constant 0 : i32
    %dma_wait3A_197 = arith.constant 0 : i32
    %dma_wait3A_198 = tpu.memref_slice %arg6[%dma_wait3A_194, %dma_wait3A_195, %dma_wait3A_196, %dma_wait3A_197] : memref<2x2x512x32xf32, #tpu.memory_space<vmem>> -> memref<1x2x512x32xf32, #tpu.memory_space<vmem>>
    %dma_wait3A_199 = tpu.memref_squeeze %dma_wait3A_198 : memref<1x2x512x32xf32, #tpu.memory_space<vmem>> -> memref<2x512x32xf32, #tpu.memory_space<vmem>>
    %dma_wait3A_200 = arith.constant 2 : i32
    %dma_wait3A_201 = arith.constant 0 : i32
    %dma_wait3A_202 = tpu.memref_slice %arg4[%dma_wait3A_200, %mul3A_2, %dma_wait3A_201] : memref<50x16384x32xf32, #tpu.memory_space<hbm>> -> memref<2x512x32xf32, #tpu.memory_space<hbm>>
    %dma_wait3A_203 = arith.constant 2 : i32
    %dma_wait3A_204 = arith.constant 0 : i32
    %dma_wait3A_205 = tpu.memref_slice %arg4[%dma_wait3A_203, %mul3A_2, %dma_wait3A_204] : memref<50x16384x32xf32, #tpu.memory_space<hbm>> -> memref<2x512x32xf32, #tpu.memory_space<hbm>>
    %dma_wait3A_206 = arith.constant 0 : i32
    %dma_wait3A_207 = arith.constant 0 : i32
    %dma_wait3A_208 = arith.constant 0 : i32
    %dma_wait3A_209 = tpu.memref_slice %arg6[%dma_wait3A_194, %dma_wait3A_206, %dma_wait3A_207, %dma_wait3A_208] : memref<2x2x512x32xf32, #tpu.memory_space<vmem>> -> memref<1x2x512x32xf32, #tpu.memory_space<vmem>>
    %dma_wait3A_210 = tpu.memref_squeeze %dma_wait3A_209 : memref<1x2x512x32xf32, #tpu.memory_space<vmem>> -> memref<2x512x32xf32, #tpu.memory_space<vmem>>
    tpu.wait_dma2 semaphore(%arg10 : memref<!tpu.dma_semaphore, #tpu.memory_space<semaphore_mem>>) src(%dma_wait3A_210 : memref<2x512x32xf32, #tpu.memory_space<vmem>>) dst(%dma_wait3A_205 : memref<2x512x32xf32, #tpu.memory_space<hbm>>)
    %run_scoped3A_211 = arith.constant 1 : i32
    "tpu.region"() ({
      %run_scoped3A_2275 = tpu.sem_alloc : memref<!tpu.dma_semaphore, #tpu.memory_space<semaphore_mem>>
      %dma_start3A_2276 = arith.constant 0 : i32
      %dma_start3A_2277 = arith.constant 0 : i32
      %dma_start3A_2278 = tpu.memref_slice %arg5[%run_scoped3A_211, %dma_start3A_2276, %dma_start3A_2277] : memref<2x2x512xi32, #tpu.memory_space<vmem>> -> memref<1x2x512xi32, #tpu.memory_space<vmem>>
      %dma_start3A_2279 = tpu.memref_squeeze %dma_start3A_2278 : memref<1x2x512xi32, #tpu.memory_space<vmem>> -> memref<2x512xi32, #tpu.memory_space<vmem>>
      %dma_start3A_2280 = arith.constant 6 : i32
      %dma_start3A_2281 = tpu.memref_slice %arg2[%dma_start3A_2280, %mul3A_2] : memref<50x16384xi32, #tpu.memory_space<hbm>> -> memref<2x512xi32, #tpu.memory_space<hbm>>
      %dma_start3A_2282 = arith.constant 0 : i32
      %dma_start3A_2283 = arith.constant 0 : i32
      %dma_start3A_2284 = tpu.memref_slice %arg5[%run_scoped3A_211, %dma_start3A_2282, %dma_start3A_2283] : memref<2x2x512xi32, #tpu.memory_space<vmem>> -> memref<1x2x512xi32, #tpu.memory_space<vmem>>
      %dma_start3A_2285 = tpu.memref_squeeze %dma_start3A_2284 : memref<1x2x512xi32, #tpu.memory_space<vmem>> -> memref<2x512xi32, #tpu.memory_space<vmem>>
      %dma_start3A_2286 = arith.constant 6 : i32
      %dma_start3A_2287 = tpu.memref_slice %arg2[%dma_start3A_2286, %mul3A_2] : memref<50x16384xi32, #tpu.memory_space<hbm>> -> memref<2x512xi32, #tpu.memory_space<hbm>>
      tpu.enqueue_dma source(%dma_start3A_2287 : memref<2x512xi32, #tpu.memory_space<hbm>>) target(%dma_start3A_2285 : memref<2x512xi32, #tpu.memory_space<vmem>>) target_semaphore(%run_scoped3A_2275 : memref<!tpu.dma_semaphore, #tpu.memory_space<semaphore_mem>>)
      %dma_wait3A_2288 = arith.constant 0 : i32
      %dma_wait3A_2289 = arith.constant 0 : i32
      %dma_wait3A_2290 = tpu.memref_slice %arg5[%run_scoped3A_211, %dma_wait3A_2288, %dma_wait3A_2289] : memref<2x2x512xi32, #tpu.memory_space<vmem>> -> memref<1x2x512xi32, #tpu.memory_space<vmem>>
      %dma_wait3A_2291 = tpu.memref_squeeze %dma_wait3A_2290 : memref<1x2x512xi32, #tpu.memory_space<vmem>> -> memref<2x512xi32, #tpu.memory_space<vmem>>
      %dma_wait3A_2292 = arith.constant 6 : i32
      %dma_wait3A_2293 = tpu.memref_slice %arg2[%dma_wait3A_2292, %mul3A_2] : memref<50x16384xi32, #tpu.memory_space<hbm>> -> memref<2x512xi32, #tpu.memory_space<hbm>>
      %dma_wait3A_2294 = arith.constant 0 : i32
      %dma_wait3A_2295 = arith.constant 0 : i32
      %dma_wait3A_2296 = tpu.memref_slice %arg5[%run_scoped3A_211, %dma_wait3A_2294, %dma_wait3A_2295] : memref<2x2x512xi32, #tpu.memory_space<vmem>> -> memref<1x2x512xi32, #tpu.memory_space<vmem>>
      %dma_wait3A_2297 = tpu.memref_squeeze %dma_wait3A_2296 : memref<1x2x512xi32, #tpu.memory_space<vmem>> -> memref<2x512xi32, #tpu.memory_space<vmem>>
      %dma_wait3A_2298 = arith.constant 6 : i32
      %dma_wait3A_2299 = tpu.memref_slice %arg2[%dma_wait3A_2298, %mul3A_2] : memref<50x16384xi32, #tpu.memory_space<hbm>> -> memref<2x512xi32, #tpu.memory_space<hbm>>
      tpu.wait_dma2 semaphore(%run_scoped3A_2275 : memref<!tpu.dma_semaphore, #tpu.memory_space<semaphore_mem>>) src(%dma_wait3A_2299 : memref<2x512xi32, #tpu.memory_space<hbm>>) dst(%dma_wait3A_2297 : memref<2x512xi32, #tpu.memory_space<vmem>>)
      tpu.yield
    }) : () -> ()
    %dma_start3A_212 = arith.constant 1 : i32
    %dma_start3A_213 = arith.constant 0 : i32
    %dma_start3A_214 = arith.constant 1 : i32
    %dma_start3A_215 = arith.constant 0 : i32
    %dma_start3A_216 = arith.constant 0 : i32
    %dma_start3A_217 = arith.constant 0 : i32
    %dma_start3A_218 = tpu.memref_slice %arg6[%dma_start3A_214, %dma_start3A_215, %dma_start3A_216, %dma_start3A_217] : memref<2x2x512x32xf32, #tpu.memory_space<vmem>> -> memref<1x1x512x32xf32, #tpu.memory_space<vmem>>
    %dma_start3A_219 = tpu.memref_squeeze %dma_start3A_218 : memref<1x1x512x32xf32, #tpu.memory_space<vmem>> -> memref<512x32xf32, #tpu.memory_space<vmem>>
    %dma_start3A_220 = arith.constant 0 : i32
    %dma_start3A_221 = tpu.memref_slice %arg5[%dma_start3A_212, %dma_start3A_213, %dma_start3A_220] : memref<2x2x512xi32, #tpu.memory_space<vmem>> -> memref<1x1x512xi32, #tpu.memory_space<vmem>>
    %dma_start3A_222 = tpu.memref_squeeze %dma_start3A_221 : memref<1x1x512xi32, #tpu.memory_space<vmem>> -> memref<512xi32, #tpu.memory_space<vmem>>
    %dma_start3A_223 = arith.constant 0 : i32
    %dma_start3A_224 = arith.constant 0 : i32
    %dma_start3A_225 = tpu.memref_slice %arg3[%dma_start3A_223, %dma_start3A_224] : memref<1000000x32xf32, #tpu.memory_space<hbm>> -> memref<1000000x32xf32, #tpu.memory_space<hbm>>
    tpu.enqueue_indirect_dma source(%dma_start3A_225 : memref<1000000x32xf32, #tpu.memory_space<hbm>>) target(%dma_start3A_219 : memref<512x32xf32, #tpu.memory_space<vmem>>) offsets(%dma_start3A_222 : memref<512xi32, #tpu.memory_space<vmem>>) semaphore(%arg8 : memref<!tpu.dma_semaphore, #tpu.memory_space<semaphore_mem>>)
    %dma_start3A_226 = arith.constant 1 : i32
    %dma_start3A_227 = arith.constant 1 : i32
    %dma_start3A_228 = arith.constant 1 : i32
    %dma_start3A_229 = arith.constant 1 : i32
    %dma_start3A_230 = arith.constant 0 : i32
    %dma_start3A_231 = arith.constant 0 : i32
    %dma_start3A_232 = tpu.memref_slice %arg6[%dma_start3A_228, %dma_start3A_229, %dma_start3A_230, %dma_start3A_231] : memref<2x2x512x32xf32, #tpu.memory_space<vmem>> -> memref<1x1x512x32xf32, #tpu.memory_space<vmem>>
    %dma_start3A_233 = tpu.memref_squeeze %dma_start3A_232 : memref<1x1x512x32xf32, #tpu.memory_space<vmem>> -> memref<512x32xf32, #tpu.memory_space<vmem>>
    %dma_start3A_234 = arith.constant 0 : i32
    %dma_start3A_235 = tpu.memref_slice %arg5[%dma_start3A_226, %dma_start3A_227, %dma_start3A_234] : memref<2x2x512xi32, #tpu.memory_space<vmem>> -> memref<1x1x512xi32, #tpu.memory_space<vmem>>
    %dma_start3A_236 = tpu.memref_squeeze %dma_start3A_235 : memref<1x1x512xi32, #tpu.memory_space<vmem>> -> memref<512xi32, #tpu.memory_space<vmem>>
    %dma_start3A_237 = arith.constant 0 : i32
    %dma_start3A_238 = arith.constant 0 : i32
    %dma_start3A_239 = tpu.memref_slice %arg3[%dma_start3A_237, %dma_start3A_238] : memref<1000000x32xf32, #tpu.memory_space<hbm>> -> memref<1000000x32xf32, #tpu.memory_space<hbm>>
    tpu.enqueue_indirect_dma source(%dma_start3A_239 : memref<1000000x32xf32, #tpu.memory_space<hbm>>) target(%dma_start3A_233 : memref<512x32xf32, #tpu.memory_space<vmem>>) offsets(%dma_start3A_236 : memref<512xi32, #tpu.memory_space<vmem>>) semaphore(%arg8 : memref<!tpu.dma_semaphore, #tpu.memory_space<semaphore_mem>>)
    %dma_wait3A_240 = arith.constant 0 : i32
    %dma_wait3A_241 = arith.constant 0 : i32
    %dma_wait3A_242 = arith.constant 0 : i32
    %dma_wait3A_243 = arith.constant 0 : i32
    %dma_wait3A_244 = arith.constant 0 : i32
    %dma_wait3A_245 = arith.constant 0 : i32
    %dma_wait3A_246 = tpu.memref_slice %arg6[%dma_wait3A_242, %dma_wait3A_243, %dma_wait3A_244, %dma_wait3A_245] : memref<2x2x512x32xf32, #tpu.memory_space<vmem>> -> memref<1x1x512x32xf32, #tpu.memory_space<vmem>>
    %dma_wait3A_247 = tpu.memref_squeeze %dma_wait3A_246 : memref<1x1x512x32xf32, #tpu.memory_space<vmem>> -> memref<512x32xf32, #tpu.memory_space<vmem>>
    %dma_wait3A_248 = arith.constant 0 : i32
    %dma_wait3A_249 = tpu.memref_slice %arg5[%dma_wait3A_240, %dma_wait3A_241, %dma_wait3A_248] : memref<2x2x512xi32, #tpu.memory_space<vmem>> -> memref<1x1x512xi32, #tpu.memory_space<vmem>>
    %dma_wait3A_250 = tpu.memref_squeeze %dma_wait3A_249 : memref<1x1x512xi32, #tpu.memory_space<vmem>> -> memref<512xi32, #tpu.memory_space<vmem>>
    %dma_wait3A_251 = arith.constant 0 : i32
    %dma_wait3A_252 = arith.constant 0 : i32
    %dma_wait3A_253 = tpu.memref_slice %arg3[%dma_wait3A_251, %dma_wait3A_252] : memref<1000000x32xf32, #tpu.memory_space<hbm>> -> memref<1000000x32xf32, #tpu.memory_space<hbm>>
    tpu.wait_indirect_dma semaphore(%arg7 : memref<!tpu.dma_semaphore, #tpu.memory_space<semaphore_mem>>) src(%dma_wait3A_253 : memref<1000000x32xf32, #tpu.memory_space<hbm>>) dst(%dma_wait3A_247 : memref<512x32xf32, #tpu.memory_space<vmem>>)
    %dma_wait3A_254 = arith.constant 0 : i32
    %dma_wait3A_255 = arith.constant 1 : i32
    %dma_wait3A_256 = arith.constant 0 : i32
    %dma_wait3A_257 = arith.constant 1 : i32
    %dma_wait3A_258 = arith.constant 0 : i32
    %dma_wait3A_259 = arith.constant 0 : i32
    %dma_wait3A_260 = tpu.memref_slice %arg6[%dma_wait3A_256, %dma_wait3A_257, %dma_wait3A_258, %dma_wait3A_259] : memref<2x2x512x32xf32, #tpu.memory_space<vmem>> -> memref<1x1x512x32xf32, #tpu.memory_space<vmem>>
    %dma_wait3A_261 = tpu.memref_squeeze %dma_wait3A_260 : memref<1x1x512x32xf32, #tpu.memory_space<vmem>> -> memref<512x32xf32, #tpu.memory_space<vmem>>
    %dma_wait3A_262 = arith.constant 0 : i32
    %dma_wait3A_263 = tpu.memref_slice %arg5[%dma_wait3A_254, %dma_wait3A_255, %dma_wait3A_262] : memref<2x2x512xi32, #tpu.memory_space<vmem>> -> memref<1x1x512xi32, #tpu.memory_space<vmem>>
    %dma_wait3A_264 = tpu.memref_squeeze %dma_wait3A_263 : memref<1x1x512xi32, #tpu.memory_space<vmem>> -> memref<512xi32, #tpu.memory_space<vmem>>
    %dma_wait3A_265 = arith.constant 0 : i32
    %dma_wait3A_266 = arith.constant 0 : i32
    %dma_wait3A_267 = tpu.memref_slice %arg3[%dma_wait3A_265, %dma_wait3A_266] : memref<1000000x32xf32, #tpu.memory_space<hbm>> -> memref<1000000x32xf32, #tpu.memory_space<hbm>>
    tpu.wait_indirect_dma semaphore(%arg7 : memref<!tpu.dma_semaphore, #tpu.memory_space<semaphore_mem>>) src(%dma_wait3A_267 : memref<1000000x32xf32, #tpu.memory_space<hbm>>) dst(%dma_wait3A_261 : memref<512x32xf32, #tpu.memory_space<vmem>>)
    %dma_start3A_268 = arith.constant 0 : i32
    %dma_start3A_269 = arith.constant 0 : i32
    %dma_start3A_270 = arith.constant 0 : i32
    %dma_start3A_271 = arith.constant 0 : i32
    %dma_start3A_272 = tpu.memref_slice %arg6[%dma_start3A_268, %dma_start3A_269, %dma_start3A_270, %dma_start3A_271] : memref<2x2x512x32xf32, #tpu.memory_space<vmem>> -> memref<1x2x512x32xf32, #tpu.memory_space<vmem>>
    %dma_start3A_273 = tpu.memref_squeeze %dma_start3A_272 : memref<1x2x512x32xf32, #tpu.memory_space<vmem>> -> memref<2x512x32xf32, #tpu.memory_space<vmem>>
    %dma_start3A_274 = arith.constant 4 : i32
    %dma_start3A_275 = arith.constant 0 : i32
    %dma_start3A_276 = tpu.memref_slice %arg4[%dma_start3A_274, %mul3A_2, %dma_start3A_275] : memref<50x16384x32xf32, #tpu.memory_space<hbm>> -> memref<2x512x32xf32, #tpu.memory_space<hbm>>
    %dma_start3A_277 = arith.constant 4 : i32
    %dma_start3A_278 = arith.constant 0 : i32
    %dma_start3A_279 = tpu.memref_slice %arg4[%dma_start3A_277, %mul3A_2, %dma_start3A_278] : memref<50x16384x32xf32, #tpu.memory_space<hbm>> -> memref<2x512x32xf32, #tpu.memory_space<hbm>>
    %dma_start3A_280 = arith.constant 0 : i32
    %dma_start3A_281 = arith.constant 0 : i32
    %dma_start3A_282 = arith.constant 0 : i32
    %dma_start3A_283 = tpu.memref_slice %arg6[%dma_start3A_268, %dma_start3A_280, %dma_start3A_281, %dma_start3A_282] : memref<2x2x512x32xf32, #tpu.memory_space<vmem>> -> memref<1x2x512x32xf32, #tpu.memory_space<vmem>>
    %dma_start3A_284 = tpu.memref_squeeze %dma_start3A_283 : memref<1x2x512x32xf32, #tpu.memory_space<vmem>> -> memref<2x512x32xf32, #tpu.memory_space<vmem>>
    tpu.enqueue_dma source(%dma_start3A_284 : memref<2x512x32xf32, #tpu.memory_space<vmem>>) target(%dma_start3A_279 : memref<2x512x32xf32, #tpu.memory_space<hbm>>) target_semaphore(%arg9 : memref<!tpu.dma_semaphore, #tpu.memory_space<semaphore_mem>>)
    %dma_wait3A_285 = arith.constant 0 : i32
    %dma_wait3A_286 = arith.constant 0 : i32
    %dma_wait3A_287 = arith.constant 0 : i32
    %dma_wait3A_288 = arith.constant 0 : i32
    %dma_wait3A_289 = tpu.memref_slice %arg6[%dma_wait3A_285, %dma_wait3A_286, %dma_wait3A_287, %dma_wait3A_288] : memref<2x2x512x32xf32, #tpu.memory_space<vmem>> -> memref<1x2x512x32xf32, #tpu.memory_space<vmem>>
    %dma_wait3A_290 = tpu.memref_squeeze %dma_wait3A_289 : memref<1x2x512x32xf32, #tpu.memory_space<vmem>> -> memref<2x512x32xf32, #tpu.memory_space<vmem>>
    %dma_wait3A_291 = arith.constant 4 : i32
    %dma_wait3A_292 = arith.constant 0 : i32
    %dma_wait3A_293 = tpu.memref_slice %arg4[%dma_wait3A_291, %mul3A_2, %dma_wait3A_292] : memref<50x16384x32xf32, #tpu.memory_space<hbm>> -> memref<2x512x32xf32, #tpu.memory_space<hbm>>
    %dma_wait3A_294 = arith.constant 4 : i32
    %dma_wait3A_295 = arith.constant 0 : i32
    %dma_wait3A_296 = tpu.memref_slice %arg4[%dma_wait3A_294, %mul3A_2, %dma_wait3A_295] : memref<50x16384x32xf32, #tpu.memory_space<hbm>> -> memref<2x512x32xf32, #tpu.memory_space<hbm>>
    %dma_wait3A_297 = arith.constant 0 : i32
    %dma_wait3A_298 = arith.constant 0 : i32
    %dma_wait3A_299 = arith.constant 0 : i32
    %dma_wait3A_300 = tpu.memref_slice %arg6[%dma_wait3A_285, %dma_wait3A_297, %dma_wait3A_298, %dma_wait3A_299] : memref<2x2x512x32xf32, #tpu.memory_space<vmem>> -> memref<1x2x512x32xf32, #tpu.memory_space<vmem>>
    %dma_wait3A_301 = tpu.memref_squeeze %dma_wait3A_300 : memref<1x2x512x32xf32, #tpu.memory_space<vmem>> -> memref<2x512x32xf32, #tpu.memory_space<vmem>>
    tpu.wait_dma2 semaphore(%arg9 : memref<!tpu.dma_semaphore, #tpu.memory_space<semaphore_mem>>) src(%dma_wait3A_301 : memref<2x512x32xf32, #tpu.memory_space<vmem>>) dst(%dma_wait3A_296 : memref<2x512x32xf32, #tpu.memory_space<hbm>>)
    %run_scoped3A_302 = arith.constant 0 : i32
    "tpu.region"() ({
      %run_scoped3A_2275 = tpu.sem_alloc : memref<!tpu.dma_semaphore, #tpu.memory_space<semaphore_mem>>
      %dma_start3A_2276 = arith.constant 0 : i32
      %dma_start3A_2277 = arith.constant 0 : i32
      %dma_start3A_2278 = tpu.memref_slice %arg5[%run_scoped3A_302, %dma_start3A_2276, %dma_start3A_2277] : memref<2x2x512xi32, #tpu.memory_space<vmem>> -> memref<1x2x512xi32, #tpu.memory_space<vmem>>
      %dma_start3A_2279 = tpu.memref_squeeze %dma_start3A_2278 : memref<1x2x512xi32, #tpu.memory_space<vmem>> -> memref<2x512xi32, #tpu.memory_space<vmem>>
      %dma_start3A_2280 = arith.constant 8 : i32
      %dma_start3A_2281 = tpu.memref_slice %arg2[%dma_start3A_2280, %mul3A_2] : memref<50x16384xi32, #tpu.memory_space<hbm>> -> memref<2x512xi32, #tpu.memory_space<hbm>>
      %dma_start3A_2282 = arith.constant 0 : i32
      %dma_start3A_2283 = arith.constant 0 : i32
      %dma_start3A_2284 = tpu.memref_slice %arg5[%run_scoped3A_302, %dma_start3A_2282, %dma_start3A_2283] : memref<2x2x512xi32, #tpu.memory_space<vmem>> -> memref<1x2x512xi32, #tpu.memory_space<vmem>>
      %dma_start3A_2285 = tpu.memref_squeeze %dma_start3A_2284 : memref<1x2x512xi32, #tpu.memory_space<vmem>> -> memref<2x512xi32, #tpu.memory_space<vmem>>
      %dma_start3A_2286 = arith.constant 8 : i32
      %dma_start3A_2287 = tpu.memref_slice %arg2[%dma_start3A_2286, %mul3A_2] : memref<50x16384xi32, #tpu.memory_space<hbm>> -> memref<2x512xi32, #tpu.memory_space<hbm>>
      tpu.enqueue_dma source(%dma_start3A_2287 : memref<2x512xi32, #tpu.memory_space<hbm>>) target(%dma_start3A_2285 : memref<2x512xi32, #tpu.memory_space<vmem>>) target_semaphore(%run_scoped3A_2275 : memref<!tpu.dma_semaphore, #tpu.memory_space<semaphore_mem>>)
      %dma_wait3A_2288 = arith.constant 0 : i32
      %dma_wait3A_2289 = arith.constant 0 : i32
      %dma_wait3A_2290 = tpu.memref_slice %arg5[%run_scoped3A_302, %dma_wait3A_2288, %dma_wait3A_2289] : memref<2x2x512xi32, #tpu.memory_space<vmem>> -> memref<1x2x512xi32, #tpu.memory_space<vmem>>
      %dma_wait3A_2291 = tpu.memref_squeeze %dma_wait3A_2290 : memref<1x2x512xi32, #tpu.memory_space<vmem>> -> memref<2x512xi32, #tpu.memory_space<vmem>>
      %dma_wait3A_2292 = arith.constant 8 : i32
      %dma_wait3A_2293 = tpu.memref_slice %arg2[%dma_wait3A_2292, %mul3A_2] : memref<50x16384xi32, #tpu.memory_space<hbm>> -> memref<2x512xi32, #tpu.memory_space<hbm>>
      %dma_wait3A_2294 = arith.constant 0 : i32
      %dma_wait3A_2295 = arith.constant 0 : i32
      %dma_wait3A_2296 = tpu.memref_slice %arg5[%run_scoped3A_302, %dma_wait3A_2294, %dma_wait3A_2295] : memref<2x2x512xi32, #tpu.memory_space<vmem>> -> memref<1x2x512xi32, #tpu.memory_space<vmem>>
      %dma_wait3A_2297 = tpu.memref_squeeze %dma_wait3A_2296 : memref<1x2x512xi32, #tpu.memory_space<vmem>> -> memref<2x512xi32, #tpu.memory_space<vmem>>
      %dma_wait3A_2298 = arith.constant 8 : i32
      %dma_wait3A_2299 = tpu.memref_slice %arg2[%dma_wait3A_2298, %mul3A_2] : memref<50x16384xi32, #tpu.memory_space<hbm>> -> memref<2x512xi32, #tpu.memory_space<hbm>>
      tpu.wait_dma2 semaphore(%run_scoped3A_2275 : memref<!tpu.dma_semaphore, #tpu.memory_space<semaphore_mem>>) src(%dma_wait3A_2299 : memref<2x512xi32, #tpu.memory_space<hbm>>) dst(%dma_wait3A_2297 : memref<2x512xi32, #tpu.memory_space<vmem>>)
      tpu.yield
    }) : () -> ()
    %dma_start3A_303 = arith.constant 0 : i32
    %dma_start3A_304 = arith.constant 0 : i32
    %dma_start3A_305 = arith.constant 0 : i32
    %dma_start3A_306 = arith.constant 0 : i32
    %dma_start3A_307 = arith.constant 0 : i32
    %dma_start3A_308 = arith.constant 0 : i32
    %dma_start3A_309 = tpu.memref_slice %arg6[%dma_start3A_305, %dma_start3A_306, %dma_start3A_307, %dma_start3A_308] : memref<2x2x512x32xf32, #tpu.memory_space<vmem>> -> memref<1x1x512x32xf32, #tpu.memory_space<vmem>>
    %dma_start3A_310 = tpu.memref_squeeze %dma_start3A_309 : memref<1x1x512x32xf32, #tpu.memory_space<vmem>> -> memref<512x32xf32, #tpu.memory_space<vmem>>
    %dma_start3A_311 = arith.constant 0 : i32
    %dma_start3A_312 = tpu.memref_slice %arg5[%dma_start3A_303, %dma_start3A_304, %dma_start3A_311] : memref<2x2x512xi32, #tpu.memory_space<vmem>> -> memref<1x1x512xi32, #tpu.memory_space<vmem>>
    %dma_start3A_313 = tpu.memref_squeeze %dma_start3A_312 : memref<1x1x512xi32, #tpu.memory_space<vmem>> -> memref<512xi32, #tpu.memory_space<vmem>>
    %dma_start3A_314 = arith.constant 0 : i32
    %dma_start3A_315 = arith.constant 0 : i32
    %dma_start3A_316 = tpu.memref_slice %arg3[%dma_start3A_314, %dma_start3A_315] : memref<1000000x32xf32, #tpu.memory_space<hbm>> -> memref<1000000x32xf32, #tpu.memory_space<hbm>>
    tpu.enqueue_indirect_dma source(%dma_start3A_316 : memref<1000000x32xf32, #tpu.memory_space<hbm>>) target(%dma_start3A_310 : memref<512x32xf32, #tpu.memory_space<vmem>>) offsets(%dma_start3A_313 : memref<512xi32, #tpu.memory_space<vmem>>) semaphore(%arg7 : memref<!tpu.dma_semaphore, #tpu.memory_space<semaphore_mem>>)
    %dma_start3A_317 = arith.constant 0 : i32
    %dma_start3A_318 = arith.constant 1 : i32
    %dma_start3A_319 = arith.constant 0 : i32
    %dma_start3A_320 = arith.constant 1 : i32
    %dma_start3A_321 = arith.constant 0 : i32
    %dma_start3A_322 = arith.constant 0 : i32
    %dma_start3A_323 = tpu.memref_slice %arg6[%dma_start3A_319, %dma_start3A_320, %dma_start3A_321, %dma_start3A_322] : memref<2x2x512x32xf32, #tpu.memory_space<vmem>> -> memref<1x1x512x32xf32, #tpu.memory_space<vmem>>
    %dma_start3A_324 = tpu.memref_squeeze %dma_start3A_323 : memref<1x1x512x32xf32, #tpu.memory_space<vmem>> -> memref<512x32xf32, #tpu.memory_space<vmem>>
    %dma_start3A_325 = arith.constant 0 : i32
    %dma_start3A_326 = tpu.memref_slice %arg5[%dma_start3A_317, %dma_start3A_318, %dma_start3A_325] : memref<2x2x512xi32, #tpu.memory_space<vmem>> -> memref<1x1x512xi32, #tpu.memory_space<vmem>>
    %dma_start3A_327 = tpu.memref_squeeze %dma_start3A_326 : memref<1x1x512xi32, #tpu.memory_space<vmem>> -> memref<512xi32, #tpu.memory_space<vmem>>
    %dma_start3A_328 = arith.constant 0 : i32
    %dma_start3A_329 = arith.constant 0 : i32
    %dma_start3A_330 = tpu.memref_slice %arg3[%dma_start3A_328, %dma_start3A_329] : memref<1000000x32xf32, #tpu.memory_space<hbm>> -> memref<1000000x32xf32, #tpu.memory_space<hbm>>
    tpu.enqueue_indirect_dma source(%dma_start3A_330 : memref<1000000x32xf32, #tpu.memory_space<hbm>>) target(%dma_start3A_324 : memref<512x32xf32, #tpu.memory_space<vmem>>) offsets(%dma_start3A_327 : memref<512xi32, #tpu.memory_space<vmem>>) semaphore(%arg7 : memref<!tpu.dma_semaphore, #tpu.memory_space<semaphore_mem>>)
    %dma_wait3A_331 = arith.constant 1 : i32
    %dma_wait3A_332 = arith.constant 0 : i32
    %dma_wait3A_333 = arith.constant 1 : i32
    %dma_wait3A_334 = arith.constant 0 : i32
    %dma_wait3A_335 = arith.constant 0 : i32
    %dma_wait3A_336 = arith.constant 0 : i32
    %dma_wait3A_337 = tpu.memref_slice %arg6[%dma_wait3A_333, %dma_wait3A_334, %dma_wait3A_335, %dma_wait3A_336] : memref<2x2x512x32xf32, #tpu.memory_space<vmem>> -> memref<1x1x512x32xf32, #tpu.memory_space<vmem>>
    %dma_wait3A_338 = tpu.memref_squeeze %dma_wait3A_337 : memref<1x1x512x32xf32, #tpu.memory_space<vmem>> -> memref<512x32xf32, #tpu.memory_space<vmem>>
    %dma_wait3A_339 = arith.constant 0 : i32
    %dma_wait3A_340 = tpu.memref_slice %arg5[%dma_wait3A_331, %dma_wait3A_332, %dma_wait3A_339] : memref<2x2x512xi32, #tpu.memory_space<vmem>> -> memref<1x1x512xi32, #tpu.memory_space<vmem>>
    %dma_wait3A_341 = tpu.memref_squeeze %dma_wait3A_340 : memref<1x1x512xi32, #tpu.memory_space<vmem>> -> memref<512xi32, #tpu.memory_space<vmem>>
    %dma_wait3A_342 = arith.constant 0 : i32
    %dma_wait3A_343 = arith.constant 0 : i32
    %dma_wait3A_344 = tpu.memref_slice %arg3[%dma_wait3A_342, %dma_wait3A_343] : memref<1000000x32xf32, #tpu.memory_space<hbm>> -> memref<1000000x32xf32, #tpu.memory_space<hbm>>
    tpu.wait_indirect_dma semaphore(%arg8 : memref<!tpu.dma_semaphore, #tpu.memory_space<semaphore_mem>>) src(%dma_wait3A_344 : memref<1000000x32xf32, #tpu.memory_space<hbm>>) dst(%dma_wait3A_338 : memref<512x32xf32, #tpu.memory_space<vmem>>)
    %dma_wait3A_345 = arith.constant 1 : i32
    %dma_wait3A_346 = arith.constant 1 : i32
    %dma_wait3A_347 = arith.constant 1 : i32
    %dma_wait3A_348 = arith.constant 1 : i32
    %dma_wait3A_349 = arith.constant 0 : i32
    %dma_wait3A_350 = arith.constant 0 : i32
    %dma_wait3A_351 = tpu.memref_slice %arg6[%dma_wait3A_347, %dma_wait3A_348, %dma_wait3A_349, %dma_wait3A_350] : memref<2x2x512x32xf32, #tpu.memory_space<vmem>> -> memref<1x1x512x32xf32, #tpu.memory_space<vmem>>
    %dma_wait3A_352 = tpu.memref_squeeze %dma_wait3A_351 : memref<1x1x512x32xf32, #tpu.memory_space<vmem>> -> memref<512x32xf32, #tpu.memory_space<vmem>>
    %dma_wait3A_353 = arith.constant 0 : i32
    %dma_wait3A_354 = tpu.memref_slice %arg5[%dma_wait3A_345, %dma_wait3A_346, %dma_wait3A_353] : memref<2x2x512xi32, #tpu.memory_space<vmem>> -> memref<1x1x512xi32, #tpu.memory_space<vmem>>
    %dma_wait3A_355 = tpu.memref_squeeze %dma_wait3A_354 : memref<1x1x512xi32, #tpu.memory_space<vmem>> -> memref<512xi32, #tpu.memory_space<vmem>>
    %dma_wait3A_356 = arith.constant 0 : i32
    %dma_wait3A_357 = arith.constant 0 : i32
    %dma_wait3A_358 = tpu.memref_slice %arg3[%dma_wait3A_356, %dma_wait3A_357] : memref<1000000x32xf32, #tpu.memory_space<hbm>> -> memref<1000000x32xf32, #tpu.memory_space<hbm>>
    tpu.wait_indirect_dma semaphore(%arg8 : memref<!tpu.dma_semaphore, #tpu.memory_space<semaphore_mem>>) src(%dma_wait3A_358 : memref<1000000x32xf32, #tpu.memory_space<hbm>>) dst(%dma_wait3A_352 : memref<512x32xf32, #tpu.memory_space<vmem>>)
    %dma_start3A_359 = arith.constant 1 : i32
    %dma_start3A_360 = arith.constant 0 : i32
    %dma_start3A_361 = arith.constant 0 : i32
    %dma_start3A_362 = arith.constant 0 : i32
    %dma_start3A_363 = tpu.memref_slice %arg6[%dma_start3A_359, %dma_start3A_360, %dma_start3A_361, %dma_start3A_362] : memref<2x2x512x32xf32, #tpu.memory_space<vmem>> -> memref<1x2x512x32xf32, #tpu.memory_space<vmem>>
    %dma_start3A_364 = tpu.memref_squeeze %dma_start3A_363 : memref<1x2x512x32xf32, #tpu.memory_space<vmem>> -> memref<2x512x32xf32, #tpu.memory_space<vmem>>
    %dma_start3A_365 = arith.constant 6 : i32
    %dma_start3A_366 = arith.constant 0 : i32
    %dma_start3A_367 = tpu.memref_slice %arg4[%dma_start3A_365, %mul3A_2, %dma_start3A_366] : memref<50x16384x32xf32, #tpu.memory_space<hbm>> -> memref<2x512x32xf32, #tpu.memory_space<hbm>>
    %dma_start3A_368 = arith.constant 6 : i32
    %dma_start3A_369 = arith.constant 0 : i32
    %dma_start3A_370 = tpu.memref_slice %arg4[%dma_start3A_368, %mul3A_2, %dma_start3A_369] : memref<50x16384x32xf32, #tpu.memory_space<hbm>> -> memref<2x512x32xf32, #tpu.memory_space<hbm>>
    %dma_start3A_371 = arith.constant 0 : i32
    %dma_start3A_372 = arith.constant 0 : i32
    %dma_start3A_373 = arith.constant 0 : i32
    %dma_start3A_374 = tpu.memref_slice %arg6[%dma_start3A_359, %dma_start3A_371, %dma_start3A_372, %dma_start3A_373] : memref<2x2x512x32xf32, #tpu.memory_space<vmem>> -> memref<1x2x512x32xf32, #tpu.memory_space<vmem>>
    %dma_start3A_375 = tpu.memref_squeeze %dma_start3A_374 : memref<1x2x512x32xf32, #tpu.memory_space<vmem>> -> memref<2x512x32xf32, #tpu.memory_space<vmem>>
    tpu.enqueue_dma source(%dma_start3A_375 : memref<2x512x32xf32, #tpu.memory_space<vmem>>) target(%dma_start3A_370 : memref<2x512x32xf32, #tpu.memory_space<hbm>>) target_semaphore(%arg10 : memref<!tpu.dma_semaphore, #tpu.memory_space<semaphore_mem>>)
    %dma_wait3A_376 = arith.constant 1 : i32
    %dma_wait3A_377 = arith.constant 0 : i32
    %dma_wait3A_378 = arith.constant 0 : i32
    %dma_wait3A_379 = arith.constant 0 : i32
    %dma_wait3A_380 = tpu.memref_slice %arg6[%dma_wait3A_376, %dma_wait3A_377, %dma_wait3A_378, %dma_wait3A_379] : memref<2x2x512x32xf32, #tpu.memory_space<vmem>> -> memref<1x2x512x32xf32, #tpu.memory_space<vmem>>
    %dma_wait3A_381 = tpu.memref_squeeze %dma_wait3A_380 : memref<1x2x512x32xf32, #tpu.memory_space<vmem>> -> memref<2x512x32xf32, #tpu.memory_space<vmem>>
    %dma_wait3A_382 = arith.constant 6 : i32
    %dma_wait3A_383 = arith.constant 0 : i32
    %dma_wait3A_384 = tpu.memref_slice %arg4[%dma_wait3A_382, %mul3A_2, %dma_wait3A_383] : memref<50x16384x32xf32, #tpu.memory_space<hbm>> -> memref<2x512x32xf32, #tpu.memory_space<hbm>>
    %dma_wait3A_385 = arith.constant 6 : i32
    %dma_wait3A_386 = arith.constant 0 : i32
    %dma_wait3A_387 = tpu.memref_slice %arg4[%dma_wait3A_385, %mul3A_2, %dma_wait3A_386] : memref<50x16384x32xf32, #tpu.memory_space<hbm>> -> memref<2x512x32xf32, #tpu.memory_space<hbm>>
    %dma_wait3A_388 = arith.constant 0 : i32
    %dma_wait3A_389 = arith.constant 0 : i32
    %dma_wait3A_390 = arith.constant 0 : i32
    %dma_wait3A_391 = tpu.memref_slice %arg6[%dma_wait3A_376, %dma_wait3A_388, %dma_wait3A_389, %dma_wait3A_390] : memref<2x2x512x32xf32, #tpu.memory_space<vmem>> -> memref<1x2x512x32xf32, #tpu.memory_space<vmem>>
    %dma_wait3A_392 = tpu.memref_squeeze %dma_wait3A_391 : memref<1x2x512x32xf32, #tpu.memory_space<vmem>> -> memref<2x512x32xf32, #tpu.memory_space<vmem>>
    tpu.wait_dma2 semaphore(%arg10 : memref<!tpu.dma_semaphore, #tpu.memory_space<semaphore_mem>>) src(%dma_wait3A_392 : memref<2x512x32xf32, #tpu.memory_space<vmem>>) dst(%dma_wait3A_387 : memref<2x512x32xf32, #tpu.memory_space<hbm>>)
    %run_scoped3A_393 = arith.constant 1 : i32
    "tpu.region"() ({
      %run_scoped3A_2275 = tpu.sem_alloc : memref<!tpu.dma_semaphore, #tpu.memory_space<semaphore_mem>>
      %dma_start3A_2276 = arith.constant 0 : i32
      %dma_start3A_2277 = arith.constant 0 : i32
      %dma_start3A_2278 = tpu.memref_slice %arg5[%run_scoped3A_393, %dma_start3A_2276, %dma_start3A_2277] : memref<2x2x512xi32, #tpu.memory_space<vmem>> -> memref<1x2x512xi32, #tpu.memory_space<vmem>>
      %dma_start3A_2279 = tpu.memref_squeeze %dma_start3A_2278 : memref<1x2x512xi32, #tpu.memory_space<vmem>> -> memref<2x512xi32, #tpu.memory_space<vmem>>
      %dma_start3A_2280 = arith.constant 10 : i32
      %dma_start3A_2281 = tpu.memref_slice %arg2[%dma_start3A_2280, %mul3A_2] : memref<50x16384xi32, #tpu.memory_space<hbm>> -> memref<2x512xi32, #tpu.memory_space<hbm>>
      %dma_start3A_2282 = arith.constant 0 : i32
      %dma_start3A_2283 = arith.constant 0 : i32
      %dma_start3A_2284 = tpu.memref_slice %arg5[%run_scoped3A_393, %dma_start3A_2282, %dma_start3A_2283] : memref<2x2x512xi32, #tpu.memory_space<vmem>> -> memref<1x2x512xi32, #tpu.memory_space<vmem>>
      %dma_start3A_2285 = tpu.memref_squeeze %dma_start3A_2284 : memref<1x2x512xi32, #tpu.memory_space<vmem>> -> memref<2x512xi32, #tpu.memory_space<vmem>>
      %dma_start3A_2286 = arith.constant 10 : i32
      %dma_start3A_2287 = tpu.memref_slice %arg2[%dma_start3A_2286, %mul3A_2] : memref<50x16384xi32, #tpu.memory_space<hbm>> -> memref<2x512xi32, #tpu.memory_space<hbm>>
      tpu.enqueue_dma source(%dma_start3A_2287 : memref<2x512xi32, #tpu.memory_space<hbm>>) target(%dma_start3A_2285 : memref<2x512xi32, #tpu.memory_space<vmem>>) target_semaphore(%run_scoped3A_2275 : memref<!tpu.dma_semaphore, #tpu.memory_space<semaphore_mem>>)
      %dma_wait3A_2288 = arith.constant 0 : i32
      %dma_wait3A_2289 = arith.constant 0 : i32
      %dma_wait3A_2290 = tpu.memref_slice %arg5[%run_scoped3A_393, %dma_wait3A_2288, %dma_wait3A_2289] : memref<2x2x512xi32, #tpu.memory_space<vmem>> -> memref<1x2x512xi32, #tpu.memory_space<vmem>>
      %dma_wait3A_2291 = tpu.memref_squeeze %dma_wait3A_2290 : memref<1x2x512xi32, #tpu.memory_space<vmem>> -> memref<2x512xi32, #tpu.memory_space<vmem>>
      %dma_wait3A_2292 = arith.constant 10 : i32
      %dma_wait3A_2293 = tpu.memref_slice %arg2[%dma_wait3A_2292, %mul3A_2] : memref<50x16384xi32, #tpu.memory_space<hbm>> -> memref<2x512xi32, #tpu.memory_space<hbm>>
      %dma_wait3A_2294 = arith.constant 0 : i32
      %dma_wait3A_2295 = arith.constant 0 : i32
      %dma_wait3A_2296 = tpu.memref_slice %arg5[%run_scoped3A_393, %dma_wait3A_2294, %dma_wait3A_2295] : memref<2x2x512xi32, #tpu.memory_space<vmem>> -> memref<1x2x512xi32, #tpu.memory_space<vmem>>
      %dma_wait3A_2297 = tpu.memref_squeeze %dma_wait3A_2296 : memref<1x2x512xi32, #tpu.memory_space<vmem>> -> memref<2x512xi32, #tpu.memory_space<vmem>>
      %dma_wait3A_2298 = arith.constant 10 : i32
      %dma_wait3A_2299 = tpu.memref_slice %arg2[%dma_wait3A_2298, %mul3A_2] : memref<50x16384xi32, #tpu.memory_space<hbm>> -> memref<2x512xi32, #tpu.memory_space<hbm>>
      tpu.wait_dma2 semaphore(%run_scoped3A_2275 : memref<!tpu.dma_semaphore, #tpu.memory_space<semaphore_mem>>) src(%dma_wait3A_2299 : memref<2x512xi32, #tpu.memory_space<hbm>>) dst(%dma_wait3A_2297 : memref<2x512xi32, #tpu.memory_space<vmem>>)
      tpu.yield
    }) : () -> ()
    %dma_start3A_394 = arith.constant 1 : i32
    %dma_start3A_395 = arith.constant 0 : i32
    %dma_start3A_396 = arith.constant 1 : i32
    %dma_start3A_397 = arith.constant 0 : i32
    %dma_start3A_398 = arith.constant 0 : i32
    %dma_start3A_399 = arith.constant 0 : i32
    %dma_start3A_400 = tpu.memref_slice %arg6[%dma_start3A_396, %dma_start3A_397, %dma_start3A_398, %dma_start3A_399] : memref<2x2x512x32xf32, #tpu.memory_space<vmem>> -> memref<1x1x512x32xf32, #tpu.memory_space<vmem>>
    %dma_start3A_401 = tpu.memref_squeeze %dma_start3A_400 : memref<1x1x512x32xf32, #tpu.memory_space<vmem>> -> memref<512x32xf32, #tpu.memory_space<vmem>>
    %dma_start3A_402 = arith.constant 0 : i32
    %dma_start3A_403 = tpu.memref_slice %arg5[%dma_start3A_394, %dma_start3A_395, %dma_start3A_402] : memref<2x2x512xi32, #tpu.memory_space<vmem>> -> memref<1x1x512xi32, #tpu.memory_space<vmem>>
    %dma_start3A_404 = tpu.memref_squeeze %dma_start3A_403 : memref<1x1x512xi32, #tpu.memory_space<vmem>> -> memref<512xi32, #tpu.memory_space<vmem>>
    %dma_start3A_405 = arith.constant 0 : i32
    %dma_start3A_406 = arith.constant 0 : i32
    %dma_start3A_407 = tpu.memref_slice %arg3[%dma_start3A_405, %dma_start3A_406] : memref<1000000x32xf32, #tpu.memory_space<hbm>> -> memref<1000000x32xf32, #tpu.memory_space<hbm>>
    tpu.enqueue_indirect_dma source(%dma_start3A_407 : memref<1000000x32xf32, #tpu.memory_space<hbm>>) target(%dma_start3A_401 : memref<512x32xf32, #tpu.memory_space<vmem>>) offsets(%dma_start3A_404 : memref<512xi32, #tpu.memory_space<vmem>>) semaphore(%arg8 : memref<!tpu.dma_semaphore, #tpu.memory_space<semaphore_mem>>)
    %dma_start3A_408 = arith.constant 1 : i32
    %dma_start3A_409 = arith.constant 1 : i32
    %dma_start3A_410 = arith.constant 1 : i32
    %dma_start3A_411 = arith.constant 1 : i32
    %dma_start3A_412 = arith.constant 0 : i32
    %dma_start3A_413 = arith.constant 0 : i32
    %dma_start3A_414 = tpu.memref_slice %arg6[%dma_start3A_410, %dma_start3A_411, %dma_start3A_412, %dma_start3A_413] : memref<2x2x512x32xf32, #tpu.memory_space<vmem>> -> memref<1x1x512x32xf32, #tpu.memory_space<vmem>>
    %dma_start3A_415 = tpu.memref_squeeze %dma_start3A_414 : memref<1x1x512x32xf32, #tpu.memory_space<vmem>> -> memref<512x32xf32, #tpu.memory_space<vmem>>
    %dma_start3A_416 = arith.constant 0 : i32
    %dma_start3A_417 = tpu.memref_slice %arg5[%dma_start3A_408, %dma_start3A_409, %dma_start3A_416] : memref<2x2x512xi32, #tpu.memory_space<vmem>> -> memref<1x1x512xi32, #tpu.memory_space<vmem>>
    %dma_start3A_418 = tpu.memref_squeeze %dma_start3A_417 : memref<1x1x512xi32, #tpu.memory_space<vmem>> -> memref<512xi32, #tpu.memory_space<vmem>>
    %dma_start3A_419 = arith.constant 0 : i32
    %dma_start3A_420 = arith.constant 0 : i32
    %dma_start3A_421 = tpu.memref_slice %arg3[%dma_start3A_419, %dma_start3A_420] : memref<1000000x32xf32, #tpu.memory_space<hbm>> -> memref<1000000x32xf32, #tpu.memory_space<hbm>>
    tpu.enqueue_indirect_dma source(%dma_start3A_421 : memref<1000000x32xf32, #tpu.memory_space<hbm>>) target(%dma_start3A_415 : memref<512x32xf32, #tpu.memory_space<vmem>>) offsets(%dma_start3A_418 : memref<512xi32, #tpu.memory_space<vmem>>) semaphore(%arg8 : memref<!tpu.dma_semaphore, #tpu.memory_space<semaphore_mem>>)
    %dma_wait3A_422 = arith.constant 0 : i32
    %dma_wait3A_423 = arith.constant 0 : i32
    %dma_wait3A_424 = arith.constant 0 : i32
    %dma_wait3A_425 = arith.constant 0 : i32
    %dma_wait3A_426 = arith.constant 0 : i32
    %dma_wait3A_427 = arith.constant 0 : i32
    %dma_wait3A_428 = tpu.memref_slice %arg6[%dma_wait3A_424, %dma_wait3A_425, %dma_wait3A_426, %dma_wait3A_427] : memref<2x2x512x32xf32, #tpu.memory_space<vmem>> -> memref<1x1x512x32xf32, #tpu.memory_space<vmem>>
    %dma_wait3A_429 = tpu.memref_squeeze %dma_wait3A_428 : memref<1x1x512x32xf32, #tpu.memory_space<vmem>> -> memref<512x32xf32, #tpu.memory_space<vmem>>
    %dma_wait3A_430 = arith.constant 0 : i32
    %dma_wait3A_431 = tpu.memref_slice %arg5[%dma_wait3A_422, %dma_wait3A_423, %dma_wait3A_430] : memref<2x2x512xi32, #tpu.memory_space<vmem>> -> memref<1x1x512xi32, #tpu.memory_space<vmem>>
    %dma_wait3A_432 = tpu.memref_squeeze %dma_wait3A_431 : memref<1x1x512xi32, #tpu.memory_space<vmem>> -> memref<512xi32, #tpu.memory_space<vmem>>
    %dma_wait3A_433 = arith.constant 0 : i32
    %dma_wait3A_434 = arith.constant 0 : i32
    %dma_wait3A_435 = tpu.memref_slice %arg3[%dma_wait3A_433, %dma_wait3A_434] : memref<1000000x32xf32, #tpu.memory_space<hbm>> -> memref<1000000x32xf32, #tpu.memory_space<hbm>>
    tpu.wait_indirect_dma semaphore(%arg7 : memref<!tpu.dma_semaphore, #tpu.memory_space<semaphore_mem>>) src(%dma_wait3A_435 : memref<1000000x32xf32, #tpu.memory_space<hbm>>) dst(%dma_wait3A_429 : memref<512x32xf32, #tpu.memory_space<vmem>>)
    %dma_wait3A_436 = arith.constant 0 : i32
    %dma_wait3A_437 = arith.constant 1 : i32
    %dma_wait3A_438 = arith.constant 0 : i32
    %dma_wait3A_439 = arith.constant 1 : i32
    %dma_wait3A_440 = arith.constant 0 : i32
    %dma_wait3A_441 = arith.constant 0 : i32
    %dma_wait3A_442 = tpu.memref_slice %arg6[%dma_wait3A_438, %dma_wait3A_439, %dma_wait3A_440, %dma_wait3A_441] : memref<2x2x512x32xf32, #tpu.memory_space<vmem>> -> memref<1x1x512x32xf32, #tpu.memory_space<vmem>>
    %dma_wait3A_443 = tpu.memref_squeeze %dma_wait3A_442 : memref<1x1x512x32xf32, #tpu.memory_space<vmem>> -> memref<512x32xf32, #tpu.memory_space<vmem>>
    %dma_wait3A_444 = arith.constant 0 : i32
    %dma_wait3A_445 = tpu.memref_slice %arg5[%dma_wait3A_436, %dma_wait3A_437, %dma_wait3A_444] : memref<2x2x512xi32, #tpu.memory_space<vmem>> -> memref<1x1x512xi32, #tpu.memory_space<vmem>>
    %dma_wait3A_446 = tpu.memref_squeeze %dma_wait3A_445 : memref<1x1x512xi32, #tpu.memory_space<vmem>> -> memref<512xi32, #tpu.memory_space<vmem>>
    %dma_wait3A_447 = arith.constant 0 : i32
    %dma_wait3A_448 = arith.constant 0 : i32
    %dma_wait3A_449 = tpu.memref_slice %arg3[%dma_wait3A_447, %dma_wait3A_448] : memref<1000000x32xf32, #tpu.memory_space<hbm>> -> memref<1000000x32xf32, #tpu.memory_space<hbm>>
    tpu.wait_indirect_dma semaphore(%arg7 : memref<!tpu.dma_semaphore, #tpu.memory_space<semaphore_mem>>) src(%dma_wait3A_449 : memref<1000000x32xf32, #tpu.memory_space<hbm>>) dst(%dma_wait3A_443 : memref<512x32xf32, #tpu.memory_space<vmem>>)
    %dma_start3A_450 = arith.constant 0 : i32
    %dma_start3A_451 = arith.constant 0 : i32
    %dma_start3A_452 = arith.constant 0 : i32
    %dma_start3A_453 = arith.constant 0 : i32
    %dma_start3A_454 = tpu.memref_slice %arg6[%dma_start3A_450, %dma_start3A_451, %dma_start3A_452, %dma_start3A_453] : memref<2x2x512x32xf32, #tpu.memory_space<vmem>> -> memref<1x2x512x32xf32, #tpu.memory_space<vmem>>
    %dma_start3A_455 = tpu.memref_squeeze %dma_start3A_454 : memref<1x2x512x32xf32, #tpu.memory_space<vmem>> -> memref<2x512x32xf32, #tpu.memory_space<vmem>>
    %dma_start3A_456 = arith.constant 8 : i32
    %dma_start3A_457 = arith.constant 0 : i32
    %dma_start3A_458 = tpu.memref_slice %arg4[%dma_start3A_456, %mul3A_2, %dma_start3A_457] : memref<50x16384x32xf32, #tpu.memory_space<hbm>> -> memref<2x512x32xf32, #tpu.memory_space<hbm>>
    %dma_start3A_459 = arith.constant 8 : i32
    %dma_start3A_460 = arith.constant 0 : i32
    %dma_start3A_461 = tpu.memref_slice %arg4[%dma_start3A_459, %mul3A_2, %dma_start3A_460] : memref<50x16384x32xf32, #tpu.memory_space<hbm>> -> memref<2x512x32xf32, #tpu.memory_space<hbm>>
    %dma_start3A_462 = arith.constant 0 : i32
    %dma_start3A_463 = arith.constant 0 : i32
    %dma_start3A_464 = arith.constant 0 : i32
    %dma_start3A_465 = tpu.memref_slice %arg6[%dma_start3A_450, %dma_start3A_462, %dma_start3A_463, %dma_start3A_464] : memref<2x2x512x32xf32, #tpu.memory_space<vmem>> -> memref<1x2x512x32xf32, #tpu.memory_space<vmem>>
    %dma_start3A_466 = tpu.memref_squeeze %dma_start3A_465 : memref<1x2x512x32xf32, #tpu.memory_space<vmem>> -> memref<2x512x32xf32, #tpu.memory_space<vmem>>
    tpu.enqueue_dma source(%dma_start3A_466 : memref<2x512x32xf32, #tpu.memory_space<vmem>>) target(%dma_start3A_461 : memref<2x512x32xf32, #tpu.memory_space<hbm>>) target_semaphore(%arg9 : memref<!tpu.dma_semaphore, #tpu.memory_space<semaphore_mem>>)
    %dma_wait3A_467 = arith.constant 0 : i32
    %dma_wait3A_468 = arith.constant 0 : i32
    %dma_wait3A_469 = arith.constant 0 : i32
    %dma_wait3A_470 = arith.constant 0 : i32
    %dma_wait3A_471 = tpu.memref_slice %arg6[%dma_wait3A_467, %dma_wait3A_468, %dma_wait3A_469, %dma_wait3A_470] : memref<2x2x512x32xf32, #tpu.memory_space<vmem>> -> memref<1x2x512x32xf32, #tpu.memory_space<vmem>>
    %dma_wait3A_472 = tpu.memref_squeeze %dma_wait3A_471 : memref<1x2x512x32xf32, #tpu.memory_space<vmem>> -> memref<2x512x32xf32, #tpu.memory_space<vmem>>
    %dma_wait3A_473 = arith.constant 8 : i32
    %dma_wait3A_474 = arith.constant 0 : i32
    %dma_wait3A_475 = tpu.memref_slice %arg4[%dma_wait3A_473, %mul3A_2, %dma_wait3A_474] : memref<50x16384x32xf32, #tpu.memory_space<hbm>> -> memref<2x512x32xf32, #tpu.memory_space<hbm>>
    %dma_wait3A_476 = arith.constant 8 : i32
    %dma_wait3A_477 = arith.constant 0 : i32
    %dma_wait3A_478 = tpu.memref_slice %arg4[%dma_wait3A_476, %mul3A_2, %dma_wait3A_477] : memref<50x16384x32xf32, #tpu.memory_space<hbm>> -> memref<2x512x32xf32, #tpu.memory_space<hbm>>
    %dma_wait3A_479 = arith.constant 0 : i32
    %dma_wait3A_480 = arith.constant 0 : i32
    %dma_wait3A_481 = arith.constant 0 : i32
    %dma_wait3A_482 = tpu.memref_slice %arg6[%dma_wait3A_467, %dma_wait3A_479, %dma_wait3A_480, %dma_wait3A_481] : memref<2x2x512x32xf32, #tpu.memory_space<vmem>> -> memref<1x2x512x32xf32, #tpu.memory_space<vmem>>
    %dma_wait3A_483 = tpu.memref_squeeze %dma_wait3A_482 : memref<1x2x512x32xf32, #tpu.memory_space<vmem>> -> memref<2x512x32xf32, #tpu.memory_space<vmem>>
    tpu.wait_dma2 semaphore(%arg9 : memref<!tpu.dma_semaphore, #tpu.memory_space<semaphore_mem>>) src(%dma_wait3A_483 : memref<2x512x32xf32, #tpu.memory_space<vmem>>) dst(%dma_wait3A_478 : memref<2x512x32xf32, #tpu.memory_space<hbm>>)
    %run_scoped3A_484 = arith.constant 0 : i32
    "tpu.region"() ({
      %run_scoped3A_2275 = tpu.sem_alloc : memref<!tpu.dma_semaphore, #tpu.memory_space<semaphore_mem>>
      %dma_start3A_2276 = arith.constant 0 : i32
      %dma_start3A_2277 = arith.constant 0 : i32
      %dma_start3A_2278 = tpu.memref_slice %arg5[%run_scoped3A_484, %dma_start3A_2276, %dma_start3A_2277] : memref<2x2x512xi32, #tpu.memory_space<vmem>> -> memref<1x2x512xi32, #tpu.memory_space<vmem>>
      %dma_start3A_2279 = tpu.memref_squeeze %dma_start3A_2278 : memref<1x2x512xi32, #tpu.memory_space<vmem>> -> memref<2x512xi32, #tpu.memory_space<vmem>>
      %dma_start3A_2280 = arith.constant 12 : i32
      %dma_start3A_2281 = tpu.memref_slice %arg2[%dma_start3A_2280, %mul3A_2] : memref<50x16384xi32, #tpu.memory_space<hbm>> -> memref<2x512xi32, #tpu.memory_space<hbm>>
      %dma_start3A_2282 = arith.constant 0 : i32
      %dma_start3A_2283 = arith.constant 0 : i32
      %dma_start3A_2284 = tpu.memref_slice %arg5[%run_scoped3A_484, %dma_start3A_2282, %dma_start3A_2283] : memref<2x2x512xi32, #tpu.memory_space<vmem>> -> memref<1x2x512xi32, #tpu.memory_space<vmem>>
      %dma_start3A_2285 = tpu.memref_squeeze %dma_start3A_2284 : memref<1x2x512xi32, #tpu.memory_space<vmem>> -> memref<2x512xi32, #tpu.memory_space<vmem>>
      %dma_start3A_2286 = arith.constant 12 : i32
      %dma_start3A_2287 = tpu.memref_slice %arg2[%dma_start3A_2286, %mul3A_2] : memref<50x16384xi32, #tpu.memory_space<hbm>> -> memref<2x512xi32, #tpu.memory_space<hbm>>
      tpu.enqueue_dma source(%dma_start3A_2287 : memref<2x512xi32, #tpu.memory_space<hbm>>) target(%dma_start3A_2285 : memref<2x512xi32, #tpu.memory_space<vmem>>) target_semaphore(%run_scoped3A_2275 : memref<!tpu.dma_semaphore, #tpu.memory_space<semaphore_mem>>)
      %dma_wait3A_2288 = arith.constant 0 : i32
      %dma_wait3A_2289 = arith.constant 0 : i32
      %dma_wait3A_2290 = tpu.memref_slice %arg5[%run_scoped3A_484, %dma_wait3A_2288, %dma_wait3A_2289] : memref<2x2x512xi32, #tpu.memory_space<vmem>> -> memref<1x2x512xi32, #tpu.memory_space<vmem>>
      %dma_wait3A_2291 = tpu.memref_squeeze %dma_wait3A_2290 : memref<1x2x512xi32, #tpu.memory_space<vmem>> -> memref<2x512xi32, #tpu.memory_space<vmem>>
      %dma_wait3A_2292 = arith.constant 12 : i32
      %dma_wait3A_2293 = tpu.memref_slice %arg2[%dma_wait3A_2292, %mul3A_2] : memref<50x16384xi32, #tpu.memory_space<hbm>> -> memref<2x512xi32, #tpu.memory_space<hbm>>
      %dma_wait3A_2294 = arith.constant 0 : i32
      %dma_wait3A_2295 = arith.constant 0 : i32
      %dma_wait3A_2296 = tpu.memref_slice %arg5[%run_scoped3A_484, %dma_wait3A_2294, %dma_wait3A_2295] : memref<2x2x512xi32, #tpu.memory_space<vmem>> -> memref<1x2x512xi32, #tpu.memory_space<vmem>>
      %dma_wait3A_2297 = tpu.memref_squeeze %dma_wait3A_2296 : memref<1x2x512xi32, #tpu.memory_space<vmem>> -> memref<2x512xi32, #tpu.memory_space<vmem>>
      %dma_wait3A_2298 = arith.constant 12 : i32
      %dma_wait3A_2299 = tpu.memref_slice %arg2[%dma_wait3A_2298, %mul3A_2] : memref<50x16384xi32, #tpu.memory_space<hbm>> -> memref<2x512xi32, #tpu.memory_space<hbm>>
      tpu.wait_dma2 semaphore(%run_scoped3A_2275 : memref<!tpu.dma_semaphore, #tpu.memory_space<semaphore_mem>>) src(%dma_wait3A_2299 : memref<2x512xi32, #tpu.memory_space<hbm>>) dst(%dma_wait3A_2297 : memref<2x512xi32, #tpu.memory_space<vmem>>)
      tpu.yield
    }) : () -> ()
    %dma_start3A_485 = arith.constant 0 : i32
    %dma_start3A_486 = arith.constant 0 : i32
    %dma_start3A_487 = arith.constant 0 : i32
    %dma_start3A_488 = arith.constant 0 : i32
    %dma_start3A_489 = arith.constant 0 : i32
    %dma_start3A_490 = arith.constant 0 : i32
    %dma_start3A_491 = tpu.memref_slice %arg6[%dma_start3A_487, %dma_start3A_488, %dma_start3A_489, %dma_start3A_490] : memref<2x2x512x32xf32, #tpu.memory_space<vmem>> -> memref<1x1x512x32xf32, #tpu.memory_space<vmem>>
    %dma_start3A_492 = tpu.memref_squeeze %dma_start3A_491 : memref<1x1x512x32xf32, #tpu.memory_space<vmem>> -> memref<512x32xf32, #tpu.memory_space<vmem>>
    %dma_start3A_493 = arith.constant 0 : i32
    %dma_start3A_494 = tpu.memref_slice %arg5[%dma_start3A_485, %dma_start3A_486, %dma_start3A_493] : memref<2x2x512xi32, #tpu.memory_space<vmem>> -> memref<1x1x512xi32, #tpu.memory_space<vmem>>
    %dma_start3A_495 = tpu.memref_squeeze %dma_start3A_494 : memref<1x1x512xi32, #tpu.memory_space<vmem>> -> memref<512xi32, #tpu.memory_space<vmem>>
    %dma_start3A_496 = arith.constant 0 : i32
    %dma_start3A_497 = arith.constant 0 : i32
    %dma_start3A_498 = tpu.memref_slice %arg3[%dma_start3A_496, %dma_start3A_497] : memref<1000000x32xf32, #tpu.memory_space<hbm>> -> memref<1000000x32xf32, #tpu.memory_space<hbm>>
    tpu.enqueue_indirect_dma source(%dma_start3A_498 : memref<1000000x32xf32, #tpu.memory_space<hbm>>) target(%dma_start3A_492 : memref<512x32xf32, #tpu.memory_space<vmem>>) offsets(%dma_start3A_495 : memref<512xi32, #tpu.memory_space<vmem>>) semaphore(%arg7 : memref<!tpu.dma_semaphore, #tpu.memory_space<semaphore_mem>>)
    %dma_start3A_499 = arith.constant 0 : i32
    %dma_start3A_500 = arith.constant 1 : i32
    %dma_start3A_501 = arith.constant 0 : i32
    %dma_start3A_502 = arith.constant 1 : i32
    %dma_start3A_503 = arith.constant 0 : i32
    %dma_start3A_504 = arith.constant 0 : i32
    %dma_start3A_505 = tpu.memref_slice %arg6[%dma_start3A_501, %dma_start3A_502, %dma_start3A_503, %dma_start3A_504] : memref<2x2x512x32xf32, #tpu.memory_space<vmem>> -> memref<1x1x512x32xf32, #tpu.memory_space<vmem>>
    %dma_start3A_506 = tpu.memref_squeeze %dma_start3A_505 : memref<1x1x512x32xf32, #tpu.memory_space<vmem>> -> memref<512x32xf32, #tpu.memory_space<vmem>>
    %dma_start3A_507 = arith.constant 0 : i32
    %dma_start3A_508 = tpu.memref_slice %arg5[%dma_start3A_499, %dma_start3A_500, %dma_start3A_507] : memref<2x2x512xi32, #tpu.memory_space<vmem>> -> memref<1x1x512xi32, #tpu.memory_space<vmem>>
    %dma_start3A_509 = tpu.memref_squeeze %dma_start3A_508 : memref<1x1x512xi32, #tpu.memory_space<vmem>> -> memref<512xi32, #tpu.memory_space<vmem>>
    %dma_start3A_510 = arith.constant 0 : i32
    %dma_start3A_511 = arith.constant 0 : i32
    %dma_start3A_512 = tpu.memref_slice %arg3[%dma_start3A_510, %dma_start3A_511] : memref<1000000x32xf32, #tpu.memory_space<hbm>> -> memref<1000000x32xf32, #tpu.memory_space<hbm>>
    tpu.enqueue_indirect_dma source(%dma_start3A_512 : memref<1000000x32xf32, #tpu.memory_space<hbm>>) target(%dma_start3A_506 : memref<512x32xf32, #tpu.memory_space<vmem>>) offsets(%dma_start3A_509 : memref<512xi32, #tpu.memory_space<vmem>>) semaphore(%arg7 : memref<!tpu.dma_semaphore, #tpu.memory_space<semaphore_mem>>)
    %dma_wait3A_513 = arith.constant 1 : i32
    %dma_wait3A_514 = arith.constant 0 : i32
    %dma_wait3A_515 = arith.constant 1 : i32
    %dma_wait3A_516 = arith.constant 0 : i32
    %dma_wait3A_517 = arith.constant 0 : i32
    %dma_wait3A_518 = arith.constant 0 : i32
    %dma_wait3A_519 = tpu.memref_slice %arg6[%dma_wait3A_515, %dma_wait3A_516, %dma_wait3A_517, %dma_wait3A_518] : memref<2x2x512x32xf32, #tpu.memory_space<vmem>> -> memref<1x1x512x32xf32, #tpu.memory_space<vmem>>
    %dma_wait3A_520 = tpu.memref_squeeze %dma_wait3A_519 : memref<1x1x512x32xf32, #tpu.memory_space<vmem>> -> memref<512x32xf32, #tpu.memory_space<vmem>>
    %dma_wait3A_521 = arith.constant 0 : i32
    %dma_wait3A_522 = tpu.memref_slice %arg5[%dma_wait3A_513, %dma_wait3A_514, %dma_wait3A_521] : memref<2x2x512xi32, #tpu.memory_space<vmem>> -> memref<1x1x512xi32, #tpu.memory_space<vmem>>
    %dma_wait3A_523 = tpu.memref_squeeze %dma_wait3A_522 : memref<1x1x512xi32, #tpu.memory_space<vmem>> -> memref<512xi32, #tpu.memory_space<vmem>>
    %dma_wait3A_524 = arith.constant 0 : i32
    %dma_wait3A_525 = arith.constant 0 : i32
    %dma_wait3A_526 = tpu.memref_slice %arg3[%dma_wait3A_524, %dma_wait3A_525] : memref<1000000x32xf32, #tpu.memory_space<hbm>> -> memref<1000000x32xf32, #tpu.memory_space<hbm>>
    tpu.wait_indirect_dma semaphore(%arg8 : memref<!tpu.dma_semaphore, #tpu.memory_space<semaphore_mem>>) src(%dma_wait3A_526 : memref<1000000x32xf32, #tpu.memory_space<hbm>>) dst(%dma_wait3A_520 : memref<512x32xf32, #tpu.memory_space<vmem>>)
    %dma_wait3A_527 = arith.constant 1 : i32
    %dma_wait3A_528 = arith.constant 1 : i32
    %dma_wait3A_529 = arith.constant 1 : i32
    %dma_wait3A_530 = arith.constant 1 : i32
    %dma_wait3A_531 = arith.constant 0 : i32
    %dma_wait3A_532 = arith.constant 0 : i32
    %dma_wait3A_533 = tpu.memref_slice %arg6[%dma_wait3A_529, %dma_wait3A_530, %dma_wait3A_531, %dma_wait3A_532] : memref<2x2x512x32xf32, #tpu.memory_space<vmem>> -> memref<1x1x512x32xf32, #tpu.memory_space<vmem>>
    %dma_wait3A_534 = tpu.memref_squeeze %dma_wait3A_533 : memref<1x1x512x32xf32, #tpu.memory_space<vmem>> -> memref<512x32xf32, #tpu.memory_space<vmem>>
    %dma_wait3A_535 = arith.constant 0 : i32
    %dma_wait3A_536 = tpu.memref_slice %arg5[%dma_wait3A_527, %dma_wait3A_528, %dma_wait3A_535] : memref<2x2x512xi32, #tpu.memory_space<vmem>> -> memref<1x1x512xi32, #tpu.memory_space<vmem>>
    %dma_wait3A_537 = tpu.memref_squeeze %dma_wait3A_536 : memref<1x1x512xi32, #tpu.memory_space<vmem>> -> memref<512xi32, #tpu.memory_space<vmem>>
    %dma_wait3A_538 = arith.constant 0 : i32
    %dma_wait3A_539 = arith.constant 0 : i32
    %dma_wait3A_540 = tpu.memref_slice %arg3[%dma_wait3A_538, %dma_wait3A_539] : memref<1000000x32xf32, #tpu.memory_space<hbm>> -> memref<1000000x32xf32, #tpu.memory_space<hbm>>
    tpu.wait_indirect_dma semaphore(%arg8 : memref<!tpu.dma_semaphore, #tpu.memory_space<semaphore_mem>>) src(%dma_wait3A_540 : memref<1000000x32xf32, #tpu.memory_space<hbm>>) dst(%dma_wait3A_534 : memref<512x32xf32, #tpu.memory_space<vmem>>)
    %dma_start3A_541 = arith.constant 1 : i32
    %dma_start3A_542 = arith.constant 0 : i32
    %dma_start3A_543 = arith.constant 0 : i32
    %dma_start3A_544 = arith.constant 0 : i32
    %dma_start3A_545 = tpu.memref_slice %arg6[%dma_start3A_541, %dma_start3A_542, %dma_start3A_543, %dma_start3A_544] : memref<2x2x512x32xf32, #tpu.memory_space<vmem>> -> memref<1x2x512x32xf32, #tpu.memory_space<vmem>>
    %dma_start3A_546 = tpu.memref_squeeze %dma_start3A_545 : memref<1x2x512x32xf32, #tpu.memory_space<vmem>> -> memref<2x512x32xf32, #tpu.memory_space<vmem>>
    %dma_start3A_547 = arith.constant 10 : i32
    %dma_start3A_548 = arith.constant 0 : i32
    %dma_start3A_549 = tpu.memref_slice %arg4[%dma_start3A_547, %mul3A_2, %dma_start3A_548] : memref<50x16384x32xf32, #tpu.memory_space<hbm>> -> memref<2x512x32xf32, #tpu.memory_space<hbm>>
    %dma_start3A_550 = arith.constant 10 : i32
    %dma_start3A_551 = arith.constant 0 : i32
    %dma_start3A_552 = tpu.memref_slice %arg4[%dma_start3A_550, %mul3A_2, %dma_start3A_551] : memref<50x16384x32xf32, #tpu.memory_space<hbm>> -> memref<2x512x32xf32, #tpu.memory_space<hbm>>
    %dma_start3A_553 = arith.constant 0 : i32
    %dma_start3A_554 = arith.constant 0 : i32
    %dma_start3A_555 = arith.constant 0 : i32
    %dma_start3A_556 = tpu.memref_slice %arg6[%dma_start3A_541, %dma_start3A_553, %dma_start3A_554, %dma_start3A_555] : memref<2x2x512x32xf32, #tpu.memory_space<vmem>> -> memref<1x2x512x32xf32, #tpu.memory_space<vmem>>
    %dma_start3A_557 = tpu.memref_squeeze %dma_start3A_556 : memref<1x2x512x32xf32, #tpu.memory_space<vmem>> -> memref<2x512x32xf32, #tpu.memory_space<vmem>>
    tpu.enqueue_dma source(%dma_start3A_557 : memref<2x512x32xf32, #tpu.memory_space<vmem>>) target(%dma_start3A_552 : memref<2x512x32xf32, #tpu.memory_space<hbm>>) target_semaphore(%arg10 : memref<!tpu.dma_semaphore, #tpu.memory_space<semaphore_mem>>)
    %dma_wait3A_558 = arith.constant 1 : i32
    %dma_wait3A_559 = arith.constant 0 : i32
    %dma_wait3A_560 = arith.constant 0 : i32
    %dma_wait3A_561 = arith.constant 0 : i32
    %dma_wait3A_562 = tpu.memref_slice %arg6[%dma_wait3A_558, %dma_wait3A_559, %dma_wait3A_560, %dma_wait3A_561] : memref<2x2x512x32xf32, #tpu.memory_space<vmem>> -> memref<1x2x512x32xf32, #tpu.memory_space<vmem>>
    %dma_wait3A_563 = tpu.memref_squeeze %dma_wait3A_562 : memref<1x2x512x32xf32, #tpu.memory_space<vmem>> -> memref<2x512x32xf32, #tpu.memory_space<vmem>>
    %dma_wait3A_564 = arith.constant 10 : i32
    %dma_wait3A_565 = arith.constant 0 : i32
    %dma_wait3A_566 = tpu.memref_slice %arg4[%dma_wait3A_564, %mul3A_2, %dma_wait3A_565] : memref<50x16384x32xf32, #tpu.memory_space<hbm>> -> memref<2x512x32xf32, #tpu.memory_space<hbm>>
    %dma_wait3A_567 = arith.constant 10 : i32
    %dma_wait3A_568 = arith.constant 0 : i32
    %dma_wait3A_569 = tpu.memref_slice %arg4[%dma_wait3A_567, %mul3A_2, %dma_wait3A_568] : memref<50x16384x32xf32, #tpu.memory_space<hbm>> -> memref<2x512x32xf32, #tpu.memory_space<hbm>>
    %dma_wait3A_570 = arith.constant 0 : i32
    %dma_wait3A_571 = arith.constant 0 : i32
    %dma_wait3A_572 = arith.constant 0 : i32
    %dma_wait3A_573 = tpu.memref_slice %arg6[%dma_wait3A_558, %dma_wait3A_570, %dma_wait3A_571, %dma_wait3A_572] : memref<2x2x512x32xf32, #tpu.memory_space<vmem>> -> memref<1x2x512x32xf32, #tpu.memory_space<vmem>>
    %dma_wait3A_574 = tpu.memref_squeeze %dma_wait3A_573 : memref<1x2x512x32xf32, #tpu.memory_space<vmem>> -> memref<2x512x32xf32, #tpu.memory_space<vmem>>
    tpu.wait_dma2 semaphore(%arg10 : memref<!tpu.dma_semaphore, #tpu.memory_space<semaphore_mem>>) src(%dma_wait3A_574 : memref<2x512x32xf32, #tpu.memory_space<vmem>>) dst(%dma_wait3A_569 : memref<2x512x32xf32, #tpu.memory_space<hbm>>)
    %run_scoped3A_575 = arith.constant 1 : i32
    "tpu.region"() ({
      %run_scoped3A_2275 = tpu.sem_alloc : memref<!tpu.dma_semaphore, #tpu.memory_space<semaphore_mem>>
      %dma_start3A_2276 = arith.constant 0 : i32
      %dma_start3A_2277 = arith.constant 0 : i32
      %dma_start3A_2278 = tpu.memref_slice %arg5[%run_scoped3A_575, %dma_start3A_2276, %dma_start3A_2277] : memref<2x2x512xi32, #tpu.memory_space<vmem>> -> memref<1x2x512xi32, #tpu.memory_space<vmem>>
      %dma_start3A_2279 = tpu.memref_squeeze %dma_start3A_2278 : memref<1x2x512xi32, #tpu.memory_space<vmem>> -> memref<2x512xi32, #tpu.memory_space<vmem>>
      %dma_start3A_2280 = arith.constant 14 : i32
      %dma_start3A_2281 = tpu.memref_slice %arg2[%dma_start3A_2280, %mul3A_2] : memref<50x16384xi32, #tpu.memory_space<hbm>> -> memref<2x512xi32, #tpu.memory_space<hbm>>
      %dma_start3A_2282 = arith.constant 0 : i32
      %dma_start3A_2283 = arith.constant 0 : i32
      %dma_start3A_2284 = tpu.memref_slice %arg5[%run_scoped3A_575, %dma_start3A_2282, %dma_start3A_2283] : memref<2x2x512xi32, #tpu.memory_space<vmem>> -> memref<1x2x512xi32, #tpu.memory_space<vmem>>
      %dma_start3A_2285 = tpu.memref_squeeze %dma_start3A_2284 : memref<1x2x512xi32, #tpu.memory_space<vmem>> -> memref<2x512xi32, #tpu.memory_space<vmem>>
      %dma_start3A_2286 = arith.constant 14 : i32
      %dma_start3A_2287 = tpu.memref_slice %arg2[%dma_start3A_2286, %mul3A_2] : memref<50x16384xi32, #tpu.memory_space<hbm>> -> memref<2x512xi32, #tpu.memory_space<hbm>>
      tpu.enqueue_dma source(%dma_start3A_2287 : memref<2x512xi32, #tpu.memory_space<hbm>>) target(%dma_start3A_2285 : memref<2x512xi32, #tpu.memory_space<vmem>>) target_semaphore(%run_scoped3A_2275 : memref<!tpu.dma_semaphore, #tpu.memory_space<semaphore_mem>>)
      %dma_wait3A_2288 = arith.constant 0 : i32
      %dma_wait3A_2289 = arith.constant 0 : i32
      %dma_wait3A_2290 = tpu.memref_slice %arg5[%run_scoped3A_575, %dma_wait3A_2288, %dma_wait3A_2289] : memref<2x2x512xi32, #tpu.memory_space<vmem>> -> memref<1x2x512xi32, #tpu.memory_space<vmem>>
      %dma_wait3A_2291 = tpu.memref_squeeze %dma_wait3A_2290 : memref<1x2x512xi32, #tpu.memory_space<vmem>> -> memref<2x512xi32, #tpu.memory_space<vmem>>
      %dma_wait3A_2292 = arith.constant 14 : i32
      %dma_wait3A_2293 = tpu.memref_slice %arg2[%dma_wait3A_2292, %mul3A_2] : memref<50x16384xi32, #tpu.memory_space<hbm>> -> memref<2x512xi32, #tpu.memory_space<hbm>>
      %dma_wait3A_2294 = arith.constant 0 : i32
      %dma_wait3A_2295 = arith.constant 0 : i32
      %dma_wait3A_2296 = tpu.memref_slice %arg5[%run_scoped3A_575, %dma_wait3A_2294, %dma_wait3A_2295] : memref<2x2x512xi32, #tpu.memory_space<vmem>> -> memref<1x2x512xi32, #tpu.memory_space<vmem>>
      %dma_wait3A_2297 = tpu.memref_squeeze %dma_wait3A_2296 : memref<1x2x512xi32, #tpu.memory_space<vmem>> -> memref<2x512xi32, #tpu.memory_space<vmem>>
      %dma_wait3A_2298 = arith.constant 14 : i32
      %dma_wait3A_2299 = tpu.memref_slice %arg2[%dma_wait3A_2298, %mul3A_2] : memref<50x16384xi32, #tpu.memory_space<hbm>> -> memref<2x512xi32, #tpu.memory_space<hbm>>
      tpu.wait_dma2 semaphore(%run_scoped3A_2275 : memref<!tpu.dma_semaphore, #tpu.memory_space<semaphore_mem>>) src(%dma_wait3A_2299 : memref<2x512xi32, #tpu.memory_space<hbm>>) dst(%dma_wait3A_2297 : memref<2x512xi32, #tpu.memory_space<vmem>>)
      tpu.yield
    }) : () -> ()
    %dma_start3A_576 = arith.constant 1 : i32
    %dma_start3A_577 = arith.constant 0 : i32
    %dma_start3A_578 = arith.constant 1 : i32
    %dma_start3A_579 = arith.constant 0 : i32
    %dma_start3A_580 = arith.constant 0 : i32
    %dma_start3A_581 = arith.constant 0 : i32
    %dma_start3A_582 = tpu.memref_slice %arg6[%dma_start3A_578, %dma_start3A_579, %dma_start3A_580, %dma_start3A_581] : memref<2x2x512x32xf32, #tpu.memory_space<vmem>> -> memref<1x1x512x32xf32, #tpu.memory_space<vmem>>
    %dma_start3A_583 = tpu.memref_squeeze %dma_start3A_582 : memref<1x1x512x32xf32, #tpu.memory_space<vmem>> -> memref<512x32xf32, #tpu.memory_space<vmem>>
    %dma_start3A_584 = arith.constant 0 : i32
    %dma_start3A_585 = tpu.memref_slice %arg5[%dma_start3A_576, %dma_start3A_577, %dma_start3A_584] : memref<2x2x512xi32, #tpu.memory_space<vmem>> -> memref<1x1x512xi32, #tpu.memory_space<vmem>>
    %dma_start3A_586 = tpu.memref_squeeze %dma_start3A_585 : memref<1x1x512xi32, #tpu.memory_space<vmem>> -> memref<512xi32, #tpu.memory_space<vmem>>
    %dma_start3A_587 = arith.constant 0 : i32
    %dma_start3A_588 = arith.constant 0 : i32
    %dma_start3A_589 = tpu.memref_slice %arg3[%dma_start3A_587, %dma_start3A_588] : memref<1000000x32xf32, #tpu.memory_space<hbm>> -> memref<1000000x32xf32, #tpu.memory_space<hbm>>
    tpu.enqueue_indirect_dma source(%dma_start3A_589 : memref<1000000x32xf32, #tpu.memory_space<hbm>>) target(%dma_start3A_583 : memref<512x32xf32, #tpu.memory_space<vmem>>) offsets(%dma_start3A_586 : memref<512xi32, #tpu.memory_space<vmem>>) semaphore(%arg8 : memref<!tpu.dma_semaphore, #tpu.memory_space<semaphore_mem>>)
    %dma_start3A_590 = arith.constant 1 : i32
    %dma_start3A_591 = arith.constant 1 : i32
    %dma_start3A_592 = arith.constant 1 : i32
    %dma_start3A_593 = arith.constant 1 : i32
    %dma_start3A_594 = arith.constant 0 : i32
    %dma_start3A_595 = arith.constant 0 : i32
    %dma_start3A_596 = tpu.memref_slice %arg6[%dma_start3A_592, %dma_start3A_593, %dma_start3A_594, %dma_start3A_595] : memref<2x2x512x32xf32, #tpu.memory_space<vmem>> -> memref<1x1x512x32xf32, #tpu.memory_space<vmem>>
    %dma_start3A_597 = tpu.memref_squeeze %dma_start3A_596 : memref<1x1x512x32xf32, #tpu.memory_space<vmem>> -> memref<512x32xf32, #tpu.memory_space<vmem>>
    %dma_start3A_598 = arith.constant 0 : i32
    %dma_start3A_599 = tpu.memref_slice %arg5[%dma_start3A_590, %dma_start3A_591, %dma_start3A_598] : memref<2x2x512xi32, #tpu.memory_space<vmem>> -> memref<1x1x512xi32, #tpu.memory_space<vmem>>
    %dma_start3A_600 = tpu.memref_squeeze %dma_start3A_599 : memref<1x1x512xi32, #tpu.memory_space<vmem>> -> memref<512xi32, #tpu.memory_space<vmem>>
    %dma_start3A_601 = arith.constant 0 : i32
    %dma_start3A_602 = arith.constant 0 : i32
    %dma_start3A_603 = tpu.memref_slice %arg3[%dma_start3A_601, %dma_start3A_602] : memref<1000000x32xf32, #tpu.memory_space<hbm>> -> memref<1000000x32xf32, #tpu.memory_space<hbm>>
    tpu.enqueue_indirect_dma source(%dma_start3A_603 : memref<1000000x32xf32, #tpu.memory_space<hbm>>) target(%dma_start3A_597 : memref<512x32xf32, #tpu.memory_space<vmem>>) offsets(%dma_start3A_600 : memref<512xi32, #tpu.memory_space<vmem>>) semaphore(%arg8 : memref<!tpu.dma_semaphore, #tpu.memory_space<semaphore_mem>>)
    %dma_wait3A_604 = arith.constant 0 : i32
    %dma_wait3A_605 = arith.constant 0 : i32
    %dma_wait3A_606 = arith.constant 0 : i32
    %dma_wait3A_607 = arith.constant 0 : i32
    %dma_wait3A_608 = arith.constant 0 : i32
    %dma_wait3A_609 = arith.constant 0 : i32
    %dma_wait3A_610 = tpu.memref_slice %arg6[%dma_wait3A_606, %dma_wait3A_607, %dma_wait3A_608, %dma_wait3A_609] : memref<2x2x512x32xf32, #tpu.memory_space<vmem>> -> memref<1x1x512x32xf32, #tpu.memory_space<vmem>>
    %dma_wait3A_611 = tpu.memref_squeeze %dma_wait3A_610 : memref<1x1x512x32xf32, #tpu.memory_space<vmem>> -> memref<512x32xf32, #tpu.memory_space<vmem>>
    %dma_wait3A_612 = arith.constant 0 : i32
    %dma_wait3A_613 = tpu.memref_slice %arg5[%dma_wait3A_604, %dma_wait3A_605, %dma_wait3A_612] : memref<2x2x512xi32, #tpu.memory_space<vmem>> -> memref<1x1x512xi32, #tpu.memory_space<vmem>>
    %dma_wait3A_614 = tpu.memref_squeeze %dma_wait3A_613 : memref<1x1x512xi32, #tpu.memory_space<vmem>> -> memref<512xi32, #tpu.memory_space<vmem>>
    %dma_wait3A_615 = arith.constant 0 : i32
    %dma_wait3A_616 = arith.constant 0 : i32
    %dma_wait3A_617 = tpu.memref_slice %arg3[%dma_wait3A_615, %dma_wait3A_616] : memref<1000000x32xf32, #tpu.memory_space<hbm>> -> memref<1000000x32xf32, #tpu.memory_space<hbm>>
    tpu.wait_indirect_dma semaphore(%arg7 : memref<!tpu.dma_semaphore, #tpu.memory_space<semaphore_mem>>) src(%dma_wait3A_617 : memref<1000000x32xf32, #tpu.memory_space<hbm>>) dst(%dma_wait3A_611 : memref<512x32xf32, #tpu.memory_space<vmem>>)
    %dma_wait3A_618 = arith.constant 0 : i32
    %dma_wait3A_619 = arith.constant 1 : i32
    %dma_wait3A_620 = arith.constant 0 : i32
    %dma_wait3A_621 = arith.constant 1 : i32
    %dma_wait3A_622 = arith.constant 0 : i32
    %dma_wait3A_623 = arith.constant 0 : i32
    %dma_wait3A_624 = tpu.memref_slice %arg6[%dma_wait3A_620, %dma_wait3A_621, %dma_wait3A_622, %dma_wait3A_623] : memref<2x2x512x32xf32, #tpu.memory_space<vmem>> -> memref<1x1x512x32xf32, #tpu.memory_space<vmem>>
    %dma_wait3A_625 = tpu.memref_squeeze %dma_wait3A_624 : memref<1x1x512x32xf32, #tpu.memory_space<vmem>> -> memref<512x32xf32, #tpu.memory_space<vmem>>
    %dma_wait3A_626 = arith.constant 0 : i32
    %dma_wait3A_627 = tpu.memref_slice %arg5[%dma_wait3A_618, %dma_wait3A_619, %dma_wait3A_626] : memref<2x2x512xi32, #tpu.memory_space<vmem>> -> memref<1x1x512xi32, #tpu.memory_space<vmem>>
    %dma_wait3A_628 = tpu.memref_squeeze %dma_wait3A_627 : memref<1x1x512xi32, #tpu.memory_space<vmem>> -> memref<512xi32, #tpu.memory_space<vmem>>
    %dma_wait3A_629 = arith.constant 0 : i32
    %dma_wait3A_630 = arith.constant 0 : i32
    %dma_wait3A_631 = tpu.memref_slice %arg3[%dma_wait3A_629, %dma_wait3A_630] : memref<1000000x32xf32, #tpu.memory_space<hbm>> -> memref<1000000x32xf32, #tpu.memory_space<hbm>>
    tpu.wait_indirect_dma semaphore(%arg7 : memref<!tpu.dma_semaphore, #tpu.memory_space<semaphore_mem>>) src(%dma_wait3A_631 : memref<1000000x32xf32, #tpu.memory_space<hbm>>) dst(%dma_wait3A_625 : memref<512x32xf32, #tpu.memory_space<vmem>>)
    %dma_start3A_632 = arith.constant 0 : i32
    %dma_start3A_633 = arith.constant 0 : i32
    %dma_start3A_634 = arith.constant 0 : i32
    %dma_start3A_635 = arith.constant 0 : i32
    %dma_start3A_636 = tpu.memref_slice %arg6[%dma_start3A_632, %dma_start3A_633, %dma_start3A_634, %dma_start3A_635] : memref<2x2x512x32xf32, #tpu.memory_space<vmem>> -> memref<1x2x512x32xf32, #tpu.memory_space<vmem>>
    %dma_start3A_637 = tpu.memref_squeeze %dma_start3A_636 : memref<1x2x512x32xf32, #tpu.memory_space<vmem>> -> memref<2x512x32xf32, #tpu.memory_space<vmem>>
    %dma_start3A_638 = arith.constant 12 : i32
    %dma_start3A_639 = arith.constant 0 : i32
    %dma_start3A_640 = tpu.memref_slice %arg4[%dma_start3A_638, %mul3A_2, %dma_start3A_639] : memref<50x16384x32xf32, #tpu.memory_space<hbm>> -> memref<2x512x32xf32, #tpu.memory_space<hbm>>
    %dma_start3A_641 = arith.constant 12 : i32
    %dma_start3A_642 = arith.constant 0 : i32
    %dma_start3A_643 = tpu.memref_slice %arg4[%dma_start3A_641, %mul3A_2, %dma_start3A_642] : memref<50x16384x32xf32, #tpu.memory_space<hbm>> -> memref<2x512x32xf32, #tpu.memory_space<hbm>>
    %dma_start3A_644 = arith.constant 0 : i32
    %dma_start3A_645 = arith.constant 0 : i32
    %dma_start3A_646 = arith.constant 0 : i32
    %dma_start3A_647 = tpu.memref_slice %arg6[%dma_start3A_632, %dma_start3A_644, %dma_start3A_645, %dma_start3A_646] : memref<2x2x512x32xf32, #tpu.memory_space<vmem>> -> memref<1x2x512x32xf32, #tpu.memory_space<vmem>>
    %dma_start3A_648 = tpu.memref_squeeze %dma_start3A_647 : memref<1x2x512x32xf32, #tpu.memory_space<vmem>> -> memref<2x512x32xf32, #tpu.memory_space<vmem>>
    tpu.enqueue_dma source(%dma_start3A_648 : memref<2x512x32xf32, #tpu.memory_space<vmem>>) target(%dma_start3A_643 : memref<2x512x32xf32, #tpu.memory_space<hbm>>) target_semaphore(%arg9 : memref<!tpu.dma_semaphore, #tpu.memory_space<semaphore_mem>>)
    %dma_wait3A_649 = arith.constant 0 : i32
    %dma_wait3A_650 = arith.constant 0 : i32
    %dma_wait3A_651 = arith.constant 0 : i32
    %dma_wait3A_652 = arith.constant 0 : i32
    %dma_wait3A_653 = tpu.memref_slice %arg6[%dma_wait3A_649, %dma_wait3A_650, %dma_wait3A_651, %dma_wait3A_652] : memref<2x2x512x32xf32, #tpu.memory_space<vmem>> -> memref<1x2x512x32xf32, #tpu.memory_space<vmem>>
    %dma_wait3A_654 = tpu.memref_squeeze %dma_wait3A_653 : memref<1x2x512x32xf32, #tpu.memory_space<vmem>> -> memref<2x512x32xf32, #tpu.memory_space<vmem>>
    %dma_wait3A_655 = arith.constant 12 : i32
    %dma_wait3A_656 = arith.constant 0 : i32
    %dma_wait3A_657 = tpu.memref_slice %arg4[%dma_wait3A_655, %mul3A_2, %dma_wait3A_656] : memref<50x16384x32xf32, #tpu.memory_space<hbm>> -> memref<2x512x32xf32, #tpu.memory_space<hbm>>
    %dma_wait3A_658 = arith.constant 12 : i32
    %dma_wait3A_659 = arith.constant 0 : i32
    %dma_wait3A_660 = tpu.memref_slice %arg4[%dma_wait3A_658, %mul3A_2, %dma_wait3A_659] : memref<50x16384x32xf32, #tpu.memory_space<hbm>> -> memref<2x512x32xf32, #tpu.memory_space<hbm>>
    %dma_wait3A_661 = arith.constant 0 : i32
    %dma_wait3A_662 = arith.constant 0 : i32
    %dma_wait3A_663 = arith.constant 0 : i32
    %dma_wait3A_664 = tpu.memref_slice %arg6[%dma_wait3A_649, %dma_wait3A_661, %dma_wait3A_662, %dma_wait3A_663] : memref<2x2x512x32xf32, #tpu.memory_space<vmem>> -> memref<1x2x512x32xf32, #tpu.memory_space<vmem>>
    %dma_wait3A_665 = tpu.memref_squeeze %dma_wait3A_664 : memref<1x2x512x32xf32, #tpu.memory_space<vmem>> -> memref<2x512x32xf32, #tpu.memory_space<vmem>>
    tpu.wait_dma2 semaphore(%arg9 : memref<!tpu.dma_semaphore, #tpu.memory_space<semaphore_mem>>) src(%dma_wait3A_665 : memref<2x512x32xf32, #tpu.memory_space<vmem>>) dst(%dma_wait3A_660 : memref<2x512x32xf32, #tpu.memory_space<hbm>>)
    %run_scoped3A_666 = arith.constant 0 : i32
    "tpu.region"() ({
      %run_scoped3A_2275 = tpu.sem_alloc : memref<!tpu.dma_semaphore, #tpu.memory_space<semaphore_mem>>
      %dma_start3A_2276 = arith.constant 0 : i32
      %dma_start3A_2277 = arith.constant 0 : i32
      %dma_start3A_2278 = tpu.memref_slice %arg5[%run_scoped3A_666, %dma_start3A_2276, %dma_start3A_2277] : memref<2x2x512xi32, #tpu.memory_space<vmem>> -> memref<1x2x512xi32, #tpu.memory_space<vmem>>
      %dma_start3A_2279 = tpu.memref_squeeze %dma_start3A_2278 : memref<1x2x512xi32, #tpu.memory_space<vmem>> -> memref<2x512xi32, #tpu.memory_space<vmem>>
      %dma_start3A_2280 = arith.constant 16 : i32
      %dma_start3A_2281 = tpu.memref_slice %arg2[%dma_start3A_2280, %mul3A_2] : memref<50x16384xi32, #tpu.memory_space<hbm>> -> memref<2x512xi32, #tpu.memory_space<hbm>>
      %dma_start3A_2282 = arith.constant 0 : i32
      %dma_start3A_2283 = arith.constant 0 : i32
      %dma_start3A_2284 = tpu.memref_slice %arg5[%run_scoped3A_666, %dma_start3A_2282, %dma_start3A_2283] : memref<2x2x512xi32, #tpu.memory_space<vmem>> -> memref<1x2x512xi32, #tpu.memory_space<vmem>>
      %dma_start3A_2285 = tpu.memref_squeeze %dma_start3A_2284 : memref<1x2x512xi32, #tpu.memory_space<vmem>> -> memref<2x512xi32, #tpu.memory_space<vmem>>
      %dma_start3A_2286 = arith.constant 16 : i32
      %dma_start3A_2287 = tpu.memref_slice %arg2[%dma_start3A_2286, %mul3A_2] : memref<50x16384xi32, #tpu.memory_space<hbm>> -> memref<2x512xi32, #tpu.memory_space<hbm>>
      tpu.enqueue_dma source(%dma_start3A_2287 : memref<2x512xi32, #tpu.memory_space<hbm>>) target(%dma_start3A_2285 : memref<2x512xi32, #tpu.memory_space<vmem>>) target_semaphore(%run_scoped3A_2275 : memref<!tpu.dma_semaphore, #tpu.memory_space<semaphore_mem>>)
      %dma_wait3A_2288 = arith.constant 0 : i32
      %dma_wait3A_2289 = arith.constant 0 : i32
      %dma_wait3A_2290 = tpu.memref_slice %arg5[%run_scoped3A_666, %dma_wait3A_2288, %dma_wait3A_2289] : memref<2x2x512xi32, #tpu.memory_space<vmem>> -> memref<1x2x512xi32, #tpu.memory_space<vmem>>
      %dma_wait3A_2291 = tpu.memref_squeeze %dma_wait3A_2290 : memref<1x2x512xi32, #tpu.memory_space<vmem>> -> memref<2x512xi32, #tpu.memory_space<vmem>>
      %dma_wait3A_2292 = arith.constant 16 : i32
      %dma_wait3A_2293 = tpu.memref_slice %arg2[%dma_wait3A_2292, %mul3A_2] : memref<50x16384xi32, #tpu.memory_space<hbm>> -> memref<2x512xi32, #tpu.memory_space<hbm>>
      %dma_wait3A_2294 = arith.constant 0 : i32
      %dma_wait3A_2295 = arith.constant 0 : i32
      %dma_wait3A_2296 = tpu.memref_slice %arg5[%run_scoped3A_666, %dma_wait3A_2294, %dma_wait3A_2295] : memref<2x2x512xi32, #tpu.memory_space<vmem>> -> memref<1x2x512xi32, #tpu.memory_space<vmem>>
      %dma_wait3A_2297 = tpu.memref_squeeze %dma_wait3A_2296 : memref<1x2x512xi32, #tpu.memory_space<vmem>> -> memref<2x512xi32, #tpu.memory_space<vmem>>
      %dma_wait3A_2298 = arith.constant 16 : i32
      %dma_wait3A_2299 = tpu.memref_slice %arg2[%dma_wait3A_2298, %mul3A_2] : memref<50x16384xi32, #tpu.memory_space<hbm>> -> memref<2x512xi32, #tpu.memory_space<hbm>>
      tpu.wait_dma2 semaphore(%run_scoped3A_2275 : memref<!tpu.dma_semaphore, #tpu.memory_space<semaphore_mem>>) src(%dma_wait3A_2299 : memref<2x512xi32, #tpu.memory_space<hbm>>) dst(%dma_wait3A_2297 : memref<2x512xi32, #tpu.memory_space<vmem>>)
      tpu.yield
    }) : () -> ()
    %dma_start3A_667 = arith.constant 0 : i32
    %dma_start3A_668 = arith.constant 0 : i32
    %dma_start3A_669 = arith.constant 0 : i32
    %dma_start3A_670 = arith.constant 0 : i32
    %dma_start3A_671 = arith.constant 0 : i32
    %dma_start3A_672 = arith.constant 0 : i32
    %dma_start3A_673 = tpu.memref_slice %arg6[%dma_start3A_669, %dma_start3A_670, %dma_start3A_671, %dma_start3A_672] : memref<2x2x512x32xf32, #tpu.memory_space<vmem>> -> memref<1x1x512x32xf32, #tpu.memory_space<vmem>>
    %dma_start3A_674 = tpu.memref_squeeze %dma_start3A_673 : memref<1x1x512x32xf32, #tpu.memory_space<vmem>> -> memref<512x32xf32, #tpu.memory_space<vmem>>
    %dma_start3A_675 = arith.constant 0 : i32
    %dma_start3A_676 = tpu.memref_slice %arg5[%dma_start3A_667, %dma_start3A_668, %dma_start3A_675] : memref<2x2x512xi32, #tpu.memory_space<vmem>> -> memref<1x1x512xi32, #tpu.memory_space<vmem>>
    %dma_start3A_677 = tpu.memref_squeeze %dma_start3A_676 : memref<1x1x512xi32, #tpu.memory_space<vmem>> -> memref<512xi32, #tpu.memory_space<vmem>>
    %dma_start3A_678 = arith.constant 0 : i32
    %dma_start3A_679 = arith.constant 0 : i32
    %dma_start3A_680 = tpu.memref_slice %arg3[%dma_start3A_678, %dma_start3A_679] : memref<1000000x32xf32, #tpu.memory_space<hbm>> -> memref<1000000x32xf32, #tpu.memory_space<hbm>>
    tpu.enqueue_indirect_dma source(%dma_start3A_680 : memref<1000000x32xf32, #tpu.memory_space<hbm>>) target(%dma_start3A_674 : memref<512x32xf32, #tpu.memory_space<vmem>>) offsets(%dma_start3A_677 : memref<512xi32, #tpu.memory_space<vmem>>) semaphore(%arg7 : memref<!tpu.dma_semaphore, #tpu.memory_space<semaphore_mem>>)
    %dma_start3A_681 = arith.constant 0 : i32
    %dma_start3A_682 = arith.constant 1 : i32
    %dma_start3A_683 = arith.constant 0 : i32
    %dma_start3A_684 = arith.constant 1 : i32
    %dma_start3A_685 = arith.constant 0 : i32
    %dma_start3A_686 = arith.constant 0 : i32
    %dma_start3A_687 = tpu.memref_slice %arg6[%dma_start3A_683, %dma_start3A_684, %dma_start3A_685, %dma_start3A_686] : memref<2x2x512x32xf32, #tpu.memory_space<vmem>> -> memref<1x1x512x32xf32, #tpu.memory_space<vmem>>
    %dma_start3A_688 = tpu.memref_squeeze %dma_start3A_687 : memref<1x1x512x32xf32, #tpu.memory_space<vmem>> -> memref<512x32xf32, #tpu.memory_space<vmem>>
    %dma_start3A_689 = arith.constant 0 : i32
    %dma_start3A_690 = tpu.memref_slice %arg5[%dma_start3A_681, %dma_start3A_682, %dma_start3A_689] : memref<2x2x512xi32, #tpu.memory_space<vmem>> -> memref<1x1x512xi32, #tpu.memory_space<vmem>>
    %dma_start3A_691 = tpu.memref_squeeze %dma_start3A_690 : memref<1x1x512xi32, #tpu.memory_space<vmem>> -> memref<512xi32, #tpu.memory_space<vmem>>
    %dma_start3A_692 = arith.constant 0 : i32
    %dma_start3A_693 = arith.constant 0 : i32
    %dma_start3A_694 = tpu.memref_slice %arg3[%dma_start3A_692, %dma_start3A_693] : memref<1000000x32xf32, #tpu.memory_space<hbm>> -> memref<1000000x32xf32, #tpu.memory_space<hbm>>
    tpu.enqueue_indirect_dma source(%dma_start3A_694 : memref<1000000x32xf32, #tpu.memory_space<hbm>>) target(%dma_start3A_688 : memref<512x32xf32, #tpu.memory_space<vmem>>) offsets(%dma_start3A_691 : memref<512xi32, #tpu.memory_space<vmem>>) semaphore(%arg7 : memref<!tpu.dma_semaphore, #tpu.memory_space<semaphore_mem>>)
    %dma_wait3A_695 = arith.constant 1 : i32
    %dma_wait3A_696 = arith.constant 0 : i32
    %dma_wait3A_697 = arith.constant 1 : i32
    %dma_wait3A_698 = arith.constant 0 : i32
    %dma_wait3A_699 = arith.constant 0 : i32
    %dma_wait3A_700 = arith.constant 0 : i32
    %dma_wait3A_701 = tpu.memref_slice %arg6[%dma_wait3A_697, %dma_wait3A_698, %dma_wait3A_699, %dma_wait3A_700] : memref<2x2x512x32xf32, #tpu.memory_space<vmem>> -> memref<1x1x512x32xf32, #tpu.memory_space<vmem>>
    %dma_wait3A_702 = tpu.memref_squeeze %dma_wait3A_701 : memref<1x1x512x32xf32, #tpu.memory_space<vmem>> -> memref<512x32xf32, #tpu.memory_space<vmem>>
    %dma_wait3A_703 = arith.constant 0 : i32
    %dma_wait3A_704 = tpu.memref_slice %arg5[%dma_wait3A_695, %dma_wait3A_696, %dma_wait3A_703] : memref<2x2x512xi32, #tpu.memory_space<vmem>> -> memref<1x1x512xi32, #tpu.memory_space<vmem>>
    %dma_wait3A_705 = tpu.memref_squeeze %dma_wait3A_704 : memref<1x1x512xi32, #tpu.memory_space<vmem>> -> memref<512xi32, #tpu.memory_space<vmem>>
    %dma_wait3A_706 = arith.constant 0 : i32
    %dma_wait3A_707 = arith.constant 0 : i32
    %dma_wait3A_708 = tpu.memref_slice %arg3[%dma_wait3A_706, %dma_wait3A_707] : memref<1000000x32xf32, #tpu.memory_space<hbm>> -> memref<1000000x32xf32, #tpu.memory_space<hbm>>
    tpu.wait_indirect_dma semaphore(%arg8 : memref<!tpu.dma_semaphore, #tpu.memory_space<semaphore_mem>>) src(%dma_wait3A_708 : memref<1000000x32xf32, #tpu.memory_space<hbm>>) dst(%dma_wait3A_702 : memref<512x32xf32, #tpu.memory_space<vmem>>)
    %dma_wait3A_709 = arith.constant 1 : i32
    %dma_wait3A_710 = arith.constant 1 : i32
    %dma_wait3A_711 = arith.constant 1 : i32
    %dma_wait3A_712 = arith.constant 1 : i32
    %dma_wait3A_713 = arith.constant 0 : i32
    %dma_wait3A_714 = arith.constant 0 : i32
    %dma_wait3A_715 = tpu.memref_slice %arg6[%dma_wait3A_711, %dma_wait3A_712, %dma_wait3A_713, %dma_wait3A_714] : memref<2x2x512x32xf32, #tpu.memory_space<vmem>> -> memref<1x1x512x32xf32, #tpu.memory_space<vmem>>
    %dma_wait3A_716 = tpu.memref_squeeze %dma_wait3A_715 : memref<1x1x512x32xf32, #tpu.memory_space<vmem>> -> memref<512x32xf32, #tpu.memory_space<vmem>>
    %dma_wait3A_717 = arith.constant 0 : i32
    %dma_wait3A_718 = tpu.memref_slice %arg5[%dma_wait3A_709, %dma_wait3A_710, %dma_wait3A_717] : memref<2x2x512xi32, #tpu.memory_space<vmem>> -> memref<1x1x512xi32, #tpu.memory_space<vmem>>
    %dma_wait3A_719 = tpu.memref_squeeze %dma_wait3A_718 : memref<1x1x512xi32, #tpu.memory_space<vmem>> -> memref<512xi32, #tpu.memory_space<vmem>>
    %dma_wait3A_720 = arith.constant 0 : i32
    %dma_wait3A_721 = arith.constant 0 : i32
    %dma_wait3A_722 = tpu.memref_slice %arg3[%dma_wait3A_720, %dma_wait3A_721] : memref<1000000x32xf32, #tpu.memory_space<hbm>> -> memref<1000000x32xf32, #tpu.memory_space<hbm>>
    tpu.wait_indirect_dma semaphore(%arg8 : memref<!tpu.dma_semaphore, #tpu.memory_space<semaphore_mem>>) src(%dma_wait3A_722 : memref<1000000x32xf32, #tpu.memory_space<hbm>>) dst(%dma_wait3A_716 : memref<512x32xf32, #tpu.memory_space<vmem>>)
    %dma_start3A_723 = arith.constant 1 : i32
    %dma_start3A_724 = arith.constant 0 : i32
    %dma_start3A_725 = arith.constant 0 : i32
    %dma_start3A_726 = arith.constant 0 : i32
    %dma_start3A_727 = tpu.memref_slice %arg6[%dma_start3A_723, %dma_start3A_724, %dma_start3A_725, %dma_start3A_726] : memref<2x2x512x32xf32, #tpu.memory_space<vmem>> -> memref<1x2x512x32xf32, #tpu.memory_space<vmem>>
    %dma_start3A_728 = tpu.memref_squeeze %dma_start3A_727 : memref<1x2x512x32xf32, #tpu.memory_space<vmem>> -> memref<2x512x32xf32, #tpu.memory_space<vmem>>
    %dma_start3A_729 = arith.constant 14 : i32
    %dma_start3A_730 = arith.constant 0 : i32
    %dma_start3A_731 = tpu.memref_slice %arg4[%dma_start3A_729, %mul3A_2, %dma_start3A_730] : memref<50x16384x32xf32, #tpu.memory_space<hbm>> -> memref<2x512x32xf32, #tpu.memory_space<hbm>>
    %dma_start3A_732 = arith.constant 14 : i32
    %dma_start3A_733 = arith.constant 0 : i32
    %dma_start3A_734 = tpu.memref_slice %arg4[%dma_start3A_732, %mul3A_2, %dma_start3A_733] : memref<50x16384x32xf32, #tpu.memory_space<hbm>> -> memref<2x512x32xf32, #tpu.memory_space<hbm>>
    %dma_start3A_735 = arith.constant 0 : i32
    %dma_start3A_736 = arith.constant 0 : i32
    %dma_start3A_737 = arith.constant 0 : i32
    %dma_start3A_738 = tpu.memref_slice %arg6[%dma_start3A_723, %dma_start3A_735, %dma_start3A_736, %dma_start3A_737] : memref<2x2x512x32xf32, #tpu.memory_space<vmem>> -> memref<1x2x512x32xf32, #tpu.memory_space<vmem>>
    %dma_start3A_739 = tpu.memref_squeeze %dma_start3A_738 : memref<1x2x512x32xf32, #tpu.memory_space<vmem>> -> memref<2x512x32xf32, #tpu.memory_space<vmem>>
    tpu.enqueue_dma source(%dma_start3A_739 : memref<2x512x32xf32, #tpu.memory_space<vmem>>) target(%dma_start3A_734 : memref<2x512x32xf32, #tpu.memory_space<hbm>>) target_semaphore(%arg10 : memref<!tpu.dma_semaphore, #tpu.memory_space<semaphore_mem>>)
    %dma_wait3A_740 = arith.constant 1 : i32
    %dma_wait3A_741 = arith.constant 0 : i32
    %dma_wait3A_742 = arith.constant 0 : i32
    %dma_wait3A_743 = arith.constant 0 : i32
    %dma_wait3A_744 = tpu.memref_slice %arg6[%dma_wait3A_740, %dma_wait3A_741, %dma_wait3A_742, %dma_wait3A_743] : memref<2x2x512x32xf32, #tpu.memory_space<vmem>> -> memref<1x2x512x32xf32, #tpu.memory_space<vmem>>
    %dma_wait3A_745 = tpu.memref_squeeze %dma_wait3A_744 : memref<1x2x512x32xf32, #tpu.memory_space<vmem>> -> memref<2x512x32xf32, #tpu.memory_space<vmem>>
    %dma_wait3A_746 = arith.constant 14 : i32
    %dma_wait3A_747 = arith.constant 0 : i32
    %dma_wait3A_748 = tpu.memref_slice %arg4[%dma_wait3A_746, %mul3A_2, %dma_wait3A_747] : memref<50x16384x32xf32, #tpu.memory_space<hbm>> -> memref<2x512x32xf32, #tpu.memory_space<hbm>>
    %dma_wait3A_749 = arith.constant 14 : i32
    %dma_wait3A_750 = arith.constant 0 : i32
    %dma_wait3A_751 = tpu.memref_slice %arg4[%dma_wait3A_749, %mul3A_2, %dma_wait3A_750] : memref<50x16384x32xf32, #tpu.memory_space<hbm>> -> memref<2x512x32xf32, #tpu.memory_space<hbm>>
    %dma_wait3A_752 = arith.constant 0 : i32
    %dma_wait3A_753 = arith.constant 0 : i32
    %dma_wait3A_754 = arith.constant 0 : i32
    %dma_wait3A_755 = tpu.memref_slice %arg6[%dma_wait3A_740, %dma_wait3A_752, %dma_wait3A_753, %dma_wait3A_754] : memref<2x2x512x32xf32, #tpu.memory_space<vmem>> -> memref<1x2x512x32xf32, #tpu.memory_space<vmem>>
    %dma_wait3A_756 = tpu.memref_squeeze %dma_wait3A_755 : memref<1x2x512x32xf32, #tpu.memory_space<vmem>> -> memref<2x512x32xf32, #tpu.memory_space<vmem>>
    tpu.wait_dma2 semaphore(%arg10 : memref<!tpu.dma_semaphore, #tpu.memory_space<semaphore_mem>>) src(%dma_wait3A_756 : memref<2x512x32xf32, #tpu.memory_space<vmem>>) dst(%dma_wait3A_751 : memref<2x512x32xf32, #tpu.memory_space<hbm>>)
    %run_scoped3A_757 = arith.constant 1 : i32
    "tpu.region"() ({
      %run_scoped3A_2275 = tpu.sem_alloc : memref<!tpu.dma_semaphore, #tpu.memory_space<semaphore_mem>>
      %dma_start3A_2276 = arith.constant 0 : i32
      %dma_start3A_2277 = arith.constant 0 : i32
      %dma_start3A_2278 = tpu.memref_slice %arg5[%run_scoped3A_757, %dma_start3A_2276, %dma_start3A_2277] : memref<2x2x512xi32, #tpu.memory_space<vmem>> -> memref<1x2x512xi32, #tpu.memory_space<vmem>>
      %dma_start3A_2279 = tpu.memref_squeeze %dma_start3A_2278 : memref<1x2x512xi32, #tpu.memory_space<vmem>> -> memref<2x512xi32, #tpu.memory_space<vmem>>
      %dma_start3A_2280 = arith.constant 18 : i32
      %dma_start3A_2281 = tpu.memref_slice %arg2[%dma_start3A_2280, %mul3A_2] : memref<50x16384xi32, #tpu.memory_space<hbm>> -> memref<2x512xi32, #tpu.memory_space<hbm>>
      %dma_start3A_2282 = arith.constant 0 : i32
      %dma_start3A_2283 = arith.constant 0 : i32
      %dma_start3A_2284 = tpu.memref_slice %arg5[%run_scoped3A_757, %dma_start3A_2282, %dma_start3A_2283] : memref<2x2x512xi32, #tpu.memory_space<vmem>> -> memref<1x2x512xi32, #tpu.memory_space<vmem>>
      %dma_start3A_2285 = tpu.memref_squeeze %dma_start3A_2284 : memref<1x2x512xi32, #tpu.memory_space<vmem>> -> memref<2x512xi32, #tpu.memory_space<vmem>>
      %dma_start3A_2286 = arith.constant 18 : i32
      %dma_start3A_2287 = tpu.memref_slice %arg2[%dma_start3A_2286, %mul3A_2] : memref<50x16384xi32, #tpu.memory_space<hbm>> -> memref<2x512xi32, #tpu.memory_space<hbm>>
      tpu.enqueue_dma source(%dma_start3A_2287 : memref<2x512xi32, #tpu.memory_space<hbm>>) target(%dma_start3A_2285 : memref<2x512xi32, #tpu.memory_space<vmem>>) target_semaphore(%run_scoped3A_2275 : memref<!tpu.dma_semaphore, #tpu.memory_space<semaphore_mem>>)
      %dma_wait3A_2288 = arith.constant 0 : i32
      %dma_wait3A_2289 = arith.constant 0 : i32
      %dma_wait3A_2290 = tpu.memref_slice %arg5[%run_scoped3A_757, %dma_wait3A_2288, %dma_wait3A_2289] : memref<2x2x512xi32, #tpu.memory_space<vmem>> -> memref<1x2x512xi32, #tpu.memory_space<vmem>>
      %dma_wait3A_2291 = tpu.memref_squeeze %dma_wait3A_2290 : memref<1x2x512xi32, #tpu.memory_space<vmem>> -> memref<2x512xi32, #tpu.memory_space<vmem>>
      %dma_wait3A_2292 = arith.constant 18 : i32
      %dma_wait3A_2293 = tpu.memref_slice %arg2[%dma_wait3A_2292, %mul3A_2] : memref<50x16384xi32, #tpu.memory_space<hbm>> -> memref<2x512xi32, #tpu.memory_space<hbm>>
      %dma_wait3A_2294 = arith.constant 0 : i32
      %dma_wait3A_2295 = arith.constant 0 : i32
      %dma_wait3A_2296 = tpu.memref_slice %arg5[%run_scoped3A_757, %dma_wait3A_2294, %dma_wait3A_2295] : memref<2x2x512xi32, #tpu.memory_space<vmem>> -> memref<1x2x512xi32, #tpu.memory_space<vmem>>
      %dma_wait3A_2297 = tpu.memref_squeeze %dma_wait3A_2296 : memref<1x2x512xi32, #tpu.memory_space<vmem>> -> memref<2x512xi32, #tpu.memory_space<vmem>>
      %dma_wait3A_2298 = arith.constant 18 : i32
      %dma_wait3A_2299 = tpu.memref_slice %arg2[%dma_wait3A_2298, %mul3A_2] : memref<50x16384xi32, #tpu.memory_space<hbm>> -> memref<2x512xi32, #tpu.memory_space<hbm>>
      tpu.wait_dma2 semaphore(%run_scoped3A_2275 : memref<!tpu.dma_semaphore, #tpu.memory_space<semaphore_mem>>) src(%dma_wait3A_2299 : memref<2x512xi32, #tpu.memory_space<hbm>>) dst(%dma_wait3A_2297 : memref<2x512xi32, #tpu.memory_space<vmem>>)
      tpu.yield
    }) : () -> ()
    %dma_start3A_758 = arith.constant 1 : i32
    %dma_start3A_759 = arith.constant 0 : i32
    %dma_start3A_760 = arith.constant 1 : i32
    %dma_start3A_761 = arith.constant 0 : i32
    %dma_start3A_762 = arith.constant 0 : i32
    %dma_start3A_763 = arith.constant 0 : i32
    %dma_start3A_764 = tpu.memref_slice %arg6[%dma_start3A_760, %dma_start3A_761, %dma_start3A_762, %dma_start3A_763] : memref<2x2x512x32xf32, #tpu.memory_space<vmem>> -> memref<1x1x512x32xf32, #tpu.memory_space<vmem>>
    %dma_start3A_765 = tpu.memref_squeeze %dma_start3A_764 : memref<1x1x512x32xf32, #tpu.memory_space<vmem>> -> memref<512x32xf32, #tpu.memory_space<vmem>>
    %dma_start3A_766 = arith.constant 0 : i32
    %dma_start3A_767 = tpu.memref_slice %arg5[%dma_start3A_758, %dma_start3A_759, %dma_start3A_766] : memref<2x2x512xi32, #tpu.memory_space<vmem>> -> memref<1x1x512xi32, #tpu.memory_space<vmem>>
    %dma_start3A_768 = tpu.memref_squeeze %dma_start3A_767 : memref<1x1x512xi32, #tpu.memory_space<vmem>> -> memref<512xi32, #tpu.memory_space<vmem>>
    %dma_start3A_769 = arith.constant 0 : i32
    %dma_start3A_770 = arith.constant 0 : i32
    %dma_start3A_771 = tpu.memref_slice %arg3[%dma_start3A_769, %dma_start3A_770] : memref<1000000x32xf32, #tpu.memory_space<hbm>> -> memref<1000000x32xf32, #tpu.memory_space<hbm>>
    tpu.enqueue_indirect_dma source(%dma_start3A_771 : memref<1000000x32xf32, #tpu.memory_space<hbm>>) target(%dma_start3A_765 : memref<512x32xf32, #tpu.memory_space<vmem>>) offsets(%dma_start3A_768 : memref<512xi32, #tpu.memory_space<vmem>>) semaphore(%arg8 : memref<!tpu.dma_semaphore, #tpu.memory_space<semaphore_mem>>)
    %dma_start3A_772 = arith.constant 1 : i32
    %dma_start3A_773 = arith.constant 1 : i32
    %dma_start3A_774 = arith.constant 1 : i32
    %dma_start3A_775 = arith.constant 1 : i32
    %dma_start3A_776 = arith.constant 0 : i32
    %dma_start3A_777 = arith.constant 0 : i32
    %dma_start3A_778 = tpu.memref_slice %arg6[%dma_start3A_774, %dma_start3A_775, %dma_start3A_776, %dma_start3A_777] : memref<2x2x512x32xf32, #tpu.memory_space<vmem>> -> memref<1x1x512x32xf32, #tpu.memory_space<vmem>>
    %dma_start3A_779 = tpu.memref_squeeze %dma_start3A_778 : memref<1x1x512x32xf32, #tpu.memory_space<vmem>> -> memref<512x32xf32, #tpu.memory_space<vmem>>
    %dma_start3A_780 = arith.constant 0 : i32
    %dma_start3A_781 = tpu.memref_slice %arg5[%dma_start3A_772, %dma_start3A_773, %dma_start3A_780] : memref<2x2x512xi32, #tpu.memory_space<vmem>> -> memref<1x1x512xi32, #tpu.memory_space<vmem>>
    %dma_start3A_782 = tpu.memref_squeeze %dma_start3A_781 : memref<1x1x512xi32, #tpu.memory_space<vmem>> -> memref<512xi32, #tpu.memory_space<vmem>>
    %dma_start3A_783 = arith.constant 0 : i32
    %dma_start3A_784 = arith.constant 0 : i32
    %dma_start3A_785 = tpu.memref_slice %arg3[%dma_start3A_783, %dma_start3A_784] : memref<1000000x32xf32, #tpu.memory_space<hbm>> -> memref<1000000x32xf32, #tpu.memory_space<hbm>>
    tpu.enqueue_indirect_dma source(%dma_start3A_785 : memref<1000000x32xf32, #tpu.memory_space<hbm>>) target(%dma_start3A_779 : memref<512x32xf32, #tpu.memory_space<vmem>>) offsets(%dma_start3A_782 : memref<512xi32, #tpu.memory_space<vmem>>) semaphore(%arg8 : memref<!tpu.dma_semaphore, #tpu.memory_space<semaphore_mem>>)
    %dma_wait3A_786 = arith.constant 0 : i32
    %dma_wait3A_787 = arith.constant 0 : i32
    %dma_wait3A_788 = arith.constant 0 : i32
    %dma_wait3A_789 = arith.constant 0 : i32
    %dma_wait3A_790 = arith.constant 0 : i32
    %dma_wait3A_791 = arith.constant 0 : i32
    %dma_wait3A_792 = tpu.memref_slice %arg6[%dma_wait3A_788, %dma_wait3A_789, %dma_wait3A_790, %dma_wait3A_791] : memref<2x2x512x32xf32, #tpu.memory_space<vmem>> -> memref<1x1x512x32xf32, #tpu.memory_space<vmem>>
    %dma_wait3A_793 = tpu.memref_squeeze %dma_wait3A_792 : memref<1x1x512x32xf32, #tpu.memory_space<vmem>> -> memref<512x32xf32, #tpu.memory_space<vmem>>
    %dma_wait3A_794 = arith.constant 0 : i32
    %dma_wait3A_795 = tpu.memref_slice %arg5[%dma_wait3A_786, %dma_wait3A_787, %dma_wait3A_794] : memref<2x2x512xi32, #tpu.memory_space<vmem>> -> memref<1x1x512xi32, #tpu.memory_space<vmem>>
    %dma_wait3A_796 = tpu.memref_squeeze %dma_wait3A_795 : memref<1x1x512xi32, #tpu.memory_space<vmem>> -> memref<512xi32, #tpu.memory_space<vmem>>
    %dma_wait3A_797 = arith.constant 0 : i32
    %dma_wait3A_798 = arith.constant 0 : i32
    %dma_wait3A_799 = tpu.memref_slice %arg3[%dma_wait3A_797, %dma_wait3A_798] : memref<1000000x32xf32, #tpu.memory_space<hbm>> -> memref<1000000x32xf32, #tpu.memory_space<hbm>>
    tpu.wait_indirect_dma semaphore(%arg7 : memref<!tpu.dma_semaphore, #tpu.memory_space<semaphore_mem>>) src(%dma_wait3A_799 : memref<1000000x32xf32, #tpu.memory_space<hbm>>) dst(%dma_wait3A_793 : memref<512x32xf32, #tpu.memory_space<vmem>>)
    %dma_wait3A_800 = arith.constant 0 : i32
    %dma_wait3A_801 = arith.constant 1 : i32
    %dma_wait3A_802 = arith.constant 0 : i32
    %dma_wait3A_803 = arith.constant 1 : i32
    %dma_wait3A_804 = arith.constant 0 : i32
    %dma_wait3A_805 = arith.constant 0 : i32
    %dma_wait3A_806 = tpu.memref_slice %arg6[%dma_wait3A_802, %dma_wait3A_803, %dma_wait3A_804, %dma_wait3A_805] : memref<2x2x512x32xf32, #tpu.memory_space<vmem>> -> memref<1x1x512x32xf32, #tpu.memory_space<vmem>>
    %dma_wait3A_807 = tpu.memref_squeeze %dma_wait3A_806 : memref<1x1x512x32xf32, #tpu.memory_space<vmem>> -> memref<512x32xf32, #tpu.memory_space<vmem>>
    %dma_wait3A_808 = arith.constant 0 : i32
    %dma_wait3A_809 = tpu.memref_slice %arg5[%dma_wait3A_800, %dma_wait3A_801, %dma_wait3A_808] : memref<2x2x512xi32, #tpu.memory_space<vmem>> -> memref<1x1x512xi32, #tpu.memory_space<vmem>>
    %dma_wait3A_810 = tpu.memref_squeeze %dma_wait3A_809 : memref<1x1x512xi32, #tpu.memory_space<vmem>> -> memref<512xi32, #tpu.memory_space<vmem>>
    %dma_wait3A_811 = arith.constant 0 : i32
    %dma_wait3A_812 = arith.constant 0 : i32
    %dma_wait3A_813 = tpu.memref_slice %arg3[%dma_wait3A_811, %dma_wait3A_812] : memref<1000000x32xf32, #tpu.memory_space<hbm>> -> memref<1000000x32xf32, #tpu.memory_space<hbm>>
    tpu.wait_indirect_dma semaphore(%arg7 : memref<!tpu.dma_semaphore, #tpu.memory_space<semaphore_mem>>) src(%dma_wait3A_813 : memref<1000000x32xf32, #tpu.memory_space<hbm>>) dst(%dma_wait3A_807 : memref<512x32xf32, #tpu.memory_space<vmem>>)
    %dma_start3A_814 = arith.constant 0 : i32
    %dma_start3A_815 = arith.constant 0 : i32
    %dma_start3A_816 = arith.constant 0 : i32
    %dma_start3A_817 = arith.constant 0 : i32
    %dma_start3A_818 = tpu.memref_slice %arg6[%dma_start3A_814, %dma_start3A_815, %dma_start3A_816, %dma_start3A_817] : memref<2x2x512x32xf32, #tpu.memory_space<vmem>> -> memref<1x2x512x32xf32, #tpu.memory_space<vmem>>
    %dma_start3A_819 = tpu.memref_squeeze %dma_start3A_818 : memref<1x2x512x32xf32, #tpu.memory_space<vmem>> -> memref<2x512x32xf32, #tpu.memory_space<vmem>>
    %dma_start3A_820 = arith.constant 16 : i32
    %dma_start3A_821 = arith.constant 0 : i32
    %dma_start3A_822 = tpu.memref_slice %arg4[%dma_start3A_820, %mul3A_2, %dma_start3A_821] : memref<50x16384x32xf32, #tpu.memory_space<hbm>> -> memref<2x512x32xf32, #tpu.memory_space<hbm>>
    %dma_start3A_823 = arith.constant 16 : i32
    %dma_start3A_824 = arith.constant 0 : i32
    %dma_start3A_825 = tpu.memref_slice %arg4[%dma_start3A_823, %mul3A_2, %dma_start3A_824] : memref<50x16384x32xf32, #tpu.memory_space<hbm>> -> memref<2x512x32xf32, #tpu.memory_space<hbm>>
    %dma_start3A_826 = arith.constant 0 : i32
    %dma_start3A_827 = arith.constant 0 : i32
    %dma_start3A_828 = arith.constant 0 : i32
    %dma_start3A_829 = tpu.memref_slice %arg6[%dma_start3A_814, %dma_start3A_826, %dma_start3A_827, %dma_start3A_828] : memref<2x2x512x32xf32, #tpu.memory_space<vmem>> -> memref<1x2x512x32xf32, #tpu.memory_space<vmem>>
    %dma_start3A_830 = tpu.memref_squeeze %dma_start3A_829 : memref<1x2x512x32xf32, #tpu.memory_space<vmem>> -> memref<2x512x32xf32, #tpu.memory_space<vmem>>
    tpu.enqueue_dma source(%dma_start3A_830 : memref<2x512x32xf32, #tpu.memory_space<vmem>>) target(%dma_start3A_825 : memref<2x512x32xf32, #tpu.memory_space<hbm>>) target_semaphore(%arg9 : memref<!tpu.dma_semaphore, #tpu.memory_space<semaphore_mem>>)
    %dma_wait3A_831 = arith.constant 0 : i32
    %dma_wait3A_832 = arith.constant 0 : i32
    %dma_wait3A_833 = arith.constant 0 : i32
    %dma_wait3A_834 = arith.constant 0 : i32
    %dma_wait3A_835 = tpu.memref_slice %arg6[%dma_wait3A_831, %dma_wait3A_832, %dma_wait3A_833, %dma_wait3A_834] : memref<2x2x512x32xf32, #tpu.memory_space<vmem>> -> memref<1x2x512x32xf32, #tpu.memory_space<vmem>>
    %dma_wait3A_836 = tpu.memref_squeeze %dma_wait3A_835 : memref<1x2x512x32xf32, #tpu.memory_space<vmem>> -> memref<2x512x32xf32, #tpu.memory_space<vmem>>
    %dma_wait3A_837 = arith.constant 16 : i32
    %dma_wait3A_838 = arith.constant 0 : i32
    %dma_wait3A_839 = tpu.memref_slice %arg4[%dma_wait3A_837, %mul3A_2, %dma_wait3A_838] : memref<50x16384x32xf32, #tpu.memory_space<hbm>> -> memref<2x512x32xf32, #tpu.memory_space<hbm>>
    %dma_wait3A_840 = arith.constant 16 : i32
    %dma_wait3A_841 = arith.constant 0 : i32
    %dma_wait3A_842 = tpu.memref_slice %arg4[%dma_wait3A_840, %mul3A_2, %dma_wait3A_841] : memref<50x16384x32xf32, #tpu.memory_space<hbm>> -> memref<2x512x32xf32, #tpu.memory_space<hbm>>
    %dma_wait3A_843 = arith.constant 0 : i32
    %dma_wait3A_844 = arith.constant 0 : i32
    %dma_wait3A_845 = arith.constant 0 : i32
    %dma_wait3A_846 = tpu.memref_slice %arg6[%dma_wait3A_831, %dma_wait3A_843, %dma_wait3A_844, %dma_wait3A_845] : memref<2x2x512x32xf32, #tpu.memory_space<vmem>> -> memref<1x2x512x32xf32, #tpu.memory_space<vmem>>
    %dma_wait3A_847 = tpu.memref_squeeze %dma_wait3A_846 : memref<1x2x512x32xf32, #tpu.memory_space<vmem>> -> memref<2x512x32xf32, #tpu.memory_space<vmem>>
    tpu.wait_dma2 semaphore(%arg9 : memref<!tpu.dma_semaphore, #tpu.memory_space<semaphore_mem>>) src(%dma_wait3A_847 : memref<2x512x32xf32, #tpu.memory_space<vmem>>) dst(%dma_wait3A_842 : memref<2x512x32xf32, #tpu.memory_space<hbm>>)
    %run_scoped3A_848 = arith.constant 0 : i32
    "tpu.region"() ({
      %run_scoped3A_2275 = tpu.sem_alloc : memref<!tpu.dma_semaphore, #tpu.memory_space<semaphore_mem>>
      %dma_start3A_2276 = arith.constant 0 : i32
      %dma_start3A_2277 = arith.constant 0 : i32
      %dma_start3A_2278 = tpu.memref_slice %arg5[%run_scoped3A_848, %dma_start3A_2276, %dma_start3A_2277] : memref<2x2x512xi32, #tpu.memory_space<vmem>> -> memref<1x2x512xi32, #tpu.memory_space<vmem>>
      %dma_start3A_2279 = tpu.memref_squeeze %dma_start3A_2278 : memref<1x2x512xi32, #tpu.memory_space<vmem>> -> memref<2x512xi32, #tpu.memory_space<vmem>>
      %dma_start3A_2280 = arith.constant 20 : i32
      %dma_start3A_2281 = tpu.memref_slice %arg2[%dma_start3A_2280, %mul3A_2] : memref<50x16384xi32, #tpu.memory_space<hbm>> -> memref<2x512xi32, #tpu.memory_space<hbm>>
      %dma_start3A_2282 = arith.constant 0 : i32
      %dma_start3A_2283 = arith.constant 0 : i32
      %dma_start3A_2284 = tpu.memref_slice %arg5[%run_scoped3A_848, %dma_start3A_2282, %dma_start3A_2283] : memref<2x2x512xi32, #tpu.memory_space<vmem>> -> memref<1x2x512xi32, #tpu.memory_space<vmem>>
      %dma_start3A_2285 = tpu.memref_squeeze %dma_start3A_2284 : memref<1x2x512xi32, #tpu.memory_space<vmem>> -> memref<2x512xi32, #tpu.memory_space<vmem>>
      %dma_start3A_2286 = arith.constant 20 : i32
      %dma_start3A_2287 = tpu.memref_slice %arg2[%dma_start3A_2286, %mul3A_2] : memref<50x16384xi32, #tpu.memory_space<hbm>> -> memref<2x512xi32, #tpu.memory_space<hbm>>
      tpu.enqueue_dma source(%dma_start3A_2287 : memref<2x512xi32, #tpu.memory_space<hbm>>) target(%dma_start3A_2285 : memref<2x512xi32, #tpu.memory_space<vmem>>) target_semaphore(%run_scoped3A_2275 : memref<!tpu.dma_semaphore, #tpu.memory_space<semaphore_mem>>)
      %dma_wait3A_2288 = arith.constant 0 : i32
      %dma_wait3A_2289 = arith.constant 0 : i32
      %dma_wait3A_2290 = tpu.memref_slice %arg5[%run_scoped3A_848, %dma_wait3A_2288, %dma_wait3A_2289] : memref<2x2x512xi32, #tpu.memory_space<vmem>> -> memref<1x2x512xi32, #tpu.memory_space<vmem>>
      %dma_wait3A_2291 = tpu.memref_squeeze %dma_wait3A_2290 : memref<1x2x512xi32, #tpu.memory_space<vmem>> -> memref<2x512xi32, #tpu.memory_space<vmem>>
      %dma_wait3A_2292 = arith.constant 20 : i32
      %dma_wait3A_2293 = tpu.memref_slice %arg2[%dma_wait3A_2292, %mul3A_2] : memref<50x16384xi32, #tpu.memory_space<hbm>> -> memref<2x512xi32, #tpu.memory_space<hbm>>
      %dma_wait3A_2294 = arith.constant 0 : i32
      %dma_wait3A_2295 = arith.constant 0 : i32
      %dma_wait3A_2296 = tpu.memref_slice %arg5[%run_scoped3A_848, %dma_wait3A_2294, %dma_wait3A_2295] : memref<2x2x512xi32, #tpu.memory_space<vmem>> -> memref<1x2x512xi32, #tpu.memory_space<vmem>>
      %dma_wait3A_2297 = tpu.memref_squeeze %dma_wait3A_2296 : memref<1x2x512xi32, #tpu.memory_space<vmem>> -> memref<2x512xi32, #tpu.memory_space<vmem>>
      %dma_wait3A_2298 = arith.constant 20 : i32
      %dma_wait3A_2299 = tpu.memref_slice %arg2[%dma_wait3A_2298, %mul3A_2] : memref<50x16384xi32, #tpu.memory_space<hbm>> -> memref<2x512xi32, #tpu.memory_space<hbm>>
      tpu.wait_dma2 semaphore(%run_scoped3A_2275 : memref<!tpu.dma_semaphore, #tpu.memory_space<semaphore_mem>>) src(%dma_wait3A_2299 : memref<2x512xi32, #tpu.memory_space<hbm>>) dst(%dma_wait3A_2297 : memref<2x512xi32, #tpu.memory_space<vmem>>)
      tpu.yield
    }) : () -> ()
    %dma_start3A_849 = arith.constant 0 : i32
    %dma_start3A_850 = arith.constant 0 : i32
    %dma_start3A_851 = arith.constant 0 : i32
    %dma_start3A_852 = arith.constant 0 : i32
    %dma_start3A_853 = arith.constant 0 : i32
    %dma_start3A_854 = arith.constant 0 : i32
    %dma_start3A_855 = tpu.memref_slice %arg6[%dma_start3A_851, %dma_start3A_852, %dma_start3A_853, %dma_start3A_854] : memref<2x2x512x32xf32, #tpu.memory_space<vmem>> -> memref<1x1x512x32xf32, #tpu.memory_space<vmem>>
    %dma_start3A_856 = tpu.memref_squeeze %dma_start3A_855 : memref<1x1x512x32xf32, #tpu.memory_space<vmem>> -> memref<512x32xf32, #tpu.memory_space<vmem>>
    %dma_start3A_857 = arith.constant 0 : i32
    %dma_start3A_858 = tpu.memref_slice %arg5[%dma_start3A_849, %dma_start3A_850, %dma_start3A_857] : memref<2x2x512xi32, #tpu.memory_space<vmem>> -> memref<1x1x512xi32, #tpu.memory_space<vmem>>
    %dma_start3A_859 = tpu.memref_squeeze %dma_start3A_858 : memref<1x1x512xi32, #tpu.memory_space<vmem>> -> memref<512xi32, #tpu.memory_space<vmem>>
    %dma_start3A_860 = arith.constant 0 : i32
    %dma_start3A_861 = arith.constant 0 : i32
    %dma_start3A_862 = tpu.memref_slice %arg3[%dma_start3A_860, %dma_start3A_861] : memref<1000000x32xf32, #tpu.memory_space<hbm>> -> memref<1000000x32xf32, #tpu.memory_space<hbm>>
    tpu.enqueue_indirect_dma source(%dma_start3A_862 : memref<1000000x32xf32, #tpu.memory_space<hbm>>) target(%dma_start3A_856 : memref<512x32xf32, #tpu.memory_space<vmem>>) offsets(%dma_start3A_859 : memref<512xi32, #tpu.memory_space<vmem>>) semaphore(%arg7 : memref<!tpu.dma_semaphore, #tpu.memory_space<semaphore_mem>>)
    %dma_start3A_863 = arith.constant 0 : i32
    %dma_start3A_864 = arith.constant 1 : i32
    %dma_start3A_865 = arith.constant 0 : i32
    %dma_start3A_866 = arith.constant 1 : i32
    %dma_start3A_867 = arith.constant 0 : i32
    %dma_start3A_868 = arith.constant 0 : i32
    %dma_start3A_869 = tpu.memref_slice %arg6[%dma_start3A_865, %dma_start3A_866, %dma_start3A_867, %dma_start3A_868] : memref<2x2x512x32xf32, #tpu.memory_space<vmem>> -> memref<1x1x512x32xf32, #tpu.memory_space<vmem>>
    %dma_start3A_870 = tpu.memref_squeeze %dma_start3A_869 : memref<1x1x512x32xf32, #tpu.memory_space<vmem>> -> memref<512x32xf32, #tpu.memory_space<vmem>>
    %dma_start3A_871 = arith.constant 0 : i32
    %dma_start3A_872 = tpu.memref_slice %arg5[%dma_start3A_863, %dma_start3A_864, %dma_start3A_871] : memref<2x2x512xi32, #tpu.memory_space<vmem>> -> memref<1x1x512xi32, #tpu.memory_space<vmem>>
    %dma_start3A_873 = tpu.memref_squeeze %dma_start3A_872 : memref<1x1x512xi32, #tpu.memory_space<vmem>> -> memref<512xi32, #tpu.memory_space<vmem>>
    %dma_start3A_874 = arith.constant 0 : i32
    %dma_start3A_875 = arith.constant 0 : i32
    %dma_start3A_876 = tpu.memref_slice %arg3[%dma_start3A_874, %dma_start3A_875] : memref<1000000x32xf32, #tpu.memory_space<hbm>> -> memref<1000000x32xf32, #tpu.memory_space<hbm>>
    tpu.enqueue_indirect_dma source(%dma_start3A_876 : memref<1000000x32xf32, #tpu.memory_space<hbm>>) target(%dma_start3A_870 : memref<512x32xf32, #tpu.memory_space<vmem>>) offsets(%dma_start3A_873 : memref<512xi32, #tpu.memory_space<vmem>>) semaphore(%arg7 : memref<!tpu.dma_semaphore, #tpu.memory_space<semaphore_mem>>)
    %dma_wait3A_877 = arith.constant 1 : i32
    %dma_wait3A_878 = arith.constant 0 : i32
    %dma_wait3A_879 = arith.constant 1 : i32
    %dma_wait3A_880 = arith.constant 0 : i32
    %dma_wait3A_881 = arith.constant 0 : i32
    %dma_wait3A_882 = arith.constant 0 : i32
    %dma_wait3A_883 = tpu.memref_slice %arg6[%dma_wait3A_879, %dma_wait3A_880, %dma_wait3A_881, %dma_wait3A_882] : memref<2x2x512x32xf32, #tpu.memory_space<vmem>> -> memref<1x1x512x32xf32, #tpu.memory_space<vmem>>
    %dma_wait3A_884 = tpu.memref_squeeze %dma_wait3A_883 : memref<1x1x512x32xf32, #tpu.memory_space<vmem>> -> memref<512x32xf32, #tpu.memory_space<vmem>>
    %dma_wait3A_885 = arith.constant 0 : i32
    %dma_wait3A_886 = tpu.memref_slice %arg5[%dma_wait3A_877, %dma_wait3A_878, %dma_wait3A_885] : memref<2x2x512xi32, #tpu.memory_space<vmem>> -> memref<1x1x512xi32, #tpu.memory_space<vmem>>
    %dma_wait3A_887 = tpu.memref_squeeze %dma_wait3A_886 : memref<1x1x512xi32, #tpu.memory_space<vmem>> -> memref<512xi32, #tpu.memory_space<vmem>>
    %dma_wait3A_888 = arith.constant 0 : i32
    %dma_wait3A_889 = arith.constant 0 : i32
    %dma_wait3A_890 = tpu.memref_slice %arg3[%dma_wait3A_888, %dma_wait3A_889] : memref<1000000x32xf32, #tpu.memory_space<hbm>> -> memref<1000000x32xf32, #tpu.memory_space<hbm>>
    tpu.wait_indirect_dma semaphore(%arg8 : memref<!tpu.dma_semaphore, #tpu.memory_space<semaphore_mem>>) src(%dma_wait3A_890 : memref<1000000x32xf32, #tpu.memory_space<hbm>>) dst(%dma_wait3A_884 : memref<512x32xf32, #tpu.memory_space<vmem>>)
    %dma_wait3A_891 = arith.constant 1 : i32
    %dma_wait3A_892 = arith.constant 1 : i32
    %dma_wait3A_893 = arith.constant 1 : i32
    %dma_wait3A_894 = arith.constant 1 : i32
    %dma_wait3A_895 = arith.constant 0 : i32
    %dma_wait3A_896 = arith.constant 0 : i32
    %dma_wait3A_897 = tpu.memref_slice %arg6[%dma_wait3A_893, %dma_wait3A_894, %dma_wait3A_895, %dma_wait3A_896] : memref<2x2x512x32xf32, #tpu.memory_space<vmem>> -> memref<1x1x512x32xf32, #tpu.memory_space<vmem>>
    %dma_wait3A_898 = tpu.memref_squeeze %dma_wait3A_897 : memref<1x1x512x32xf32, #tpu.memory_space<vmem>> -> memref<512x32xf32, #tpu.memory_space<vmem>>
    %dma_wait3A_899 = arith.constant 0 : i32
    %dma_wait3A_900 = tpu.memref_slice %arg5[%dma_wait3A_891, %dma_wait3A_892, %dma_wait3A_899] : memref<2x2x512xi32, #tpu.memory_space<vmem>> -> memref<1x1x512xi32, #tpu.memory_space<vmem>>
    %dma_wait3A_901 = tpu.memref_squeeze %dma_wait3A_900 : memref<1x1x512xi32, #tpu.memory_space<vmem>> -> memref<512xi32, #tpu.memory_space<vmem>>
    %dma_wait3A_902 = arith.constant 0 : i32
    %dma_wait3A_903 = arith.constant 0 : i32
    %dma_wait3A_904 = tpu.memref_slice %arg3[%dma_wait3A_902, %dma_wait3A_903] : memref<1000000x32xf32, #tpu.memory_space<hbm>> -> memref<1000000x32xf32, #tpu.memory_space<hbm>>
    tpu.wait_indirect_dma semaphore(%arg8 : memref<!tpu.dma_semaphore, #tpu.memory_space<semaphore_mem>>) src(%dma_wait3A_904 : memref<1000000x32xf32, #tpu.memory_space<hbm>>) dst(%dma_wait3A_898 : memref<512x32xf32, #tpu.memory_space<vmem>>)
    %dma_start3A_905 = arith.constant 1 : i32
    %dma_start3A_906 = arith.constant 0 : i32
    %dma_start3A_907 = arith.constant 0 : i32
    %dma_start3A_908 = arith.constant 0 : i32
    %dma_start3A_909 = tpu.memref_slice %arg6[%dma_start3A_905, %dma_start3A_906, %dma_start3A_907, %dma_start3A_908] : memref<2x2x512x32xf32, #tpu.memory_space<vmem>> -> memref<1x2x512x32xf32, #tpu.memory_space<vmem>>
    %dma_start3A_910 = tpu.memref_squeeze %dma_start3A_909 : memref<1x2x512x32xf32, #tpu.memory_space<vmem>> -> memref<2x512x32xf32, #tpu.memory_space<vmem>>
    %dma_start3A_911 = arith.constant 18 : i32
    %dma_start3A_912 = arith.constant 0 : i32
    %dma_start3A_913 = tpu.memref_slice %arg4[%dma_start3A_911, %mul3A_2, %dma_start3A_912] : memref<50x16384x32xf32, #tpu.memory_space<hbm>> -> memref<2x512x32xf32, #tpu.memory_space<hbm>>
    %dma_start3A_914 = arith.constant 18 : i32
    %dma_start3A_915 = arith.constant 0 : i32
    %dma_start3A_916 = tpu.memref_slice %arg4[%dma_start3A_914, %mul3A_2, %dma_start3A_915] : memref<50x16384x32xf32, #tpu.memory_space<hbm>> -> memref<2x512x32xf32, #tpu.memory_space<hbm>>
    %dma_start3A_917 = arith.constant 0 : i32
    %dma_start3A_918 = arith.constant 0 : i32
    %dma_start3A_919 = arith.constant 0 : i32
    %dma_start3A_920 = tpu.memref_slice %arg6[%dma_start3A_905, %dma_start3A_917, %dma_start3A_918, %dma_start3A_919] : memref<2x2x512x32xf32, #tpu.memory_space<vmem>> -> memref<1x2x512x32xf32, #tpu.memory_space<vmem>>
    %dma_start3A_921 = tpu.memref_squeeze %dma_start3A_920 : memref<1x2x512x32xf32, #tpu.memory_space<vmem>> -> memref<2x512x32xf32, #tpu.memory_space<vmem>>
    tpu.enqueue_dma source(%dma_start3A_921 : memref<2x512x32xf32, #tpu.memory_space<vmem>>) target(%dma_start3A_916 : memref<2x512x32xf32, #tpu.memory_space<hbm>>) target_semaphore(%arg10 : memref<!tpu.dma_semaphore, #tpu.memory_space<semaphore_mem>>)
    %dma_wait3A_922 = arith.constant 1 : i32
    %dma_wait3A_923 = arith.constant 0 : i32
    %dma_wait3A_924 = arith.constant 0 : i32
    %dma_wait3A_925 = arith.constant 0 : i32
    %dma_wait3A_926 = tpu.memref_slice %arg6[%dma_wait3A_922, %dma_wait3A_923, %dma_wait3A_924, %dma_wait3A_925] : memref<2x2x512x32xf32, #tpu.memory_space<vmem>> -> memref<1x2x512x32xf32, #tpu.memory_space<vmem>>
    %dma_wait3A_927 = tpu.memref_squeeze %dma_wait3A_926 : memref<1x2x512x32xf32, #tpu.memory_space<vmem>> -> memref<2x512x32xf32, #tpu.memory_space<vmem>>
    %dma_wait3A_928 = arith.constant 18 : i32
    %dma_wait3A_929 = arith.constant 0 : i32
    %dma_wait3A_930 = tpu.memref_slice %arg4[%dma_wait3A_928, %mul3A_2, %dma_wait3A_929] : memref<50x16384x32xf32, #tpu.memory_space<hbm>> -> memref<2x512x32xf32, #tpu.memory_space<hbm>>
    %dma_wait3A_931 = arith.constant 18 : i32
    %dma_wait3A_932 = arith.constant 0 : i32
    %dma_wait3A_933 = tpu.memref_slice %arg4[%dma_wait3A_931, %mul3A_2, %dma_wait3A_932] : memref<50x16384x32xf32, #tpu.memory_space<hbm>> -> memref<2x512x32xf32, #tpu.memory_space<hbm>>
    %dma_wait3A_934 = arith.constant 0 : i32
    %dma_wait3A_935 = arith.constant 0 : i32
    %dma_wait3A_936 = arith.constant 0 : i32
    %dma_wait3A_937 = tpu.memref_slice %arg6[%dma_wait3A_922, %dma_wait3A_934, %dma_wait3A_935, %dma_wait3A_936] : memref<2x2x512x32xf32, #tpu.memory_space<vmem>> -> memref<1x2x512x32xf32, #tpu.memory_space<vmem>>
    %dma_wait3A_938 = tpu.memref_squeeze %dma_wait3A_937 : memref<1x2x512x32xf32, #tpu.memory_space<vmem>> -> memref<2x512x32xf32, #tpu.memory_space<vmem>>
    tpu.wait_dma2 semaphore(%arg10 : memref<!tpu.dma_semaphore, #tpu.memory_space<semaphore_mem>>) src(%dma_wait3A_938 : memref<2x512x32xf32, #tpu.memory_space<vmem>>) dst(%dma_wait3A_933 : memref<2x512x32xf32, #tpu.memory_space<hbm>>)
    %run_scoped3A_939 = arith.constant 1 : i32
    "tpu.region"() ({
      %run_scoped3A_2275 = tpu.sem_alloc : memref<!tpu.dma_semaphore, #tpu.memory_space<semaphore_mem>>
      %dma_start3A_2276 = arith.constant 0 : i32
      %dma_start3A_2277 = arith.constant 0 : i32
      %dma_start3A_2278 = tpu.memref_slice %arg5[%run_scoped3A_939, %dma_start3A_2276, %dma_start3A_2277] : memref<2x2x512xi32, #tpu.memory_space<vmem>> -> memref<1x2x512xi32, #tpu.memory_space<vmem>>
      %dma_start3A_2279 = tpu.memref_squeeze %dma_start3A_2278 : memref<1x2x512xi32, #tpu.memory_space<vmem>> -> memref<2x512xi32, #tpu.memory_space<vmem>>
      %dma_start3A_2280 = arith.constant 22 : i32
      %dma_start3A_2281 = tpu.memref_slice %arg2[%dma_start3A_2280, %mul3A_2] : memref<50x16384xi32, #tpu.memory_space<hbm>> -> memref<2x512xi32, #tpu.memory_space<hbm>>
      %dma_start3A_2282 = arith.constant 0 : i32
      %dma_start3A_2283 = arith.constant 0 : i32
      %dma_start3A_2284 = tpu.memref_slice %arg5[%run_scoped3A_939, %dma_start3A_2282, %dma_start3A_2283] : memref<2x2x512xi32, #tpu.memory_space<vmem>> -> memref<1x2x512xi32, #tpu.memory_space<vmem>>
      %dma_start3A_2285 = tpu.memref_squeeze %dma_start3A_2284 : memref<1x2x512xi32, #tpu.memory_space<vmem>> -> memref<2x512xi32, #tpu.memory_space<vmem>>
      %dma_start3A_2286 = arith.constant 22 : i32
      %dma_start3A_2287 = tpu.memref_slice %arg2[%dma_start3A_2286, %mul3A_2] : memref<50x16384xi32, #tpu.memory_space<hbm>> -> memref<2x512xi32, #tpu.memory_space<hbm>>
      tpu.enqueue_dma source(%dma_start3A_2287 : memref<2x512xi32, #tpu.memory_space<hbm>>) target(%dma_start3A_2285 : memref<2x512xi32, #tpu.memory_space<vmem>>) target_semaphore(%run_scoped3A_2275 : memref<!tpu.dma_semaphore, #tpu.memory_space<semaphore_mem>>)
      %dma_wait3A_2288 = arith.constant 0 : i32
      %dma_wait3A_2289 = arith.constant 0 : i32
      %dma_wait3A_2290 = tpu.memref_slice %arg5[%run_scoped3A_939, %dma_wait3A_2288, %dma_wait3A_2289] : memref<2x2x512xi32, #tpu.memory_space<vmem>> -> memref<1x2x512xi32, #tpu.memory_space<vmem>>
      %dma_wait3A_2291 = tpu.memref_squeeze %dma_wait3A_2290 : memref<1x2x512xi32, #tpu.memory_space<vmem>> -> memref<2x512xi32, #tpu.memory_space<vmem>>
      %dma_wait3A_2292 = arith.constant 22 : i32
      %dma_wait3A_2293 = tpu.memref_slice %arg2[%dma_wait3A_2292, %mul3A_2] : memref<50x16384xi32, #tpu.memory_space<hbm>> -> memref<2x512xi32, #tpu.memory_space<hbm>>
      %dma_wait3A_2294 = arith.constant 0 : i32
      %dma_wait3A_2295 = arith.constant 0 : i32
      %dma_wait3A_2296 = tpu.memref_slice %arg5[%run_scoped3A_939, %dma_wait3A_2294, %dma_wait3A_2295] : memref<2x2x512xi32, #tpu.memory_space<vmem>> -> memref<1x2x512xi32, #tpu.memory_space<vmem>>
      %dma_wait3A_2297 = tpu.memref_squeeze %dma_wait3A_2296 : memref<1x2x512xi32, #tpu.memory_space<vmem>> -> memref<2x512xi32, #tpu.memory_space<vmem>>
      %dma_wait3A_2298 = arith.constant 22 : i32
      %dma_wait3A_2299 = tpu.memref_slice %arg2[%dma_wait3A_2298, %mul3A_2] : memref<50x16384xi32, #tpu.memory_space<hbm>> -> memref<2x512xi32, #tpu.memory_space<hbm>>
      tpu.wait_dma2 semaphore(%run_scoped3A_2275 : memref<!tpu.dma_semaphore, #tpu.memory_space<semaphore_mem>>) src(%dma_wait3A_2299 : memref<2x512xi32, #tpu.memory_space<hbm>>) dst(%dma_wait3A_2297 : memref<2x512xi32, #tpu.memory_space<vmem>>)
      tpu.yield
    }) : () -> ()
    %dma_start3A_940 = arith.constant 1 : i32
    %dma_start3A_941 = arith.constant 0 : i32
    %dma_start3A_942 = arith.constant 1 : i32
    %dma_start3A_943 = arith.constant 0 : i32
    %dma_start3A_944 = arith.constant 0 : i32
    %dma_start3A_945 = arith.constant 0 : i32
    %dma_start3A_946 = tpu.memref_slice %arg6[%dma_start3A_942, %dma_start3A_943, %dma_start3A_944, %dma_start3A_945] : memref<2x2x512x32xf32, #tpu.memory_space<vmem>> -> memref<1x1x512x32xf32, #tpu.memory_space<vmem>>
    %dma_start3A_947 = tpu.memref_squeeze %dma_start3A_946 : memref<1x1x512x32xf32, #tpu.memory_space<vmem>> -> memref<512x32xf32, #tpu.memory_space<vmem>>
    %dma_start3A_948 = arith.constant 0 : i32
    %dma_start3A_949 = tpu.memref_slice %arg5[%dma_start3A_940, %dma_start3A_941, %dma_start3A_948] : memref<2x2x512xi32, #tpu.memory_space<vmem>> -> memref<1x1x512xi32, #tpu.memory_space<vmem>>
    %dma_start3A_950 = tpu.memref_squeeze %dma_start3A_949 : memref<1x1x512xi32, #tpu.memory_space<vmem>> -> memref<512xi32, #tpu.memory_space<vmem>>
    %dma_start3A_951 = arith.constant 0 : i32
    %dma_start3A_952 = arith.constant 0 : i32
    %dma_start3A_953 = tpu.memref_slice %arg3[%dma_start3A_951, %dma_start3A_952] : memref<1000000x32xf32, #tpu.memory_space<hbm>> -> memref<1000000x32xf32, #tpu.memory_space<hbm>>
    tpu.enqueue_indirect_dma source(%dma_start3A_953 : memref<1000000x32xf32, #tpu.memory_space<hbm>>) target(%dma_start3A_947 : memref<512x32xf32, #tpu.memory_space<vmem>>) offsets(%dma_start3A_950 : memref<512xi32, #tpu.memory_space<vmem>>) semaphore(%arg8 : memref<!tpu.dma_semaphore, #tpu.memory_space<semaphore_mem>>)
    %dma_start3A_954 = arith.constant 1 : i32
    %dma_start3A_955 = arith.constant 1 : i32
    %dma_start3A_956 = arith.constant 1 : i32
    %dma_start3A_957 = arith.constant 1 : i32
    %dma_start3A_958 = arith.constant 0 : i32
    %dma_start3A_959 = arith.constant 0 : i32
    %dma_start3A_960 = tpu.memref_slice %arg6[%dma_start3A_956, %dma_start3A_957, %dma_start3A_958, %dma_start3A_959] : memref<2x2x512x32xf32, #tpu.memory_space<vmem>> -> memref<1x1x512x32xf32, #tpu.memory_space<vmem>>
    %dma_start3A_961 = tpu.memref_squeeze %dma_start3A_960 : memref<1x1x512x32xf32, #tpu.memory_space<vmem>> -> memref<512x32xf32, #tpu.memory_space<vmem>>
    %dma_start3A_962 = arith.constant 0 : i32
    %dma_start3A_963 = tpu.memref_slice %arg5[%dma_start3A_954, %dma_start3A_955, %dma_start3A_962] : memref<2x2x512xi32, #tpu.memory_space<vmem>> -> memref<1x1x512xi32, #tpu.memory_space<vmem>>
    %dma_start3A_964 = tpu.memref_squeeze %dma_start3A_963 : memref<1x1x512xi32, #tpu.memory_space<vmem>> -> memref<512xi32, #tpu.memory_space<vmem>>
    %dma_start3A_965 = arith.constant 0 : i32
    %dma_start3A_966 = arith.constant 0 : i32
    %dma_start3A_967 = tpu.memref_slice %arg3[%dma_start3A_965, %dma_start3A_966] : memref<1000000x32xf32, #tpu.memory_space<hbm>> -> memref<1000000x32xf32, #tpu.memory_space<hbm>>
    tpu.enqueue_indirect_dma source(%dma_start3A_967 : memref<1000000x32xf32, #tpu.memory_space<hbm>>) target(%dma_start3A_961 : memref<512x32xf32, #tpu.memory_space<vmem>>) offsets(%dma_start3A_964 : memref<512xi32, #tpu.memory_space<vmem>>) semaphore(%arg8 : memref<!tpu.dma_semaphore, #tpu.memory_space<semaphore_mem>>)
    %dma_wait3A_968 = arith.constant 0 : i32
    %dma_wait3A_969 = arith.constant 0 : i32
    %dma_wait3A_970 = arith.constant 0 : i32
    %dma_wait3A_971 = arith.constant 0 : i32
    %dma_wait3A_972 = arith.constant 0 : i32
    %dma_wait3A_973 = arith.constant 0 : i32
    %dma_wait3A_974 = tpu.memref_slice %arg6[%dma_wait3A_970, %dma_wait3A_971, %dma_wait3A_972, %dma_wait3A_973] : memref<2x2x512x32xf32, #tpu.memory_space<vmem>> -> memref<1x1x512x32xf32, #tpu.memory_space<vmem>>
    %dma_wait3A_975 = tpu.memref_squeeze %dma_wait3A_974 : memref<1x1x512x32xf32, #tpu.memory_space<vmem>> -> memref<512x32xf32, #tpu.memory_space<vmem>>
    %dma_wait3A_976 = arith.constant 0 : i32
    %dma_wait3A_977 = tpu.memref_slice %arg5[%dma_wait3A_968, %dma_wait3A_969, %dma_wait3A_976] : memref<2x2x512xi32, #tpu.memory_space<vmem>> -> memref<1x1x512xi32, #tpu.memory_space<vmem>>
    %dma_wait3A_978 = tpu.memref_squeeze %dma_wait3A_977 : memref<1x1x512xi32, #tpu.memory_space<vmem>> -> memref<512xi32, #tpu.memory_space<vmem>>
    %dma_wait3A_979 = arith.constant 0 : i32
    %dma_wait3A_980 = arith.constant 0 : i32
    %dma_wait3A_981 = tpu.memref_slice %arg3[%dma_wait3A_979, %dma_wait3A_980] : memref<1000000x32xf32, #tpu.memory_space<hbm>> -> memref<1000000x32xf32, #tpu.memory_space<hbm>>
    tpu.wait_indirect_dma semaphore(%arg7 : memref<!tpu.dma_semaphore, #tpu.memory_space<semaphore_mem>>) src(%dma_wait3A_981 : memref<1000000x32xf32, #tpu.memory_space<hbm>>) dst(%dma_wait3A_975 : memref<512x32xf32, #tpu.memory_space<vmem>>)
    %dma_wait3A_982 = arith.constant 0 : i32
    %dma_wait3A_983 = arith.constant 1 : i32
    %dma_wait3A_984 = arith.constant 0 : i32
    %dma_wait3A_985 = arith.constant 1 : i32
    %dma_wait3A_986 = arith.constant 0 : i32
    %dma_wait3A_987 = arith.constant 0 : i32
    %dma_wait3A_988 = tpu.memref_slice %arg6[%dma_wait3A_984, %dma_wait3A_985, %dma_wait3A_986, %dma_wait3A_987] : memref<2x2x512x32xf32, #tpu.memory_space<vmem>> -> memref<1x1x512x32xf32, #tpu.memory_space<vmem>>
    %dma_wait3A_989 = tpu.memref_squeeze %dma_wait3A_988 : memref<1x1x512x32xf32, #tpu.memory_space<vmem>> -> memref<512x32xf32, #tpu.memory_space<vmem>>
    %dma_wait3A_990 = arith.constant 0 : i32
    %dma_wait3A_991 = tpu.memref_slice %arg5[%dma_wait3A_982, %dma_wait3A_983, %dma_wait3A_990] : memref<2x2x512xi32, #tpu.memory_space<vmem>> -> memref<1x1x512xi32, #tpu.memory_space<vmem>>
    %dma_wait3A_992 = tpu.memref_squeeze %dma_wait3A_991 : memref<1x1x512xi32, #tpu.memory_space<vmem>> -> memref<512xi32, #tpu.memory_space<vmem>>
    %dma_wait3A_993 = arith.constant 0 : i32
    %dma_wait3A_994 = arith.constant 0 : i32
    %dma_wait3A_995 = tpu.memref_slice %arg3[%dma_wait3A_993, %dma_wait3A_994] : memref<1000000x32xf32, #tpu.memory_space<hbm>> -> memref<1000000x32xf32, #tpu.memory_space<hbm>>
    tpu.wait_indirect_dma semaphore(%arg7 : memref<!tpu.dma_semaphore, #tpu.memory_space<semaphore_mem>>) src(%dma_wait3A_995 : memref<1000000x32xf32, #tpu.memory_space<hbm>>) dst(%dma_wait3A_989 : memref<512x32xf32, #tpu.memory_space<vmem>>)
    %dma_start3A_996 = arith.constant 0 : i32
    %dma_start3A_997 = arith.constant 0 : i32
    %dma_start3A_998 = arith.constant 0 : i32
    %dma_start3A_999 = arith.constant 0 : i32
    %dma_start3A_1000 = tpu.memref_slice %arg6[%dma_start3A_996, %dma_start3A_997, %dma_start3A_998, %dma_start3A_999] : memref<2x2x512x32xf32, #tpu.memory_space<vmem>> -> memref<1x2x512x32xf32, #tpu.memory_space<vmem>>
    %dma_start3A_1001 = tpu.memref_squeeze %dma_start3A_1000 : memref<1x2x512x32xf32, #tpu.memory_space<vmem>> -> memref<2x512x32xf32, #tpu.memory_space<vmem>>
    %dma_start3A_1002 = arith.constant 20 : i32
    %dma_start3A_1003 = arith.constant 0 : i32
    %dma_start3A_1004 = tpu.memref_slice %arg4[%dma_start3A_1002, %mul3A_2, %dma_start3A_1003] : memref<50x16384x32xf32, #tpu.memory_space<hbm>> -> memref<2x512x32xf32, #tpu.memory_space<hbm>>
    %dma_start3A_1005 = arith.constant 20 : i32
    %dma_start3A_1006 = arith.constant 0 : i32
    %dma_start3A_1007 = tpu.memref_slice %arg4[%dma_start3A_1005, %mul3A_2, %dma_start3A_1006] : memref<50x16384x32xf32, #tpu.memory_space<hbm>> -> memref<2x512x32xf32, #tpu.memory_space<hbm>>
    %dma_start3A_1008 = arith.constant 0 : i32
    %dma_start3A_1009 = arith.constant 0 : i32
    %dma_start3A_1010 = arith.constant 0 : i32
    %dma_start3A_1011 = tpu.memref_slice %arg6[%dma_start3A_996, %dma_start3A_1008, %dma_start3A_1009, %dma_start3A_1010] : memref<2x2x512x32xf32, #tpu.memory_space<vmem>> -> memref<1x2x512x32xf32, #tpu.memory_space<vmem>>
    %dma_start3A_1012 = tpu.memref_squeeze %dma_start3A_1011 : memref<1x2x512x32xf32, #tpu.memory_space<vmem>> -> memref<2x512x32xf32, #tpu.memory_space<vmem>>
    tpu.enqueue_dma source(%dma_start3A_1012 : memref<2x512x32xf32, #tpu.memory_space<vmem>>) target(%dma_start3A_1007 : memref<2x512x32xf32, #tpu.memory_space<hbm>>) target_semaphore(%arg9 : memref<!tpu.dma_semaphore, #tpu.memory_space<semaphore_mem>>)
    %dma_wait3A_1013 = arith.constant 0 : i32
    %dma_wait3A_1014 = arith.constant 0 : i32
    %dma_wait3A_1015 = arith.constant 0 : i32
    %dma_wait3A_1016 = arith.constant 0 : i32
    %dma_wait3A_1017 = tpu.memref_slice %arg6[%dma_wait3A_1013, %dma_wait3A_1014, %dma_wait3A_1015, %dma_wait3A_1016] : memref<2x2x512x32xf32, #tpu.memory_space<vmem>> -> memref<1x2x512x32xf32, #tpu.memory_space<vmem>>
    %dma_wait3A_1018 = tpu.memref_squeeze %dma_wait3A_1017 : memref<1x2x512x32xf32, #tpu.memory_space<vmem>> -> memref<2x512x32xf32, #tpu.memory_space<vmem>>
    %dma_wait3A_1019 = arith.constant 20 : i32
    %dma_wait3A_1020 = arith.constant 0 : i32
    %dma_wait3A_1021 = tpu.memref_slice %arg4[%dma_wait3A_1019, %mul3A_2, %dma_wait3A_1020] : memref<50x16384x32xf32, #tpu.memory_space<hbm>> -> memref<2x512x32xf32, #tpu.memory_space<hbm>>
    %dma_wait3A_1022 = arith.constant 20 : i32
    %dma_wait3A_1023 = arith.constant 0 : i32
    %dma_wait3A_1024 = tpu.memref_slice %arg4[%dma_wait3A_1022, %mul3A_2, %dma_wait3A_1023] : memref<50x16384x32xf32, #tpu.memory_space<hbm>> -> memref<2x512x32xf32, #tpu.memory_space<hbm>>
    %dma_wait3A_1025 = arith.constant 0 : i32
    %dma_wait3A_1026 = arith.constant 0 : i32
    %dma_wait3A_1027 = arith.constant 0 : i32
    %dma_wait3A_1028 = tpu.memref_slice %arg6[%dma_wait3A_1013, %dma_wait3A_1025, %dma_wait3A_1026, %dma_wait3A_1027] : memref<2x2x512x32xf32, #tpu.memory_space<vmem>> -> memref<1x2x512x32xf32, #tpu.memory_space<vmem>>
    %dma_wait3A_1029 = tpu.memref_squeeze %dma_wait3A_1028 : memref<1x2x512x32xf32, #tpu.memory_space<vmem>> -> memref<2x512x32xf32, #tpu.memory_space<vmem>>
    tpu.wait_dma2 semaphore(%arg9 : memref<!tpu.dma_semaphore, #tpu.memory_space<semaphore_mem>>) src(%dma_wait3A_1029 : memref<2x512x32xf32, #tpu.memory_space<vmem>>) dst(%dma_wait3A_1024 : memref<2x512x32xf32, #tpu.memory_space<hbm>>)
    %run_scoped3A_1030 = arith.constant 0 : i32
    "tpu.region"() ({
      %run_scoped3A_2275 = tpu.sem_alloc : memref<!tpu.dma_semaphore, #tpu.memory_space<semaphore_mem>>
      %dma_start3A_2276 = arith.constant 0 : i32
      %dma_start3A_2277 = arith.constant 0 : i32
      %dma_start3A_2278 = tpu.memref_slice %arg5[%run_scoped3A_1030, %dma_start3A_2276, %dma_start3A_2277] : memref<2x2x512xi32, #tpu.memory_space<vmem>> -> memref<1x2x512xi32, #tpu.memory_space<vmem>>
      %dma_start3A_2279 = tpu.memref_squeeze %dma_start3A_2278 : memref<1x2x512xi32, #tpu.memory_space<vmem>> -> memref<2x512xi32, #tpu.memory_space<vmem>>
      %dma_start3A_2280 = arith.constant 24 : i32
      %dma_start3A_2281 = tpu.memref_slice %arg2[%dma_start3A_2280, %mul3A_2] : memref<50x16384xi32, #tpu.memory_space<hbm>> -> memref<2x512xi32, #tpu.memory_space<hbm>>
      %dma_start3A_2282 = arith.constant 0 : i32
      %dma_start3A_2283 = arith.constant 0 : i32
      %dma_start3A_2284 = tpu.memref_slice %arg5[%run_scoped3A_1030, %dma_start3A_2282, %dma_start3A_2283] : memref<2x2x512xi32, #tpu.memory_space<vmem>> -> memref<1x2x512xi32, #tpu.memory_space<vmem>>
      %dma_start3A_2285 = tpu.memref_squeeze %dma_start3A_2284 : memref<1x2x512xi32, #tpu.memory_space<vmem>> -> memref<2x512xi32, #tpu.memory_space<vmem>>
      %dma_start3A_2286 = arith.constant 24 : i32
      %dma_start3A_2287 = tpu.memref_slice %arg2[%dma_start3A_2286, %mul3A_2] : memref<50x16384xi32, #tpu.memory_space<hbm>> -> memref<2x512xi32, #tpu.memory_space<hbm>>
      tpu.enqueue_dma source(%dma_start3A_2287 : memref<2x512xi32, #tpu.memory_space<hbm>>) target(%dma_start3A_2285 : memref<2x512xi32, #tpu.memory_space<vmem>>) target_semaphore(%run_scoped3A_2275 : memref<!tpu.dma_semaphore, #tpu.memory_space<semaphore_mem>>)
      %dma_wait3A_2288 = arith.constant 0 : i32
      %dma_wait3A_2289 = arith.constant 0 : i32
      %dma_wait3A_2290 = tpu.memref_slice %arg5[%run_scoped3A_1030, %dma_wait3A_2288, %dma_wait3A_2289] : memref<2x2x512xi32, #tpu.memory_space<vmem>> -> memref<1x2x512xi32, #tpu.memory_space<vmem>>
      %dma_wait3A_2291 = tpu.memref_squeeze %dma_wait3A_2290 : memref<1x2x512xi32, #tpu.memory_space<vmem>> -> memref<2x512xi32, #tpu.memory_space<vmem>>
      %dma_wait3A_2292 = arith.constant 24 : i32
      %dma_wait3A_2293 = tpu.memref_slice %arg2[%dma_wait3A_2292, %mul3A_2] : memref<50x16384xi32, #tpu.memory_space<hbm>> -> memref<2x512xi32, #tpu.memory_space<hbm>>
      %dma_wait3A_2294 = arith.constant 0 : i32
      %dma_wait3A_2295 = arith.constant 0 : i32
      %dma_wait3A_2296 = tpu.memref_slice %arg5[%run_scoped3A_1030, %dma_wait3A_2294, %dma_wait3A_2295] : memref<2x2x512xi32, #tpu.memory_space<vmem>> -> memref<1x2x512xi32, #tpu.memory_space<vmem>>
      %dma_wait3A_2297 = tpu.memref_squeeze %dma_wait3A_2296 : memref<1x2x512xi32, #tpu.memory_space<vmem>> -> memref<2x512xi32, #tpu.memory_space<vmem>>
      %dma_wait3A_2298 = arith.constant 24 : i32
      %dma_wait3A_2299 = tpu.memref_slice %arg2[%dma_wait3A_2298, %mul3A_2] : memref<50x16384xi32, #tpu.memory_space<hbm>> -> memref<2x512xi32, #tpu.memory_space<hbm>>
      tpu.wait_dma2 semaphore(%run_scoped3A_2275 : memref<!tpu.dma_semaphore, #tpu.memory_space<semaphore_mem>>) src(%dma_wait3A_2299 : memref<2x512xi32, #tpu.memory_space<hbm>>) dst(%dma_wait3A_2297 : memref<2x512xi32, #tpu.memory_space<vmem>>)
      tpu.yield
    }) : () -> ()
    %dma_start3A_1031 = arith.constant 0 : i32
    %dma_start3A_1032 = arith.constant 0 : i32
    %dma_start3A_1033 = arith.constant 0 : i32
    %dma_start3A_1034 = arith.constant 0 : i32
    %dma_start3A_1035 = arith.constant 0 : i32
    %dma_start3A_1036 = arith.constant 0 : i32
    %dma_start3A_1037 = tpu.memref_slice %arg6[%dma_start3A_1033, %dma_start3A_1034, %dma_start3A_1035, %dma_start3A_1036] : memref<2x2x512x32xf32, #tpu.memory_space<vmem>> -> memref<1x1x512x32xf32, #tpu.memory_space<vmem>>
    %dma_start3A_1038 = tpu.memref_squeeze %dma_start3A_1037 : memref<1x1x512x32xf32, #tpu.memory_space<vmem>> -> memref<512x32xf32, #tpu.memory_space<vmem>>
    %dma_start3A_1039 = arith.constant 0 : i32
    %dma_start3A_1040 = tpu.memref_slice %arg5[%dma_start3A_1031, %dma_start3A_1032, %dma_start3A_1039] : memref<2x2x512xi32, #tpu.memory_space<vmem>> -> memref<1x1x512xi32, #tpu.memory_space<vmem>>
    %dma_start3A_1041 = tpu.memref_squeeze %dma_start3A_1040 : memref<1x1x512xi32, #tpu.memory_space<vmem>> -> memref<512xi32, #tpu.memory_space<vmem>>
    %dma_start3A_1042 = arith.constant 0 : i32
    %dma_start3A_1043 = arith.constant 0 : i32
    %dma_start3A_1044 = tpu.memref_slice %arg3[%dma_start3A_1042, %dma_start3A_1043] : memref<1000000x32xf32, #tpu.memory_space<hbm>> -> memref<1000000x32xf32, #tpu.memory_space<hbm>>
    tpu.enqueue_indirect_dma source(%dma_start3A_1044 : memref<1000000x32xf32, #tpu.memory_space<hbm>>) target(%dma_start3A_1038 : memref<512x32xf32, #tpu.memory_space<vmem>>) offsets(%dma_start3A_1041 : memref<512xi32, #tpu.memory_space<vmem>>) semaphore(%arg7 : memref<!tpu.dma_semaphore, #tpu.memory_space<semaphore_mem>>)
    %dma_start3A_1045 = arith.constant 0 : i32
    %dma_start3A_1046 = arith.constant 1 : i32
    %dma_start3A_1047 = arith.constant 0 : i32
    %dma_start3A_1048 = arith.constant 1 : i32
    %dma_start3A_1049 = arith.constant 0 : i32
    %dma_start3A_1050 = arith.constant 0 : i32
    %dma_start3A_1051 = tpu.memref_slice %arg6[%dma_start3A_1047, %dma_start3A_1048, %dma_start3A_1049, %dma_start3A_1050] : memref<2x2x512x32xf32, #tpu.memory_space<vmem>> -> memref<1x1x512x32xf32, #tpu.memory_space<vmem>>
    %dma_start3A_1052 = tpu.memref_squeeze %dma_start3A_1051 : memref<1x1x512x32xf32, #tpu.memory_space<vmem>> -> memref<512x32xf32, #tpu.memory_space<vmem>>
    %dma_start3A_1053 = arith.constant 0 : i32
    %dma_start3A_1054 = tpu.memref_slice %arg5[%dma_start3A_1045, %dma_start3A_1046, %dma_start3A_1053] : memref<2x2x512xi32, #tpu.memory_space<vmem>> -> memref<1x1x512xi32, #tpu.memory_space<vmem>>
    %dma_start3A_1055 = tpu.memref_squeeze %dma_start3A_1054 : memref<1x1x512xi32, #tpu.memory_space<vmem>> -> memref<512xi32, #tpu.memory_space<vmem>>
    %dma_start3A_1056 = arith.constant 0 : i32
    %dma_start3A_1057 = arith.constant 0 : i32
    %dma_start3A_1058 = tpu.memref_slice %arg3[%dma_start3A_1056, %dma_start3A_1057] : memref<1000000x32xf32, #tpu.memory_space<hbm>> -> memref<1000000x32xf32, #tpu.memory_space<hbm>>
    tpu.enqueue_indirect_dma source(%dma_start3A_1058 : memref<1000000x32xf32, #tpu.memory_space<hbm>>) target(%dma_start3A_1052 : memref<512x32xf32, #tpu.memory_space<vmem>>) offsets(%dma_start3A_1055 : memref<512xi32, #tpu.memory_space<vmem>>) semaphore(%arg7 : memref<!tpu.dma_semaphore, #tpu.memory_space<semaphore_mem>>)
    %dma_wait3A_1059 = arith.constant 1 : i32
    %dma_wait3A_1060 = arith.constant 0 : i32
    %dma_wait3A_1061 = arith.constant 1 : i32
    %dma_wait3A_1062 = arith.constant 0 : i32
    %dma_wait3A_1063 = arith.constant 0 : i32
    %dma_wait3A_1064 = arith.constant 0 : i32
    %dma_wait3A_1065 = tpu.memref_slice %arg6[%dma_wait3A_1061, %dma_wait3A_1062, %dma_wait3A_1063, %dma_wait3A_1064] : memref<2x2x512x32xf32, #tpu.memory_space<vmem>> -> memref<1x1x512x32xf32, #tpu.memory_space<vmem>>
    %dma_wait3A_1066 = tpu.memref_squeeze %dma_wait3A_1065 : memref<1x1x512x32xf32, #tpu.memory_space<vmem>> -> memref<512x32xf32, #tpu.memory_space<vmem>>
    %dma_wait3A_1067 = arith.constant 0 : i32
    %dma_wait3A_1068 = tpu.memref_slice %arg5[%dma_wait3A_1059, %dma_wait3A_1060, %dma_wait3A_1067] : memref<2x2x512xi32, #tpu.memory_space<vmem>> -> memref<1x1x512xi32, #tpu.memory_space<vmem>>
    %dma_wait3A_1069 = tpu.memref_squeeze %dma_wait3A_1068 : memref<1x1x512xi32, #tpu.memory_space<vmem>> -> memref<512xi32, #tpu.memory_space<vmem>>
    %dma_wait3A_1070 = arith.constant 0 : i32
    %dma_wait3A_1071 = arith.constant 0 : i32
    %dma_wait3A_1072 = tpu.memref_slice %arg3[%dma_wait3A_1070, %dma_wait3A_1071] : memref<1000000x32xf32, #tpu.memory_space<hbm>> -> memref<1000000x32xf32, #tpu.memory_space<hbm>>
    tpu.wait_indirect_dma semaphore(%arg8 : memref<!tpu.dma_semaphore, #tpu.memory_space<semaphore_mem>>) src(%dma_wait3A_1072 : memref<1000000x32xf32, #tpu.memory_space<hbm>>) dst(%dma_wait3A_1066 : memref<512x32xf32, #tpu.memory_space<vmem>>)
    %dma_wait3A_1073 = arith.constant 1 : i32
    %dma_wait3A_1074 = arith.constant 1 : i32
    %dma_wait3A_1075 = arith.constant 1 : i32
    %dma_wait3A_1076 = arith.constant 1 : i32
    %dma_wait3A_1077 = arith.constant 0 : i32
    %dma_wait3A_1078 = arith.constant 0 : i32
    %dma_wait3A_1079 = tpu.memref_slice %arg6[%dma_wait3A_1075, %dma_wait3A_1076, %dma_wait3A_1077, %dma_wait3A_1078] : memref<2x2x512x32xf32, #tpu.memory_space<vmem>> -> memref<1x1x512x32xf32, #tpu.memory_space<vmem>>
    %dma_wait3A_1080 = tpu.memref_squeeze %dma_wait3A_1079 : memref<1x1x512x32xf32, #tpu.memory_space<vmem>> -> memref<512x32xf32, #tpu.memory_space<vmem>>
    %dma_wait3A_1081 = arith.constant 0 : i32
    %dma_wait3A_1082 = tpu.memref_slice %arg5[%dma_wait3A_1073, %dma_wait3A_1074, %dma_wait3A_1081] : memref<2x2x512xi32, #tpu.memory_space<vmem>> -> memref<1x1x512xi32, #tpu.memory_space<vmem>>
    %dma_wait3A_1083 = tpu.memref_squeeze %dma_wait3A_1082 : memref<1x1x512xi32, #tpu.memory_space<vmem>> -> memref<512xi32, #tpu.memory_space<vmem>>
    %dma_wait3A_1084 = arith.constant 0 : i32
    %dma_wait3A_1085 = arith.constant 0 : i32
    %dma_wait3A_1086 = tpu.memref_slice %arg3[%dma_wait3A_1084, %dma_wait3A_1085] : memref<1000000x32xf32, #tpu.memory_space<hbm>> -> memref<1000000x32xf32, #tpu.memory_space<hbm>>
    tpu.wait_indirect_dma semaphore(%arg8 : memref<!tpu.dma_semaphore, #tpu.memory_space<semaphore_mem>>) src(%dma_wait3A_1086 : memref<1000000x32xf32, #tpu.memory_space<hbm>>) dst(%dma_wait3A_1080 : memref<512x32xf32, #tpu.memory_space<vmem>>)
    %dma_start3A_1087 = arith.constant 1 : i32
    %dma_start3A_1088 = arith.constant 0 : i32
    %dma_start3A_1089 = arith.constant 0 : i32
    %dma_start3A_1090 = arith.constant 0 : i32
    %dma_start3A_1091 = tpu.memref_slice %arg6[%dma_start3A_1087, %dma_start3A_1088, %dma_start3A_1089, %dma_start3A_1090] : memref<2x2x512x32xf32, #tpu.memory_space<vmem>> -> memref<1x2x512x32xf32, #tpu.memory_space<vmem>>
    %dma_start3A_1092 = tpu.memref_squeeze %dma_start3A_1091 : memref<1x2x512x32xf32, #tpu.memory_space<vmem>> -> memref<2x512x32xf32, #tpu.memory_space<vmem>>
    %dma_start3A_1093 = arith.constant 22 : i32
    %dma_start3A_1094 = arith.constant 0 : i32
    %dma_start3A_1095 = tpu.memref_slice %arg4[%dma_start3A_1093, %mul3A_2, %dma_start3A_1094] : memref<50x16384x32xf32, #tpu.memory_space<hbm>> -> memref<2x512x32xf32, #tpu.memory_space<hbm>>
    %dma_start3A_1096 = arith.constant 22 : i32
    %dma_start3A_1097 = arith.constant 0 : i32
    %dma_start3A_1098 = tpu.memref_slice %arg4[%dma_start3A_1096, %mul3A_2, %dma_start3A_1097] : memref<50x16384x32xf32, #tpu.memory_space<hbm>> -> memref<2x512x32xf32, #tpu.memory_space<hbm>>
    %dma_start3A_1099 = arith.constant 0 : i32
    %dma_start3A_1100 = arith.constant 0 : i32
    %dma_start3A_1101 = arith.constant 0 : i32
    %dma_start3A_1102 = tpu.memref_slice %arg6[%dma_start3A_1087, %dma_start3A_1099, %dma_start3A_1100, %dma_start3A_1101] : memref<2x2x512x32xf32, #tpu.memory_space<vmem>> -> memref<1x2x512x32xf32, #tpu.memory_space<vmem>>
    %dma_start3A_1103 = tpu.memref_squeeze %dma_start3A_1102 : memref<1x2x512x32xf32, #tpu.memory_space<vmem>> -> memref<2x512x32xf32, #tpu.memory_space<vmem>>
    tpu.enqueue_dma source(%dma_start3A_1103 : memref<2x512x32xf32, #tpu.memory_space<vmem>>) target(%dma_start3A_1098 : memref<2x512x32xf32, #tpu.memory_space<hbm>>) target_semaphore(%arg10 : memref<!tpu.dma_semaphore, #tpu.memory_space<semaphore_mem>>)
    %dma_wait3A_1104 = arith.constant 1 : i32
    %dma_wait3A_1105 = arith.constant 0 : i32
    %dma_wait3A_1106 = arith.constant 0 : i32
    %dma_wait3A_1107 = arith.constant 0 : i32
    %dma_wait3A_1108 = tpu.memref_slice %arg6[%dma_wait3A_1104, %dma_wait3A_1105, %dma_wait3A_1106, %dma_wait3A_1107] : memref<2x2x512x32xf32, #tpu.memory_space<vmem>> -> memref<1x2x512x32xf32, #tpu.memory_space<vmem>>
    %dma_wait3A_1109 = tpu.memref_squeeze %dma_wait3A_1108 : memref<1x2x512x32xf32, #tpu.memory_space<vmem>> -> memref<2x512x32xf32, #tpu.memory_space<vmem>>
    %dma_wait3A_1110 = arith.constant 22 : i32
    %dma_wait3A_1111 = arith.constant 0 : i32
    %dma_wait3A_1112 = tpu.memref_slice %arg4[%dma_wait3A_1110, %mul3A_2, %dma_wait3A_1111] : memref<50x16384x32xf32, #tpu.memory_space<hbm>> -> memref<2x512x32xf32, #tpu.memory_space<hbm>>
    %dma_wait3A_1113 = arith.constant 22 : i32
    %dma_wait3A_1114 = arith.constant 0 : i32
    %dma_wait3A_1115 = tpu.memref_slice %arg4[%dma_wait3A_1113, %mul3A_2, %dma_wait3A_1114] : memref<50x16384x32xf32, #tpu.memory_space<hbm>> -> memref<2x512x32xf32, #tpu.memory_space<hbm>>
    %dma_wait3A_1116 = arith.constant 0 : i32
    %dma_wait3A_1117 = arith.constant 0 : i32
    %dma_wait3A_1118 = arith.constant 0 : i32
    %dma_wait3A_1119 = tpu.memref_slice %arg6[%dma_wait3A_1104, %dma_wait3A_1116, %dma_wait3A_1117, %dma_wait3A_1118] : memref<2x2x512x32xf32, #tpu.memory_space<vmem>> -> memref<1x2x512x32xf32, #tpu.memory_space<vmem>>
    %dma_wait3A_1120 = tpu.memref_squeeze %dma_wait3A_1119 : memref<1x2x512x32xf32, #tpu.memory_space<vmem>> -> memref<2x512x32xf32, #tpu.memory_space<vmem>>
    tpu.wait_dma2 semaphore(%arg10 : memref<!tpu.dma_semaphore, #tpu.memory_space<semaphore_mem>>) src(%dma_wait3A_1120 : memref<2x512x32xf32, #tpu.memory_space<vmem>>) dst(%dma_wait3A_1115 : memref<2x512x32xf32, #tpu.memory_space<hbm>>)
    %run_scoped3A_1121 = arith.constant 1 : i32
    "tpu.region"() ({
      %run_scoped3A_2275 = tpu.sem_alloc : memref<!tpu.dma_semaphore, #tpu.memory_space<semaphore_mem>>
      %dma_start3A_2276 = arith.constant 0 : i32
      %dma_start3A_2277 = arith.constant 0 : i32
      %dma_start3A_2278 = tpu.memref_slice %arg5[%run_scoped3A_1121, %dma_start3A_2276, %dma_start3A_2277] : memref<2x2x512xi32, #tpu.memory_space<vmem>> -> memref<1x2x512xi32, #tpu.memory_space<vmem>>
      %dma_start3A_2279 = tpu.memref_squeeze %dma_start3A_2278 : memref<1x2x512xi32, #tpu.memory_space<vmem>> -> memref<2x512xi32, #tpu.memory_space<vmem>>
      %dma_start3A_2280 = arith.constant 26 : i32
      %dma_start3A_2281 = tpu.memref_slice %arg2[%dma_start3A_2280, %mul3A_2] : memref<50x16384xi32, #tpu.memory_space<hbm>> -> memref<2x512xi32, #tpu.memory_space<hbm>>
      %dma_start3A_2282 = arith.constant 0 : i32
      %dma_start3A_2283 = arith.constant 0 : i32
      %dma_start3A_2284 = tpu.memref_slice %arg5[%run_scoped3A_1121, %dma_start3A_2282, %dma_start3A_2283] : memref<2x2x512xi32, #tpu.memory_space<vmem>> -> memref<1x2x512xi32, #tpu.memory_space<vmem>>
      %dma_start3A_2285 = tpu.memref_squeeze %dma_start3A_2284 : memref<1x2x512xi32, #tpu.memory_space<vmem>> -> memref<2x512xi32, #tpu.memory_space<vmem>>
      %dma_start3A_2286 = arith.constant 26 : i32
      %dma_start3A_2287 = tpu.memref_slice %arg2[%dma_start3A_2286, %mul3A_2] : memref<50x16384xi32, #tpu.memory_space<hbm>> -> memref<2x512xi32, #tpu.memory_space<hbm>>
      tpu.enqueue_dma source(%dma_start3A_2287 : memref<2x512xi32, #tpu.memory_space<hbm>>) target(%dma_start3A_2285 : memref<2x512xi32, #tpu.memory_space<vmem>>) target_semaphore(%run_scoped3A_2275 : memref<!tpu.dma_semaphore, #tpu.memory_space<semaphore_mem>>)
      %dma_wait3A_2288 = arith.constant 0 : i32
      %dma_wait3A_2289 = arith.constant 0 : i32
      %dma_wait3A_2290 = tpu.memref_slice %arg5[%run_scoped3A_1121, %dma_wait3A_2288, %dma_wait3A_2289] : memref<2x2x512xi32, #tpu.memory_space<vmem>> -> memref<1x2x512xi32, #tpu.memory_space<vmem>>
      %dma_wait3A_2291 = tpu.memref_squeeze %dma_wait3A_2290 : memref<1x2x512xi32, #tpu.memory_space<vmem>> -> memref<2x512xi32, #tpu.memory_space<vmem>>
      %dma_wait3A_2292 = arith.constant 26 : i32
      %dma_wait3A_2293 = tpu.memref_slice %arg2[%dma_wait3A_2292, %mul3A_2] : memref<50x16384xi32, #tpu.memory_space<hbm>> -> memref<2x512xi32, #tpu.memory_space<hbm>>
      %dma_wait3A_2294 = arith.constant 0 : i32
      %dma_wait3A_2295 = arith.constant 0 : i32
      %dma_wait3A_2296 = tpu.memref_slice %arg5[%run_scoped3A_1121, %dma_wait3A_2294, %dma_wait3A_2295] : memref<2x2x512xi32, #tpu.memory_space<vmem>> -> memref<1x2x512xi32, #tpu.memory_space<vmem>>
      %dma_wait3A_2297 = tpu.memref_squeeze %dma_wait3A_2296 : memref<1x2x512xi32, #tpu.memory_space<vmem>> -> memref<2x512xi32, #tpu.memory_space<vmem>>
      %dma_wait3A_2298 = arith.constant 26 : i32
      %dma_wait3A_2299 = tpu.memref_slice %arg2[%dma_wait3A_2298, %mul3A_2] : memref<50x16384xi32, #tpu.memory_space<hbm>> -> memref<2x512xi32, #tpu.memory_space<hbm>>
      tpu.wait_dma2 semaphore(%run_scoped3A_2275 : memref<!tpu.dma_semaphore, #tpu.memory_space<semaphore_mem>>) src(%dma_wait3A_2299 : memref<2x512xi32, #tpu.memory_space<hbm>>) dst(%dma_wait3A_2297 : memref<2x512xi32, #tpu.memory_space<vmem>>)
      tpu.yield
    }) : () -> ()
    %dma_start3A_1122 = arith.constant 1 : i32
    %dma_start3A_1123 = arith.constant 0 : i32
    %dma_start3A_1124 = arith.constant 1 : i32
    %dma_start3A_1125 = arith.constant 0 : i32
    %dma_start3A_1126 = arith.constant 0 : i32
    %dma_start3A_1127 = arith.constant 0 : i32
    %dma_start3A_1128 = tpu.memref_slice %arg6[%dma_start3A_1124, %dma_start3A_1125, %dma_start3A_1126, %dma_start3A_1127] : memref<2x2x512x32xf32, #tpu.memory_space<vmem>> -> memref<1x1x512x32xf32, #tpu.memory_space<vmem>>
    %dma_start3A_1129 = tpu.memref_squeeze %dma_start3A_1128 : memref<1x1x512x32xf32, #tpu.memory_space<vmem>> -> memref<512x32xf32, #tpu.memory_space<vmem>>
    %dma_start3A_1130 = arith.constant 0 : i32
    %dma_start3A_1131 = tpu.memref_slice %arg5[%dma_start3A_1122, %dma_start3A_1123, %dma_start3A_1130] : memref<2x2x512xi32, #tpu.memory_space<vmem>> -> memref<1x1x512xi32, #tpu.memory_space<vmem>>
    %dma_start3A_1132 = tpu.memref_squeeze %dma_start3A_1131 : memref<1x1x512xi32, #tpu.memory_space<vmem>> -> memref<512xi32, #tpu.memory_space<vmem>>
    %dma_start3A_1133 = arith.constant 0 : i32
    %dma_start3A_1134 = arith.constant 0 : i32
    %dma_start3A_1135 = tpu.memref_slice %arg3[%dma_start3A_1133, %dma_start3A_1134] : memref<1000000x32xf32, #tpu.memory_space<hbm>> -> memref<1000000x32xf32, #tpu.memory_space<hbm>>
    tpu.enqueue_indirect_dma source(%dma_start3A_1135 : memref<1000000x32xf32, #tpu.memory_space<hbm>>) target(%dma_start3A_1129 : memref<512x32xf32, #tpu.memory_space<vmem>>) offsets(%dma_start3A_1132 : memref<512xi32, #tpu.memory_space<vmem>>) semaphore(%arg8 : memref<!tpu.dma_semaphore, #tpu.memory_space<semaphore_mem>>)
    %dma_start3A_1136 = arith.constant 1 : i32
    %dma_start3A_1137 = arith.constant 1 : i32
    %dma_start3A_1138 = arith.constant 1 : i32
    %dma_start3A_1139 = arith.constant 1 : i32
    %dma_start3A_1140 = arith.constant 0 : i32
    %dma_start3A_1141 = arith.constant 0 : i32
    %dma_start3A_1142 = tpu.memref_slice %arg6[%dma_start3A_1138, %dma_start3A_1139, %dma_start3A_1140, %dma_start3A_1141] : memref<2x2x512x32xf32, #tpu.memory_space<vmem>> -> memref<1x1x512x32xf32, #tpu.memory_space<vmem>>
    %dma_start3A_1143 = tpu.memref_squeeze %dma_start3A_1142 : memref<1x1x512x32xf32, #tpu.memory_space<vmem>> -> memref<512x32xf32, #tpu.memory_space<vmem>>
    %dma_start3A_1144 = arith.constant 0 : i32
    %dma_start3A_1145 = tpu.memref_slice %arg5[%dma_start3A_1136, %dma_start3A_1137, %dma_start3A_1144] : memref<2x2x512xi32, #tpu.memory_space<vmem>> -> memref<1x1x512xi32, #tpu.memory_space<vmem>>
    %dma_start3A_1146 = tpu.memref_squeeze %dma_start3A_1145 : memref<1x1x512xi32, #tpu.memory_space<vmem>> -> memref<512xi32, #tpu.memory_space<vmem>>
    %dma_start3A_1147 = arith.constant 0 : i32
    %dma_start3A_1148 = arith.constant 0 : i32
    %dma_start3A_1149 = tpu.memref_slice %arg3[%dma_start3A_1147, %dma_start3A_1148] : memref<1000000x32xf32, #tpu.memory_space<hbm>> -> memref<1000000x32xf32, #tpu.memory_space<hbm>>
    tpu.enqueue_indirect_dma source(%dma_start3A_1149 : memref<1000000x32xf32, #tpu.memory_space<hbm>>) target(%dma_start3A_1143 : memref<512x32xf32, #tpu.memory_space<vmem>>) offsets(%dma_start3A_1146 : memref<512xi32, #tpu.memory_space<vmem>>) semaphore(%arg8 : memref<!tpu.dma_semaphore, #tpu.memory_space<semaphore_mem>>)
    %dma_wait3A_1150 = arith.constant 0 : i32
    %dma_wait3A_1151 = arith.constant 0 : i32
    %dma_wait3A_1152 = arith.constant 0 : i32
    %dma_wait3A_1153 = arith.constant 0 : i32
    %dma_wait3A_1154 = arith.constant 0 : i32
    %dma_wait3A_1155 = arith.constant 0 : i32
    %dma_wait3A_1156 = tpu.memref_slice %arg6[%dma_wait3A_1152, %dma_wait3A_1153, %dma_wait3A_1154, %dma_wait3A_1155] : memref<2x2x512x32xf32, #tpu.memory_space<vmem>> -> memref<1x1x512x32xf32, #tpu.memory_space<vmem>>
    %dma_wait3A_1157 = tpu.memref_squeeze %dma_wait3A_1156 : memref<1x1x512x32xf32, #tpu.memory_space<vmem>> -> memref<512x32xf32, #tpu.memory_space<vmem>>
    %dma_wait3A_1158 = arith.constant 0 : i32
    %dma_wait3A_1159 = tpu.memref_slice %arg5[%dma_wait3A_1150, %dma_wait3A_1151, %dma_wait3A_1158] : memref<2x2x512xi32, #tpu.memory_space<vmem>> -> memref<1x1x512xi32, #tpu.memory_space<vmem>>
    %dma_wait3A_1160 = tpu.memref_squeeze %dma_wait3A_1159 : memref<1x1x512xi32, #tpu.memory_space<vmem>> -> memref<512xi32, #tpu.memory_space<vmem>>
    %dma_wait3A_1161 = arith.constant 0 : i32
    %dma_wait3A_1162 = arith.constant 0 : i32
    %dma_wait3A_1163 = tpu.memref_slice %arg3[%dma_wait3A_1161, %dma_wait3A_1162] : memref<1000000x32xf32, #tpu.memory_space<hbm>> -> memref<1000000x32xf32, #tpu.memory_space<hbm>>
    tpu.wait_indirect_dma semaphore(%arg7 : memref<!tpu.dma_semaphore, #tpu.memory_space<semaphore_mem>>) src(%dma_wait3A_1163 : memref<1000000x32xf32, #tpu.memory_space<hbm>>) dst(%dma_wait3A_1157 : memref<512x32xf32, #tpu.memory_space<vmem>>)
    %dma_wait3A_1164 = arith.constant 0 : i32
    %dma_wait3A_1165 = arith.constant 1 : i32
    %dma_wait3A_1166 = arith.constant 0 : i32
    %dma_wait3A_1167 = arith.constant 1 : i32
    %dma_wait3A_1168 = arith.constant 0 : i32
    %dma_wait3A_1169 = arith.constant 0 : i32
    %dma_wait3A_1170 = tpu.memref_slice %arg6[%dma_wait3A_1166, %dma_wait3A_1167, %dma_wait3A_1168, %dma_wait3A_1169] : memref<2x2x512x32xf32, #tpu.memory_space<vmem>> -> memref<1x1x512x32xf32, #tpu.memory_space<vmem>>
    %dma_wait3A_1171 = tpu.memref_squeeze %dma_wait3A_1170 : memref<1x1x512x32xf32, #tpu.memory_space<vmem>> -> memref<512x32xf32, #tpu.memory_space<vmem>>
    %dma_wait3A_1172 = arith.constant 0 : i32
    %dma_wait3A_1173 = tpu.memref_slice %arg5[%dma_wait3A_1164, %dma_wait3A_1165, %dma_wait3A_1172] : memref<2x2x512xi32, #tpu.memory_space<vmem>> -> memref<1x1x512xi32, #tpu.memory_space<vmem>>
    %dma_wait3A_1174 = tpu.memref_squeeze %dma_wait3A_1173 : memref<1x1x512xi32, #tpu.memory_space<vmem>> -> memref<512xi32, #tpu.memory_space<vmem>>
    %dma_wait3A_1175 = arith.constant 0 : i32
    %dma_wait3A_1176 = arith.constant 0 : i32
    %dma_wait3A_1177 = tpu.memref_slice %arg3[%dma_wait3A_1175, %dma_wait3A_1176] : memref<1000000x32xf32, #tpu.memory_space<hbm>> -> memref<1000000x32xf32, #tpu.memory_space<hbm>>
    tpu.wait_indirect_dma semaphore(%arg7 : memref<!tpu.dma_semaphore, #tpu.memory_space<semaphore_mem>>) src(%dma_wait3A_1177 : memref<1000000x32xf32, #tpu.memory_space<hbm>>) dst(%dma_wait3A_1171 : memref<512x32xf32, #tpu.memory_space<vmem>>)
    %dma_start3A_1178 = arith.constant 0 : i32
    %dma_start3A_1179 = arith.constant 0 : i32
    %dma_start3A_1180 = arith.constant 0 : i32
    %dma_start3A_1181 = arith.constant 0 : i32
    %dma_start3A_1182 = tpu.memref_slice %arg6[%dma_start3A_1178, %dma_start3A_1179, %dma_start3A_1180, %dma_start3A_1181] : memref<2x2x512x32xf32, #tpu.memory_space<vmem>> -> memref<1x2x512x32xf32, #tpu.memory_space<vmem>>
    %dma_start3A_1183 = tpu.memref_squeeze %dma_start3A_1182 : memref<1x2x512x32xf32, #tpu.memory_space<vmem>> -> memref<2x512x32xf32, #tpu.memory_space<vmem>>
    %dma_start3A_1184 = arith.constant 24 : i32
    %dma_start3A_1185 = arith.constant 0 : i32
    %dma_start3A_1186 = tpu.memref_slice %arg4[%dma_start3A_1184, %mul3A_2, %dma_start3A_1185] : memref<50x16384x32xf32, #tpu.memory_space<hbm>> -> memref<2x512x32xf32, #tpu.memory_space<hbm>>
    %dma_start3A_1187 = arith.constant 24 : i32
    %dma_start3A_1188 = arith.constant 0 : i32
    %dma_start3A_1189 = tpu.memref_slice %arg4[%dma_start3A_1187, %mul3A_2, %dma_start3A_1188] : memref<50x16384x32xf32, #tpu.memory_space<hbm>> -> memref<2x512x32xf32, #tpu.memory_space<hbm>>
    %dma_start3A_1190 = arith.constant 0 : i32
    %dma_start3A_1191 = arith.constant 0 : i32
    %dma_start3A_1192 = arith.constant 0 : i32
    %dma_start3A_1193 = tpu.memref_slice %arg6[%dma_start3A_1178, %dma_start3A_1190, %dma_start3A_1191, %dma_start3A_1192] : memref<2x2x512x32xf32, #tpu.memory_space<vmem>> -> memref<1x2x512x32xf32, #tpu.memory_space<vmem>>
    %dma_start3A_1194 = tpu.memref_squeeze %dma_start3A_1193 : memref<1x2x512x32xf32, #tpu.memory_space<vmem>> -> memref<2x512x32xf32, #tpu.memory_space<vmem>>
    tpu.enqueue_dma source(%dma_start3A_1194 : memref<2x512x32xf32, #tpu.memory_space<vmem>>) target(%dma_start3A_1189 : memref<2x512x32xf32, #tpu.memory_space<hbm>>) target_semaphore(%arg9 : memref<!tpu.dma_semaphore, #tpu.memory_space<semaphore_mem>>)
    %dma_wait3A_1195 = arith.constant 0 : i32
    %dma_wait3A_1196 = arith.constant 0 : i32
    %dma_wait3A_1197 = arith.constant 0 : i32
    %dma_wait3A_1198 = arith.constant 0 : i32
    %dma_wait3A_1199 = tpu.memref_slice %arg6[%dma_wait3A_1195, %dma_wait3A_1196, %dma_wait3A_1197, %dma_wait3A_1198] : memref<2x2x512x32xf32, #tpu.memory_space<vmem>> -> memref<1x2x512x32xf32, #tpu.memory_space<vmem>>
    %dma_wait3A_1200 = tpu.memref_squeeze %dma_wait3A_1199 : memref<1x2x512x32xf32, #tpu.memory_space<vmem>> -> memref<2x512x32xf32, #tpu.memory_space<vmem>>
    %dma_wait3A_1201 = arith.constant 24 : i32
    %dma_wait3A_1202 = arith.constant 0 : i32
    %dma_wait3A_1203 = tpu.memref_slice %arg4[%dma_wait3A_1201, %mul3A_2, %dma_wait3A_1202] : memref<50x16384x32xf32, #tpu.memory_space<hbm>> -> memref<2x512x32xf32, #tpu.memory_space<hbm>>
    %dma_wait3A_1204 = arith.constant 24 : i32
    %dma_wait3A_1205 = arith.constant 0 : i32
    %dma_wait3A_1206 = tpu.memref_slice %arg4[%dma_wait3A_1204, %mul3A_2, %dma_wait3A_1205] : memref<50x16384x32xf32, #tpu.memory_space<hbm>> -> memref<2x512x32xf32, #tpu.memory_space<hbm>>
    %dma_wait3A_1207 = arith.constant 0 : i32
    %dma_wait3A_1208 = arith.constant 0 : i32
    %dma_wait3A_1209 = arith.constant 0 : i32
    %dma_wait3A_1210 = tpu.memref_slice %arg6[%dma_wait3A_1195, %dma_wait3A_1207, %dma_wait3A_1208, %dma_wait3A_1209] : memref<2x2x512x32xf32, #tpu.memory_space<vmem>> -> memref<1x2x512x32xf32, #tpu.memory_space<vmem>>
    %dma_wait3A_1211 = tpu.memref_squeeze %dma_wait3A_1210 : memref<1x2x512x32xf32, #tpu.memory_space<vmem>> -> memref<2x512x32xf32, #tpu.memory_space<vmem>>
    tpu.wait_dma2 semaphore(%arg9 : memref<!tpu.dma_semaphore, #tpu.memory_space<semaphore_mem>>) src(%dma_wait3A_1211 : memref<2x512x32xf32, #tpu.memory_space<vmem>>) dst(%dma_wait3A_1206 : memref<2x512x32xf32, #tpu.memory_space<hbm>>)
    %run_scoped3A_1212 = arith.constant 0 : i32
    "tpu.region"() ({
      %run_scoped3A_2275 = tpu.sem_alloc : memref<!tpu.dma_semaphore, #tpu.memory_space<semaphore_mem>>
      %dma_start3A_2276 = arith.constant 0 : i32
      %dma_start3A_2277 = arith.constant 0 : i32
      %dma_start3A_2278 = tpu.memref_slice %arg5[%run_scoped3A_1212, %dma_start3A_2276, %dma_start3A_2277] : memref<2x2x512xi32, #tpu.memory_space<vmem>> -> memref<1x2x512xi32, #tpu.memory_space<vmem>>
      %dma_start3A_2279 = tpu.memref_squeeze %dma_start3A_2278 : memref<1x2x512xi32, #tpu.memory_space<vmem>> -> memref<2x512xi32, #tpu.memory_space<vmem>>
      %dma_start3A_2280 = arith.constant 28 : i32
      %dma_start3A_2281 = tpu.memref_slice %arg2[%dma_start3A_2280, %mul3A_2] : memref<50x16384xi32, #tpu.memory_space<hbm>> -> memref<2x512xi32, #tpu.memory_space<hbm>>
      %dma_start3A_2282 = arith.constant 0 : i32
      %dma_start3A_2283 = arith.constant 0 : i32
      %dma_start3A_2284 = tpu.memref_slice %arg5[%run_scoped3A_1212, %dma_start3A_2282, %dma_start3A_2283] : memref<2x2x512xi32, #tpu.memory_space<vmem>> -> memref<1x2x512xi32, #tpu.memory_space<vmem>>
      %dma_start3A_2285 = tpu.memref_squeeze %dma_start3A_2284 : memref<1x2x512xi32, #tpu.memory_space<vmem>> -> memref<2x512xi32, #tpu.memory_space<vmem>>
      %dma_start3A_2286 = arith.constant 28 : i32
      %dma_start3A_2287 = tpu.memref_slice %arg2[%dma_start3A_2286, %mul3A_2] : memref<50x16384xi32, #tpu.memory_space<hbm>> -> memref<2x512xi32, #tpu.memory_space<hbm>>
      tpu.enqueue_dma source(%dma_start3A_2287 : memref<2x512xi32, #tpu.memory_space<hbm>>) target(%dma_start3A_2285 : memref<2x512xi32, #tpu.memory_space<vmem>>) target_semaphore(%run_scoped3A_2275 : memref<!tpu.dma_semaphore, #tpu.memory_space<semaphore_mem>>)
      %dma_wait3A_2288 = arith.constant 0 : i32
      %dma_wait3A_2289 = arith.constant 0 : i32
      %dma_wait3A_2290 = tpu.memref_slice %arg5[%run_scoped3A_1212, %dma_wait3A_2288, %dma_wait3A_2289] : memref<2x2x512xi32, #tpu.memory_space<vmem>> -> memref<1x2x512xi32, #tpu.memory_space<vmem>>
      %dma_wait3A_2291 = tpu.memref_squeeze %dma_wait3A_2290 : memref<1x2x512xi32, #tpu.memory_space<vmem>> -> memref<2x512xi32, #tpu.memory_space<vmem>>
      %dma_wait3A_2292 = arith.constant 28 : i32
      %dma_wait3A_2293 = tpu.memref_slice %arg2[%dma_wait3A_2292, %mul3A_2] : memref<50x16384xi32, #tpu.memory_space<hbm>> -> memref<2x512xi32, #tpu.memory_space<hbm>>
      %dma_wait3A_2294 = arith.constant 0 : i32
      %dma_wait3A_2295 = arith.constant 0 : i32
      %dma_wait3A_2296 = tpu.memref_slice %arg5[%run_scoped3A_1212, %dma_wait3A_2294, %dma_wait3A_2295] : memref<2x2x512xi32, #tpu.memory_space<vmem>> -> memref<1x2x512xi32, #tpu.memory_space<vmem>>
      %dma_wait3A_2297 = tpu.memref_squeeze %dma_wait3A_2296 : memref<1x2x512xi32, #tpu.memory_space<vmem>> -> memref<2x512xi32, #tpu.memory_space<vmem>>
      %dma_wait3A_2298 = arith.constant 28 : i32
      %dma_wait3A_2299 = tpu.memref_slice %arg2[%dma_wait3A_2298, %mul3A_2] : memref<50x16384xi32, #tpu.memory_space<hbm>> -> memref<2x512xi32, #tpu.memory_space<hbm>>
      tpu.wait_dma2 semaphore(%run_scoped3A_2275 : memref<!tpu.dma_semaphore, #tpu.memory_space<semaphore_mem>>) src(%dma_wait3A_2299 : memref<2x512xi32, #tpu.memory_space<hbm>>) dst(%dma_wait3A_2297 : memref<2x512xi32, #tpu.memory_space<vmem>>)
      tpu.yield
    }) : () -> ()
    %dma_start3A_1213 = arith.constant 0 : i32
    %dma_start3A_1214 = arith.constant 0 : i32
    %dma_start3A_1215 = arith.constant 0 : i32
    %dma_start3A_1216 = arith.constant 0 : i32
    %dma_start3A_1217 = arith.constant 0 : i32
    %dma_start3A_1218 = arith.constant 0 : i32
    %dma_start3A_1219 = tpu.memref_slice %arg6[%dma_start3A_1215, %dma_start3A_1216, %dma_start3A_1217, %dma_start3A_1218] : memref<2x2x512x32xf32, #tpu.memory_space<vmem>> -> memref<1x1x512x32xf32, #tpu.memory_space<vmem>>
    %dma_start3A_1220 = tpu.memref_squeeze %dma_start3A_1219 : memref<1x1x512x32xf32, #tpu.memory_space<vmem>> -> memref<512x32xf32, #tpu.memory_space<vmem>>
    %dma_start3A_1221 = arith.constant 0 : i32
    %dma_start3A_1222 = tpu.memref_slice %arg5[%dma_start3A_1213, %dma_start3A_1214, %dma_start3A_1221] : memref<2x2x512xi32, #tpu.memory_space<vmem>> -> memref<1x1x512xi32, #tpu.memory_space<vmem>>
    %dma_start3A_1223 = tpu.memref_squeeze %dma_start3A_1222 : memref<1x1x512xi32, #tpu.memory_space<vmem>> -> memref<512xi32, #tpu.memory_space<vmem>>
    %dma_start3A_1224 = arith.constant 0 : i32
    %dma_start3A_1225 = arith.constant 0 : i32
    %dma_start3A_1226 = tpu.memref_slice %arg3[%dma_start3A_1224, %dma_start3A_1225] : memref<1000000x32xf32, #tpu.memory_space<hbm>> -> memref<1000000x32xf32, #tpu.memory_space<hbm>>
    tpu.enqueue_indirect_dma source(%dma_start3A_1226 : memref<1000000x32xf32, #tpu.memory_space<hbm>>) target(%dma_start3A_1220 : memref<512x32xf32, #tpu.memory_space<vmem>>) offsets(%dma_start3A_1223 : memref<512xi32, #tpu.memory_space<vmem>>) semaphore(%arg7 : memref<!tpu.dma_semaphore, #tpu.memory_space<semaphore_mem>>)
    %dma_start3A_1227 = arith.constant 0 : i32
    %dma_start3A_1228 = arith.constant 1 : i32
    %dma_start3A_1229 = arith.constant 0 : i32
    %dma_start3A_1230 = arith.constant 1 : i32
    %dma_start3A_1231 = arith.constant 0 : i32
    %dma_start3A_1232 = arith.constant 0 : i32
    %dma_start3A_1233 = tpu.memref_slice %arg6[%dma_start3A_1229, %dma_start3A_1230, %dma_start3A_1231, %dma_start3A_1232] : memref<2x2x512x32xf32, #tpu.memory_space<vmem>> -> memref<1x1x512x32xf32, #tpu.memory_space<vmem>>
    %dma_start3A_1234 = tpu.memref_squeeze %dma_start3A_1233 : memref<1x1x512x32xf32, #tpu.memory_space<vmem>> -> memref<512x32xf32, #tpu.memory_space<vmem>>
    %dma_start3A_1235 = arith.constant 0 : i32
    %dma_start3A_1236 = tpu.memref_slice %arg5[%dma_start3A_1227, %dma_start3A_1228, %dma_start3A_1235] : memref<2x2x512xi32, #tpu.memory_space<vmem>> -> memref<1x1x512xi32, #tpu.memory_space<vmem>>
    %dma_start3A_1237 = tpu.memref_squeeze %dma_start3A_1236 : memref<1x1x512xi32, #tpu.memory_space<vmem>> -> memref<512xi32, #tpu.memory_space<vmem>>
    %dma_start3A_1238 = arith.constant 0 : i32
    %dma_start3A_1239 = arith.constant 0 : i32
    %dma_start3A_1240 = tpu.memref_slice %arg3[%dma_start3A_1238, %dma_start3A_1239] : memref<1000000x32xf32, #tpu.memory_space<hbm>> -> memref<1000000x32xf32, #tpu.memory_space<hbm>>
    tpu.enqueue_indirect_dma source(%dma_start3A_1240 : memref<1000000x32xf32, #tpu.memory_space<hbm>>) target(%dma_start3A_1234 : memref<512x32xf32, #tpu.memory_space<vmem>>) offsets(%dma_start3A_1237 : memref<512xi32, #tpu.memory_space<vmem>>) semaphore(%arg7 : memref<!tpu.dma_semaphore, #tpu.memory_space<semaphore_mem>>)
    %dma_wait3A_1241 = arith.constant 1 : i32
    %dma_wait3A_1242 = arith.constant 0 : i32
    %dma_wait3A_1243 = arith.constant 1 : i32
    %dma_wait3A_1244 = arith.constant 0 : i32
    %dma_wait3A_1245 = arith.constant 0 : i32
    %dma_wait3A_1246 = arith.constant 0 : i32
    %dma_wait3A_1247 = tpu.memref_slice %arg6[%dma_wait3A_1243, %dma_wait3A_1244, %dma_wait3A_1245, %dma_wait3A_1246] : memref<2x2x512x32xf32, #tpu.memory_space<vmem>> -> memref<1x1x512x32xf32, #tpu.memory_space<vmem>>
    %dma_wait3A_1248 = tpu.memref_squeeze %dma_wait3A_1247 : memref<1x1x512x32xf32, #tpu.memory_space<vmem>> -> memref<512x32xf32, #tpu.memory_space<vmem>>
    %dma_wait3A_1249 = arith.constant 0 : i32
    %dma_wait3A_1250 = tpu.memref_slice %arg5[%dma_wait3A_1241, %dma_wait3A_1242, %dma_wait3A_1249] : memref<2x2x512xi32, #tpu.memory_space<vmem>> -> memref<1x1x512xi32, #tpu.memory_space<vmem>>
    %dma_wait3A_1251 = tpu.memref_squeeze %dma_wait3A_1250 : memref<1x1x512xi32, #tpu.memory_space<vmem>> -> memref<512xi32, #tpu.memory_space<vmem>>
    %dma_wait3A_1252 = arith.constant 0 : i32
    %dma_wait3A_1253 = arith.constant 0 : i32
    %dma_wait3A_1254 = tpu.memref_slice %arg3[%dma_wait3A_1252, %dma_wait3A_1253] : memref<1000000x32xf32, #tpu.memory_space<hbm>> -> memref<1000000x32xf32, #tpu.memory_space<hbm>>
    tpu.wait_indirect_dma semaphore(%arg8 : memref<!tpu.dma_semaphore, #tpu.memory_space<semaphore_mem>>) src(%dma_wait3A_1254 : memref<1000000x32xf32, #tpu.memory_space<hbm>>) dst(%dma_wait3A_1248 : memref<512x32xf32, #tpu.memory_space<vmem>>)
    %dma_wait3A_1255 = arith.constant 1 : i32
    %dma_wait3A_1256 = arith.constant 1 : i32
    %dma_wait3A_1257 = arith.constant 1 : i32
    %dma_wait3A_1258 = arith.constant 1 : i32
    %dma_wait3A_1259 = arith.constant 0 : i32
    %dma_wait3A_1260 = arith.constant 0 : i32
    %dma_wait3A_1261 = tpu.memref_slice %arg6[%dma_wait3A_1257, %dma_wait3A_1258, %dma_wait3A_1259, %dma_wait3A_1260] : memref<2x2x512x32xf32, #tpu.memory_space<vmem>> -> memref<1x1x512x32xf32, #tpu.memory_space<vmem>>
    %dma_wait3A_1262 = tpu.memref_squeeze %dma_wait3A_1261 : memref<1x1x512x32xf32, #tpu.memory_space<vmem>> -> memref<512x32xf32, #tpu.memory_space<vmem>>
    %dma_wait3A_1263 = arith.constant 0 : i32
    %dma_wait3A_1264 = tpu.memref_slice %arg5[%dma_wait3A_1255, %dma_wait3A_1256, %dma_wait3A_1263] : memref<2x2x512xi32, #tpu.memory_space<vmem>> -> memref<1x1x512xi32, #tpu.memory_space<vmem>>
    %dma_wait3A_1265 = tpu.memref_squeeze %dma_wait3A_1264 : memref<1x1x512xi32, #tpu.memory_space<vmem>> -> memref<512xi32, #tpu.memory_space<vmem>>
    %dma_wait3A_1266 = arith.constant 0 : i32
    %dma_wait3A_1267 = arith.constant 0 : i32
    %dma_wait3A_1268 = tpu.memref_slice %arg3[%dma_wait3A_1266, %dma_wait3A_1267] : memref<1000000x32xf32, #tpu.memory_space<hbm>> -> memref<1000000x32xf32, #tpu.memory_space<hbm>>
    tpu.wait_indirect_dma semaphore(%arg8 : memref<!tpu.dma_semaphore, #tpu.memory_space<semaphore_mem>>) src(%dma_wait3A_1268 : memref<1000000x32xf32, #tpu.memory_space<hbm>>) dst(%dma_wait3A_1262 : memref<512x32xf32, #tpu.memory_space<vmem>>)
    %dma_start3A_1269 = arith.constant 1 : i32
    %dma_start3A_1270 = arith.constant 0 : i32
    %dma_start3A_1271 = arith.constant 0 : i32
    %dma_start3A_1272 = arith.constant 0 : i32
    %dma_start3A_1273 = tpu.memref_slice %arg6[%dma_start3A_1269, %dma_start3A_1270, %dma_start3A_1271, %dma_start3A_1272] : memref<2x2x512x32xf32, #tpu.memory_space<vmem>> -> memref<1x2x512x32xf32, #tpu.memory_space<vmem>>
    %dma_start3A_1274 = tpu.memref_squeeze %dma_start3A_1273 : memref<1x2x512x32xf32, #tpu.memory_space<vmem>> -> memref<2x512x32xf32, #tpu.memory_space<vmem>>
    %dma_start3A_1275 = arith.constant 26 : i32
    %dma_start3A_1276 = arith.constant 0 : i32
    %dma_start3A_1277 = tpu.memref_slice %arg4[%dma_start3A_1275, %mul3A_2, %dma_start3A_1276] : memref<50x16384x32xf32, #tpu.memory_space<hbm>> -> memref<2x512x32xf32, #tpu.memory_space<hbm>>
    %dma_start3A_1278 = arith.constant 26 : i32
    %dma_start3A_1279 = arith.constant 0 : i32
    %dma_start3A_1280 = tpu.memref_slice %arg4[%dma_start3A_1278, %mul3A_2, %dma_start3A_1279] : memref<50x16384x32xf32, #tpu.memory_space<hbm>> -> memref<2x512x32xf32, #tpu.memory_space<hbm>>
    %dma_start3A_1281 = arith.constant 0 : i32
    %dma_start3A_1282 = arith.constant 0 : i32
    %dma_start3A_1283 = arith.constant 0 : i32
    %dma_start3A_1284 = tpu.memref_slice %arg6[%dma_start3A_1269, %dma_start3A_1281, %dma_start3A_1282, %dma_start3A_1283] : memref<2x2x512x32xf32, #tpu.memory_space<vmem>> -> memref<1x2x512x32xf32, #tpu.memory_space<vmem>>
    %dma_start3A_1285 = tpu.memref_squeeze %dma_start3A_1284 : memref<1x2x512x32xf32, #tpu.memory_space<vmem>> -> memref<2x512x32xf32, #tpu.memory_space<vmem>>
    tpu.enqueue_dma source(%dma_start3A_1285 : memref<2x512x32xf32, #tpu.memory_space<vmem>>) target(%dma_start3A_1280 : memref<2x512x32xf32, #tpu.memory_space<hbm>>) target_semaphore(%arg10 : memref<!tpu.dma_semaphore, #tpu.memory_space<semaphore_mem>>)
    %dma_wait3A_1286 = arith.constant 1 : i32
    %dma_wait3A_1287 = arith.constant 0 : i32
    %dma_wait3A_1288 = arith.constant 0 : i32
    %dma_wait3A_1289 = arith.constant 0 : i32
    %dma_wait3A_1290 = tpu.memref_slice %arg6[%dma_wait3A_1286, %dma_wait3A_1287, %dma_wait3A_1288, %dma_wait3A_1289] : memref<2x2x512x32xf32, #tpu.memory_space<vmem>> -> memref<1x2x512x32xf32, #tpu.memory_space<vmem>>
    %dma_wait3A_1291 = tpu.memref_squeeze %dma_wait3A_1290 : memref<1x2x512x32xf32, #tpu.memory_space<vmem>> -> memref<2x512x32xf32, #tpu.memory_space<vmem>>
    %dma_wait3A_1292 = arith.constant 26 : i32
    %dma_wait3A_1293 = arith.constant 0 : i32
    %dma_wait3A_1294 = tpu.memref_slice %arg4[%dma_wait3A_1292, %mul3A_2, %dma_wait3A_1293] : memref<50x16384x32xf32, #tpu.memory_space<hbm>> -> memref<2x512x32xf32, #tpu.memory_space<hbm>>
    %dma_wait3A_1295 = arith.constant 26 : i32
    %dma_wait3A_1296 = arith.constant 0 : i32
    %dma_wait3A_1297 = tpu.memref_slice %arg4[%dma_wait3A_1295, %mul3A_2, %dma_wait3A_1296] : memref<50x16384x32xf32, #tpu.memory_space<hbm>> -> memref<2x512x32xf32, #tpu.memory_space<hbm>>
    %dma_wait3A_1298 = arith.constant 0 : i32
    %dma_wait3A_1299 = arith.constant 0 : i32
    %dma_wait3A_1300 = arith.constant 0 : i32
    %dma_wait3A_1301 = tpu.memref_slice %arg6[%dma_wait3A_1286, %dma_wait3A_1298, %dma_wait3A_1299, %dma_wait3A_1300] : memref<2x2x512x32xf32, #tpu.memory_space<vmem>> -> memref<1x2x512x32xf32, #tpu.memory_space<vmem>>
    %dma_wait3A_1302 = tpu.memref_squeeze %dma_wait3A_1301 : memref<1x2x512x32xf32, #tpu.memory_space<vmem>> -> memref<2x512x32xf32, #tpu.memory_space<vmem>>
    tpu.wait_dma2 semaphore(%arg10 : memref<!tpu.dma_semaphore, #tpu.memory_space<semaphore_mem>>) src(%dma_wait3A_1302 : memref<2x512x32xf32, #tpu.memory_space<vmem>>) dst(%dma_wait3A_1297 : memref<2x512x32xf32, #tpu.memory_space<hbm>>)
    %run_scoped3A_1303 = arith.constant 1 : i32
    "tpu.region"() ({
      %run_scoped3A_2275 = tpu.sem_alloc : memref<!tpu.dma_semaphore, #tpu.memory_space<semaphore_mem>>
      %dma_start3A_2276 = arith.constant 0 : i32
      %dma_start3A_2277 = arith.constant 0 : i32
      %dma_start3A_2278 = tpu.memref_slice %arg5[%run_scoped3A_1303, %dma_start3A_2276, %dma_start3A_2277] : memref<2x2x512xi32, #tpu.memory_space<vmem>> -> memref<1x2x512xi32, #tpu.memory_space<vmem>>
      %dma_start3A_2279 = tpu.memref_squeeze %dma_start3A_2278 : memref<1x2x512xi32, #tpu.memory_space<vmem>> -> memref<2x512xi32, #tpu.memory_space<vmem>>
      %dma_start3A_2280 = arith.constant 30 : i32
      %dma_start3A_2281 = tpu.memref_slice %arg2[%dma_start3A_2280, %mul3A_2] : memref<50x16384xi32, #tpu.memory_space<hbm>> -> memref<2x512xi32, #tpu.memory_space<hbm>>
      %dma_start3A_2282 = arith.constant 0 : i32
      %dma_start3A_2283 = arith.constant 0 : i32
      %dma_start3A_2284 = tpu.memref_slice %arg5[%run_scoped3A_1303, %dma_start3A_2282, %dma_start3A_2283] : memref<2x2x512xi32, #tpu.memory_space<vmem>> -> memref<1x2x512xi32, #tpu.memory_space<vmem>>
      %dma_start3A_2285 = tpu.memref_squeeze %dma_start3A_2284 : memref<1x2x512xi32, #tpu.memory_space<vmem>> -> memref<2x512xi32, #tpu.memory_space<vmem>>
      %dma_start3A_2286 = arith.constant 30 : i32
      %dma_start3A_2287 = tpu.memref_slice %arg2[%dma_start3A_2286, %mul3A_2] : memref<50x16384xi32, #tpu.memory_space<hbm>> -> memref<2x512xi32, #tpu.memory_space<hbm>>
      tpu.enqueue_dma source(%dma_start3A_2287 : memref<2x512xi32, #tpu.memory_space<hbm>>) target(%dma_start3A_2285 : memref<2x512xi32, #tpu.memory_space<vmem>>) target_semaphore(%run_scoped3A_2275 : memref<!tpu.dma_semaphore, #tpu.memory_space<semaphore_mem>>)
      %dma_wait3A_2288 = arith.constant 0 : i32
      %dma_wait3A_2289 = arith.constant 0 : i32
      %dma_wait3A_2290 = tpu.memref_slice %arg5[%run_scoped3A_1303, %dma_wait3A_2288, %dma_wait3A_2289] : memref<2x2x512xi32, #tpu.memory_space<vmem>> -> memref<1x2x512xi32, #tpu.memory_space<vmem>>
      %dma_wait3A_2291 = tpu.memref_squeeze %dma_wait3A_2290 : memref<1x2x512xi32, #tpu.memory_space<vmem>> -> memref<2x512xi32, #tpu.memory_space<vmem>>
      %dma_wait3A_2292 = arith.constant 30 : i32
      %dma_wait3A_2293 = tpu.memref_slice %arg2[%dma_wait3A_2292, %mul3A_2] : memref<50x16384xi32, #tpu.memory_space<hbm>> -> memref<2x512xi32, #tpu.memory_space<hbm>>
      %dma_wait3A_2294 = arith.constant 0 : i32
      %dma_wait3A_2295 = arith.constant 0 : i32
      %dma_wait3A_2296 = tpu.memref_slice %arg5[%run_scoped3A_1303, %dma_wait3A_2294, %dma_wait3A_2295] : memref<2x2x512xi32, #tpu.memory_space<vmem>> -> memref<1x2x512xi32, #tpu.memory_space<vmem>>
      %dma_wait3A_2297 = tpu.memref_squeeze %dma_wait3A_2296 : memref<1x2x512xi32, #tpu.memory_space<vmem>> -> memref<2x512xi32, #tpu.memory_space<vmem>>
      %dma_wait3A_2298 = arith.constant 30 : i32
      %dma_wait3A_2299 = tpu.memref_slice %arg2[%dma_wait3A_2298, %mul3A_2] : memref<50x16384xi32, #tpu.memory_space<hbm>> -> memref<2x512xi32, #tpu.memory_space<hbm>>
      tpu.wait_dma2 semaphore(%run_scoped3A_2275 : memref<!tpu.dma_semaphore, #tpu.memory_space<semaphore_mem>>) src(%dma_wait3A_2299 : memref<2x512xi32, #tpu.memory_space<hbm>>) dst(%dma_wait3A_2297 : memref<2x512xi32, #tpu.memory_space<vmem>>)
      tpu.yield
    }) : () -> ()
    %dma_start3A_1304 = arith.constant 1 : i32
    %dma_start3A_1305 = arith.constant 0 : i32
    %dma_start3A_1306 = arith.constant 1 : i32
    %dma_start3A_1307 = arith.constant 0 : i32
    %dma_start3A_1308 = arith.constant 0 : i32
    %dma_start3A_1309 = arith.constant 0 : i32
    %dma_start3A_1310 = tpu.memref_slice %arg6[%dma_start3A_1306, %dma_start3A_1307, %dma_start3A_1308, %dma_start3A_1309] : memref<2x2x512x32xf32, #tpu.memory_space<vmem>> -> memref<1x1x512x32xf32, #tpu.memory_space<vmem>>
    %dma_start3A_1311 = tpu.memref_squeeze %dma_start3A_1310 : memref<1x1x512x32xf32, #tpu.memory_space<vmem>> -> memref<512x32xf32, #tpu.memory_space<vmem>>
    %dma_start3A_1312 = arith.constant 0 : i32
    %dma_start3A_1313 = tpu.memref_slice %arg5[%dma_start3A_1304, %dma_start3A_1305, %dma_start3A_1312] : memref<2x2x512xi32, #tpu.memory_space<vmem>> -> memref<1x1x512xi32, #tpu.memory_space<vmem>>
    %dma_start3A_1314 = tpu.memref_squeeze %dma_start3A_1313 : memref<1x1x512xi32, #tpu.memory_space<vmem>> -> memref<512xi32, #tpu.memory_space<vmem>>
    %dma_start3A_1315 = arith.constant 0 : i32
    %dma_start3A_1316 = arith.constant 0 : i32
    %dma_start3A_1317 = tpu.memref_slice %arg3[%dma_start3A_1315, %dma_start3A_1316] : memref<1000000x32xf32, #tpu.memory_space<hbm>> -> memref<1000000x32xf32, #tpu.memory_space<hbm>>
    tpu.enqueue_indirect_dma source(%dma_start3A_1317 : memref<1000000x32xf32, #tpu.memory_space<hbm>>) target(%dma_start3A_1311 : memref<512x32xf32, #tpu.memory_space<vmem>>) offsets(%dma_start3A_1314 : memref<512xi32, #tpu.memory_space<vmem>>) semaphore(%arg8 : memref<!tpu.dma_semaphore, #tpu.memory_space<semaphore_mem>>)
    %dma_start3A_1318 = arith.constant 1 : i32
    %dma_start3A_1319 = arith.constant 1 : i32
    %dma_start3A_1320 = arith.constant 1 : i32
    %dma_start3A_1321 = arith.constant 1 : i32
    %dma_start3A_1322 = arith.constant 0 : i32
    %dma_start3A_1323 = arith.constant 0 : i32
    %dma_start3A_1324 = tpu.memref_slice %arg6[%dma_start3A_1320, %dma_start3A_1321, %dma_start3A_1322, %dma_start3A_1323] : memref<2x2x512x32xf32, #tpu.memory_space<vmem>> -> memref<1x1x512x32xf32, #tpu.memory_space<vmem>>
    %dma_start3A_1325 = tpu.memref_squeeze %dma_start3A_1324 : memref<1x1x512x32xf32, #tpu.memory_space<vmem>> -> memref<512x32xf32, #tpu.memory_space<vmem>>
    %dma_start3A_1326 = arith.constant 0 : i32
    %dma_start3A_1327 = tpu.memref_slice %arg5[%dma_start3A_1318, %dma_start3A_1319, %dma_start3A_1326] : memref<2x2x512xi32, #tpu.memory_space<vmem>> -> memref<1x1x512xi32, #tpu.memory_space<vmem>>
    %dma_start3A_1328 = tpu.memref_squeeze %dma_start3A_1327 : memref<1x1x512xi32, #tpu.memory_space<vmem>> -> memref<512xi32, #tpu.memory_space<vmem>>
    %dma_start3A_1329 = arith.constant 0 : i32
    %dma_start3A_1330 = arith.constant 0 : i32
    %dma_start3A_1331 = tpu.memref_slice %arg3[%dma_start3A_1329, %dma_start3A_1330] : memref<1000000x32xf32, #tpu.memory_space<hbm>> -> memref<1000000x32xf32, #tpu.memory_space<hbm>>
    tpu.enqueue_indirect_dma source(%dma_start3A_1331 : memref<1000000x32xf32, #tpu.memory_space<hbm>>) target(%dma_start3A_1325 : memref<512x32xf32, #tpu.memory_space<vmem>>) offsets(%dma_start3A_1328 : memref<512xi32, #tpu.memory_space<vmem>>) semaphore(%arg8 : memref<!tpu.dma_semaphore, #tpu.memory_space<semaphore_mem>>)
    %dma_wait3A_1332 = arith.constant 0 : i32
    %dma_wait3A_1333 = arith.constant 0 : i32
    %dma_wait3A_1334 = arith.constant 0 : i32
    %dma_wait3A_1335 = arith.constant 0 : i32
    %dma_wait3A_1336 = arith.constant 0 : i32
    %dma_wait3A_1337 = arith.constant 0 : i32
    %dma_wait3A_1338 = tpu.memref_slice %arg6[%dma_wait3A_1334, %dma_wait3A_1335, %dma_wait3A_1336, %dma_wait3A_1337] : memref<2x2x512x32xf32, #tpu.memory_space<vmem>> -> memref<1x1x512x32xf32, #tpu.memory_space<vmem>>
    %dma_wait3A_1339 = tpu.memref_squeeze %dma_wait3A_1338 : memref<1x1x512x32xf32, #tpu.memory_space<vmem>> -> memref<512x32xf32, #tpu.memory_space<vmem>>
    %dma_wait3A_1340 = arith.constant 0 : i32
    %dma_wait3A_1341 = tpu.memref_slice %arg5[%dma_wait3A_1332, %dma_wait3A_1333, %dma_wait3A_1340] : memref<2x2x512xi32, #tpu.memory_space<vmem>> -> memref<1x1x512xi32, #tpu.memory_space<vmem>>
    %dma_wait3A_1342 = tpu.memref_squeeze %dma_wait3A_1341 : memref<1x1x512xi32, #tpu.memory_space<vmem>> -> memref<512xi32, #tpu.memory_space<vmem>>
    %dma_wait3A_1343 = arith.constant 0 : i32
    %dma_wait3A_1344 = arith.constant 0 : i32
    %dma_wait3A_1345 = tpu.memref_slice %arg3[%dma_wait3A_1343, %dma_wait3A_1344] : memref<1000000x32xf32, #tpu.memory_space<hbm>> -> memref<1000000x32xf32, #tpu.memory_space<hbm>>
    tpu.wait_indirect_dma semaphore(%arg7 : memref<!tpu.dma_semaphore, #tpu.memory_space<semaphore_mem>>) src(%dma_wait3A_1345 : memref<1000000x32xf32, #tpu.memory_space<hbm>>) dst(%dma_wait3A_1339 : memref<512x32xf32, #tpu.memory_space<vmem>>)
    %dma_wait3A_1346 = arith.constant 0 : i32
    %dma_wait3A_1347 = arith.constant 1 : i32
    %dma_wait3A_1348 = arith.constant 0 : i32
    %dma_wait3A_1349 = arith.constant 1 : i32
    %dma_wait3A_1350 = arith.constant 0 : i32
    %dma_wait3A_1351 = arith.constant 0 : i32
    %dma_wait3A_1352 = tpu.memref_slice %arg6[%dma_wait3A_1348, %dma_wait3A_1349, %dma_wait3A_1350, %dma_wait3A_1351] : memref<2x2x512x32xf32, #tpu.memory_space<vmem>> -> memref<1x1x512x32xf32, #tpu.memory_space<vmem>>
    %dma_wait3A_1353 = tpu.memref_squeeze %dma_wait3A_1352 : memref<1x1x512x32xf32, #tpu.memory_space<vmem>> -> memref<512x32xf32, #tpu.memory_space<vmem>>
    %dma_wait3A_1354 = arith.constant 0 : i32
    %dma_wait3A_1355 = tpu.memref_slice %arg5[%dma_wait3A_1346, %dma_wait3A_1347, %dma_wait3A_1354] : memref<2x2x512xi32, #tpu.memory_space<vmem>> -> memref<1x1x512xi32, #tpu.memory_space<vmem>>
    %dma_wait3A_1356 = tpu.memref_squeeze %dma_wait3A_1355 : memref<1x1x512xi32, #tpu.memory_space<vmem>> -> memref<512xi32, #tpu.memory_space<vmem>>
    %dma_wait3A_1357 = arith.constant 0 : i32
    %dma_wait3A_1358 = arith.constant 0 : i32
    %dma_wait3A_1359 = tpu.memref_slice %arg3[%dma_wait3A_1357, %dma_wait3A_1358] : memref<1000000x32xf32, #tpu.memory_space<hbm>> -> memref<1000000x32xf32, #tpu.memory_space<hbm>>
    tpu.wait_indirect_dma semaphore(%arg7 : memref<!tpu.dma_semaphore, #tpu.memory_space<semaphore_mem>>) src(%dma_wait3A_1359 : memref<1000000x32xf32, #tpu.memory_space<hbm>>) dst(%dma_wait3A_1353 : memref<512x32xf32, #tpu.memory_space<vmem>>)
    %dma_start3A_1360 = arith.constant 0 : i32
    %dma_start3A_1361 = arith.constant 0 : i32
    %dma_start3A_1362 = arith.constant 0 : i32
    %dma_start3A_1363 = arith.constant 0 : i32
    %dma_start3A_1364 = tpu.memref_slice %arg6[%dma_start3A_1360, %dma_start3A_1361, %dma_start3A_1362, %dma_start3A_1363] : memref<2x2x512x32xf32, #tpu.memory_space<vmem>> -> memref<1x2x512x32xf32, #tpu.memory_space<vmem>>
    %dma_start3A_1365 = tpu.memref_squeeze %dma_start3A_1364 : memref<1x2x512x32xf32, #tpu.memory_space<vmem>> -> memref<2x512x32xf32, #tpu.memory_space<vmem>>
    %dma_start3A_1366 = arith.constant 28 : i32
    %dma_start3A_1367 = arith.constant 0 : i32
    %dma_start3A_1368 = tpu.memref_slice %arg4[%dma_start3A_1366, %mul3A_2, %dma_start3A_1367] : memref<50x16384x32xf32, #tpu.memory_space<hbm>> -> memref<2x512x32xf32, #tpu.memory_space<hbm>>
    %dma_start3A_1369 = arith.constant 28 : i32
    %dma_start3A_1370 = arith.constant 0 : i32
    %dma_start3A_1371 = tpu.memref_slice %arg4[%dma_start3A_1369, %mul3A_2, %dma_start3A_1370] : memref<50x16384x32xf32, #tpu.memory_space<hbm>> -> memref<2x512x32xf32, #tpu.memory_space<hbm>>
    %dma_start3A_1372 = arith.constant 0 : i32
    %dma_start3A_1373 = arith.constant 0 : i32
    %dma_start3A_1374 = arith.constant 0 : i32
    %dma_start3A_1375 = tpu.memref_slice %arg6[%dma_start3A_1360, %dma_start3A_1372, %dma_start3A_1373, %dma_start3A_1374] : memref<2x2x512x32xf32, #tpu.memory_space<vmem>> -> memref<1x2x512x32xf32, #tpu.memory_space<vmem>>
    %dma_start3A_1376 = tpu.memref_squeeze %dma_start3A_1375 : memref<1x2x512x32xf32, #tpu.memory_space<vmem>> -> memref<2x512x32xf32, #tpu.memory_space<vmem>>
    tpu.enqueue_dma source(%dma_start3A_1376 : memref<2x512x32xf32, #tpu.memory_space<vmem>>) target(%dma_start3A_1371 : memref<2x512x32xf32, #tpu.memory_space<hbm>>) target_semaphore(%arg9 : memref<!tpu.dma_semaphore, #tpu.memory_space<semaphore_mem>>)
    %dma_wait3A_1377 = arith.constant 0 : i32
    %dma_wait3A_1378 = arith.constant 0 : i32
    %dma_wait3A_1379 = arith.constant 0 : i32
    %dma_wait3A_1380 = arith.constant 0 : i32
    %dma_wait3A_1381 = tpu.memref_slice %arg6[%dma_wait3A_1377, %dma_wait3A_1378, %dma_wait3A_1379, %dma_wait3A_1380] : memref<2x2x512x32xf32, #tpu.memory_space<vmem>> -> memref<1x2x512x32xf32, #tpu.memory_space<vmem>>
    %dma_wait3A_1382 = tpu.memref_squeeze %dma_wait3A_1381 : memref<1x2x512x32xf32, #tpu.memory_space<vmem>> -> memref<2x512x32xf32, #tpu.memory_space<vmem>>
    %dma_wait3A_1383 = arith.constant 28 : i32
    %dma_wait3A_1384 = arith.constant 0 : i32
    %dma_wait3A_1385 = tpu.memref_slice %arg4[%dma_wait3A_1383, %mul3A_2, %dma_wait3A_1384] : memref<50x16384x32xf32, #tpu.memory_space<hbm>> -> memref<2x512x32xf32, #tpu.memory_space<hbm>>
    %dma_wait3A_1386 = arith.constant 28 : i32
    %dma_wait3A_1387 = arith.constant 0 : i32
    %dma_wait3A_1388 = tpu.memref_slice %arg4[%dma_wait3A_1386, %mul3A_2, %dma_wait3A_1387] : memref<50x16384x32xf32, #tpu.memory_space<hbm>> -> memref<2x512x32xf32, #tpu.memory_space<hbm>>
    %dma_wait3A_1389 = arith.constant 0 : i32
    %dma_wait3A_1390 = arith.constant 0 : i32
    %dma_wait3A_1391 = arith.constant 0 : i32
    %dma_wait3A_1392 = tpu.memref_slice %arg6[%dma_wait3A_1377, %dma_wait3A_1389, %dma_wait3A_1390, %dma_wait3A_1391] : memref<2x2x512x32xf32, #tpu.memory_space<vmem>> -> memref<1x2x512x32xf32, #tpu.memory_space<vmem>>
    %dma_wait3A_1393 = tpu.memref_squeeze %dma_wait3A_1392 : memref<1x2x512x32xf32, #tpu.memory_space<vmem>> -> memref<2x512x32xf32, #tpu.memory_space<vmem>>
    tpu.wait_dma2 semaphore(%arg9 : memref<!tpu.dma_semaphore, #tpu.memory_space<semaphore_mem>>) src(%dma_wait3A_1393 : memref<2x512x32xf32, #tpu.memory_space<vmem>>) dst(%dma_wait3A_1388 : memref<2x512x32xf32, #tpu.memory_space<hbm>>)
    %run_scoped3A_1394 = arith.constant 0 : i32
    "tpu.region"() ({
      %run_scoped3A_2275 = tpu.sem_alloc : memref<!tpu.dma_semaphore, #tpu.memory_space<semaphore_mem>>
      %dma_start3A_2276 = arith.constant 0 : i32
      %dma_start3A_2277 = arith.constant 0 : i32
      %dma_start3A_2278 = tpu.memref_slice %arg5[%run_scoped3A_1394, %dma_start3A_2276, %dma_start3A_2277] : memref<2x2x512xi32, #tpu.memory_space<vmem>> -> memref<1x2x512xi32, #tpu.memory_space<vmem>>
      %dma_start3A_2279 = tpu.memref_squeeze %dma_start3A_2278 : memref<1x2x512xi32, #tpu.memory_space<vmem>> -> memref<2x512xi32, #tpu.memory_space<vmem>>
      %dma_start3A_2280 = arith.constant 32 : i32
      %dma_start3A_2281 = tpu.memref_slice %arg2[%dma_start3A_2280, %mul3A_2] : memref<50x16384xi32, #tpu.memory_space<hbm>> -> memref<2x512xi32, #tpu.memory_space<hbm>>
      %dma_start3A_2282 = arith.constant 0 : i32
      %dma_start3A_2283 = arith.constant 0 : i32
      %dma_start3A_2284 = tpu.memref_slice %arg5[%run_scoped3A_1394, %dma_start3A_2282, %dma_start3A_2283] : memref<2x2x512xi32, #tpu.memory_space<vmem>> -> memref<1x2x512xi32, #tpu.memory_space<vmem>>
      %dma_start3A_2285 = tpu.memref_squeeze %dma_start3A_2284 : memref<1x2x512xi32, #tpu.memory_space<vmem>> -> memref<2x512xi32, #tpu.memory_space<vmem>>
      %dma_start3A_2286 = arith.constant 32 : i32
      %dma_start3A_2287 = tpu.memref_slice %arg2[%dma_start3A_2286, %mul3A_2] : memref<50x16384xi32, #tpu.memory_space<hbm>> -> memref<2x512xi32, #tpu.memory_space<hbm>>
      tpu.enqueue_dma source(%dma_start3A_2287 : memref<2x512xi32, #tpu.memory_space<hbm>>) target(%dma_start3A_2285 : memref<2x512xi32, #tpu.memory_space<vmem>>) target_semaphore(%run_scoped3A_2275 : memref<!tpu.dma_semaphore, #tpu.memory_space<semaphore_mem>>)
      %dma_wait3A_2288 = arith.constant 0 : i32
      %dma_wait3A_2289 = arith.constant 0 : i32
      %dma_wait3A_2290 = tpu.memref_slice %arg5[%run_scoped3A_1394, %dma_wait3A_2288, %dma_wait3A_2289] : memref<2x2x512xi32, #tpu.memory_space<vmem>> -> memref<1x2x512xi32, #tpu.memory_space<vmem>>
      %dma_wait3A_2291 = tpu.memref_squeeze %dma_wait3A_2290 : memref<1x2x512xi32, #tpu.memory_space<vmem>> -> memref<2x512xi32, #tpu.memory_space<vmem>>
      %dma_wait3A_2292 = arith.constant 32 : i32
      %dma_wait3A_2293 = tpu.memref_slice %arg2[%dma_wait3A_2292, %mul3A_2] : memref<50x16384xi32, #tpu.memory_space<hbm>> -> memref<2x512xi32, #tpu.memory_space<hbm>>
      %dma_wait3A_2294 = arith.constant 0 : i32
      %dma_wait3A_2295 = arith.constant 0 : i32
      %dma_wait3A_2296 = tpu.memref_slice %arg5[%run_scoped3A_1394, %dma_wait3A_2294, %dma_wait3A_2295] : memref<2x2x512xi32, #tpu.memory_space<vmem>> -> memref<1x2x512xi32, #tpu.memory_space<vmem>>
      %dma_wait3A_2297 = tpu.memref_squeeze %dma_wait3A_2296 : memref<1x2x512xi32, #tpu.memory_space<vmem>> -> memref<2x512xi32, #tpu.memory_space<vmem>>
      %dma_wait3A_2298 = arith.constant 32 : i32
      %dma_wait3A_2299 = tpu.memref_slice %arg2[%dma_wait3A_2298, %mul3A_2] : memref<50x16384xi32, #tpu.memory_space<hbm>> -> memref<2x512xi32, #tpu.memory_space<hbm>>
      tpu.wait_dma2 semaphore(%run_scoped3A_2275 : memref<!tpu.dma_semaphore, #tpu.memory_space<semaphore_mem>>) src(%dma_wait3A_2299 : memref<2x512xi32, #tpu.memory_space<hbm>>) dst(%dma_wait3A_2297 : memref<2x512xi32, #tpu.memory_space<vmem>>)
      tpu.yield
    }) : () -> ()
    %dma_start3A_1395 = arith.constant 0 : i32
    %dma_start3A_1396 = arith.constant 0 : i32
    %dma_start3A_1397 = arith.constant 0 : i32
    %dma_start3A_1398 = arith.constant 0 : i32
    %dma_start3A_1399 = arith.constant 0 : i32
    %dma_start3A_1400 = arith.constant 0 : i32
    %dma_start3A_1401 = tpu.memref_slice %arg6[%dma_start3A_1397, %dma_start3A_1398, %dma_start3A_1399, %dma_start3A_1400] : memref<2x2x512x32xf32, #tpu.memory_space<vmem>> -> memref<1x1x512x32xf32, #tpu.memory_space<vmem>>
    %dma_start3A_1402 = tpu.memref_squeeze %dma_start3A_1401 : memref<1x1x512x32xf32, #tpu.memory_space<vmem>> -> memref<512x32xf32, #tpu.memory_space<vmem>>
    %dma_start3A_1403 = arith.constant 0 : i32
    %dma_start3A_1404 = tpu.memref_slice %arg5[%dma_start3A_1395, %dma_start3A_1396, %dma_start3A_1403] : memref<2x2x512xi32, #tpu.memory_space<vmem>> -> memref<1x1x512xi32, #tpu.memory_space<vmem>>
    %dma_start3A_1405 = tpu.memref_squeeze %dma_start3A_1404 : memref<1x1x512xi32, #tpu.memory_space<vmem>> -> memref<512xi32, #tpu.memory_space<vmem>>
    %dma_start3A_1406 = arith.constant 0 : i32
    %dma_start3A_1407 = arith.constant 0 : i32
    %dma_start3A_1408 = tpu.memref_slice %arg3[%dma_start3A_1406, %dma_start3A_1407] : memref<1000000x32xf32, #tpu.memory_space<hbm>> -> memref<1000000x32xf32, #tpu.memory_space<hbm>>
    tpu.enqueue_indirect_dma source(%dma_start3A_1408 : memref<1000000x32xf32, #tpu.memory_space<hbm>>) target(%dma_start3A_1402 : memref<512x32xf32, #tpu.memory_space<vmem>>) offsets(%dma_start3A_1405 : memref<512xi32, #tpu.memory_space<vmem>>) semaphore(%arg7 : memref<!tpu.dma_semaphore, #tpu.memory_space<semaphore_mem>>)
    %dma_start3A_1409 = arith.constant 0 : i32
    %dma_start3A_1410 = arith.constant 1 : i32
    %dma_start3A_1411 = arith.constant 0 : i32
    %dma_start3A_1412 = arith.constant 1 : i32
    %dma_start3A_1413 = arith.constant 0 : i32
    %dma_start3A_1414 = arith.constant 0 : i32
    %dma_start3A_1415 = tpu.memref_slice %arg6[%dma_start3A_1411, %dma_start3A_1412, %dma_start3A_1413, %dma_start3A_1414] : memref<2x2x512x32xf32, #tpu.memory_space<vmem>> -> memref<1x1x512x32xf32, #tpu.memory_space<vmem>>
    %dma_start3A_1416 = tpu.memref_squeeze %dma_start3A_1415 : memref<1x1x512x32xf32, #tpu.memory_space<vmem>> -> memref<512x32xf32, #tpu.memory_space<vmem>>
    %dma_start3A_1417 = arith.constant 0 : i32
    %dma_start3A_1418 = tpu.memref_slice %arg5[%dma_start3A_1409, %dma_start3A_1410, %dma_start3A_1417] : memref<2x2x512xi32, #tpu.memory_space<vmem>> -> memref<1x1x512xi32, #tpu.memory_space<vmem>>
    %dma_start3A_1419 = tpu.memref_squeeze %dma_start3A_1418 : memref<1x1x512xi32, #tpu.memory_space<vmem>> -> memref<512xi32, #tpu.memory_space<vmem>>
    %dma_start3A_1420 = arith.constant 0 : i32
    %dma_start3A_1421 = arith.constant 0 : i32
    %dma_start3A_1422 = tpu.memref_slice %arg3[%dma_start3A_1420, %dma_start3A_1421] : memref<1000000x32xf32, #tpu.memory_space<hbm>> -> memref<1000000x32xf32, #tpu.memory_space<hbm>>
    tpu.enqueue_indirect_dma source(%dma_start3A_1422 : memref<1000000x32xf32, #tpu.memory_space<hbm>>) target(%dma_start3A_1416 : memref<512x32xf32, #tpu.memory_space<vmem>>) offsets(%dma_start3A_1419 : memref<512xi32, #tpu.memory_space<vmem>>) semaphore(%arg7 : memref<!tpu.dma_semaphore, #tpu.memory_space<semaphore_mem>>)
    %dma_wait3A_1423 = arith.constant 1 : i32
    %dma_wait3A_1424 = arith.constant 0 : i32
    %dma_wait3A_1425 = arith.constant 1 : i32
    %dma_wait3A_1426 = arith.constant 0 : i32
    %dma_wait3A_1427 = arith.constant 0 : i32
    %dma_wait3A_1428 = arith.constant 0 : i32
    %dma_wait3A_1429 = tpu.memref_slice %arg6[%dma_wait3A_1425, %dma_wait3A_1426, %dma_wait3A_1427, %dma_wait3A_1428] : memref<2x2x512x32xf32, #tpu.memory_space<vmem>> -> memref<1x1x512x32xf32, #tpu.memory_space<vmem>>
    %dma_wait3A_1430 = tpu.memref_squeeze %dma_wait3A_1429 : memref<1x1x512x32xf32, #tpu.memory_space<vmem>> -> memref<512x32xf32, #tpu.memory_space<vmem>>
    %dma_wait3A_1431 = arith.constant 0 : i32
    %dma_wait3A_1432 = tpu.memref_slice %arg5[%dma_wait3A_1423, %dma_wait3A_1424, %dma_wait3A_1431] : memref<2x2x512xi32, #tpu.memory_space<vmem>> -> memref<1x1x512xi32, #tpu.memory_space<vmem>>
    %dma_wait3A_1433 = tpu.memref_squeeze %dma_wait3A_1432 : memref<1x1x512xi32, #tpu.memory_space<vmem>> -> memref<512xi32, #tpu.memory_space<vmem>>
    %dma_wait3A_1434 = arith.constant 0 : i32
    %dma_wait3A_1435 = arith.constant 0 : i32
    %dma_wait3A_1436 = tpu.memref_slice %arg3[%dma_wait3A_1434, %dma_wait3A_1435] : memref<1000000x32xf32, #tpu.memory_space<hbm>> -> memref<1000000x32xf32, #tpu.memory_space<hbm>>
    tpu.wait_indirect_dma semaphore(%arg8 : memref<!tpu.dma_semaphore, #tpu.memory_space<semaphore_mem>>) src(%dma_wait3A_1436 : memref<1000000x32xf32, #tpu.memory_space<hbm>>) dst(%dma_wait3A_1430 : memref<512x32xf32, #tpu.memory_space<vmem>>)
    %dma_wait3A_1437 = arith.constant 1 : i32
    %dma_wait3A_1438 = arith.constant 1 : i32
    %dma_wait3A_1439 = arith.constant 1 : i32
    %dma_wait3A_1440 = arith.constant 1 : i32
    %dma_wait3A_1441 = arith.constant 0 : i32
    %dma_wait3A_1442 = arith.constant 0 : i32
    %dma_wait3A_1443 = tpu.memref_slice %arg6[%dma_wait3A_1439, %dma_wait3A_1440, %dma_wait3A_1441, %dma_wait3A_1442] : memref<2x2x512x32xf32, #tpu.memory_space<vmem>> -> memref<1x1x512x32xf32, #tpu.memory_space<vmem>>
    %dma_wait3A_1444 = tpu.memref_squeeze %dma_wait3A_1443 : memref<1x1x512x32xf32, #tpu.memory_space<vmem>> -> memref<512x32xf32, #tpu.memory_space<vmem>>
    %dma_wait3A_1445 = arith.constant 0 : i32
    %dma_wait3A_1446 = tpu.memref_slice %arg5[%dma_wait3A_1437, %dma_wait3A_1438, %dma_wait3A_1445] : memref<2x2x512xi32, #tpu.memory_space<vmem>> -> memref<1x1x512xi32, #tpu.memory_space<vmem>>
    %dma_wait3A_1447 = tpu.memref_squeeze %dma_wait3A_1446 : memref<1x1x512xi32, #tpu.memory_space<vmem>> -> memref<512xi32, #tpu.memory_space<vmem>>
    %dma_wait3A_1448 = arith.constant 0 : i32
    %dma_wait3A_1449 = arith.constant 0 : i32
    %dma_wait3A_1450 = tpu.memref_slice %arg3[%dma_wait3A_1448, %dma_wait3A_1449] : memref<1000000x32xf32, #tpu.memory_space<hbm>> -> memref<1000000x32xf32, #tpu.memory_space<hbm>>
    tpu.wait_indirect_dma semaphore(%arg8 : memref<!tpu.dma_semaphore, #tpu.memory_space<semaphore_mem>>) src(%dma_wait3A_1450 : memref<1000000x32xf32, #tpu.memory_space<hbm>>) dst(%dma_wait3A_1444 : memref<512x32xf32, #tpu.memory_space<vmem>>)
    %dma_start3A_1451 = arith.constant 1 : i32
    %dma_start3A_1452 = arith.constant 0 : i32
    %dma_start3A_1453 = arith.constant 0 : i32
    %dma_start3A_1454 = arith.constant 0 : i32
    %dma_start3A_1455 = tpu.memref_slice %arg6[%dma_start3A_1451, %dma_start3A_1452, %dma_start3A_1453, %dma_start3A_1454] : memref<2x2x512x32xf32, #tpu.memory_space<vmem>> -> memref<1x2x512x32xf32, #tpu.memory_space<vmem>>
    %dma_start3A_1456 = tpu.memref_squeeze %dma_start3A_1455 : memref<1x2x512x32xf32, #tpu.memory_space<vmem>> -> memref<2x512x32xf32, #tpu.memory_space<vmem>>
    %dma_start3A_1457 = arith.constant 30 : i32
    %dma_start3A_1458 = arith.constant 0 : i32
    %dma_start3A_1459 = tpu.memref_slice %arg4[%dma_start3A_1457, %mul3A_2, %dma_start3A_1458] : memref<50x16384x32xf32, #tpu.memory_space<hbm>> -> memref<2x512x32xf32, #tpu.memory_space<hbm>>
    %dma_start3A_1460 = arith.constant 30 : i32
    %dma_start3A_1461 = arith.constant 0 : i32
    %dma_start3A_1462 = tpu.memref_slice %arg4[%dma_start3A_1460, %mul3A_2, %dma_start3A_1461] : memref<50x16384x32xf32, #tpu.memory_space<hbm>> -> memref<2x512x32xf32, #tpu.memory_space<hbm>>
    %dma_start3A_1463 = arith.constant 0 : i32
    %dma_start3A_1464 = arith.constant 0 : i32
    %dma_start3A_1465 = arith.constant 0 : i32
    %dma_start3A_1466 = tpu.memref_slice %arg6[%dma_start3A_1451, %dma_start3A_1463, %dma_start3A_1464, %dma_start3A_1465] : memref<2x2x512x32xf32, #tpu.memory_space<vmem>> -> memref<1x2x512x32xf32, #tpu.memory_space<vmem>>
    %dma_start3A_1467 = tpu.memref_squeeze %dma_start3A_1466 : memref<1x2x512x32xf32, #tpu.memory_space<vmem>> -> memref<2x512x32xf32, #tpu.memory_space<vmem>>
    tpu.enqueue_dma source(%dma_start3A_1467 : memref<2x512x32xf32, #tpu.memory_space<vmem>>) target(%dma_start3A_1462 : memref<2x512x32xf32, #tpu.memory_space<hbm>>) target_semaphore(%arg10 : memref<!tpu.dma_semaphore, #tpu.memory_space<semaphore_mem>>)
    %dma_wait3A_1468 = arith.constant 1 : i32
    %dma_wait3A_1469 = arith.constant 0 : i32
    %dma_wait3A_1470 = arith.constant 0 : i32
    %dma_wait3A_1471 = arith.constant 0 : i32
    %dma_wait3A_1472 = tpu.memref_slice %arg6[%dma_wait3A_1468, %dma_wait3A_1469, %dma_wait3A_1470, %dma_wait3A_1471] : memref<2x2x512x32xf32, #tpu.memory_space<vmem>> -> memref<1x2x512x32xf32, #tpu.memory_space<vmem>>
    %dma_wait3A_1473 = tpu.memref_squeeze %dma_wait3A_1472 : memref<1x2x512x32xf32, #tpu.memory_space<vmem>> -> memref<2x512x32xf32, #tpu.memory_space<vmem>>
    %dma_wait3A_1474 = arith.constant 30 : i32
    %dma_wait3A_1475 = arith.constant 0 : i32
    %dma_wait3A_1476 = tpu.memref_slice %arg4[%dma_wait3A_1474, %mul3A_2, %dma_wait3A_1475] : memref<50x16384x32xf32, #tpu.memory_space<hbm>> -> memref<2x512x32xf32, #tpu.memory_space<hbm>>
    %dma_wait3A_1477 = arith.constant 30 : i32
    %dma_wait3A_1478 = arith.constant 0 : i32
    %dma_wait3A_1479 = tpu.memref_slice %arg4[%dma_wait3A_1477, %mul3A_2, %dma_wait3A_1478] : memref<50x16384x32xf32, #tpu.memory_space<hbm>> -> memref<2x512x32xf32, #tpu.memory_space<hbm>>
    %dma_wait3A_1480 = arith.constant 0 : i32
    %dma_wait3A_1481 = arith.constant 0 : i32
    %dma_wait3A_1482 = arith.constant 0 : i32
    %dma_wait3A_1483 = tpu.memref_slice %arg6[%dma_wait3A_1468, %dma_wait3A_1480, %dma_wait3A_1481, %dma_wait3A_1482] : memref<2x2x512x32xf32, #tpu.memory_space<vmem>> -> memref<1x2x512x32xf32, #tpu.memory_space<vmem>>
    %dma_wait3A_1484 = tpu.memref_squeeze %dma_wait3A_1483 : memref<1x2x512x32xf32, #tpu.memory_space<vmem>> -> memref<2x512x32xf32, #tpu.memory_space<vmem>>
    tpu.wait_dma2 semaphore(%arg10 : memref<!tpu.dma_semaphore, #tpu.memory_space<semaphore_mem>>) src(%dma_wait3A_1484 : memref<2x512x32xf32, #tpu.memory_space<vmem>>) dst(%dma_wait3A_1479 : memref<2x512x32xf32, #tpu.memory_space<hbm>>)
    %run_scoped3A_1485 = arith.constant 1 : i32
    "tpu.region"() ({
      %run_scoped3A_2275 = tpu.sem_alloc : memref<!tpu.dma_semaphore, #tpu.memory_space<semaphore_mem>>
      %dma_start3A_2276 = arith.constant 0 : i32
      %dma_start3A_2277 = arith.constant 0 : i32
      %dma_start3A_2278 = tpu.memref_slice %arg5[%run_scoped3A_1485, %dma_start3A_2276, %dma_start3A_2277] : memref<2x2x512xi32, #tpu.memory_space<vmem>> -> memref<1x2x512xi32, #tpu.memory_space<vmem>>
      %dma_start3A_2279 = tpu.memref_squeeze %dma_start3A_2278 : memref<1x2x512xi32, #tpu.memory_space<vmem>> -> memref<2x512xi32, #tpu.memory_space<vmem>>
      %dma_start3A_2280 = arith.constant 34 : i32
      %dma_start3A_2281 = tpu.memref_slice %arg2[%dma_start3A_2280, %mul3A_2] : memref<50x16384xi32, #tpu.memory_space<hbm>> -> memref<2x512xi32, #tpu.memory_space<hbm>>
      %dma_start3A_2282 = arith.constant 0 : i32
      %dma_start3A_2283 = arith.constant 0 : i32
      %dma_start3A_2284 = tpu.memref_slice %arg5[%run_scoped3A_1485, %dma_start3A_2282, %dma_start3A_2283] : memref<2x2x512xi32, #tpu.memory_space<vmem>> -> memref<1x2x512xi32, #tpu.memory_space<vmem>>
      %dma_start3A_2285 = tpu.memref_squeeze %dma_start3A_2284 : memref<1x2x512xi32, #tpu.memory_space<vmem>> -> memref<2x512xi32, #tpu.memory_space<vmem>>
      %dma_start3A_2286 = arith.constant 34 : i32
      %dma_start3A_2287 = tpu.memref_slice %arg2[%dma_start3A_2286, %mul3A_2] : memref<50x16384xi32, #tpu.memory_space<hbm>> -> memref<2x512xi32, #tpu.memory_space<hbm>>
      tpu.enqueue_dma source(%dma_start3A_2287 : memref<2x512xi32, #tpu.memory_space<hbm>>) target(%dma_start3A_2285 : memref<2x512xi32, #tpu.memory_space<vmem>>) target_semaphore(%run_scoped3A_2275 : memref<!tpu.dma_semaphore, #tpu.memory_space<semaphore_mem>>)
      %dma_wait3A_2288 = arith.constant 0 : i32
      %dma_wait3A_2289 = arith.constant 0 : i32
      %dma_wait3A_2290 = tpu.memref_slice %arg5[%run_scoped3A_1485, %dma_wait3A_2288, %dma_wait3A_2289] : memref<2x2x512xi32, #tpu.memory_space<vmem>> -> memref<1x2x512xi32, #tpu.memory_space<vmem>>
      %dma_wait3A_2291 = tpu.memref_squeeze %dma_wait3A_2290 : memref<1x2x512xi32, #tpu.memory_space<vmem>> -> memref<2x512xi32, #tpu.memory_space<vmem>>
      %dma_wait3A_2292 = arith.constant 34 : i32
      %dma_wait3A_2293 = tpu.memref_slice %arg2[%dma_wait3A_2292, %mul3A_2] : memref<50x16384xi32, #tpu.memory_space<hbm>> -> memref<2x512xi32, #tpu.memory_space<hbm>>
      %dma_wait3A_2294 = arith.constant 0 : i32
      %dma_wait3A_2295 = arith.constant 0 : i32
      %dma_wait3A_2296 = tpu.memref_slice %arg5[%run_scoped3A_1485, %dma_wait3A_2294, %dma_wait3A_2295] : memref<2x2x512xi32, #tpu.memory_space<vmem>> -> memref<1x2x512xi32, #tpu.memory_space<vmem>>
      %dma_wait3A_2297 = tpu.memref_squeeze %dma_wait3A_2296 : memref<1x2x512xi32, #tpu.memory_space<vmem>> -> memref<2x512xi32, #tpu.memory_space<vmem>>
      %dma_wait3A_2298 = arith.constant 34 : i32
      %dma_wait3A_2299 = tpu.memref_slice %arg2[%dma_wait3A_2298, %mul3A_2] : memref<50x16384xi32, #tpu.memory_space<hbm>> -> memref<2x512xi32, #tpu.memory_space<hbm>>
      tpu.wait_dma2 semaphore(%run_scoped3A_2275 : memref<!tpu.dma_semaphore, #tpu.memory_space<semaphore_mem>>) src(%dma_wait3A_2299 : memref<2x512xi32, #tpu.memory_space<hbm>>) dst(%dma_wait3A_2297 : memref<2x512xi32, #tpu.memory_space<vmem>>)
      tpu.yield
    }) : () -> ()
    %dma_start3A_1486 = arith.constant 1 : i32
    %dma_start3A_1487 = arith.constant 0 : i32
    %dma_start3A_1488 = arith.constant 1 : i32
    %dma_start3A_1489 = arith.constant 0 : i32
    %dma_start3A_1490 = arith.constant 0 : i32
    %dma_start3A_1491 = arith.constant 0 : i32
    %dma_start3A_1492 = tpu.memref_slice %arg6[%dma_start3A_1488, %dma_start3A_1489, %dma_start3A_1490, %dma_start3A_1491] : memref<2x2x512x32xf32, #tpu.memory_space<vmem>> -> memref<1x1x512x32xf32, #tpu.memory_space<vmem>>
    %dma_start3A_1493 = tpu.memref_squeeze %dma_start3A_1492 : memref<1x1x512x32xf32, #tpu.memory_space<vmem>> -> memref<512x32xf32, #tpu.memory_space<vmem>>
    %dma_start3A_1494 = arith.constant 0 : i32
    %dma_start3A_1495 = tpu.memref_slice %arg5[%dma_start3A_1486, %dma_start3A_1487, %dma_start3A_1494] : memref<2x2x512xi32, #tpu.memory_space<vmem>> -> memref<1x1x512xi32, #tpu.memory_space<vmem>>
    %dma_start3A_1496 = tpu.memref_squeeze %dma_start3A_1495 : memref<1x1x512xi32, #tpu.memory_space<vmem>> -> memref<512xi32, #tpu.memory_space<vmem>>
    %dma_start3A_1497 = arith.constant 0 : i32
    %dma_start3A_1498 = arith.constant 0 : i32
    %dma_start3A_1499 = tpu.memref_slice %arg3[%dma_start3A_1497, %dma_start3A_1498] : memref<1000000x32xf32, #tpu.memory_space<hbm>> -> memref<1000000x32xf32, #tpu.memory_space<hbm>>
    tpu.enqueue_indirect_dma source(%dma_start3A_1499 : memref<1000000x32xf32, #tpu.memory_space<hbm>>) target(%dma_start3A_1493 : memref<512x32xf32, #tpu.memory_space<vmem>>) offsets(%dma_start3A_1496 : memref<512xi32, #tpu.memory_space<vmem>>) semaphore(%arg8 : memref<!tpu.dma_semaphore, #tpu.memory_space<semaphore_mem>>)
    %dma_start3A_1500 = arith.constant 1 : i32
    %dma_start3A_1501 = arith.constant 1 : i32
    %dma_start3A_1502 = arith.constant 1 : i32
    %dma_start3A_1503 = arith.constant 1 : i32
    %dma_start3A_1504 = arith.constant 0 : i32
    %dma_start3A_1505 = arith.constant 0 : i32
    %dma_start3A_1506 = tpu.memref_slice %arg6[%dma_start3A_1502, %dma_start3A_1503, %dma_start3A_1504, %dma_start3A_1505] : memref<2x2x512x32xf32, #tpu.memory_space<vmem>> -> memref<1x1x512x32xf32, #tpu.memory_space<vmem>>
    %dma_start3A_1507 = tpu.memref_squeeze %dma_start3A_1506 : memref<1x1x512x32xf32, #tpu.memory_space<vmem>> -> memref<512x32xf32, #tpu.memory_space<vmem>>
    %dma_start3A_1508 = arith.constant 0 : i32
    %dma_start3A_1509 = tpu.memref_slice %arg5[%dma_start3A_1500, %dma_start3A_1501, %dma_start3A_1508] : memref<2x2x512xi32, #tpu.memory_space<vmem>> -> memref<1x1x512xi32, #tpu.memory_space<vmem>>
    %dma_start3A_1510 = tpu.memref_squeeze %dma_start3A_1509 : memref<1x1x512xi32, #tpu.memory_space<vmem>> -> memref<512xi32, #tpu.memory_space<vmem>>
    %dma_start3A_1511 = arith.constant 0 : i32
    %dma_start3A_1512 = arith.constant 0 : i32
    %dma_start3A_1513 = tpu.memref_slice %arg3[%dma_start3A_1511, %dma_start3A_1512] : memref<1000000x32xf32, #tpu.memory_space<hbm>> -> memref<1000000x32xf32, #tpu.memory_space<hbm>>
    tpu.enqueue_indirect_dma source(%dma_start3A_1513 : memref<1000000x32xf32, #tpu.memory_space<hbm>>) target(%dma_start3A_1507 : memref<512x32xf32, #tpu.memory_space<vmem>>) offsets(%dma_start3A_1510 : memref<512xi32, #tpu.memory_space<vmem>>) semaphore(%arg8 : memref<!tpu.dma_semaphore, #tpu.memory_space<semaphore_mem>>)
    %dma_wait3A_1514 = arith.constant 0 : i32
    %dma_wait3A_1515 = arith.constant 0 : i32
    %dma_wait3A_1516 = arith.constant 0 : i32
    %dma_wait3A_1517 = arith.constant 0 : i32
    %dma_wait3A_1518 = arith.constant 0 : i32
    %dma_wait3A_1519 = arith.constant 0 : i32
    %dma_wait3A_1520 = tpu.memref_slice %arg6[%dma_wait3A_1516, %dma_wait3A_1517, %dma_wait3A_1518, %dma_wait3A_1519] : memref<2x2x512x32xf32, #tpu.memory_space<vmem>> -> memref<1x1x512x32xf32, #tpu.memory_space<vmem>>
    %dma_wait3A_1521 = tpu.memref_squeeze %dma_wait3A_1520 : memref<1x1x512x32xf32, #tpu.memory_space<vmem>> -> memref<512x32xf32, #tpu.memory_space<vmem>>
    %dma_wait3A_1522 = arith.constant 0 : i32
    %dma_wait3A_1523 = tpu.memref_slice %arg5[%dma_wait3A_1514, %dma_wait3A_1515, %dma_wait3A_1522] : memref<2x2x512xi32, #tpu.memory_space<vmem>> -> memref<1x1x512xi32, #tpu.memory_space<vmem>>
    %dma_wait3A_1524 = tpu.memref_squeeze %dma_wait3A_1523 : memref<1x1x512xi32, #tpu.memory_space<vmem>> -> memref<512xi32, #tpu.memory_space<vmem>>
    %dma_wait3A_1525 = arith.constant 0 : i32
    %dma_wait3A_1526 = arith.constant 0 : i32
    %dma_wait3A_1527 = tpu.memref_slice %arg3[%dma_wait3A_1525, %dma_wait3A_1526] : memref<1000000x32xf32, #tpu.memory_space<hbm>> -> memref<1000000x32xf32, #tpu.memory_space<hbm>>
    tpu.wait_indirect_dma semaphore(%arg7 : memref<!tpu.dma_semaphore, #tpu.memory_space<semaphore_mem>>) src(%dma_wait3A_1527 : memref<1000000x32xf32, #tpu.memory_space<hbm>>) dst(%dma_wait3A_1521 : memref<512x32xf32, #tpu.memory_space<vmem>>)
    %dma_wait3A_1528 = arith.constant 0 : i32
    %dma_wait3A_1529 = arith.constant 1 : i32
    %dma_wait3A_1530 = arith.constant 0 : i32
    %dma_wait3A_1531 = arith.constant 1 : i32
    %dma_wait3A_1532 = arith.constant 0 : i32
    %dma_wait3A_1533 = arith.constant 0 : i32
    %dma_wait3A_1534 = tpu.memref_slice %arg6[%dma_wait3A_1530, %dma_wait3A_1531, %dma_wait3A_1532, %dma_wait3A_1533] : memref<2x2x512x32xf32, #tpu.memory_space<vmem>> -> memref<1x1x512x32xf32, #tpu.memory_space<vmem>>
    %dma_wait3A_1535 = tpu.memref_squeeze %dma_wait3A_1534 : memref<1x1x512x32xf32, #tpu.memory_space<vmem>> -> memref<512x32xf32, #tpu.memory_space<vmem>>
    %dma_wait3A_1536 = arith.constant 0 : i32
    %dma_wait3A_1537 = tpu.memref_slice %arg5[%dma_wait3A_1528, %dma_wait3A_1529, %dma_wait3A_1536] : memref<2x2x512xi32, #tpu.memory_space<vmem>> -> memref<1x1x512xi32, #tpu.memory_space<vmem>>
    %dma_wait3A_1538 = tpu.memref_squeeze %dma_wait3A_1537 : memref<1x1x512xi32, #tpu.memory_space<vmem>> -> memref<512xi32, #tpu.memory_space<vmem>>
    %dma_wait3A_1539 = arith.constant 0 : i32
    %dma_wait3A_1540 = arith.constant 0 : i32
    %dma_wait3A_1541 = tpu.memref_slice %arg3[%dma_wait3A_1539, %dma_wait3A_1540] : memref<1000000x32xf32, #tpu.memory_space<hbm>> -> memref<1000000x32xf32, #tpu.memory_space<hbm>>
    tpu.wait_indirect_dma semaphore(%arg7 : memref<!tpu.dma_semaphore, #tpu.memory_space<semaphore_mem>>) src(%dma_wait3A_1541 : memref<1000000x32xf32, #tpu.memory_space<hbm>>) dst(%dma_wait3A_1535 : memref<512x32xf32, #tpu.memory_space<vmem>>)
    %dma_start3A_1542 = arith.constant 0 : i32
    %dma_start3A_1543 = arith.constant 0 : i32
    %dma_start3A_1544 = arith.constant 0 : i32
    %dma_start3A_1545 = arith.constant 0 : i32
    %dma_start3A_1546 = tpu.memref_slice %arg6[%dma_start3A_1542, %dma_start3A_1543, %dma_start3A_1544, %dma_start3A_1545] : memref<2x2x512x32xf32, #tpu.memory_space<vmem>> -> memref<1x2x512x32xf32, #tpu.memory_space<vmem>>
    %dma_start3A_1547 = tpu.memref_squeeze %dma_start3A_1546 : memref<1x2x512x32xf32, #tpu.memory_space<vmem>> -> memref<2x512x32xf32, #tpu.memory_space<vmem>>
    %dma_start3A_1548 = arith.constant 32 : i32
    %dma_start3A_1549 = arith.constant 0 : i32
    %dma_start3A_1550 = tpu.memref_slice %arg4[%dma_start3A_1548, %mul3A_2, %dma_start3A_1549] : memref<50x16384x32xf32, #tpu.memory_space<hbm>> -> memref<2x512x32xf32, #tpu.memory_space<hbm>>
    %dma_start3A_1551 = arith.constant 32 : i32
    %dma_start3A_1552 = arith.constant 0 : i32
    %dma_start3A_1553 = tpu.memref_slice %arg4[%dma_start3A_1551, %mul3A_2, %dma_start3A_1552] : memref<50x16384x32xf32, #tpu.memory_space<hbm>> -> memref<2x512x32xf32, #tpu.memory_space<hbm>>
    %dma_start3A_1554 = arith.constant 0 : i32
    %dma_start3A_1555 = arith.constant 0 : i32
    %dma_start3A_1556 = arith.constant 0 : i32
    %dma_start3A_1557 = tpu.memref_slice %arg6[%dma_start3A_1542, %dma_start3A_1554, %dma_start3A_1555, %dma_start3A_1556] : memref<2x2x512x32xf32, #tpu.memory_space<vmem>> -> memref<1x2x512x32xf32, #tpu.memory_space<vmem>>
    %dma_start3A_1558 = tpu.memref_squeeze %dma_start3A_1557 : memref<1x2x512x32xf32, #tpu.memory_space<vmem>> -> memref<2x512x32xf32, #tpu.memory_space<vmem>>
    tpu.enqueue_dma source(%dma_start3A_1558 : memref<2x512x32xf32, #tpu.memory_space<vmem>>) target(%dma_start3A_1553 : memref<2x512x32xf32, #tpu.memory_space<hbm>>) target_semaphore(%arg9 : memref<!tpu.dma_semaphore, #tpu.memory_space<semaphore_mem>>)
    %dma_wait3A_1559 = arith.constant 0 : i32
    %dma_wait3A_1560 = arith.constant 0 : i32
    %dma_wait3A_1561 = arith.constant 0 : i32
    %dma_wait3A_1562 = arith.constant 0 : i32
    %dma_wait3A_1563 = tpu.memref_slice %arg6[%dma_wait3A_1559, %dma_wait3A_1560, %dma_wait3A_1561, %dma_wait3A_1562] : memref<2x2x512x32xf32, #tpu.memory_space<vmem>> -> memref<1x2x512x32xf32, #tpu.memory_space<vmem>>
    %dma_wait3A_1564 = tpu.memref_squeeze %dma_wait3A_1563 : memref<1x2x512x32xf32, #tpu.memory_space<vmem>> -> memref<2x512x32xf32, #tpu.memory_space<vmem>>
    %dma_wait3A_1565 = arith.constant 32 : i32
    %dma_wait3A_1566 = arith.constant 0 : i32
    %dma_wait3A_1567 = tpu.memref_slice %arg4[%dma_wait3A_1565, %mul3A_2, %dma_wait3A_1566] : memref<50x16384x32xf32, #tpu.memory_space<hbm>> -> memref<2x512x32xf32, #tpu.memory_space<hbm>>
    %dma_wait3A_1568 = arith.constant 32 : i32
    %dma_wait3A_1569 = arith.constant 0 : i32
    %dma_wait3A_1570 = tpu.memref_slice %arg4[%dma_wait3A_1568, %mul3A_2, %dma_wait3A_1569] : memref<50x16384x32xf32, #tpu.memory_space<hbm>> -> memref<2x512x32xf32, #tpu.memory_space<hbm>>
    %dma_wait3A_1571 = arith.constant 0 : i32
    %dma_wait3A_1572 = arith.constant 0 : i32
    %dma_wait3A_1573 = arith.constant 0 : i32
    %dma_wait3A_1574 = tpu.memref_slice %arg6[%dma_wait3A_1559, %dma_wait3A_1571, %dma_wait3A_1572, %dma_wait3A_1573] : memref<2x2x512x32xf32, #tpu.memory_space<vmem>> -> memref<1x2x512x32xf32, #tpu.memory_space<vmem>>
    %dma_wait3A_1575 = tpu.memref_squeeze %dma_wait3A_1574 : memref<1x2x512x32xf32, #tpu.memory_space<vmem>> -> memref<2x512x32xf32, #tpu.memory_space<vmem>>
    tpu.wait_dma2 semaphore(%arg9 : memref<!tpu.dma_semaphore, #tpu.memory_space<semaphore_mem>>) src(%dma_wait3A_1575 : memref<2x512x32xf32, #tpu.memory_space<vmem>>) dst(%dma_wait3A_1570 : memref<2x512x32xf32, #tpu.memory_space<hbm>>)
    %run_scoped3A_1576 = arith.constant 0 : i32
    "tpu.region"() ({
      %run_scoped3A_2275 = tpu.sem_alloc : memref<!tpu.dma_semaphore, #tpu.memory_space<semaphore_mem>>
      %dma_start3A_2276 = arith.constant 0 : i32
      %dma_start3A_2277 = arith.constant 0 : i32
      %dma_start3A_2278 = tpu.memref_slice %arg5[%run_scoped3A_1576, %dma_start3A_2276, %dma_start3A_2277] : memref<2x2x512xi32, #tpu.memory_space<vmem>> -> memref<1x2x512xi32, #tpu.memory_space<vmem>>
      %dma_start3A_2279 = tpu.memref_squeeze %dma_start3A_2278 : memref<1x2x512xi32, #tpu.memory_space<vmem>> -> memref<2x512xi32, #tpu.memory_space<vmem>>
      %dma_start3A_2280 = arith.constant 36 : i32
      %dma_start3A_2281 = tpu.memref_slice %arg2[%dma_start3A_2280, %mul3A_2] : memref<50x16384xi32, #tpu.memory_space<hbm>> -> memref<2x512xi32, #tpu.memory_space<hbm>>
      %dma_start3A_2282 = arith.constant 0 : i32
      %dma_start3A_2283 = arith.constant 0 : i32
      %dma_start3A_2284 = tpu.memref_slice %arg5[%run_scoped3A_1576, %dma_start3A_2282, %dma_start3A_2283] : memref<2x2x512xi32, #tpu.memory_space<vmem>> -> memref<1x2x512xi32, #tpu.memory_space<vmem>>
      %dma_start3A_2285 = tpu.memref_squeeze %dma_start3A_2284 : memref<1x2x512xi32, #tpu.memory_space<vmem>> -> memref<2x512xi32, #tpu.memory_space<vmem>>
      %dma_start3A_2286 = arith.constant 36 : i32
      %dma_start3A_2287 = tpu.memref_slice %arg2[%dma_start3A_2286, %mul3A_2] : memref<50x16384xi32, #tpu.memory_space<hbm>> -> memref<2x512xi32, #tpu.memory_space<hbm>>
      tpu.enqueue_dma source(%dma_start3A_2287 : memref<2x512xi32, #tpu.memory_space<hbm>>) target(%dma_start3A_2285 : memref<2x512xi32, #tpu.memory_space<vmem>>) target_semaphore(%run_scoped3A_2275 : memref<!tpu.dma_semaphore, #tpu.memory_space<semaphore_mem>>)
      %dma_wait3A_2288 = arith.constant 0 : i32
      %dma_wait3A_2289 = arith.constant 0 : i32
      %dma_wait3A_2290 = tpu.memref_slice %arg5[%run_scoped3A_1576, %dma_wait3A_2288, %dma_wait3A_2289] : memref<2x2x512xi32, #tpu.memory_space<vmem>> -> memref<1x2x512xi32, #tpu.memory_space<vmem>>
      %dma_wait3A_2291 = tpu.memref_squeeze %dma_wait3A_2290 : memref<1x2x512xi32, #tpu.memory_space<vmem>> -> memref<2x512xi32, #tpu.memory_space<vmem>>
      %dma_wait3A_2292 = arith.constant 36 : i32
      %dma_wait3A_2293 = tpu.memref_slice %arg2[%dma_wait3A_2292, %mul3A_2] : memref<50x16384xi32, #tpu.memory_space<hbm>> -> memref<2x512xi32, #tpu.memory_space<hbm>>
      %dma_wait3A_2294 = arith.constant 0 : i32
      %dma_wait3A_2295 = arith.constant 0 : i32
      %dma_wait3A_2296 = tpu.memref_slice %arg5[%run_scoped3A_1576, %dma_wait3A_2294, %dma_wait3A_2295] : memref<2x2x512xi32, #tpu.memory_space<vmem>> -> memref<1x2x512xi32, #tpu.memory_space<vmem>>
      %dma_wait3A_2297 = tpu.memref_squeeze %dma_wait3A_2296 : memref<1x2x512xi32, #tpu.memory_space<vmem>> -> memref<2x512xi32, #tpu.memory_space<vmem>>
      %dma_wait3A_2298 = arith.constant 36 : i32
      %dma_wait3A_2299 = tpu.memref_slice %arg2[%dma_wait3A_2298, %mul3A_2] : memref<50x16384xi32, #tpu.memory_space<hbm>> -> memref<2x512xi32, #tpu.memory_space<hbm>>
      tpu.wait_dma2 semaphore(%run_scoped3A_2275 : memref<!tpu.dma_semaphore, #tpu.memory_space<semaphore_mem>>) src(%dma_wait3A_2299 : memref<2x512xi32, #tpu.memory_space<hbm>>) dst(%dma_wait3A_2297 : memref<2x512xi32, #tpu.memory_space<vmem>>)
      tpu.yield
    }) : () -> ()
    %dma_start3A_1577 = arith.constant 0 : i32
    %dma_start3A_1578 = arith.constant 0 : i32
    %dma_start3A_1579 = arith.constant 0 : i32
    %dma_start3A_1580 = arith.constant 0 : i32
    %dma_start3A_1581 = arith.constant 0 : i32
    %dma_start3A_1582 = arith.constant 0 : i32
    %dma_start3A_1583 = tpu.memref_slice %arg6[%dma_start3A_1579, %dma_start3A_1580, %dma_start3A_1581, %dma_start3A_1582] : memref<2x2x512x32xf32, #tpu.memory_space<vmem>> -> memref<1x1x512x32xf32, #tpu.memory_space<vmem>>
    %dma_start3A_1584 = tpu.memref_squeeze %dma_start3A_1583 : memref<1x1x512x32xf32, #tpu.memory_space<vmem>> -> memref<512x32xf32, #tpu.memory_space<vmem>>
    %dma_start3A_1585 = arith.constant 0 : i32
    %dma_start3A_1586 = tpu.memref_slice %arg5[%dma_start3A_1577, %dma_start3A_1578, %dma_start3A_1585] : memref<2x2x512xi32, #tpu.memory_space<vmem>> -> memref<1x1x512xi32, #tpu.memory_space<vmem>>
    %dma_start3A_1587 = tpu.memref_squeeze %dma_start3A_1586 : memref<1x1x512xi32, #tpu.memory_space<vmem>> -> memref<512xi32, #tpu.memory_space<vmem>>
    %dma_start3A_1588 = arith.constant 0 : i32
    %dma_start3A_1589 = arith.constant 0 : i32
    %dma_start3A_1590 = tpu.memref_slice %arg3[%dma_start3A_1588, %dma_start3A_1589] : memref<1000000x32xf32, #tpu.memory_space<hbm>> -> memref<1000000x32xf32, #tpu.memory_space<hbm>>
    tpu.enqueue_indirect_dma source(%dma_start3A_1590 : memref<1000000x32xf32, #tpu.memory_space<hbm>>) target(%dma_start3A_1584 : memref<512x32xf32, #tpu.memory_space<vmem>>) offsets(%dma_start3A_1587 : memref<512xi32, #tpu.memory_space<vmem>>) semaphore(%arg7 : memref<!tpu.dma_semaphore, #tpu.memory_space<semaphore_mem>>)
    %dma_start3A_1591 = arith.constant 0 : i32
    %dma_start3A_1592 = arith.constant 1 : i32
    %dma_start3A_1593 = arith.constant 0 : i32
    %dma_start3A_1594 = arith.constant 1 : i32
    %dma_start3A_1595 = arith.constant 0 : i32
    %dma_start3A_1596 = arith.constant 0 : i32
    %dma_start3A_1597 = tpu.memref_slice %arg6[%dma_start3A_1593, %dma_start3A_1594, %dma_start3A_1595, %dma_start3A_1596] : memref<2x2x512x32xf32, #tpu.memory_space<vmem>> -> memref<1x1x512x32xf32, #tpu.memory_space<vmem>>
    %dma_start3A_1598 = tpu.memref_squeeze %dma_start3A_1597 : memref<1x1x512x32xf32, #tpu.memory_space<vmem>> -> memref<512x32xf32, #tpu.memory_space<vmem>>
    %dma_start3A_1599 = arith.constant 0 : i32
    %dma_start3A_1600 = tpu.memref_slice %arg5[%dma_start3A_1591, %dma_start3A_1592, %dma_start3A_1599] : memref<2x2x512xi32, #tpu.memory_space<vmem>> -> memref<1x1x512xi32, #tpu.memory_space<vmem>>
    %dma_start3A_1601 = tpu.memref_squeeze %dma_start3A_1600 : memref<1x1x512xi32, #tpu.memory_space<vmem>> -> memref<512xi32, #tpu.memory_space<vmem>>
    %dma_start3A_1602 = arith.constant 0 : i32
    %dma_start3A_1603 = arith.constant 0 : i32
    %dma_start3A_1604 = tpu.memref_slice %arg3[%dma_start3A_1602, %dma_start3A_1603] : memref<1000000x32xf32, #tpu.memory_space<hbm>> -> memref<1000000x32xf32, #tpu.memory_space<hbm>>
    tpu.enqueue_indirect_dma source(%dma_start3A_1604 : memref<1000000x32xf32, #tpu.memory_space<hbm>>) target(%dma_start3A_1598 : memref<512x32xf32, #tpu.memory_space<vmem>>) offsets(%dma_start3A_1601 : memref<512xi32, #tpu.memory_space<vmem>>) semaphore(%arg7 : memref<!tpu.dma_semaphore, #tpu.memory_space<semaphore_mem>>)
    %dma_wait3A_1605 = arith.constant 1 : i32
    %dma_wait3A_1606 = arith.constant 0 : i32
    %dma_wait3A_1607 = arith.constant 1 : i32
    %dma_wait3A_1608 = arith.constant 0 : i32
    %dma_wait3A_1609 = arith.constant 0 : i32
    %dma_wait3A_1610 = arith.constant 0 : i32
    %dma_wait3A_1611 = tpu.memref_slice %arg6[%dma_wait3A_1607, %dma_wait3A_1608, %dma_wait3A_1609, %dma_wait3A_1610] : memref<2x2x512x32xf32, #tpu.memory_space<vmem>> -> memref<1x1x512x32xf32, #tpu.memory_space<vmem>>
    %dma_wait3A_1612 = tpu.memref_squeeze %dma_wait3A_1611 : memref<1x1x512x32xf32, #tpu.memory_space<vmem>> -> memref<512x32xf32, #tpu.memory_space<vmem>>
    %dma_wait3A_1613 = arith.constant 0 : i32
    %dma_wait3A_1614 = tpu.memref_slice %arg5[%dma_wait3A_1605, %dma_wait3A_1606, %dma_wait3A_1613] : memref<2x2x512xi32, #tpu.memory_space<vmem>> -> memref<1x1x512xi32, #tpu.memory_space<vmem>>
    %dma_wait3A_1615 = tpu.memref_squeeze %dma_wait3A_1614 : memref<1x1x512xi32, #tpu.memory_space<vmem>> -> memref<512xi32, #tpu.memory_space<vmem>>
    %dma_wait3A_1616 = arith.constant 0 : i32
    %dma_wait3A_1617 = arith.constant 0 : i32
    %dma_wait3A_1618 = tpu.memref_slice %arg3[%dma_wait3A_1616, %dma_wait3A_1617] : memref<1000000x32xf32, #tpu.memory_space<hbm>> -> memref<1000000x32xf32, #tpu.memory_space<hbm>>
    tpu.wait_indirect_dma semaphore(%arg8 : memref<!tpu.dma_semaphore, #tpu.memory_space<semaphore_mem>>) src(%dma_wait3A_1618 : memref<1000000x32xf32, #tpu.memory_space<hbm>>) dst(%dma_wait3A_1612 : memref<512x32xf32, #tpu.memory_space<vmem>>)
    %dma_wait3A_1619 = arith.constant 1 : i32
    %dma_wait3A_1620 = arith.constant 1 : i32
    %dma_wait3A_1621 = arith.constant 1 : i32
    %dma_wait3A_1622 = arith.constant 1 : i32
    %dma_wait3A_1623 = arith.constant 0 : i32
    %dma_wait3A_1624 = arith.constant 0 : i32
    %dma_wait3A_1625 = tpu.memref_slice %arg6[%dma_wait3A_1621, %dma_wait3A_1622, %dma_wait3A_1623, %dma_wait3A_1624] : memref<2x2x512x32xf32, #tpu.memory_space<vmem>> -> memref<1x1x512x32xf32, #tpu.memory_space<vmem>>
    %dma_wait3A_1626 = tpu.memref_squeeze %dma_wait3A_1625 : memref<1x1x512x32xf32, #tpu.memory_space<vmem>> -> memref<512x32xf32, #tpu.memory_space<vmem>>
    %dma_wait3A_1627 = arith.constant 0 : i32
    %dma_wait3A_1628 = tpu.memref_slice %arg5[%dma_wait3A_1619, %dma_wait3A_1620, %dma_wait3A_1627] : memref<2x2x512xi32, #tpu.memory_space<vmem>> -> memref<1x1x512xi32, #tpu.memory_space<vmem>>
    %dma_wait3A_1629 = tpu.memref_squeeze %dma_wait3A_1628 : memref<1x1x512xi32, #tpu.memory_space<vmem>> -> memref<512xi32, #tpu.memory_space<vmem>>
    %dma_wait3A_1630 = arith.constant 0 : i32
    %dma_wait3A_1631 = arith.constant 0 : i32
    %dma_wait3A_1632 = tpu.memref_slice %arg3[%dma_wait3A_1630, %dma_wait3A_1631] : memref<1000000x32xf32, #tpu.memory_space<hbm>> -> memref<1000000x32xf32, #tpu.memory_space<hbm>>
    tpu.wait_indirect_dma semaphore(%arg8 : memref<!tpu.dma_semaphore, #tpu.memory_space<semaphore_mem>>) src(%dma_wait3A_1632 : memref<1000000x32xf32, #tpu.memory_space<hbm>>) dst(%dma_wait3A_1626 : memref<512x32xf32, #tpu.memory_space<vmem>>)
    %dma_start3A_1633 = arith.constant 1 : i32
    %dma_start3A_1634 = arith.constant 0 : i32
    %dma_start3A_1635 = arith.constant 0 : i32
    %dma_start3A_1636 = arith.constant 0 : i32
    %dma_start3A_1637 = tpu.memref_slice %arg6[%dma_start3A_1633, %dma_start3A_1634, %dma_start3A_1635, %dma_start3A_1636] : memref<2x2x512x32xf32, #tpu.memory_space<vmem>> -> memref<1x2x512x32xf32, #tpu.memory_space<vmem>>
    %dma_start3A_1638 = tpu.memref_squeeze %dma_start3A_1637 : memref<1x2x512x32xf32, #tpu.memory_space<vmem>> -> memref<2x512x32xf32, #tpu.memory_space<vmem>>
    %dma_start3A_1639 = arith.constant 34 : i32
    %dma_start3A_1640 = arith.constant 0 : i32
    %dma_start3A_1641 = tpu.memref_slice %arg4[%dma_start3A_1639, %mul3A_2, %dma_start3A_1640] : memref<50x16384x32xf32, #tpu.memory_space<hbm>> -> memref<2x512x32xf32, #tpu.memory_space<hbm>>
    %dma_start3A_1642 = arith.constant 34 : i32
    %dma_start3A_1643 = arith.constant 0 : i32
    %dma_start3A_1644 = tpu.memref_slice %arg4[%dma_start3A_1642, %mul3A_2, %dma_start3A_1643] : memref<50x16384x32xf32, #tpu.memory_space<hbm>> -> memref<2x512x32xf32, #tpu.memory_space<hbm>>
    %dma_start3A_1645 = arith.constant 0 : i32
    %dma_start3A_1646 = arith.constant 0 : i32
    %dma_start3A_1647 = arith.constant 0 : i32
    %dma_start3A_1648 = tpu.memref_slice %arg6[%dma_start3A_1633, %dma_start3A_1645, %dma_start3A_1646, %dma_start3A_1647] : memref<2x2x512x32xf32, #tpu.memory_space<vmem>> -> memref<1x2x512x32xf32, #tpu.memory_space<vmem>>
    %dma_start3A_1649 = tpu.memref_squeeze %dma_start3A_1648 : memref<1x2x512x32xf32, #tpu.memory_space<vmem>> -> memref<2x512x32xf32, #tpu.memory_space<vmem>>
    tpu.enqueue_dma source(%dma_start3A_1649 : memref<2x512x32xf32, #tpu.memory_space<vmem>>) target(%dma_start3A_1644 : memref<2x512x32xf32, #tpu.memory_space<hbm>>) target_semaphore(%arg10 : memref<!tpu.dma_semaphore, #tpu.memory_space<semaphore_mem>>)
    %dma_wait3A_1650 = arith.constant 1 : i32
    %dma_wait3A_1651 = arith.constant 0 : i32
    %dma_wait3A_1652 = arith.constant 0 : i32
    %dma_wait3A_1653 = arith.constant 0 : i32
    %dma_wait3A_1654 = tpu.memref_slice %arg6[%dma_wait3A_1650, %dma_wait3A_1651, %dma_wait3A_1652, %dma_wait3A_1653] : memref<2x2x512x32xf32, #tpu.memory_space<vmem>> -> memref<1x2x512x32xf32, #tpu.memory_space<vmem>>
    %dma_wait3A_1655 = tpu.memref_squeeze %dma_wait3A_1654 : memref<1x2x512x32xf32, #tpu.memory_space<vmem>> -> memref<2x512x32xf32, #tpu.memory_space<vmem>>
    %dma_wait3A_1656 = arith.constant 34 : i32
    %dma_wait3A_1657 = arith.constant 0 : i32
    %dma_wait3A_1658 = tpu.memref_slice %arg4[%dma_wait3A_1656, %mul3A_2, %dma_wait3A_1657] : memref<50x16384x32xf32, #tpu.memory_space<hbm>> -> memref<2x512x32xf32, #tpu.memory_space<hbm>>
    %dma_wait3A_1659 = arith.constant 34 : i32
    %dma_wait3A_1660 = arith.constant 0 : i32
    %dma_wait3A_1661 = tpu.memref_slice %arg4[%dma_wait3A_1659, %mul3A_2, %dma_wait3A_1660] : memref<50x16384x32xf32, #tpu.memory_space<hbm>> -> memref<2x512x32xf32, #tpu.memory_space<hbm>>
    %dma_wait3A_1662 = arith.constant 0 : i32
    %dma_wait3A_1663 = arith.constant 0 : i32
    %dma_wait3A_1664 = arith.constant 0 : i32
    %dma_wait3A_1665 = tpu.memref_slice %arg6[%dma_wait3A_1650, %dma_wait3A_1662, %dma_wait3A_1663, %dma_wait3A_1664] : memref<2x2x512x32xf32, #tpu.memory_space<vmem>> -> memref<1x2x512x32xf32, #tpu.memory_space<vmem>>
    %dma_wait3A_1666 = tpu.memref_squeeze %dma_wait3A_1665 : memref<1x2x512x32xf32, #tpu.memory_space<vmem>> -> memref<2x512x32xf32, #tpu.memory_space<vmem>>
    tpu.wait_dma2 semaphore(%arg10 : memref<!tpu.dma_semaphore, #tpu.memory_space<semaphore_mem>>) src(%dma_wait3A_1666 : memref<2x512x32xf32, #tpu.memory_space<vmem>>) dst(%dma_wait3A_1661 : memref<2x512x32xf32, #tpu.memory_space<hbm>>)
    %run_scoped3A_1667 = arith.constant 1 : i32
    "tpu.region"() ({
      %run_scoped3A_2275 = tpu.sem_alloc : memref<!tpu.dma_semaphore, #tpu.memory_space<semaphore_mem>>
      %dma_start3A_2276 = arith.constant 0 : i32
      %dma_start3A_2277 = arith.constant 0 : i32
      %dma_start3A_2278 = tpu.memref_slice %arg5[%run_scoped3A_1667, %dma_start3A_2276, %dma_start3A_2277] : memref<2x2x512xi32, #tpu.memory_space<vmem>> -> memref<1x2x512xi32, #tpu.memory_space<vmem>>
      %dma_start3A_2279 = tpu.memref_squeeze %dma_start3A_2278 : memref<1x2x512xi32, #tpu.memory_space<vmem>> -> memref<2x512xi32, #tpu.memory_space<vmem>>
      %dma_start3A_2280 = arith.constant 38 : i32
      %dma_start3A_2281 = tpu.memref_slice %arg2[%dma_start3A_2280, %mul3A_2] : memref<50x16384xi32, #tpu.memory_space<hbm>> -> memref<2x512xi32, #tpu.memory_space<hbm>>
      %dma_start3A_2282 = arith.constant 0 : i32
      %dma_start3A_2283 = arith.constant 0 : i32
      %dma_start3A_2284 = tpu.memref_slice %arg5[%run_scoped3A_1667, %dma_start3A_2282, %dma_start3A_2283] : memref<2x2x512xi32, #tpu.memory_space<vmem>> -> memref<1x2x512xi32, #tpu.memory_space<vmem>>
      %dma_start3A_2285 = tpu.memref_squeeze %dma_start3A_2284 : memref<1x2x512xi32, #tpu.memory_space<vmem>> -> memref<2x512xi32, #tpu.memory_space<vmem>>
      %dma_start3A_2286 = arith.constant 38 : i32
      %dma_start3A_2287 = tpu.memref_slice %arg2[%dma_start3A_2286, %mul3A_2] : memref<50x16384xi32, #tpu.memory_space<hbm>> -> memref<2x512xi32, #tpu.memory_space<hbm>>
      tpu.enqueue_dma source(%dma_start3A_2287 : memref<2x512xi32, #tpu.memory_space<hbm>>) target(%dma_start3A_2285 : memref<2x512xi32, #tpu.memory_space<vmem>>) target_semaphore(%run_scoped3A_2275 : memref<!tpu.dma_semaphore, #tpu.memory_space<semaphore_mem>>)
      %dma_wait3A_2288 = arith.constant 0 : i32
      %dma_wait3A_2289 = arith.constant 0 : i32
      %dma_wait3A_2290 = tpu.memref_slice %arg5[%run_scoped3A_1667, %dma_wait3A_2288, %dma_wait3A_2289] : memref<2x2x512xi32, #tpu.memory_space<vmem>> -> memref<1x2x512xi32, #tpu.memory_space<vmem>>
      %dma_wait3A_2291 = tpu.memref_squeeze %dma_wait3A_2290 : memref<1x2x512xi32, #tpu.memory_space<vmem>> -> memref<2x512xi32, #tpu.memory_space<vmem>>
      %dma_wait3A_2292 = arith.constant 38 : i32
      %dma_wait3A_2293 = tpu.memref_slice %arg2[%dma_wait3A_2292, %mul3A_2] : memref<50x16384xi32, #tpu.memory_space<hbm>> -> memref<2x512xi32, #tpu.memory_space<hbm>>
      %dma_wait3A_2294 = arith.constant 0 : i32
      %dma_wait3A_2295 = arith.constant 0 : i32
      %dma_wait3A_2296 = tpu.memref_slice %arg5[%run_scoped3A_1667, %dma_wait3A_2294, %dma_wait3A_2295] : memref<2x2x512xi32, #tpu.memory_space<vmem>> -> memref<1x2x512xi32, #tpu.memory_space<vmem>>
      %dma_wait3A_2297 = tpu.memref_squeeze %dma_wait3A_2296 : memref<1x2x512xi32, #tpu.memory_space<vmem>> -> memref<2x512xi32, #tpu.memory_space<vmem>>
      %dma_wait3A_2298 = arith.constant 38 : i32
      %dma_wait3A_2299 = tpu.memref_slice %arg2[%dma_wait3A_2298, %mul3A_2] : memref<50x16384xi32, #tpu.memory_space<hbm>> -> memref<2x512xi32, #tpu.memory_space<hbm>>
      tpu.wait_dma2 semaphore(%run_scoped3A_2275 : memref<!tpu.dma_semaphore, #tpu.memory_space<semaphore_mem>>) src(%dma_wait3A_2299 : memref<2x512xi32, #tpu.memory_space<hbm>>) dst(%dma_wait3A_2297 : memref<2x512xi32, #tpu.memory_space<vmem>>)
      tpu.yield
    }) : () -> ()
    %dma_start3A_1668 = arith.constant 1 : i32
    %dma_start3A_1669 = arith.constant 0 : i32
    %dma_start3A_1670 = arith.constant 1 : i32
    %dma_start3A_1671 = arith.constant 0 : i32
    %dma_start3A_1672 = arith.constant 0 : i32
    %dma_start3A_1673 = arith.constant 0 : i32
    %dma_start3A_1674 = tpu.memref_slice %arg6[%dma_start3A_1670, %dma_start3A_1671, %dma_start3A_1672, %dma_start3A_1673] : memref<2x2x512x32xf32, #tpu.memory_space<vmem>> -> memref<1x1x512x32xf32, #tpu.memory_space<vmem>>
    %dma_start3A_1675 = tpu.memref_squeeze %dma_start3A_1674 : memref<1x1x512x32xf32, #tpu.memory_space<vmem>> -> memref<512x32xf32, #tpu.memory_space<vmem>>
    %dma_start3A_1676 = arith.constant 0 : i32
    %dma_start3A_1677 = tpu.memref_slice %arg5[%dma_start3A_1668, %dma_start3A_1669, %dma_start3A_1676] : memref<2x2x512xi32, #tpu.memory_space<vmem>> -> memref<1x1x512xi32, #tpu.memory_space<vmem>>
    %dma_start3A_1678 = tpu.memref_squeeze %dma_start3A_1677 : memref<1x1x512xi32, #tpu.memory_space<vmem>> -> memref<512xi32, #tpu.memory_space<vmem>>
    %dma_start3A_1679 = arith.constant 0 : i32
    %dma_start3A_1680 = arith.constant 0 : i32
    %dma_start3A_1681 = tpu.memref_slice %arg3[%dma_start3A_1679, %dma_start3A_1680] : memref<1000000x32xf32, #tpu.memory_space<hbm>> -> memref<1000000x32xf32, #tpu.memory_space<hbm>>
    tpu.enqueue_indirect_dma source(%dma_start3A_1681 : memref<1000000x32xf32, #tpu.memory_space<hbm>>) target(%dma_start3A_1675 : memref<512x32xf32, #tpu.memory_space<vmem>>) offsets(%dma_start3A_1678 : memref<512xi32, #tpu.memory_space<vmem>>) semaphore(%arg8 : memref<!tpu.dma_semaphore, #tpu.memory_space<semaphore_mem>>)
    %dma_start3A_1682 = arith.constant 1 : i32
    %dma_start3A_1683 = arith.constant 1 : i32
    %dma_start3A_1684 = arith.constant 1 : i32
    %dma_start3A_1685 = arith.constant 1 : i32
    %dma_start3A_1686 = arith.constant 0 : i32
    %dma_start3A_1687 = arith.constant 0 : i32
    %dma_start3A_1688 = tpu.memref_slice %arg6[%dma_start3A_1684, %dma_start3A_1685, %dma_start3A_1686, %dma_start3A_1687] : memref<2x2x512x32xf32, #tpu.memory_space<vmem>> -> memref<1x1x512x32xf32, #tpu.memory_space<vmem>>
    %dma_start3A_1689 = tpu.memref_squeeze %dma_start3A_1688 : memref<1x1x512x32xf32, #tpu.memory_space<vmem>> -> memref<512x32xf32, #tpu.memory_space<vmem>>
    %dma_start3A_1690 = arith.constant 0 : i32
    %dma_start3A_1691 = tpu.memref_slice %arg5[%dma_start3A_1682, %dma_start3A_1683, %dma_start3A_1690] : memref<2x2x512xi32, #tpu.memory_space<vmem>> -> memref<1x1x512xi32, #tpu.memory_space<vmem>>
    %dma_start3A_1692 = tpu.memref_squeeze %dma_start3A_1691 : memref<1x1x512xi32, #tpu.memory_space<vmem>> -> memref<512xi32, #tpu.memory_space<vmem>>
    %dma_start3A_1693 = arith.constant 0 : i32
    %dma_start3A_1694 = arith.constant 0 : i32
    %dma_start3A_1695 = tpu.memref_slice %arg3[%dma_start3A_1693, %dma_start3A_1694] : memref<1000000x32xf32, #tpu.memory_space<hbm>> -> memref<1000000x32xf32, #tpu.memory_space<hbm>>
    tpu.enqueue_indirect_dma source(%dma_start3A_1695 : memref<1000000x32xf32, #tpu.memory_space<hbm>>) target(%dma_start3A_1689 : memref<512x32xf32, #tpu.memory_space<vmem>>) offsets(%dma_start3A_1692 : memref<512xi32, #tpu.memory_space<vmem>>) semaphore(%arg8 : memref<!tpu.dma_semaphore, #tpu.memory_space<semaphore_mem>>)
    %dma_wait3A_1696 = arith.constant 0 : i32
    %dma_wait3A_1697 = arith.constant 0 : i32
    %dma_wait3A_1698 = arith.constant 0 : i32
    %dma_wait3A_1699 = arith.constant 0 : i32
    %dma_wait3A_1700 = arith.constant 0 : i32
    %dma_wait3A_1701 = arith.constant 0 : i32
    %dma_wait3A_1702 = tpu.memref_slice %arg6[%dma_wait3A_1698, %dma_wait3A_1699, %dma_wait3A_1700, %dma_wait3A_1701] : memref<2x2x512x32xf32, #tpu.memory_space<vmem>> -> memref<1x1x512x32xf32, #tpu.memory_space<vmem>>
    %dma_wait3A_1703 = tpu.memref_squeeze %dma_wait3A_1702 : memref<1x1x512x32xf32, #tpu.memory_space<vmem>> -> memref<512x32xf32, #tpu.memory_space<vmem>>
    %dma_wait3A_1704 = arith.constant 0 : i32
    %dma_wait3A_1705 = tpu.memref_slice %arg5[%dma_wait3A_1696, %dma_wait3A_1697, %dma_wait3A_1704] : memref<2x2x512xi32, #tpu.memory_space<vmem>> -> memref<1x1x512xi32, #tpu.memory_space<vmem>>
    %dma_wait3A_1706 = tpu.memref_squeeze %dma_wait3A_1705 : memref<1x1x512xi32, #tpu.memory_space<vmem>> -> memref<512xi32, #tpu.memory_space<vmem>>
    %dma_wait3A_1707 = arith.constant 0 : i32
    %dma_wait3A_1708 = arith.constant 0 : i32
    %dma_wait3A_1709 = tpu.memref_slice %arg3[%dma_wait3A_1707, %dma_wait3A_1708] : memref<1000000x32xf32, #tpu.memory_space<hbm>> -> memref<1000000x32xf32, #tpu.memory_space<hbm>>
    tpu.wait_indirect_dma semaphore(%arg7 : memref<!tpu.dma_semaphore, #tpu.memory_space<semaphore_mem>>) src(%dma_wait3A_1709 : memref<1000000x32xf32, #tpu.memory_space<hbm>>) dst(%dma_wait3A_1703 : memref<512x32xf32, #tpu.memory_space<vmem>>)
    %dma_wait3A_1710 = arith.constant 0 : i32
    %dma_wait3A_1711 = arith.constant 1 : i32
    %dma_wait3A_1712 = arith.constant 0 : i32
    %dma_wait3A_1713 = arith.constant 1 : i32
    %dma_wait3A_1714 = arith.constant 0 : i32
    %dma_wait3A_1715 = arith.constant 0 : i32
    %dma_wait3A_1716 = tpu.memref_slice %arg6[%dma_wait3A_1712, %dma_wait3A_1713, %dma_wait3A_1714, %dma_wait3A_1715] : memref<2x2x512x32xf32, #tpu.memory_space<vmem>> -> memref<1x1x512x32xf32, #tpu.memory_space<vmem>>
    %dma_wait3A_1717 = tpu.memref_squeeze %dma_wait3A_1716 : memref<1x1x512x32xf32, #tpu.memory_space<vmem>> -> memref<512x32xf32, #tpu.memory_space<vmem>>
    %dma_wait3A_1718 = arith.constant 0 : i32
    %dma_wait3A_1719 = tpu.memref_slice %arg5[%dma_wait3A_1710, %dma_wait3A_1711, %dma_wait3A_1718] : memref<2x2x512xi32, #tpu.memory_space<vmem>> -> memref<1x1x512xi32, #tpu.memory_space<vmem>>
    %dma_wait3A_1720 = tpu.memref_squeeze %dma_wait3A_1719 : memref<1x1x512xi32, #tpu.memory_space<vmem>> -> memref<512xi32, #tpu.memory_space<vmem>>
    %dma_wait3A_1721 = arith.constant 0 : i32
    %dma_wait3A_1722 = arith.constant 0 : i32
    %dma_wait3A_1723 = tpu.memref_slice %arg3[%dma_wait3A_1721, %dma_wait3A_1722] : memref<1000000x32xf32, #tpu.memory_space<hbm>> -> memref<1000000x32xf32, #tpu.memory_space<hbm>>
    tpu.wait_indirect_dma semaphore(%arg7 : memref<!tpu.dma_semaphore, #tpu.memory_space<semaphore_mem>>) src(%dma_wait3A_1723 : memref<1000000x32xf32, #tpu.memory_space<hbm>>) dst(%dma_wait3A_1717 : memref<512x32xf32, #tpu.memory_space<vmem>>)
    %dma_start3A_1724 = arith.constant 0 : i32
    %dma_start3A_1725 = arith.constant 0 : i32
    %dma_start3A_1726 = arith.constant 0 : i32
    %dma_start3A_1727 = arith.constant 0 : i32
    %dma_start3A_1728 = tpu.memref_slice %arg6[%dma_start3A_1724, %dma_start3A_1725, %dma_start3A_1726, %dma_start3A_1727] : memref<2x2x512x32xf32, #tpu.memory_space<vmem>> -> memref<1x2x512x32xf32, #tpu.memory_space<vmem>>
    %dma_start3A_1729 = tpu.memref_squeeze %dma_start3A_1728 : memref<1x2x512x32xf32, #tpu.memory_space<vmem>> -> memref<2x512x32xf32, #tpu.memory_space<vmem>>
    %dma_start3A_1730 = arith.constant 36 : i32
    %dma_start3A_1731 = arith.constant 0 : i32
    %dma_start3A_1732 = tpu.memref_slice %arg4[%dma_start3A_1730, %mul3A_2, %dma_start3A_1731] : memref<50x16384x32xf32, #tpu.memory_space<hbm>> -> memref<2x512x32xf32, #tpu.memory_space<hbm>>
    %dma_start3A_1733 = arith.constant 36 : i32
    %dma_start3A_1734 = arith.constant 0 : i32
    %dma_start3A_1735 = tpu.memref_slice %arg4[%dma_start3A_1733, %mul3A_2, %dma_start3A_1734] : memref<50x16384x32xf32, #tpu.memory_space<hbm>> -> memref<2x512x32xf32, #tpu.memory_space<hbm>>
    %dma_start3A_1736 = arith.constant 0 : i32
    %dma_start3A_1737 = arith.constant 0 : i32
    %dma_start3A_1738 = arith.constant 0 : i32
    %dma_start3A_1739 = tpu.memref_slice %arg6[%dma_start3A_1724, %dma_start3A_1736, %dma_start3A_1737, %dma_start3A_1738] : memref<2x2x512x32xf32, #tpu.memory_space<vmem>> -> memref<1x2x512x32xf32, #tpu.memory_space<vmem>>
    %dma_start3A_1740 = tpu.memref_squeeze %dma_start3A_1739 : memref<1x2x512x32xf32, #tpu.memory_space<vmem>> -> memref<2x512x32xf32, #tpu.memory_space<vmem>>
    tpu.enqueue_dma source(%dma_start3A_1740 : memref<2x512x32xf32, #tpu.memory_space<vmem>>) target(%dma_start3A_1735 : memref<2x512x32xf32, #tpu.memory_space<hbm>>) target_semaphore(%arg9 : memref<!tpu.dma_semaphore, #tpu.memory_space<semaphore_mem>>)
    %dma_wait3A_1741 = arith.constant 0 : i32
    %dma_wait3A_1742 = arith.constant 0 : i32
    %dma_wait3A_1743 = arith.constant 0 : i32
    %dma_wait3A_1744 = arith.constant 0 : i32
    %dma_wait3A_1745 = tpu.memref_slice %arg6[%dma_wait3A_1741, %dma_wait3A_1742, %dma_wait3A_1743, %dma_wait3A_1744] : memref<2x2x512x32xf32, #tpu.memory_space<vmem>> -> memref<1x2x512x32xf32, #tpu.memory_space<vmem>>
    %dma_wait3A_1746 = tpu.memref_squeeze %dma_wait3A_1745 : memref<1x2x512x32xf32, #tpu.memory_space<vmem>> -> memref<2x512x32xf32, #tpu.memory_space<vmem>>
    %dma_wait3A_1747 = arith.constant 36 : i32
    %dma_wait3A_1748 = arith.constant 0 : i32
    %dma_wait3A_1749 = tpu.memref_slice %arg4[%dma_wait3A_1747, %mul3A_2, %dma_wait3A_1748] : memref<50x16384x32xf32, #tpu.memory_space<hbm>> -> memref<2x512x32xf32, #tpu.memory_space<hbm>>
    %dma_wait3A_1750 = arith.constant 36 : i32
    %dma_wait3A_1751 = arith.constant 0 : i32
    %dma_wait3A_1752 = tpu.memref_slice %arg4[%dma_wait3A_1750, %mul3A_2, %dma_wait3A_1751] : memref<50x16384x32xf32, #tpu.memory_space<hbm>> -> memref<2x512x32xf32, #tpu.memory_space<hbm>>
    %dma_wait3A_1753 = arith.constant 0 : i32
    %dma_wait3A_1754 = arith.constant 0 : i32
    %dma_wait3A_1755 = arith.constant 0 : i32
    %dma_wait3A_1756 = tpu.memref_slice %arg6[%dma_wait3A_1741, %dma_wait3A_1753, %dma_wait3A_1754, %dma_wait3A_1755] : memref<2x2x512x32xf32, #tpu.memory_space<vmem>> -> memref<1x2x512x32xf32, #tpu.memory_space<vmem>>
    %dma_wait3A_1757 = tpu.memref_squeeze %dma_wait3A_1756 : memref<1x2x512x32xf32, #tpu.memory_space<vmem>> -> memref<2x512x32xf32, #tpu.memory_space<vmem>>
    tpu.wait_dma2 semaphore(%arg9 : memref<!tpu.dma_semaphore, #tpu.memory_space<semaphore_mem>>) src(%dma_wait3A_1757 : memref<2x512x32xf32, #tpu.memory_space<vmem>>) dst(%dma_wait3A_1752 : memref<2x512x32xf32, #tpu.memory_space<hbm>>)
    %run_scoped3A_1758 = arith.constant 0 : i32
    "tpu.region"() ({
      %run_scoped3A_2275 = tpu.sem_alloc : memref<!tpu.dma_semaphore, #tpu.memory_space<semaphore_mem>>
      %dma_start3A_2276 = arith.constant 0 : i32
      %dma_start3A_2277 = arith.constant 0 : i32
      %dma_start3A_2278 = tpu.memref_slice %arg5[%run_scoped3A_1758, %dma_start3A_2276, %dma_start3A_2277] : memref<2x2x512xi32, #tpu.memory_space<vmem>> -> memref<1x2x512xi32, #tpu.memory_space<vmem>>
      %dma_start3A_2279 = tpu.memref_squeeze %dma_start3A_2278 : memref<1x2x512xi32, #tpu.memory_space<vmem>> -> memref<2x512xi32, #tpu.memory_space<vmem>>
      %dma_start3A_2280 = arith.constant 40 : i32
      %dma_start3A_2281 = tpu.memref_slice %arg2[%dma_start3A_2280, %mul3A_2] : memref<50x16384xi32, #tpu.memory_space<hbm>> -> memref<2x512xi32, #tpu.memory_space<hbm>>
      %dma_start3A_2282 = arith.constant 0 : i32
      %dma_start3A_2283 = arith.constant 0 : i32
      %dma_start3A_2284 = tpu.memref_slice %arg5[%run_scoped3A_1758, %dma_start3A_2282, %dma_start3A_2283] : memref<2x2x512xi32, #tpu.memory_space<vmem>> -> memref<1x2x512xi32, #tpu.memory_space<vmem>>
      %dma_start3A_2285 = tpu.memref_squeeze %dma_start3A_2284 : memref<1x2x512xi32, #tpu.memory_space<vmem>> -> memref<2x512xi32, #tpu.memory_space<vmem>>
      %dma_start3A_2286 = arith.constant 40 : i32
      %dma_start3A_2287 = tpu.memref_slice %arg2[%dma_start3A_2286, %mul3A_2] : memref<50x16384xi32, #tpu.memory_space<hbm>> -> memref<2x512xi32, #tpu.memory_space<hbm>>
      tpu.enqueue_dma source(%dma_start3A_2287 : memref<2x512xi32, #tpu.memory_space<hbm>>) target(%dma_start3A_2285 : memref<2x512xi32, #tpu.memory_space<vmem>>) target_semaphore(%run_scoped3A_2275 : memref<!tpu.dma_semaphore, #tpu.memory_space<semaphore_mem>>)
      %dma_wait3A_2288 = arith.constant 0 : i32
      %dma_wait3A_2289 = arith.constant 0 : i32
      %dma_wait3A_2290 = tpu.memref_slice %arg5[%run_scoped3A_1758, %dma_wait3A_2288, %dma_wait3A_2289] : memref<2x2x512xi32, #tpu.memory_space<vmem>> -> memref<1x2x512xi32, #tpu.memory_space<vmem>>
      %dma_wait3A_2291 = tpu.memref_squeeze %dma_wait3A_2290 : memref<1x2x512xi32, #tpu.memory_space<vmem>> -> memref<2x512xi32, #tpu.memory_space<vmem>>
      %dma_wait3A_2292 = arith.constant 40 : i32
      %dma_wait3A_2293 = tpu.memref_slice %arg2[%dma_wait3A_2292, %mul3A_2] : memref<50x16384xi32, #tpu.memory_space<hbm>> -> memref<2x512xi32, #tpu.memory_space<hbm>>
      %dma_wait3A_2294 = arith.constant 0 : i32
      %dma_wait3A_2295 = arith.constant 0 : i32
      %dma_wait3A_2296 = tpu.memref_slice %arg5[%run_scoped3A_1758, %dma_wait3A_2294, %dma_wait3A_2295] : memref<2x2x512xi32, #tpu.memory_space<vmem>> -> memref<1x2x512xi32, #tpu.memory_space<vmem>>
      %dma_wait3A_2297 = tpu.memref_squeeze %dma_wait3A_2296 : memref<1x2x512xi32, #tpu.memory_space<vmem>> -> memref<2x512xi32, #tpu.memory_space<vmem>>
      %dma_wait3A_2298 = arith.constant 40 : i32
      %dma_wait3A_2299 = tpu.memref_slice %arg2[%dma_wait3A_2298, %mul3A_2] : memref<50x16384xi32, #tpu.memory_space<hbm>> -> memref<2x512xi32, #tpu.memory_space<hbm>>
      tpu.wait_dma2 semaphore(%run_scoped3A_2275 : memref<!tpu.dma_semaphore, #tpu.memory_space<semaphore_mem>>) src(%dma_wait3A_2299 : memref<2x512xi32, #tpu.memory_space<hbm>>) dst(%dma_wait3A_2297 : memref<2x512xi32, #tpu.memory_space<vmem>>)
      tpu.yield
    }) : () -> ()
    %dma_start3A_1759 = arith.constant 0 : i32
    %dma_start3A_1760 = arith.constant 0 : i32
    %dma_start3A_1761 = arith.constant 0 : i32
    %dma_start3A_1762 = arith.constant 0 : i32
    %dma_start3A_1763 = arith.constant 0 : i32
    %dma_start3A_1764 = arith.constant 0 : i32
    %dma_start3A_1765 = tpu.memref_slice %arg6[%dma_start3A_1761, %dma_start3A_1762, %dma_start3A_1763, %dma_start3A_1764] : memref<2x2x512x32xf32, #tpu.memory_space<vmem>> -> memref<1x1x512x32xf32, #tpu.memory_space<vmem>>
    %dma_start3A_1766 = tpu.memref_squeeze %dma_start3A_1765 : memref<1x1x512x32xf32, #tpu.memory_space<vmem>> -> memref<512x32xf32, #tpu.memory_space<vmem>>
    %dma_start3A_1767 = arith.constant 0 : i32
    %dma_start3A_1768 = tpu.memref_slice %arg5[%dma_start3A_1759, %dma_start3A_1760, %dma_start3A_1767] : memref<2x2x512xi32, #tpu.memory_space<vmem>> -> memref<1x1x512xi32, #tpu.memory_space<vmem>>
    %dma_start3A_1769 = tpu.memref_squeeze %dma_start3A_1768 : memref<1x1x512xi32, #tpu.memory_space<vmem>> -> memref<512xi32, #tpu.memory_space<vmem>>
    %dma_start3A_1770 = arith.constant 0 : i32
    %dma_start3A_1771 = arith.constant 0 : i32
    %dma_start3A_1772 = tpu.memref_slice %arg3[%dma_start3A_1770, %dma_start3A_1771] : memref<1000000x32xf32, #tpu.memory_space<hbm>> -> memref<1000000x32xf32, #tpu.memory_space<hbm>>
    tpu.enqueue_indirect_dma source(%dma_start3A_1772 : memref<1000000x32xf32, #tpu.memory_space<hbm>>) target(%dma_start3A_1766 : memref<512x32xf32, #tpu.memory_space<vmem>>) offsets(%dma_start3A_1769 : memref<512xi32, #tpu.memory_space<vmem>>) semaphore(%arg7 : memref<!tpu.dma_semaphore, #tpu.memory_space<semaphore_mem>>)
    %dma_start3A_1773 = arith.constant 0 : i32
    %dma_start3A_1774 = arith.constant 1 : i32
    %dma_start3A_1775 = arith.constant 0 : i32
    %dma_start3A_1776 = arith.constant 1 : i32
    %dma_start3A_1777 = arith.constant 0 : i32
    %dma_start3A_1778 = arith.constant 0 : i32
    %dma_start3A_1779 = tpu.memref_slice %arg6[%dma_start3A_1775, %dma_start3A_1776, %dma_start3A_1777, %dma_start3A_1778] : memref<2x2x512x32xf32, #tpu.memory_space<vmem>> -> memref<1x1x512x32xf32, #tpu.memory_space<vmem>>
    %dma_start3A_1780 = tpu.memref_squeeze %dma_start3A_1779 : memref<1x1x512x32xf32, #tpu.memory_space<vmem>> -> memref<512x32xf32, #tpu.memory_space<vmem>>
    %dma_start3A_1781 = arith.constant 0 : i32
    %dma_start3A_1782 = tpu.memref_slice %arg5[%dma_start3A_1773, %dma_start3A_1774, %dma_start3A_1781] : memref<2x2x512xi32, #tpu.memory_space<vmem>> -> memref<1x1x512xi32, #tpu.memory_space<vmem>>
    %dma_start3A_1783 = tpu.memref_squeeze %dma_start3A_1782 : memref<1x1x512xi32, #tpu.memory_space<vmem>> -> memref<512xi32, #tpu.memory_space<vmem>>
    %dma_start3A_1784 = arith.constant 0 : i32
    %dma_start3A_1785 = arith.constant 0 : i32
    %dma_start3A_1786 = tpu.memref_slice %arg3[%dma_start3A_1784, %dma_start3A_1785] : memref<1000000x32xf32, #tpu.memory_space<hbm>> -> memref<1000000x32xf32, #tpu.memory_space<hbm>>
    tpu.enqueue_indirect_dma source(%dma_start3A_1786 : memref<1000000x32xf32, #tpu.memory_space<hbm>>) target(%dma_start3A_1780 : memref<512x32xf32, #tpu.memory_space<vmem>>) offsets(%dma_start3A_1783 : memref<512xi32, #tpu.memory_space<vmem>>) semaphore(%arg7 : memref<!tpu.dma_semaphore, #tpu.memory_space<semaphore_mem>>)
    %dma_wait3A_1787 = arith.constant 1 : i32
    %dma_wait3A_1788 = arith.constant 0 : i32
    %dma_wait3A_1789 = arith.constant 1 : i32
    %dma_wait3A_1790 = arith.constant 0 : i32
    %dma_wait3A_1791 = arith.constant 0 : i32
    %dma_wait3A_1792 = arith.constant 0 : i32
    %dma_wait3A_1793 = tpu.memref_slice %arg6[%dma_wait3A_1789, %dma_wait3A_1790, %dma_wait3A_1791, %dma_wait3A_1792] : memref<2x2x512x32xf32, #tpu.memory_space<vmem>> -> memref<1x1x512x32xf32, #tpu.memory_space<vmem>>
    %dma_wait3A_1794 = tpu.memref_squeeze %dma_wait3A_1793 : memref<1x1x512x32xf32, #tpu.memory_space<vmem>> -> memref<512x32xf32, #tpu.memory_space<vmem>>
    %dma_wait3A_1795 = arith.constant 0 : i32
    %dma_wait3A_1796 = tpu.memref_slice %arg5[%dma_wait3A_1787, %dma_wait3A_1788, %dma_wait3A_1795] : memref<2x2x512xi32, #tpu.memory_space<vmem>> -> memref<1x1x512xi32, #tpu.memory_space<vmem>>
    %dma_wait3A_1797 = tpu.memref_squeeze %dma_wait3A_1796 : memref<1x1x512xi32, #tpu.memory_space<vmem>> -> memref<512xi32, #tpu.memory_space<vmem>>
    %dma_wait3A_1798 = arith.constant 0 : i32
    %dma_wait3A_1799 = arith.constant 0 : i32
    %dma_wait3A_1800 = tpu.memref_slice %arg3[%dma_wait3A_1798, %dma_wait3A_1799] : memref<1000000x32xf32, #tpu.memory_space<hbm>> -> memref<1000000x32xf32, #tpu.memory_space<hbm>>
    tpu.wait_indirect_dma semaphore(%arg8 : memref<!tpu.dma_semaphore, #tpu.memory_space<semaphore_mem>>) src(%dma_wait3A_1800 : memref<1000000x32xf32, #tpu.memory_space<hbm>>) dst(%dma_wait3A_1794 : memref<512x32xf32, #tpu.memory_space<vmem>>)
    %dma_wait3A_1801 = arith.constant 1 : i32
    %dma_wait3A_1802 = arith.constant 1 : i32
    %dma_wait3A_1803 = arith.constant 1 : i32
    %dma_wait3A_1804 = arith.constant 1 : i32
    %dma_wait3A_1805 = arith.constant 0 : i32
    %dma_wait3A_1806 = arith.constant 0 : i32
    %dma_wait3A_1807 = tpu.memref_slice %arg6[%dma_wait3A_1803, %dma_wait3A_1804, %dma_wait3A_1805, %dma_wait3A_1806] : memref<2x2x512x32xf32, #tpu.memory_space<vmem>> -> memref<1x1x512x32xf32, #tpu.memory_space<vmem>>
    %dma_wait3A_1808 = tpu.memref_squeeze %dma_wait3A_1807 : memref<1x1x512x32xf32, #tpu.memory_space<vmem>> -> memref<512x32xf32, #tpu.memory_space<vmem>>
    %dma_wait3A_1809 = arith.constant 0 : i32
    %dma_wait3A_1810 = tpu.memref_slice %arg5[%dma_wait3A_1801, %dma_wait3A_1802, %dma_wait3A_1809] : memref<2x2x512xi32, #tpu.memory_space<vmem>> -> memref<1x1x512xi32, #tpu.memory_space<vmem>>
    %dma_wait3A_1811 = tpu.memref_squeeze %dma_wait3A_1810 : memref<1x1x512xi32, #tpu.memory_space<vmem>> -> memref<512xi32, #tpu.memory_space<vmem>>
    %dma_wait3A_1812 = arith.constant 0 : i32
    %dma_wait3A_1813 = arith.constant 0 : i32
    %dma_wait3A_1814 = tpu.memref_slice %arg3[%dma_wait3A_1812, %dma_wait3A_1813] : memref<1000000x32xf32, #tpu.memory_space<hbm>> -> memref<1000000x32xf32, #tpu.memory_space<hbm>>
    tpu.wait_indirect_dma semaphore(%arg8 : memref<!tpu.dma_semaphore, #tpu.memory_space<semaphore_mem>>) src(%dma_wait3A_1814 : memref<1000000x32xf32, #tpu.memory_space<hbm>>) dst(%dma_wait3A_1808 : memref<512x32xf32, #tpu.memory_space<vmem>>)
    %dma_start3A_1815 = arith.constant 1 : i32
    %dma_start3A_1816 = arith.constant 0 : i32
    %dma_start3A_1817 = arith.constant 0 : i32
    %dma_start3A_1818 = arith.constant 0 : i32
    %dma_start3A_1819 = tpu.memref_slice %arg6[%dma_start3A_1815, %dma_start3A_1816, %dma_start3A_1817, %dma_start3A_1818] : memref<2x2x512x32xf32, #tpu.memory_space<vmem>> -> memref<1x2x512x32xf32, #tpu.memory_space<vmem>>
    %dma_start3A_1820 = tpu.memref_squeeze %dma_start3A_1819 : memref<1x2x512x32xf32, #tpu.memory_space<vmem>> -> memref<2x512x32xf32, #tpu.memory_space<vmem>>
    %dma_start3A_1821 = arith.constant 38 : i32
    %dma_start3A_1822 = arith.constant 0 : i32
    %dma_start3A_1823 = tpu.memref_slice %arg4[%dma_start3A_1821, %mul3A_2, %dma_start3A_1822] : memref<50x16384x32xf32, #tpu.memory_space<hbm>> -> memref<2x512x32xf32, #tpu.memory_space<hbm>>
    %dma_start3A_1824 = arith.constant 38 : i32
    %dma_start3A_1825 = arith.constant 0 : i32
    %dma_start3A_1826 = tpu.memref_slice %arg4[%dma_start3A_1824, %mul3A_2, %dma_start3A_1825] : memref<50x16384x32xf32, #tpu.memory_space<hbm>> -> memref<2x512x32xf32, #tpu.memory_space<hbm>>
    %dma_start3A_1827 = arith.constant 0 : i32
    %dma_start3A_1828 = arith.constant 0 : i32
    %dma_start3A_1829 = arith.constant 0 : i32
    %dma_start3A_1830 = tpu.memref_slice %arg6[%dma_start3A_1815, %dma_start3A_1827, %dma_start3A_1828, %dma_start3A_1829] : memref<2x2x512x32xf32, #tpu.memory_space<vmem>> -> memref<1x2x512x32xf32, #tpu.memory_space<vmem>>
    %dma_start3A_1831 = tpu.memref_squeeze %dma_start3A_1830 : memref<1x2x512x32xf32, #tpu.memory_space<vmem>> -> memref<2x512x32xf32, #tpu.memory_space<vmem>>
    tpu.enqueue_dma source(%dma_start3A_1831 : memref<2x512x32xf32, #tpu.memory_space<vmem>>) target(%dma_start3A_1826 : memref<2x512x32xf32, #tpu.memory_space<hbm>>) target_semaphore(%arg10 : memref<!tpu.dma_semaphore, #tpu.memory_space<semaphore_mem>>)
    %dma_wait3A_1832 = arith.constant 1 : i32
    %dma_wait3A_1833 = arith.constant 0 : i32
    %dma_wait3A_1834 = arith.constant 0 : i32
    %dma_wait3A_1835 = arith.constant 0 : i32
    %dma_wait3A_1836 = tpu.memref_slice %arg6[%dma_wait3A_1832, %dma_wait3A_1833, %dma_wait3A_1834, %dma_wait3A_1835] : memref<2x2x512x32xf32, #tpu.memory_space<vmem>> -> memref<1x2x512x32xf32, #tpu.memory_space<vmem>>
    %dma_wait3A_1837 = tpu.memref_squeeze %dma_wait3A_1836 : memref<1x2x512x32xf32, #tpu.memory_space<vmem>> -> memref<2x512x32xf32, #tpu.memory_space<vmem>>
    %dma_wait3A_1838 = arith.constant 38 : i32
    %dma_wait3A_1839 = arith.constant 0 : i32
    %dma_wait3A_1840 = tpu.memref_slice %arg4[%dma_wait3A_1838, %mul3A_2, %dma_wait3A_1839] : memref<50x16384x32xf32, #tpu.memory_space<hbm>> -> memref<2x512x32xf32, #tpu.memory_space<hbm>>
    %dma_wait3A_1841 = arith.constant 38 : i32
    %dma_wait3A_1842 = arith.constant 0 : i32
    %dma_wait3A_1843 = tpu.memref_slice %arg4[%dma_wait3A_1841, %mul3A_2, %dma_wait3A_1842] : memref<50x16384x32xf32, #tpu.memory_space<hbm>> -> memref<2x512x32xf32, #tpu.memory_space<hbm>>
    %dma_wait3A_1844 = arith.constant 0 : i32
    %dma_wait3A_1845 = arith.constant 0 : i32
    %dma_wait3A_1846 = arith.constant 0 : i32
    %dma_wait3A_1847 = tpu.memref_slice %arg6[%dma_wait3A_1832, %dma_wait3A_1844, %dma_wait3A_1845, %dma_wait3A_1846] : memref<2x2x512x32xf32, #tpu.memory_space<vmem>> -> memref<1x2x512x32xf32, #tpu.memory_space<vmem>>
    %dma_wait3A_1848 = tpu.memref_squeeze %dma_wait3A_1847 : memref<1x2x512x32xf32, #tpu.memory_space<vmem>> -> memref<2x512x32xf32, #tpu.memory_space<vmem>>
    tpu.wait_dma2 semaphore(%arg10 : memref<!tpu.dma_semaphore, #tpu.memory_space<semaphore_mem>>) src(%dma_wait3A_1848 : memref<2x512x32xf32, #tpu.memory_space<vmem>>) dst(%dma_wait3A_1843 : memref<2x512x32xf32, #tpu.memory_space<hbm>>)
    %run_scoped3A_1849 = arith.constant 1 : i32
    "tpu.region"() ({
      %run_scoped3A_2275 = tpu.sem_alloc : memref<!tpu.dma_semaphore, #tpu.memory_space<semaphore_mem>>
      %dma_start3A_2276 = arith.constant 0 : i32
      %dma_start3A_2277 = arith.constant 0 : i32
      %dma_start3A_2278 = tpu.memref_slice %arg5[%run_scoped3A_1849, %dma_start3A_2276, %dma_start3A_2277] : memref<2x2x512xi32, #tpu.memory_space<vmem>> -> memref<1x2x512xi32, #tpu.memory_space<vmem>>
      %dma_start3A_2279 = tpu.memref_squeeze %dma_start3A_2278 : memref<1x2x512xi32, #tpu.memory_space<vmem>> -> memref<2x512xi32, #tpu.memory_space<vmem>>
      %dma_start3A_2280 = arith.constant 42 : i32
      %dma_start3A_2281 = tpu.memref_slice %arg2[%dma_start3A_2280, %mul3A_2] : memref<50x16384xi32, #tpu.memory_space<hbm>> -> memref<2x512xi32, #tpu.memory_space<hbm>>
      %dma_start3A_2282 = arith.constant 0 : i32
      %dma_start3A_2283 = arith.constant 0 : i32
      %dma_start3A_2284 = tpu.memref_slice %arg5[%run_scoped3A_1849, %dma_start3A_2282, %dma_start3A_2283] : memref<2x2x512xi32, #tpu.memory_space<vmem>> -> memref<1x2x512xi32, #tpu.memory_space<vmem>>
      %dma_start3A_2285 = tpu.memref_squeeze %dma_start3A_2284 : memref<1x2x512xi32, #tpu.memory_space<vmem>> -> memref<2x512xi32, #tpu.memory_space<vmem>>
      %dma_start3A_2286 = arith.constant 42 : i32
      %dma_start3A_2287 = tpu.memref_slice %arg2[%dma_start3A_2286, %mul3A_2] : memref<50x16384xi32, #tpu.memory_space<hbm>> -> memref<2x512xi32, #tpu.memory_space<hbm>>
      tpu.enqueue_dma source(%dma_start3A_2287 : memref<2x512xi32, #tpu.memory_space<hbm>>) target(%dma_start3A_2285 : memref<2x512xi32, #tpu.memory_space<vmem>>) target_semaphore(%run_scoped3A_2275 : memref<!tpu.dma_semaphore, #tpu.memory_space<semaphore_mem>>)
      %dma_wait3A_2288 = arith.constant 0 : i32
      %dma_wait3A_2289 = arith.constant 0 : i32
      %dma_wait3A_2290 = tpu.memref_slice %arg5[%run_scoped3A_1849, %dma_wait3A_2288, %dma_wait3A_2289] : memref<2x2x512xi32, #tpu.memory_space<vmem>> -> memref<1x2x512xi32, #tpu.memory_space<vmem>>
      %dma_wait3A_2291 = tpu.memref_squeeze %dma_wait3A_2290 : memref<1x2x512xi32, #tpu.memory_space<vmem>> -> memref<2x512xi32, #tpu.memory_space<vmem>>
      %dma_wait3A_2292 = arith.constant 42 : i32
      %dma_wait3A_2293 = tpu.memref_slice %arg2[%dma_wait3A_2292, %mul3A_2] : memref<50x16384xi32, #tpu.memory_space<hbm>> -> memref<2x512xi32, #tpu.memory_space<hbm>>
      %dma_wait3A_2294 = arith.constant 0 : i32
      %dma_wait3A_2295 = arith.constant 0 : i32
      %dma_wait3A_2296 = tpu.memref_slice %arg5[%run_scoped3A_1849, %dma_wait3A_2294, %dma_wait3A_2295] : memref<2x2x512xi32, #tpu.memory_space<vmem>> -> memref<1x2x512xi32, #tpu.memory_space<vmem>>
      %dma_wait3A_2297 = tpu.memref_squeeze %dma_wait3A_2296 : memref<1x2x512xi32, #tpu.memory_space<vmem>> -> memref<2x512xi32, #tpu.memory_space<vmem>>
      %dma_wait3A_2298 = arith.constant 42 : i32
      %dma_wait3A_2299 = tpu.memref_slice %arg2[%dma_wait3A_2298, %mul3A_2] : memref<50x16384xi32, #tpu.memory_space<hbm>> -> memref<2x512xi32, #tpu.memory_space<hbm>>
      tpu.wait_dma2 semaphore(%run_scoped3A_2275 : memref<!tpu.dma_semaphore, #tpu.memory_space<semaphore_mem>>) src(%dma_wait3A_2299 : memref<2x512xi32, #tpu.memory_space<hbm>>) dst(%dma_wait3A_2297 : memref<2x512xi32, #tpu.memory_space<vmem>>)
      tpu.yield
    }) : () -> ()
    %dma_start3A_1850 = arith.constant 1 : i32
    %dma_start3A_1851 = arith.constant 0 : i32
    %dma_start3A_1852 = arith.constant 1 : i32
    %dma_start3A_1853 = arith.constant 0 : i32
    %dma_start3A_1854 = arith.constant 0 : i32
    %dma_start3A_1855 = arith.constant 0 : i32
    %dma_start3A_1856 = tpu.memref_slice %arg6[%dma_start3A_1852, %dma_start3A_1853, %dma_start3A_1854, %dma_start3A_1855] : memref<2x2x512x32xf32, #tpu.memory_space<vmem>> -> memref<1x1x512x32xf32, #tpu.memory_space<vmem>>
    %dma_start3A_1857 = tpu.memref_squeeze %dma_start3A_1856 : memref<1x1x512x32xf32, #tpu.memory_space<vmem>> -> memref<512x32xf32, #tpu.memory_space<vmem>>
    %dma_start3A_1858 = arith.constant 0 : i32
    %dma_start3A_1859 = tpu.memref_slice %arg5[%dma_start3A_1850, %dma_start3A_1851, %dma_start3A_1858] : memref<2x2x512xi32, #tpu.memory_space<vmem>> -> memref<1x1x512xi32, #tpu.memory_space<vmem>>
    %dma_start3A_1860 = tpu.memref_squeeze %dma_start3A_1859 : memref<1x1x512xi32, #tpu.memory_space<vmem>> -> memref<512xi32, #tpu.memory_space<vmem>>
    %dma_start3A_1861 = arith.constant 0 : i32
    %dma_start3A_1862 = arith.constant 0 : i32
    %dma_start3A_1863 = tpu.memref_slice %arg3[%dma_start3A_1861, %dma_start3A_1862] : memref<1000000x32xf32, #tpu.memory_space<hbm>> -> memref<1000000x32xf32, #tpu.memory_space<hbm>>
    tpu.enqueue_indirect_dma source(%dma_start3A_1863 : memref<1000000x32xf32, #tpu.memory_space<hbm>>) target(%dma_start3A_1857 : memref<512x32xf32, #tpu.memory_space<vmem>>) offsets(%dma_start3A_1860 : memref<512xi32, #tpu.memory_space<vmem>>) semaphore(%arg8 : memref<!tpu.dma_semaphore, #tpu.memory_space<semaphore_mem>>)
    %dma_start3A_1864 = arith.constant 1 : i32
    %dma_start3A_1865 = arith.constant 1 : i32
    %dma_start3A_1866 = arith.constant 1 : i32
    %dma_start3A_1867 = arith.constant 1 : i32
    %dma_start3A_1868 = arith.constant 0 : i32
    %dma_start3A_1869 = arith.constant 0 : i32
    %dma_start3A_1870 = tpu.memref_slice %arg6[%dma_start3A_1866, %dma_start3A_1867, %dma_start3A_1868, %dma_start3A_1869] : memref<2x2x512x32xf32, #tpu.memory_space<vmem>> -> memref<1x1x512x32xf32, #tpu.memory_space<vmem>>
    %dma_start3A_1871 = tpu.memref_squeeze %dma_start3A_1870 : memref<1x1x512x32xf32, #tpu.memory_space<vmem>> -> memref<512x32xf32, #tpu.memory_space<vmem>>
    %dma_start3A_1872 = arith.constant 0 : i32
    %dma_start3A_1873 = tpu.memref_slice %arg5[%dma_start3A_1864, %dma_start3A_1865, %dma_start3A_1872] : memref<2x2x512xi32, #tpu.memory_space<vmem>> -> memref<1x1x512xi32, #tpu.memory_space<vmem>>
    %dma_start3A_1874 = tpu.memref_squeeze %dma_start3A_1873 : memref<1x1x512xi32, #tpu.memory_space<vmem>> -> memref<512xi32, #tpu.memory_space<vmem>>
    %dma_start3A_1875 = arith.constant 0 : i32
    %dma_start3A_1876 = arith.constant 0 : i32
    %dma_start3A_1877 = tpu.memref_slice %arg3[%dma_start3A_1875, %dma_start3A_1876] : memref<1000000x32xf32, #tpu.memory_space<hbm>> -> memref<1000000x32xf32, #tpu.memory_space<hbm>>
    tpu.enqueue_indirect_dma source(%dma_start3A_1877 : memref<1000000x32xf32, #tpu.memory_space<hbm>>) target(%dma_start3A_1871 : memref<512x32xf32, #tpu.memory_space<vmem>>) offsets(%dma_start3A_1874 : memref<512xi32, #tpu.memory_space<vmem>>) semaphore(%arg8 : memref<!tpu.dma_semaphore, #tpu.memory_space<semaphore_mem>>)
    %dma_wait3A_1878 = arith.constant 0 : i32
    %dma_wait3A_1879 = arith.constant 0 : i32
    %dma_wait3A_1880 = arith.constant 0 : i32
    %dma_wait3A_1881 = arith.constant 0 : i32
    %dma_wait3A_1882 = arith.constant 0 : i32
    %dma_wait3A_1883 = arith.constant 0 : i32
    %dma_wait3A_1884 = tpu.memref_slice %arg6[%dma_wait3A_1880, %dma_wait3A_1881, %dma_wait3A_1882, %dma_wait3A_1883] : memref<2x2x512x32xf32, #tpu.memory_space<vmem>> -> memref<1x1x512x32xf32, #tpu.memory_space<vmem>>
    %dma_wait3A_1885 = tpu.memref_squeeze %dma_wait3A_1884 : memref<1x1x512x32xf32, #tpu.memory_space<vmem>> -> memref<512x32xf32, #tpu.memory_space<vmem>>
    %dma_wait3A_1886 = arith.constant 0 : i32
    %dma_wait3A_1887 = tpu.memref_slice %arg5[%dma_wait3A_1878, %dma_wait3A_1879, %dma_wait3A_1886] : memref<2x2x512xi32, #tpu.memory_space<vmem>> -> memref<1x1x512xi32, #tpu.memory_space<vmem>>
    %dma_wait3A_1888 = tpu.memref_squeeze %dma_wait3A_1887 : memref<1x1x512xi32, #tpu.memory_space<vmem>> -> memref<512xi32, #tpu.memory_space<vmem>>
    %dma_wait3A_1889 = arith.constant 0 : i32
    %dma_wait3A_1890 = arith.constant 0 : i32
    %dma_wait3A_1891 = tpu.memref_slice %arg3[%dma_wait3A_1889, %dma_wait3A_1890] : memref<1000000x32xf32, #tpu.memory_space<hbm>> -> memref<1000000x32xf32, #tpu.memory_space<hbm>>
    tpu.wait_indirect_dma semaphore(%arg7 : memref<!tpu.dma_semaphore, #tpu.memory_space<semaphore_mem>>) src(%dma_wait3A_1891 : memref<1000000x32xf32, #tpu.memory_space<hbm>>) dst(%dma_wait3A_1885 : memref<512x32xf32, #tpu.memory_space<vmem>>)
    %dma_wait3A_1892 = arith.constant 0 : i32
    %dma_wait3A_1893 = arith.constant 1 : i32
    %dma_wait3A_1894 = arith.constant 0 : i32
    %dma_wait3A_1895 = arith.constant 1 : i32
    %dma_wait3A_1896 = arith.constant 0 : i32
    %dma_wait3A_1897 = arith.constant 0 : i32
    %dma_wait3A_1898 = tpu.memref_slice %arg6[%dma_wait3A_1894, %dma_wait3A_1895, %dma_wait3A_1896, %dma_wait3A_1897] : memref<2x2x512x32xf32, #tpu.memory_space<vmem>> -> memref<1x1x512x32xf32, #tpu.memory_space<vmem>>
    %dma_wait3A_1899 = tpu.memref_squeeze %dma_wait3A_1898 : memref<1x1x512x32xf32, #tpu.memory_space<vmem>> -> memref<512x32xf32, #tpu.memory_space<vmem>>
    %dma_wait3A_1900 = arith.constant 0 : i32
    %dma_wait3A_1901 = tpu.memref_slice %arg5[%dma_wait3A_1892, %dma_wait3A_1893, %dma_wait3A_1900] : memref<2x2x512xi32, #tpu.memory_space<vmem>> -> memref<1x1x512xi32, #tpu.memory_space<vmem>>
    %dma_wait3A_1902 = tpu.memref_squeeze %dma_wait3A_1901 : memref<1x1x512xi32, #tpu.memory_space<vmem>> -> memref<512xi32, #tpu.memory_space<vmem>>
    %dma_wait3A_1903 = arith.constant 0 : i32
    %dma_wait3A_1904 = arith.constant 0 : i32
    %dma_wait3A_1905 = tpu.memref_slice %arg3[%dma_wait3A_1903, %dma_wait3A_1904] : memref<1000000x32xf32, #tpu.memory_space<hbm>> -> memref<1000000x32xf32, #tpu.memory_space<hbm>>
    tpu.wait_indirect_dma semaphore(%arg7 : memref<!tpu.dma_semaphore, #tpu.memory_space<semaphore_mem>>) src(%dma_wait3A_1905 : memref<1000000x32xf32, #tpu.memory_space<hbm>>) dst(%dma_wait3A_1899 : memref<512x32xf32, #tpu.memory_space<vmem>>)
    %dma_start3A_1906 = arith.constant 0 : i32
    %dma_start3A_1907 = arith.constant 0 : i32
    %dma_start3A_1908 = arith.constant 0 : i32
    %dma_start3A_1909 = arith.constant 0 : i32
    %dma_start3A_1910 = tpu.memref_slice %arg6[%dma_start3A_1906, %dma_start3A_1907, %dma_start3A_1908, %dma_start3A_1909] : memref<2x2x512x32xf32, #tpu.memory_space<vmem>> -> memref<1x2x512x32xf32, #tpu.memory_space<vmem>>
    %dma_start3A_1911 = tpu.memref_squeeze %dma_start3A_1910 : memref<1x2x512x32xf32, #tpu.memory_space<vmem>> -> memref<2x512x32xf32, #tpu.memory_space<vmem>>
    %dma_start3A_1912 = arith.constant 40 : i32
    %dma_start3A_1913 = arith.constant 0 : i32
    %dma_start3A_1914 = tpu.memref_slice %arg4[%dma_start3A_1912, %mul3A_2, %dma_start3A_1913] : memref<50x16384x32xf32, #tpu.memory_space<hbm>> -> memref<2x512x32xf32, #tpu.memory_space<hbm>>
    %dma_start3A_1915 = arith.constant 40 : i32
    %dma_start3A_1916 = arith.constant 0 : i32
    %dma_start3A_1917 = tpu.memref_slice %arg4[%dma_start3A_1915, %mul3A_2, %dma_start3A_1916] : memref<50x16384x32xf32, #tpu.memory_space<hbm>> -> memref<2x512x32xf32, #tpu.memory_space<hbm>>
    %dma_start3A_1918 = arith.constant 0 : i32
    %dma_start3A_1919 = arith.constant 0 : i32
    %dma_start3A_1920 = arith.constant 0 : i32
    %dma_start3A_1921 = tpu.memref_slice %arg6[%dma_start3A_1906, %dma_start3A_1918, %dma_start3A_1919, %dma_start3A_1920] : memref<2x2x512x32xf32, #tpu.memory_space<vmem>> -> memref<1x2x512x32xf32, #tpu.memory_space<vmem>>
    %dma_start3A_1922 = tpu.memref_squeeze %dma_start3A_1921 : memref<1x2x512x32xf32, #tpu.memory_space<vmem>> -> memref<2x512x32xf32, #tpu.memory_space<vmem>>
    tpu.enqueue_dma source(%dma_start3A_1922 : memref<2x512x32xf32, #tpu.memory_space<vmem>>) target(%dma_start3A_1917 : memref<2x512x32xf32, #tpu.memory_space<hbm>>) target_semaphore(%arg9 : memref<!tpu.dma_semaphore, #tpu.memory_space<semaphore_mem>>)
    %dma_wait3A_1923 = arith.constant 0 : i32
    %dma_wait3A_1924 = arith.constant 0 : i32
    %dma_wait3A_1925 = arith.constant 0 : i32
    %dma_wait3A_1926 = arith.constant 0 : i32
    %dma_wait3A_1927 = tpu.memref_slice %arg6[%dma_wait3A_1923, %dma_wait3A_1924, %dma_wait3A_1925, %dma_wait3A_1926] : memref<2x2x512x32xf32, #tpu.memory_space<vmem>> -> memref<1x2x512x32xf32, #tpu.memory_space<vmem>>
    %dma_wait3A_1928 = tpu.memref_squeeze %dma_wait3A_1927 : memref<1x2x512x32xf32, #tpu.memory_space<vmem>> -> memref<2x512x32xf32, #tpu.memory_space<vmem>>
    %dma_wait3A_1929 = arith.constant 40 : i32
    %dma_wait3A_1930 = arith.constant 0 : i32
    %dma_wait3A_1931 = tpu.memref_slice %arg4[%dma_wait3A_1929, %mul3A_2, %dma_wait3A_1930] : memref<50x16384x32xf32, #tpu.memory_space<hbm>> -> memref<2x512x32xf32, #tpu.memory_space<hbm>>
    %dma_wait3A_1932 = arith.constant 40 : i32
    %dma_wait3A_1933 = arith.constant 0 : i32
    %dma_wait3A_1934 = tpu.memref_slice %arg4[%dma_wait3A_1932, %mul3A_2, %dma_wait3A_1933] : memref<50x16384x32xf32, #tpu.memory_space<hbm>> -> memref<2x512x32xf32, #tpu.memory_space<hbm>>
    %dma_wait3A_1935 = arith.constant 0 : i32
    %dma_wait3A_1936 = arith.constant 0 : i32
    %dma_wait3A_1937 = arith.constant 0 : i32
    %dma_wait3A_1938 = tpu.memref_slice %arg6[%dma_wait3A_1923, %dma_wait3A_1935, %dma_wait3A_1936, %dma_wait3A_1937] : memref<2x2x512x32xf32, #tpu.memory_space<vmem>> -> memref<1x2x512x32xf32, #tpu.memory_space<vmem>>
    %dma_wait3A_1939 = tpu.memref_squeeze %dma_wait3A_1938 : memref<1x2x512x32xf32, #tpu.memory_space<vmem>> -> memref<2x512x32xf32, #tpu.memory_space<vmem>>
    tpu.wait_dma2 semaphore(%arg9 : memref<!tpu.dma_semaphore, #tpu.memory_space<semaphore_mem>>) src(%dma_wait3A_1939 : memref<2x512x32xf32, #tpu.memory_space<vmem>>) dst(%dma_wait3A_1934 : memref<2x512x32xf32, #tpu.memory_space<hbm>>)
    %run_scoped3A_1940 = arith.constant 0 : i32
    "tpu.region"() ({
      %run_scoped3A_2275 = tpu.sem_alloc : memref<!tpu.dma_semaphore, #tpu.memory_space<semaphore_mem>>
      %dma_start3A_2276 = arith.constant 0 : i32
      %dma_start3A_2277 = arith.constant 0 : i32
      %dma_start3A_2278 = tpu.memref_slice %arg5[%run_scoped3A_1940, %dma_start3A_2276, %dma_start3A_2277] : memref<2x2x512xi32, #tpu.memory_space<vmem>> -> memref<1x2x512xi32, #tpu.memory_space<vmem>>
      %dma_start3A_2279 = tpu.memref_squeeze %dma_start3A_2278 : memref<1x2x512xi32, #tpu.memory_space<vmem>> -> memref<2x512xi32, #tpu.memory_space<vmem>>
      %dma_start3A_2280 = arith.constant 44 : i32
      %dma_start3A_2281 = tpu.memref_slice %arg2[%dma_start3A_2280, %mul3A_2] : memref<50x16384xi32, #tpu.memory_space<hbm>> -> memref<2x512xi32, #tpu.memory_space<hbm>>
      %dma_start3A_2282 = arith.constant 0 : i32
      %dma_start3A_2283 = arith.constant 0 : i32
      %dma_start3A_2284 = tpu.memref_slice %arg5[%run_scoped3A_1940, %dma_start3A_2282, %dma_start3A_2283] : memref<2x2x512xi32, #tpu.memory_space<vmem>> -> memref<1x2x512xi32, #tpu.memory_space<vmem>>
      %dma_start3A_2285 = tpu.memref_squeeze %dma_start3A_2284 : memref<1x2x512xi32, #tpu.memory_space<vmem>> -> memref<2x512xi32, #tpu.memory_space<vmem>>
      %dma_start3A_2286 = arith.constant 44 : i32
      %dma_start3A_2287 = tpu.memref_slice %arg2[%dma_start3A_2286, %mul3A_2] : memref<50x16384xi32, #tpu.memory_space<hbm>> -> memref<2x512xi32, #tpu.memory_space<hbm>>
      tpu.enqueue_dma source(%dma_start3A_2287 : memref<2x512xi32, #tpu.memory_space<hbm>>) target(%dma_start3A_2285 : memref<2x512xi32, #tpu.memory_space<vmem>>) target_semaphore(%run_scoped3A_2275 : memref<!tpu.dma_semaphore, #tpu.memory_space<semaphore_mem>>)
      %dma_wait3A_2288 = arith.constant 0 : i32
      %dma_wait3A_2289 = arith.constant 0 : i32
      %dma_wait3A_2290 = tpu.memref_slice %arg5[%run_scoped3A_1940, %dma_wait3A_2288, %dma_wait3A_2289] : memref<2x2x512xi32, #tpu.memory_space<vmem>> -> memref<1x2x512xi32, #tpu.memory_space<vmem>>
      %dma_wait3A_2291 = tpu.memref_squeeze %dma_wait3A_2290 : memref<1x2x512xi32, #tpu.memory_space<vmem>> -> memref<2x512xi32, #tpu.memory_space<vmem>>
      %dma_wait3A_2292 = arith.constant 44 : i32
      %dma_wait3A_2293 = tpu.memref_slice %arg2[%dma_wait3A_2292, %mul3A_2] : memref<50x16384xi32, #tpu.memory_space<hbm>> -> memref<2x512xi32, #tpu.memory_space<hbm>>
      %dma_wait3A_2294 = arith.constant 0 : i32
      %dma_wait3A_2295 = arith.constant 0 : i32
      %dma_wait3A_2296 = tpu.memref_slice %arg5[%run_scoped3A_1940, %dma_wait3A_2294, %dma_wait3A_2295] : memref<2x2x512xi32, #tpu.memory_space<vmem>> -> memref<1x2x512xi32, #tpu.memory_space<vmem>>
      %dma_wait3A_2297 = tpu.memref_squeeze %dma_wait3A_2296 : memref<1x2x512xi32, #tpu.memory_space<vmem>> -> memref<2x512xi32, #tpu.memory_space<vmem>>
      %dma_wait3A_2298 = arith.constant 44 : i32
      %dma_wait3A_2299 = tpu.memref_slice %arg2[%dma_wait3A_2298, %mul3A_2] : memref<50x16384xi32, #tpu.memory_space<hbm>> -> memref<2x512xi32, #tpu.memory_space<hbm>>
      tpu.wait_dma2 semaphore(%run_scoped3A_2275 : memref<!tpu.dma_semaphore, #tpu.memory_space<semaphore_mem>>) src(%dma_wait3A_2299 : memref<2x512xi32, #tpu.memory_space<hbm>>) dst(%dma_wait3A_2297 : memref<2x512xi32, #tpu.memory_space<vmem>>)
      tpu.yield
    }) : () -> ()
    %dma_start3A_1941 = arith.constant 0 : i32
    %dma_start3A_1942 = arith.constant 0 : i32
    %dma_start3A_1943 = arith.constant 0 : i32
    %dma_start3A_1944 = arith.constant 0 : i32
    %dma_start3A_1945 = arith.constant 0 : i32
    %dma_start3A_1946 = arith.constant 0 : i32
    %dma_start3A_1947 = tpu.memref_slice %arg6[%dma_start3A_1943, %dma_start3A_1944, %dma_start3A_1945, %dma_start3A_1946] : memref<2x2x512x32xf32, #tpu.memory_space<vmem>> -> memref<1x1x512x32xf32, #tpu.memory_space<vmem>>
    %dma_start3A_1948 = tpu.memref_squeeze %dma_start3A_1947 : memref<1x1x512x32xf32, #tpu.memory_space<vmem>> -> memref<512x32xf32, #tpu.memory_space<vmem>>
    %dma_start3A_1949 = arith.constant 0 : i32
    %dma_start3A_1950 = tpu.memref_slice %arg5[%dma_start3A_1941, %dma_start3A_1942, %dma_start3A_1949] : memref<2x2x512xi32, #tpu.memory_space<vmem>> -> memref<1x1x512xi32, #tpu.memory_space<vmem>>
    %dma_start3A_1951 = tpu.memref_squeeze %dma_start3A_1950 : memref<1x1x512xi32, #tpu.memory_space<vmem>> -> memref<512xi32, #tpu.memory_space<vmem>>
    %dma_start3A_1952 = arith.constant 0 : i32
    %dma_start3A_1953 = arith.constant 0 : i32
    %dma_start3A_1954 = tpu.memref_slice %arg3[%dma_start3A_1952, %dma_start3A_1953] : memref<1000000x32xf32, #tpu.memory_space<hbm>> -> memref<1000000x32xf32, #tpu.memory_space<hbm>>
    tpu.enqueue_indirect_dma source(%dma_start3A_1954 : memref<1000000x32xf32, #tpu.memory_space<hbm>>) target(%dma_start3A_1948 : memref<512x32xf32, #tpu.memory_space<vmem>>) offsets(%dma_start3A_1951 : memref<512xi32, #tpu.memory_space<vmem>>) semaphore(%arg7 : memref<!tpu.dma_semaphore, #tpu.memory_space<semaphore_mem>>)
    %dma_start3A_1955 = arith.constant 0 : i32
    %dma_start3A_1956 = arith.constant 1 : i32
    %dma_start3A_1957 = arith.constant 0 : i32
    %dma_start3A_1958 = arith.constant 1 : i32
    %dma_start3A_1959 = arith.constant 0 : i32
    %dma_start3A_1960 = arith.constant 0 : i32
    %dma_start3A_1961 = tpu.memref_slice %arg6[%dma_start3A_1957, %dma_start3A_1958, %dma_start3A_1959, %dma_start3A_1960] : memref<2x2x512x32xf32, #tpu.memory_space<vmem>> -> memref<1x1x512x32xf32, #tpu.memory_space<vmem>>
    %dma_start3A_1962 = tpu.memref_squeeze %dma_start3A_1961 : memref<1x1x512x32xf32, #tpu.memory_space<vmem>> -> memref<512x32xf32, #tpu.memory_space<vmem>>
    %dma_start3A_1963 = arith.constant 0 : i32
    %dma_start3A_1964 = tpu.memref_slice %arg5[%dma_start3A_1955, %dma_start3A_1956, %dma_start3A_1963] : memref<2x2x512xi32, #tpu.memory_space<vmem>> -> memref<1x1x512xi32, #tpu.memory_space<vmem>>
    %dma_start3A_1965 = tpu.memref_squeeze %dma_start3A_1964 : memref<1x1x512xi32, #tpu.memory_space<vmem>> -> memref<512xi32, #tpu.memory_space<vmem>>
    %dma_start3A_1966 = arith.constant 0 : i32
    %dma_start3A_1967 = arith.constant 0 : i32
    %dma_start3A_1968 = tpu.memref_slice %arg3[%dma_start3A_1966, %dma_start3A_1967] : memref<1000000x32xf32, #tpu.memory_space<hbm>> -> memref<1000000x32xf32, #tpu.memory_space<hbm>>
    tpu.enqueue_indirect_dma source(%dma_start3A_1968 : memref<1000000x32xf32, #tpu.memory_space<hbm>>) target(%dma_start3A_1962 : memref<512x32xf32, #tpu.memory_space<vmem>>) offsets(%dma_start3A_1965 : memref<512xi32, #tpu.memory_space<vmem>>) semaphore(%arg7 : memref<!tpu.dma_semaphore, #tpu.memory_space<semaphore_mem>>)
    %dma_wait3A_1969 = arith.constant 1 : i32
    %dma_wait3A_1970 = arith.constant 0 : i32
    %dma_wait3A_1971 = arith.constant 1 : i32
    %dma_wait3A_1972 = arith.constant 0 : i32
    %dma_wait3A_1973 = arith.constant 0 : i32
    %dma_wait3A_1974 = arith.constant 0 : i32
    %dma_wait3A_1975 = tpu.memref_slice %arg6[%dma_wait3A_1971, %dma_wait3A_1972, %dma_wait3A_1973, %dma_wait3A_1974] : memref<2x2x512x32xf32, #tpu.memory_space<vmem>> -> memref<1x1x512x32xf32, #tpu.memory_space<vmem>>
    %dma_wait3A_1976 = tpu.memref_squeeze %dma_wait3A_1975 : memref<1x1x512x32xf32, #tpu.memory_space<vmem>> -> memref<512x32xf32, #tpu.memory_space<vmem>>
    %dma_wait3A_1977 = arith.constant 0 : i32
    %dma_wait3A_1978 = tpu.memref_slice %arg5[%dma_wait3A_1969, %dma_wait3A_1970, %dma_wait3A_1977] : memref<2x2x512xi32, #tpu.memory_space<vmem>> -> memref<1x1x512xi32, #tpu.memory_space<vmem>>
    %dma_wait3A_1979 = tpu.memref_squeeze %dma_wait3A_1978 : memref<1x1x512xi32, #tpu.memory_space<vmem>> -> memref<512xi32, #tpu.memory_space<vmem>>
    %dma_wait3A_1980 = arith.constant 0 : i32
    %dma_wait3A_1981 = arith.constant 0 : i32
    %dma_wait3A_1982 = tpu.memref_slice %arg3[%dma_wait3A_1980, %dma_wait3A_1981] : memref<1000000x32xf32, #tpu.memory_space<hbm>> -> memref<1000000x32xf32, #tpu.memory_space<hbm>>
    tpu.wait_indirect_dma semaphore(%arg8 : memref<!tpu.dma_semaphore, #tpu.memory_space<semaphore_mem>>) src(%dma_wait3A_1982 : memref<1000000x32xf32, #tpu.memory_space<hbm>>) dst(%dma_wait3A_1976 : memref<512x32xf32, #tpu.memory_space<vmem>>)
    %dma_wait3A_1983 = arith.constant 1 : i32
    %dma_wait3A_1984 = arith.constant 1 : i32
    %dma_wait3A_1985 = arith.constant 1 : i32
    %dma_wait3A_1986 = arith.constant 1 : i32
    %dma_wait3A_1987 = arith.constant 0 : i32
    %dma_wait3A_1988 = arith.constant 0 : i32
    %dma_wait3A_1989 = tpu.memref_slice %arg6[%dma_wait3A_1985, %dma_wait3A_1986, %dma_wait3A_1987, %dma_wait3A_1988] : memref<2x2x512x32xf32, #tpu.memory_space<vmem>> -> memref<1x1x512x32xf32, #tpu.memory_space<vmem>>
    %dma_wait3A_1990 = tpu.memref_squeeze %dma_wait3A_1989 : memref<1x1x512x32xf32, #tpu.memory_space<vmem>> -> memref<512x32xf32, #tpu.memory_space<vmem>>
    %dma_wait3A_1991 = arith.constant 0 : i32
    %dma_wait3A_1992 = tpu.memref_slice %arg5[%dma_wait3A_1983, %dma_wait3A_1984, %dma_wait3A_1991] : memref<2x2x512xi32, #tpu.memory_space<vmem>> -> memref<1x1x512xi32, #tpu.memory_space<vmem>>
    %dma_wait3A_1993 = tpu.memref_squeeze %dma_wait3A_1992 : memref<1x1x512xi32, #tpu.memory_space<vmem>> -> memref<512xi32, #tpu.memory_space<vmem>>
    %dma_wait3A_1994 = arith.constant 0 : i32
    %dma_wait3A_1995 = arith.constant 0 : i32
    %dma_wait3A_1996 = tpu.memref_slice %arg3[%dma_wait3A_1994, %dma_wait3A_1995] : memref<1000000x32xf32, #tpu.memory_space<hbm>> -> memref<1000000x32xf32, #tpu.memory_space<hbm>>
    tpu.wait_indirect_dma semaphore(%arg8 : memref<!tpu.dma_semaphore, #tpu.memory_space<semaphore_mem>>) src(%dma_wait3A_1996 : memref<1000000x32xf32, #tpu.memory_space<hbm>>) dst(%dma_wait3A_1990 : memref<512x32xf32, #tpu.memory_space<vmem>>)
    %dma_start3A_1997 = arith.constant 1 : i32
    %dma_start3A_1998 = arith.constant 0 : i32
    %dma_start3A_1999 = arith.constant 0 : i32
    %dma_start3A_2000 = arith.constant 0 : i32
    %dma_start3A_2001 = tpu.memref_slice %arg6[%dma_start3A_1997, %dma_start3A_1998, %dma_start3A_1999, %dma_start3A_2000] : memref<2x2x512x32xf32, #tpu.memory_space<vmem>> -> memref<1x2x512x32xf32, #tpu.memory_space<vmem>>
    %dma_start3A_2002 = tpu.memref_squeeze %dma_start3A_2001 : memref<1x2x512x32xf32, #tpu.memory_space<vmem>> -> memref<2x512x32xf32, #tpu.memory_space<vmem>>
    %dma_start3A_2003 = arith.constant 42 : i32
    %dma_start3A_2004 = arith.constant 0 : i32
    %dma_start3A_2005 = tpu.memref_slice %arg4[%dma_start3A_2003, %mul3A_2, %dma_start3A_2004] : memref<50x16384x32xf32, #tpu.memory_space<hbm>> -> memref<2x512x32xf32, #tpu.memory_space<hbm>>
    %dma_start3A_2006 = arith.constant 42 : i32
    %dma_start3A_2007 = arith.constant 0 : i32
    %dma_start3A_2008 = tpu.memref_slice %arg4[%dma_start3A_2006, %mul3A_2, %dma_start3A_2007] : memref<50x16384x32xf32, #tpu.memory_space<hbm>> -> memref<2x512x32xf32, #tpu.memory_space<hbm>>
    %dma_start3A_2009 = arith.constant 0 : i32
    %dma_start3A_2010 = arith.constant 0 : i32
    %dma_start3A_2011 = arith.constant 0 : i32
    %dma_start3A_2012 = tpu.memref_slice %arg6[%dma_start3A_1997, %dma_start3A_2009, %dma_start3A_2010, %dma_start3A_2011] : memref<2x2x512x32xf32, #tpu.memory_space<vmem>> -> memref<1x2x512x32xf32, #tpu.memory_space<vmem>>
    %dma_start3A_2013 = tpu.memref_squeeze %dma_start3A_2012 : memref<1x2x512x32xf32, #tpu.memory_space<vmem>> -> memref<2x512x32xf32, #tpu.memory_space<vmem>>
    tpu.enqueue_dma source(%dma_start3A_2013 : memref<2x512x32xf32, #tpu.memory_space<vmem>>) target(%dma_start3A_2008 : memref<2x512x32xf32, #tpu.memory_space<hbm>>) target_semaphore(%arg10 : memref<!tpu.dma_semaphore, #tpu.memory_space<semaphore_mem>>)
    %dma_wait3A_2014 = arith.constant 1 : i32
    %dma_wait3A_2015 = arith.constant 0 : i32
    %dma_wait3A_2016 = arith.constant 0 : i32
    %dma_wait3A_2017 = arith.constant 0 : i32
    %dma_wait3A_2018 = tpu.memref_slice %arg6[%dma_wait3A_2014, %dma_wait3A_2015, %dma_wait3A_2016, %dma_wait3A_2017] : memref<2x2x512x32xf32, #tpu.memory_space<vmem>> -> memref<1x2x512x32xf32, #tpu.memory_space<vmem>>
    %dma_wait3A_2019 = tpu.memref_squeeze %dma_wait3A_2018 : memref<1x2x512x32xf32, #tpu.memory_space<vmem>> -> memref<2x512x32xf32, #tpu.memory_space<vmem>>
    %dma_wait3A_2020 = arith.constant 42 : i32
    %dma_wait3A_2021 = arith.constant 0 : i32
    %dma_wait3A_2022 = tpu.memref_slice %arg4[%dma_wait3A_2020, %mul3A_2, %dma_wait3A_2021] : memref<50x16384x32xf32, #tpu.memory_space<hbm>> -> memref<2x512x32xf32, #tpu.memory_space<hbm>>
    %dma_wait3A_2023 = arith.constant 42 : i32
    %dma_wait3A_2024 = arith.constant 0 : i32
    %dma_wait3A_2025 = tpu.memref_slice %arg4[%dma_wait3A_2023, %mul3A_2, %dma_wait3A_2024] : memref<50x16384x32xf32, #tpu.memory_space<hbm>> -> memref<2x512x32xf32, #tpu.memory_space<hbm>>
    %dma_wait3A_2026 = arith.constant 0 : i32
    %dma_wait3A_2027 = arith.constant 0 : i32
    %dma_wait3A_2028 = arith.constant 0 : i32
    %dma_wait3A_2029 = tpu.memref_slice %arg6[%dma_wait3A_2014, %dma_wait3A_2026, %dma_wait3A_2027, %dma_wait3A_2028] : memref<2x2x512x32xf32, #tpu.memory_space<vmem>> -> memref<1x2x512x32xf32, #tpu.memory_space<vmem>>
    %dma_wait3A_2030 = tpu.memref_squeeze %dma_wait3A_2029 : memref<1x2x512x32xf32, #tpu.memory_space<vmem>> -> memref<2x512x32xf32, #tpu.memory_space<vmem>>
    tpu.wait_dma2 semaphore(%arg10 : memref<!tpu.dma_semaphore, #tpu.memory_space<semaphore_mem>>) src(%dma_wait3A_2030 : memref<2x512x32xf32, #tpu.memory_space<vmem>>) dst(%dma_wait3A_2025 : memref<2x512x32xf32, #tpu.memory_space<hbm>>)
    %run_scoped3A_2031 = arith.constant 1 : i32
    "tpu.region"() ({
      %run_scoped3A_2275 = tpu.sem_alloc : memref<!tpu.dma_semaphore, #tpu.memory_space<semaphore_mem>>
      %dma_start3A_2276 = arith.constant 0 : i32
      %dma_start3A_2277 = arith.constant 0 : i32
      %dma_start3A_2278 = tpu.memref_slice %arg5[%run_scoped3A_2031, %dma_start3A_2276, %dma_start3A_2277] : memref<2x2x512xi32, #tpu.memory_space<vmem>> -> memref<1x2x512xi32, #tpu.memory_space<vmem>>
      %dma_start3A_2279 = tpu.memref_squeeze %dma_start3A_2278 : memref<1x2x512xi32, #tpu.memory_space<vmem>> -> memref<2x512xi32, #tpu.memory_space<vmem>>
      %dma_start3A_2280 = arith.constant 46 : i32
      %dma_start3A_2281 = tpu.memref_slice %arg2[%dma_start3A_2280, %mul3A_2] : memref<50x16384xi32, #tpu.memory_space<hbm>> -> memref<2x512xi32, #tpu.memory_space<hbm>>
      %dma_start3A_2282 = arith.constant 0 : i32
      %dma_start3A_2283 = arith.constant 0 : i32
      %dma_start3A_2284 = tpu.memref_slice %arg5[%run_scoped3A_2031, %dma_start3A_2282, %dma_start3A_2283] : memref<2x2x512xi32, #tpu.memory_space<vmem>> -> memref<1x2x512xi32, #tpu.memory_space<vmem>>
      %dma_start3A_2285 = tpu.memref_squeeze %dma_start3A_2284 : memref<1x2x512xi32, #tpu.memory_space<vmem>> -> memref<2x512xi32, #tpu.memory_space<vmem>>
      %dma_start3A_2286 = arith.constant 46 : i32
      %dma_start3A_2287 = tpu.memref_slice %arg2[%dma_start3A_2286, %mul3A_2] : memref<50x16384xi32, #tpu.memory_space<hbm>> -> memref<2x512xi32, #tpu.memory_space<hbm>>
      tpu.enqueue_dma source(%dma_start3A_2287 : memref<2x512xi32, #tpu.memory_space<hbm>>) target(%dma_start3A_2285 : memref<2x512xi32, #tpu.memory_space<vmem>>) target_semaphore(%run_scoped3A_2275 : memref<!tpu.dma_semaphore, #tpu.memory_space<semaphore_mem>>)
      %dma_wait3A_2288 = arith.constant 0 : i32
      %dma_wait3A_2289 = arith.constant 0 : i32
      %dma_wait3A_2290 = tpu.memref_slice %arg5[%run_scoped3A_2031, %dma_wait3A_2288, %dma_wait3A_2289] : memref<2x2x512xi32, #tpu.memory_space<vmem>> -> memref<1x2x512xi32, #tpu.memory_space<vmem>>
      %dma_wait3A_2291 = tpu.memref_squeeze %dma_wait3A_2290 : memref<1x2x512xi32, #tpu.memory_space<vmem>> -> memref<2x512xi32, #tpu.memory_space<vmem>>
      %dma_wait3A_2292 = arith.constant 46 : i32
      %dma_wait3A_2293 = tpu.memref_slice %arg2[%dma_wait3A_2292, %mul3A_2] : memref<50x16384xi32, #tpu.memory_space<hbm>> -> memref<2x512xi32, #tpu.memory_space<hbm>>
      %dma_wait3A_2294 = arith.constant 0 : i32
      %dma_wait3A_2295 = arith.constant 0 : i32
      %dma_wait3A_2296 = tpu.memref_slice %arg5[%run_scoped3A_2031, %dma_wait3A_2294, %dma_wait3A_2295] : memref<2x2x512xi32, #tpu.memory_space<vmem>> -> memref<1x2x512xi32, #tpu.memory_space<vmem>>
      %dma_wait3A_2297 = tpu.memref_squeeze %dma_wait3A_2296 : memref<1x2x512xi32, #tpu.memory_space<vmem>> -> memref<2x512xi32, #tpu.memory_space<vmem>>
      %dma_wait3A_2298 = arith.constant 46 : i32
      %dma_wait3A_2299 = tpu.memref_slice %arg2[%dma_wait3A_2298, %mul3A_2] : memref<50x16384xi32, #tpu.memory_space<hbm>> -> memref<2x512xi32, #tpu.memory_space<hbm>>
      tpu.wait_dma2 semaphore(%run_scoped3A_2275 : memref<!tpu.dma_semaphore, #tpu.memory_space<semaphore_mem>>) src(%dma_wait3A_2299 : memref<2x512xi32, #tpu.memory_space<hbm>>) dst(%dma_wait3A_2297 : memref<2x512xi32, #tpu.memory_space<vmem>>)
      tpu.yield
    }) : () -> ()
    %dma_start3A_2032 = arith.constant 1 : i32
    %dma_start3A_2033 = arith.constant 0 : i32
    %dma_start3A_2034 = arith.constant 1 : i32
    %dma_start3A_2035 = arith.constant 0 : i32
    %dma_start3A_2036 = arith.constant 0 : i32
    %dma_start3A_2037 = arith.constant 0 : i32
    %dma_start3A_2038 = tpu.memref_slice %arg6[%dma_start3A_2034, %dma_start3A_2035, %dma_start3A_2036, %dma_start3A_2037] : memref<2x2x512x32xf32, #tpu.memory_space<vmem>> -> memref<1x1x512x32xf32, #tpu.memory_space<vmem>>
    %dma_start3A_2039 = tpu.memref_squeeze %dma_start3A_2038 : memref<1x1x512x32xf32, #tpu.memory_space<vmem>> -> memref<512x32xf32, #tpu.memory_space<vmem>>
    %dma_start3A_2040 = arith.constant 0 : i32
    %dma_start3A_2041 = tpu.memref_slice %arg5[%dma_start3A_2032, %dma_start3A_2033, %dma_start3A_2040] : memref<2x2x512xi32, #tpu.memory_space<vmem>> -> memref<1x1x512xi32, #tpu.memory_space<vmem>>
    %dma_start3A_2042 = tpu.memref_squeeze %dma_start3A_2041 : memref<1x1x512xi32, #tpu.memory_space<vmem>> -> memref<512xi32, #tpu.memory_space<vmem>>
    %dma_start3A_2043 = arith.constant 0 : i32
    %dma_start3A_2044 = arith.constant 0 : i32
    %dma_start3A_2045 = tpu.memref_slice %arg3[%dma_start3A_2043, %dma_start3A_2044] : memref<1000000x32xf32, #tpu.memory_space<hbm>> -> memref<1000000x32xf32, #tpu.memory_space<hbm>>
    tpu.enqueue_indirect_dma source(%dma_start3A_2045 : memref<1000000x32xf32, #tpu.memory_space<hbm>>) target(%dma_start3A_2039 : memref<512x32xf32, #tpu.memory_space<vmem>>) offsets(%dma_start3A_2042 : memref<512xi32, #tpu.memory_space<vmem>>) semaphore(%arg8 : memref<!tpu.dma_semaphore, #tpu.memory_space<semaphore_mem>>)
    %dma_start3A_2046 = arith.constant 1 : i32
    %dma_start3A_2047 = arith.constant 1 : i32
    %dma_start3A_2048 = arith.constant 1 : i32
    %dma_start3A_2049 = arith.constant 1 : i32
    %dma_start3A_2050 = arith.constant 0 : i32
    %dma_start3A_2051 = arith.constant 0 : i32
    %dma_start3A_2052 = tpu.memref_slice %arg6[%dma_start3A_2048, %dma_start3A_2049, %dma_start3A_2050, %dma_start3A_2051] : memref<2x2x512x32xf32, #tpu.memory_space<vmem>> -> memref<1x1x512x32xf32, #tpu.memory_space<vmem>>
    %dma_start3A_2053 = tpu.memref_squeeze %dma_start3A_2052 : memref<1x1x512x32xf32, #tpu.memory_space<vmem>> -> memref<512x32xf32, #tpu.memory_space<vmem>>
    %dma_start3A_2054 = arith.constant 0 : i32
    %dma_start3A_2055 = tpu.memref_slice %arg5[%dma_start3A_2046, %dma_start3A_2047, %dma_start3A_2054] : memref<2x2x512xi32, #tpu.memory_space<vmem>> -> memref<1x1x512xi32, #tpu.memory_space<vmem>>
    %dma_start3A_2056 = tpu.memref_squeeze %dma_start3A_2055 : memref<1x1x512xi32, #tpu.memory_space<vmem>> -> memref<512xi32, #tpu.memory_space<vmem>>
    %dma_start3A_2057 = arith.constant 0 : i32
    %dma_start3A_2058 = arith.constant 0 : i32
    %dma_start3A_2059 = tpu.memref_slice %arg3[%dma_start3A_2057, %dma_start3A_2058] : memref<1000000x32xf32, #tpu.memory_space<hbm>> -> memref<1000000x32xf32, #tpu.memory_space<hbm>>
    tpu.enqueue_indirect_dma source(%dma_start3A_2059 : memref<1000000x32xf32, #tpu.memory_space<hbm>>) target(%dma_start3A_2053 : memref<512x32xf32, #tpu.memory_space<vmem>>) offsets(%dma_start3A_2056 : memref<512xi32, #tpu.memory_space<vmem>>) semaphore(%arg8 : memref<!tpu.dma_semaphore, #tpu.memory_space<semaphore_mem>>)
    %dma_wait3A_2060 = arith.constant 0 : i32
    %dma_wait3A_2061 = arith.constant 0 : i32
    %dma_wait3A_2062 = arith.constant 0 : i32
    %dma_wait3A_2063 = arith.constant 0 : i32
    %dma_wait3A_2064 = arith.constant 0 : i32
    %dma_wait3A_2065 = arith.constant 0 : i32
    %dma_wait3A_2066 = tpu.memref_slice %arg6[%dma_wait3A_2062, %dma_wait3A_2063, %dma_wait3A_2064, %dma_wait3A_2065] : memref<2x2x512x32xf32, #tpu.memory_space<vmem>> -> memref<1x1x512x32xf32, #tpu.memory_space<vmem>>
    %dma_wait3A_2067 = tpu.memref_squeeze %dma_wait3A_2066 : memref<1x1x512x32xf32, #tpu.memory_space<vmem>> -> memref<512x32xf32, #tpu.memory_space<vmem>>
    %dma_wait3A_2068 = arith.constant 0 : i32
    %dma_wait3A_2069 = tpu.memref_slice %arg5[%dma_wait3A_2060, %dma_wait3A_2061, %dma_wait3A_2068] : memref<2x2x512xi32, #tpu.memory_space<vmem>> -> memref<1x1x512xi32, #tpu.memory_space<vmem>>
    %dma_wait3A_2070 = tpu.memref_squeeze %dma_wait3A_2069 : memref<1x1x512xi32, #tpu.memory_space<vmem>> -> memref<512xi32, #tpu.memory_space<vmem>>
    %dma_wait3A_2071 = arith.constant 0 : i32
    %dma_wait3A_2072 = arith.constant 0 : i32
    %dma_wait3A_2073 = tpu.memref_slice %arg3[%dma_wait3A_2071, %dma_wait3A_2072] : memref<1000000x32xf32, #tpu.memory_space<hbm>> -> memref<1000000x32xf32, #tpu.memory_space<hbm>>
    tpu.wait_indirect_dma semaphore(%arg7 : memref<!tpu.dma_semaphore, #tpu.memory_space<semaphore_mem>>) src(%dma_wait3A_2073 : memref<1000000x32xf32, #tpu.memory_space<hbm>>) dst(%dma_wait3A_2067 : memref<512x32xf32, #tpu.memory_space<vmem>>)
    %dma_wait3A_2074 = arith.constant 0 : i32
    %dma_wait3A_2075 = arith.constant 1 : i32
    %dma_wait3A_2076 = arith.constant 0 : i32
    %dma_wait3A_2077 = arith.constant 1 : i32
    %dma_wait3A_2078 = arith.constant 0 : i32
    %dma_wait3A_2079 = arith.constant 0 : i32
    %dma_wait3A_2080 = tpu.memref_slice %arg6[%dma_wait3A_2076, %dma_wait3A_2077, %dma_wait3A_2078, %dma_wait3A_2079] : memref<2x2x512x32xf32, #tpu.memory_space<vmem>> -> memref<1x1x512x32xf32, #tpu.memory_space<vmem>>
    %dma_wait3A_2081 = tpu.memref_squeeze %dma_wait3A_2080 : memref<1x1x512x32xf32, #tpu.memory_space<vmem>> -> memref<512x32xf32, #tpu.memory_space<vmem>>
    %dma_wait3A_2082 = arith.constant 0 : i32
    %dma_wait3A_2083 = tpu.memref_slice %arg5[%dma_wait3A_2074, %dma_wait3A_2075, %dma_wait3A_2082] : memref<2x2x512xi32, #tpu.memory_space<vmem>> -> memref<1x1x512xi32, #tpu.memory_space<vmem>>
    %dma_wait3A_2084 = tpu.memref_squeeze %dma_wait3A_2083 : memref<1x1x512xi32, #tpu.memory_space<vmem>> -> memref<512xi32, #tpu.memory_space<vmem>>
    %dma_wait3A_2085 = arith.constant 0 : i32
    %dma_wait3A_2086 = arith.constant 0 : i32
    %dma_wait3A_2087 = tpu.memref_slice %arg3[%dma_wait3A_2085, %dma_wait3A_2086] : memref<1000000x32xf32, #tpu.memory_space<hbm>> -> memref<1000000x32xf32, #tpu.memory_space<hbm>>
    tpu.wait_indirect_dma semaphore(%arg7 : memref<!tpu.dma_semaphore, #tpu.memory_space<semaphore_mem>>) src(%dma_wait3A_2087 : memref<1000000x32xf32, #tpu.memory_space<hbm>>) dst(%dma_wait3A_2081 : memref<512x32xf32, #tpu.memory_space<vmem>>)
    %dma_start3A_2088 = arith.constant 0 : i32
    %dma_start3A_2089 = arith.constant 0 : i32
    %dma_start3A_2090 = arith.constant 0 : i32
    %dma_start3A_2091 = arith.constant 0 : i32
    %dma_start3A_2092 = tpu.memref_slice %arg6[%dma_start3A_2088, %dma_start3A_2089, %dma_start3A_2090, %dma_start3A_2091] : memref<2x2x512x32xf32, #tpu.memory_space<vmem>> -> memref<1x2x512x32xf32, #tpu.memory_space<vmem>>
    %dma_start3A_2093 = tpu.memref_squeeze %dma_start3A_2092 : memref<1x2x512x32xf32, #tpu.memory_space<vmem>> -> memref<2x512x32xf32, #tpu.memory_space<vmem>>
    %dma_start3A_2094 = arith.constant 44 : i32
    %dma_start3A_2095 = arith.constant 0 : i32
    %dma_start3A_2096 = tpu.memref_slice %arg4[%dma_start3A_2094, %mul3A_2, %dma_start3A_2095] : memref<50x16384x32xf32, #tpu.memory_space<hbm>> -> memref<2x512x32xf32, #tpu.memory_space<hbm>>
    %dma_start3A_2097 = arith.constant 44 : i32
    %dma_start3A_2098 = arith.constant 0 : i32
    %dma_start3A_2099 = tpu.memref_slice %arg4[%dma_start3A_2097, %mul3A_2, %dma_start3A_2098] : memref<50x16384x32xf32, #tpu.memory_space<hbm>> -> memref<2x512x32xf32, #tpu.memory_space<hbm>>
    %dma_start3A_2100 = arith.constant 0 : i32
    %dma_start3A_2101 = arith.constant 0 : i32
    %dma_start3A_2102 = arith.constant 0 : i32
    %dma_start3A_2103 = tpu.memref_slice %arg6[%dma_start3A_2088, %dma_start3A_2100, %dma_start3A_2101, %dma_start3A_2102] : memref<2x2x512x32xf32, #tpu.memory_space<vmem>> -> memref<1x2x512x32xf32, #tpu.memory_space<vmem>>
    %dma_start3A_2104 = tpu.memref_squeeze %dma_start3A_2103 : memref<1x2x512x32xf32, #tpu.memory_space<vmem>> -> memref<2x512x32xf32, #tpu.memory_space<vmem>>
    tpu.enqueue_dma source(%dma_start3A_2104 : memref<2x512x32xf32, #tpu.memory_space<vmem>>) target(%dma_start3A_2099 : memref<2x512x32xf32, #tpu.memory_space<hbm>>) target_semaphore(%arg9 : memref<!tpu.dma_semaphore, #tpu.memory_space<semaphore_mem>>)
    %dma_wait3A_2105 = arith.constant 0 : i32
    %dma_wait3A_2106 = arith.constant 0 : i32
    %dma_wait3A_2107 = arith.constant 0 : i32
    %dma_wait3A_2108 = arith.constant 0 : i32
    %dma_wait3A_2109 = tpu.memref_slice %arg6[%dma_wait3A_2105, %dma_wait3A_2106, %dma_wait3A_2107, %dma_wait3A_2108] : memref<2x2x512x32xf32, #tpu.memory_space<vmem>> -> memref<1x2x512x32xf32, #tpu.memory_space<vmem>>
    %dma_wait3A_2110 = tpu.memref_squeeze %dma_wait3A_2109 : memref<1x2x512x32xf32, #tpu.memory_space<vmem>> -> memref<2x512x32xf32, #tpu.memory_space<vmem>>
    %dma_wait3A_2111 = arith.constant 44 : i32
    %dma_wait3A_2112 = arith.constant 0 : i32
    %dma_wait3A_2113 = tpu.memref_slice %arg4[%dma_wait3A_2111, %mul3A_2, %dma_wait3A_2112] : memref<50x16384x32xf32, #tpu.memory_space<hbm>> -> memref<2x512x32xf32, #tpu.memory_space<hbm>>
    %dma_wait3A_2114 = arith.constant 44 : i32
    %dma_wait3A_2115 = arith.constant 0 : i32
    %dma_wait3A_2116 = tpu.memref_slice %arg4[%dma_wait3A_2114, %mul3A_2, %dma_wait3A_2115] : memref<50x16384x32xf32, #tpu.memory_space<hbm>> -> memref<2x512x32xf32, #tpu.memory_space<hbm>>
    %dma_wait3A_2117 = arith.constant 0 : i32
    %dma_wait3A_2118 = arith.constant 0 : i32
    %dma_wait3A_2119 = arith.constant 0 : i32
    %dma_wait3A_2120 = tpu.memref_slice %arg6[%dma_wait3A_2105, %dma_wait3A_2117, %dma_wait3A_2118, %dma_wait3A_2119] : memref<2x2x512x32xf32, #tpu.memory_space<vmem>> -> memref<1x2x512x32xf32, #tpu.memory_space<vmem>>
    %dma_wait3A_2121 = tpu.memref_squeeze %dma_wait3A_2120 : memref<1x2x512x32xf32, #tpu.memory_space<vmem>> -> memref<2x512x32xf32, #tpu.memory_space<vmem>>
    tpu.wait_dma2 semaphore(%arg9 : memref<!tpu.dma_semaphore, #tpu.memory_space<semaphore_mem>>) src(%dma_wait3A_2121 : memref<2x512x32xf32, #tpu.memory_space<vmem>>) dst(%dma_wait3A_2116 : memref<2x512x32xf32, #tpu.memory_space<hbm>>)
    %run_scoped3A_2122 = arith.constant 0 : i32
    "tpu.region"() ({
      %run_scoped3A_2275 = tpu.sem_alloc : memref<!tpu.dma_semaphore, #tpu.memory_space<semaphore_mem>>
      %dma_start3A_2276 = arith.constant 0 : i32
      %dma_start3A_2277 = arith.constant 0 : i32
      %dma_start3A_2278 = tpu.memref_slice %arg5[%run_scoped3A_2122, %dma_start3A_2276, %dma_start3A_2277] : memref<2x2x512xi32, #tpu.memory_space<vmem>> -> memref<1x2x512xi32, #tpu.memory_space<vmem>>
      %dma_start3A_2279 = tpu.memref_squeeze %dma_start3A_2278 : memref<1x2x512xi32, #tpu.memory_space<vmem>> -> memref<2x512xi32, #tpu.memory_space<vmem>>
      %dma_start3A_2280 = arith.constant 48 : i32
      %dma_start3A_2281 = tpu.memref_slice %arg2[%dma_start3A_2280, %mul3A_2] : memref<50x16384xi32, #tpu.memory_space<hbm>> -> memref<2x512xi32, #tpu.memory_space<hbm>>
      %dma_start3A_2282 = arith.constant 0 : i32
      %dma_start3A_2283 = arith.constant 0 : i32
      %dma_start3A_2284 = tpu.memref_slice %arg5[%run_scoped3A_2122, %dma_start3A_2282, %dma_start3A_2283] : memref<2x2x512xi32, #tpu.memory_space<vmem>> -> memref<1x2x512xi32, #tpu.memory_space<vmem>>
      %dma_start3A_2285 = tpu.memref_squeeze %dma_start3A_2284 : memref<1x2x512xi32, #tpu.memory_space<vmem>> -> memref<2x512xi32, #tpu.memory_space<vmem>>
      %dma_start3A_2286 = arith.constant 48 : i32
      %dma_start3A_2287 = tpu.memref_slice %arg2[%dma_start3A_2286, %mul3A_2] : memref<50x16384xi32, #tpu.memory_space<hbm>> -> memref<2x512xi32, #tpu.memory_space<hbm>>
      tpu.enqueue_dma source(%dma_start3A_2287 : memref<2x512xi32, #tpu.memory_space<hbm>>) target(%dma_start3A_2285 : memref<2x512xi32, #tpu.memory_space<vmem>>) target_semaphore(%run_scoped3A_2275 : memref<!tpu.dma_semaphore, #tpu.memory_space<semaphore_mem>>)
      %dma_wait3A_2288 = arith.constant 0 : i32
      %dma_wait3A_2289 = arith.constant 0 : i32
      %dma_wait3A_2290 = tpu.memref_slice %arg5[%run_scoped3A_2122, %dma_wait3A_2288, %dma_wait3A_2289] : memref<2x2x512xi32, #tpu.memory_space<vmem>> -> memref<1x2x512xi32, #tpu.memory_space<vmem>>
      %dma_wait3A_2291 = tpu.memref_squeeze %dma_wait3A_2290 : memref<1x2x512xi32, #tpu.memory_space<vmem>> -> memref<2x512xi32, #tpu.memory_space<vmem>>
      %dma_wait3A_2292 = arith.constant 48 : i32
      %dma_wait3A_2293 = tpu.memref_slice %arg2[%dma_wait3A_2292, %mul3A_2] : memref<50x16384xi32, #tpu.memory_space<hbm>> -> memref<2x512xi32, #tpu.memory_space<hbm>>
      %dma_wait3A_2294 = arith.constant 0 : i32
      %dma_wait3A_2295 = arith.constant 0 : i32
      %dma_wait3A_2296 = tpu.memref_slice %arg5[%run_scoped3A_2122, %dma_wait3A_2294, %dma_wait3A_2295] : memref<2x2x512xi32, #tpu.memory_space<vmem>> -> memref<1x2x512xi32, #tpu.memory_space<vmem>>
      %dma_wait3A_2297 = tpu.memref_squeeze %dma_wait3A_2296 : memref<1x2x512xi32, #tpu.memory_space<vmem>> -> memref<2x512xi32, #tpu.memory_space<vmem>>
      %dma_wait3A_2298 = arith.constant 48 : i32
      %dma_wait3A_2299 = tpu.memref_slice %arg2[%dma_wait3A_2298, %mul3A_2] : memref<50x16384xi32, #tpu.memory_space<hbm>> -> memref<2x512xi32, #tpu.memory_space<hbm>>
      tpu.wait_dma2 semaphore(%run_scoped3A_2275 : memref<!tpu.dma_semaphore, #tpu.memory_space<semaphore_mem>>) src(%dma_wait3A_2299 : memref<2x512xi32, #tpu.memory_space<hbm>>) dst(%dma_wait3A_2297 : memref<2x512xi32, #tpu.memory_space<vmem>>)
      tpu.yield
    }) : () -> ()
    %dma_start3A_2123 = arith.constant 0 : i32
    %dma_start3A_2124 = arith.constant 0 : i32
    %dma_start3A_2125 = arith.constant 0 : i32
    %dma_start3A_2126 = arith.constant 0 : i32
    %dma_start3A_2127 = arith.constant 0 : i32
    %dma_start3A_2128 = arith.constant 0 : i32
    %dma_start3A_2129 = tpu.memref_slice %arg6[%dma_start3A_2125, %dma_start3A_2126, %dma_start3A_2127, %dma_start3A_2128] : memref<2x2x512x32xf32, #tpu.memory_space<vmem>> -> memref<1x1x512x32xf32, #tpu.memory_space<vmem>>
    %dma_start3A_2130 = tpu.memref_squeeze %dma_start3A_2129 : memref<1x1x512x32xf32, #tpu.memory_space<vmem>> -> memref<512x32xf32, #tpu.memory_space<vmem>>
    %dma_start3A_2131 = arith.constant 0 : i32
    %dma_start3A_2132 = tpu.memref_slice %arg5[%dma_start3A_2123, %dma_start3A_2124, %dma_start3A_2131] : memref<2x2x512xi32, #tpu.memory_space<vmem>> -> memref<1x1x512xi32, #tpu.memory_space<vmem>>
    %dma_start3A_2133 = tpu.memref_squeeze %dma_start3A_2132 : memref<1x1x512xi32, #tpu.memory_space<vmem>> -> memref<512xi32, #tpu.memory_space<vmem>>
    %dma_start3A_2134 = arith.constant 0 : i32
    %dma_start3A_2135 = arith.constant 0 : i32
    %dma_start3A_2136 = tpu.memref_slice %arg3[%dma_start3A_2134, %dma_start3A_2135] : memref<1000000x32xf32, #tpu.memory_space<hbm>> -> memref<1000000x32xf32, #tpu.memory_space<hbm>>
    tpu.enqueue_indirect_dma source(%dma_start3A_2136 : memref<1000000x32xf32, #tpu.memory_space<hbm>>) target(%dma_start3A_2130 : memref<512x32xf32, #tpu.memory_space<vmem>>) offsets(%dma_start3A_2133 : memref<512xi32, #tpu.memory_space<vmem>>) semaphore(%arg7 : memref<!tpu.dma_semaphore, #tpu.memory_space<semaphore_mem>>)
    %dma_start3A_2137 = arith.constant 0 : i32
    %dma_start3A_2138 = arith.constant 1 : i32
    %dma_start3A_2139 = arith.constant 0 : i32
    %dma_start3A_2140 = arith.constant 1 : i32
    %dma_start3A_2141 = arith.constant 0 : i32
    %dma_start3A_2142 = arith.constant 0 : i32
    %dma_start3A_2143 = tpu.memref_slice %arg6[%dma_start3A_2139, %dma_start3A_2140, %dma_start3A_2141, %dma_start3A_2142] : memref<2x2x512x32xf32, #tpu.memory_space<vmem>> -> memref<1x1x512x32xf32, #tpu.memory_space<vmem>>
    %dma_start3A_2144 = tpu.memref_squeeze %dma_start3A_2143 : memref<1x1x512x32xf32, #tpu.memory_space<vmem>> -> memref<512x32xf32, #tpu.memory_space<vmem>>
    %dma_start3A_2145 = arith.constant 0 : i32
    %dma_start3A_2146 = tpu.memref_slice %arg5[%dma_start3A_2137, %dma_start3A_2138, %dma_start3A_2145] : memref<2x2x512xi32, #tpu.memory_space<vmem>> -> memref<1x1x512xi32, #tpu.memory_space<vmem>>
    %dma_start3A_2147 = tpu.memref_squeeze %dma_start3A_2146 : memref<1x1x512xi32, #tpu.memory_space<vmem>> -> memref<512xi32, #tpu.memory_space<vmem>>
    %dma_start3A_2148 = arith.constant 0 : i32
    %dma_start3A_2149 = arith.constant 0 : i32
    %dma_start3A_2150 = tpu.memref_slice %arg3[%dma_start3A_2148, %dma_start3A_2149] : memref<1000000x32xf32, #tpu.memory_space<hbm>> -> memref<1000000x32xf32, #tpu.memory_space<hbm>>
    tpu.enqueue_indirect_dma source(%dma_start3A_2150 : memref<1000000x32xf32, #tpu.memory_space<hbm>>) target(%dma_start3A_2144 : memref<512x32xf32, #tpu.memory_space<vmem>>) offsets(%dma_start3A_2147 : memref<512xi32, #tpu.memory_space<vmem>>) semaphore(%arg7 : memref<!tpu.dma_semaphore, #tpu.memory_space<semaphore_mem>>)
    %dma_wait3A_2151 = arith.constant 1 : i32
    %dma_wait3A_2152 = arith.constant 0 : i32
    %dma_wait3A_2153 = arith.constant 1 : i32
    %dma_wait3A_2154 = arith.constant 0 : i32
    %dma_wait3A_2155 = arith.constant 0 : i32
    %dma_wait3A_2156 = arith.constant 0 : i32
    %dma_wait3A_2157 = tpu.memref_slice %arg6[%dma_wait3A_2153, %dma_wait3A_2154, %dma_wait3A_2155, %dma_wait3A_2156] : memref<2x2x512x32xf32, #tpu.memory_space<vmem>> -> memref<1x1x512x32xf32, #tpu.memory_space<vmem>>
    %dma_wait3A_2158 = tpu.memref_squeeze %dma_wait3A_2157 : memref<1x1x512x32xf32, #tpu.memory_space<vmem>> -> memref<512x32xf32, #tpu.memory_space<vmem>>
    %dma_wait3A_2159 = arith.constant 0 : i32
    %dma_wait3A_2160 = tpu.memref_slice %arg5[%dma_wait3A_2151, %dma_wait3A_2152, %dma_wait3A_2159] : memref<2x2x512xi32, #tpu.memory_space<vmem>> -> memref<1x1x512xi32, #tpu.memory_space<vmem>>
    %dma_wait3A_2161 = tpu.memref_squeeze %dma_wait3A_2160 : memref<1x1x512xi32, #tpu.memory_space<vmem>> -> memref<512xi32, #tpu.memory_space<vmem>>
    %dma_wait3A_2162 = arith.constant 0 : i32
    %dma_wait3A_2163 = arith.constant 0 : i32
    %dma_wait3A_2164 = tpu.memref_slice %arg3[%dma_wait3A_2162, %dma_wait3A_2163] : memref<1000000x32xf32, #tpu.memory_space<hbm>> -> memref<1000000x32xf32, #tpu.memory_space<hbm>>
    tpu.wait_indirect_dma semaphore(%arg8 : memref<!tpu.dma_semaphore, #tpu.memory_space<semaphore_mem>>) src(%dma_wait3A_2164 : memref<1000000x32xf32, #tpu.memory_space<hbm>>) dst(%dma_wait3A_2158 : memref<512x32xf32, #tpu.memory_space<vmem>>)
    %dma_wait3A_2165 = arith.constant 1 : i32
    %dma_wait3A_2166 = arith.constant 1 : i32
    %dma_wait3A_2167 = arith.constant 1 : i32
    %dma_wait3A_2168 = arith.constant 1 : i32
    %dma_wait3A_2169 = arith.constant 0 : i32
    %dma_wait3A_2170 = arith.constant 0 : i32
    %dma_wait3A_2171 = tpu.memref_slice %arg6[%dma_wait3A_2167, %dma_wait3A_2168, %dma_wait3A_2169, %dma_wait3A_2170] : memref<2x2x512x32xf32, #tpu.memory_space<vmem>> -> memref<1x1x512x32xf32, #tpu.memory_space<vmem>>
    %dma_wait3A_2172 = tpu.memref_squeeze %dma_wait3A_2171 : memref<1x1x512x32xf32, #tpu.memory_space<vmem>> -> memref<512x32xf32, #tpu.memory_space<vmem>>
    %dma_wait3A_2173 = arith.constant 0 : i32
    %dma_wait3A_2174 = tpu.memref_slice %arg5[%dma_wait3A_2165, %dma_wait3A_2166, %dma_wait3A_2173] : memref<2x2x512xi32, #tpu.memory_space<vmem>> -> memref<1x1x512xi32, #tpu.memory_space<vmem>>
    %dma_wait3A_2175 = tpu.memref_squeeze %dma_wait3A_2174 : memref<1x1x512xi32, #tpu.memory_space<vmem>> -> memref<512xi32, #tpu.memory_space<vmem>>
    %dma_wait3A_2176 = arith.constant 0 : i32
    %dma_wait3A_2177 = arith.constant 0 : i32
    %dma_wait3A_2178 = tpu.memref_slice %arg3[%dma_wait3A_2176, %dma_wait3A_2177] : memref<1000000x32xf32, #tpu.memory_space<hbm>> -> memref<1000000x32xf32, #tpu.memory_space<hbm>>
    tpu.wait_indirect_dma semaphore(%arg8 : memref<!tpu.dma_semaphore, #tpu.memory_space<semaphore_mem>>) src(%dma_wait3A_2178 : memref<1000000x32xf32, #tpu.memory_space<hbm>>) dst(%dma_wait3A_2172 : memref<512x32xf32, #tpu.memory_space<vmem>>)
    %dma_start3A_2179 = arith.constant 1 : i32
    %dma_start3A_2180 = arith.constant 0 : i32
    %dma_start3A_2181 = arith.constant 0 : i32
    %dma_start3A_2182 = arith.constant 0 : i32
    %dma_start3A_2183 = tpu.memref_slice %arg6[%dma_start3A_2179, %dma_start3A_2180, %dma_start3A_2181, %dma_start3A_2182] : memref<2x2x512x32xf32, #tpu.memory_space<vmem>> -> memref<1x2x512x32xf32, #tpu.memory_space<vmem>>
    %dma_start3A_2184 = tpu.memref_squeeze %dma_start3A_2183 : memref<1x2x512x32xf32, #tpu.memory_space<vmem>> -> memref<2x512x32xf32, #tpu.memory_space<vmem>>
    %dma_start3A_2185 = arith.constant 46 : i32
    %dma_start3A_2186 = arith.constant 0 : i32
    %dma_start3A_2187 = tpu.memref_slice %arg4[%dma_start3A_2185, %mul3A_2, %dma_start3A_2186] : memref<50x16384x32xf32, #tpu.memory_space<hbm>> -> memref<2x512x32xf32, #tpu.memory_space<hbm>>
    %dma_start3A_2188 = arith.constant 46 : i32
    %dma_start3A_2189 = arith.constant 0 : i32
    %dma_start3A_2190 = tpu.memref_slice %arg4[%dma_start3A_2188, %mul3A_2, %dma_start3A_2189] : memref<50x16384x32xf32, #tpu.memory_space<hbm>> -> memref<2x512x32xf32, #tpu.memory_space<hbm>>
    %dma_start3A_2191 = arith.constant 0 : i32
    %dma_start3A_2192 = arith.constant 0 : i32
    %dma_start3A_2193 = arith.constant 0 : i32
    %dma_start3A_2194 = tpu.memref_slice %arg6[%dma_start3A_2179, %dma_start3A_2191, %dma_start3A_2192, %dma_start3A_2193] : memref<2x2x512x32xf32, #tpu.memory_space<vmem>> -> memref<1x2x512x32xf32, #tpu.memory_space<vmem>>
    %dma_start3A_2195 = tpu.memref_squeeze %dma_start3A_2194 : memref<1x2x512x32xf32, #tpu.memory_space<vmem>> -> memref<2x512x32xf32, #tpu.memory_space<vmem>>
    tpu.enqueue_dma source(%dma_start3A_2195 : memref<2x512x32xf32, #tpu.memory_space<vmem>>) target(%dma_start3A_2190 : memref<2x512x32xf32, #tpu.memory_space<hbm>>) target_semaphore(%arg10 : memref<!tpu.dma_semaphore, #tpu.memory_space<semaphore_mem>>)
    %dma_wait3A_2196 = arith.constant 0 : i32
    %dma_wait3A_2197 = arith.constant 0 : i32
    %dma_wait3A_2198 = arith.constant 0 : i32
    %dma_wait3A_2199 = arith.constant 0 : i32
    %dma_wait3A_2200 = arith.constant 0 : i32
    %dma_wait3A_2201 = arith.constant 0 : i32
    %dma_wait3A_2202 = tpu.memref_slice %arg6[%dma_wait3A_2198, %dma_wait3A_2199, %dma_wait3A_2200, %dma_wait3A_2201] : memref<2x2x512x32xf32, #tpu.memory_space<vmem>> -> memref<1x1x512x32xf32, #tpu.memory_space<vmem>>
    %dma_wait3A_2203 = tpu.memref_squeeze %dma_wait3A_2202 : memref<1x1x512x32xf32, #tpu.memory_space<vmem>> -> memref<512x32xf32, #tpu.memory_space<vmem>>
    %dma_wait3A_2204 = arith.constant 0 : i32
    %dma_wait3A_2205 = tpu.memref_slice %arg5[%dma_wait3A_2196, %dma_wait3A_2197, %dma_wait3A_2204] : memref<2x2x512xi32, #tpu.memory_space<vmem>> -> memref<1x1x512xi32, #tpu.memory_space<vmem>>
    %dma_wait3A_2206 = tpu.memref_squeeze %dma_wait3A_2205 : memref<1x1x512xi32, #tpu.memory_space<vmem>> -> memref<512xi32, #tpu.memory_space<vmem>>
    %dma_wait3A_2207 = arith.constant 0 : i32
    %dma_wait3A_2208 = arith.constant 0 : i32
    %dma_wait3A_2209 = tpu.memref_slice %arg3[%dma_wait3A_2207, %dma_wait3A_2208] : memref<1000000x32xf32, #tpu.memory_space<hbm>> -> memref<1000000x32xf32, #tpu.memory_space<hbm>>
    tpu.wait_indirect_dma semaphore(%arg7 : memref<!tpu.dma_semaphore, #tpu.memory_space<semaphore_mem>>) src(%dma_wait3A_2209 : memref<1000000x32xf32, #tpu.memory_space<hbm>>) dst(%dma_wait3A_2203 : memref<512x32xf32, #tpu.memory_space<vmem>>)
    %dma_wait3A_2210 = arith.constant 0 : i32
    %dma_wait3A_2211 = arith.constant 1 : i32
    %dma_wait3A_2212 = arith.constant 0 : i32
    %dma_wait3A_2213 = arith.constant 1 : i32
    %dma_wait3A_2214 = arith.constant 0 : i32
    %dma_wait3A_2215 = arith.constant 0 : i32
    %dma_wait3A_2216 = tpu.memref_slice %arg6[%dma_wait3A_2212, %dma_wait3A_2213, %dma_wait3A_2214, %dma_wait3A_2215] : memref<2x2x512x32xf32, #tpu.memory_space<vmem>> -> memref<1x1x512x32xf32, #tpu.memory_space<vmem>>
    %dma_wait3A_2217 = tpu.memref_squeeze %dma_wait3A_2216 : memref<1x1x512x32xf32, #tpu.memory_space<vmem>> -> memref<512x32xf32, #tpu.memory_space<vmem>>
    %dma_wait3A_2218 = arith.constant 0 : i32
    %dma_wait3A_2219 = tpu.memref_slice %arg5[%dma_wait3A_2210, %dma_wait3A_2211, %dma_wait3A_2218] : memref<2x2x512xi32, #tpu.memory_space<vmem>> -> memref<1x1x512xi32, #tpu.memory_space<vmem>>
    %dma_wait3A_2220 = tpu.memref_squeeze %dma_wait3A_2219 : memref<1x1x512xi32, #tpu.memory_space<vmem>> -> memref<512xi32, #tpu.memory_space<vmem>>
    %dma_wait3A_2221 = arith.constant 0 : i32
    %dma_wait3A_2222 = arith.constant 0 : i32
    %dma_wait3A_2223 = tpu.memref_slice %arg3[%dma_wait3A_2221, %dma_wait3A_2222] : memref<1000000x32xf32, #tpu.memory_space<hbm>> -> memref<1000000x32xf32, #tpu.memory_space<hbm>>
    tpu.wait_indirect_dma semaphore(%arg7 : memref<!tpu.dma_semaphore, #tpu.memory_space<semaphore_mem>>) src(%dma_wait3A_2223 : memref<1000000x32xf32, #tpu.memory_space<hbm>>) dst(%dma_wait3A_2217 : memref<512x32xf32, #tpu.memory_space<vmem>>)
    %dma_start3A_2224 = arith.constant 0 : i32
    %dma_start3A_2225 = arith.constant 0 : i32
    %dma_start3A_2226 = arith.constant 0 : i32
    %dma_start3A_2227 = arith.constant 0 : i32
    %dma_start3A_2228 = tpu.memref_slice %arg6[%dma_start3A_2224, %dma_start3A_2225, %dma_start3A_2226, %dma_start3A_2227] : memref<2x2x512x32xf32, #tpu.memory_space<vmem>> -> memref<1x2x512x32xf32, #tpu.memory_space<vmem>>
    %dma_start3A_2229 = tpu.memref_squeeze %dma_start3A_2228 : memref<1x2x512x32xf32, #tpu.memory_space<vmem>> -> memref<2x512x32xf32, #tpu.memory_space<vmem>>
    %dma_start3A_2230 = arith.constant 48 : i32
    %dma_start3A_2231 = arith.constant 0 : i32
    %dma_start3A_2232 = tpu.memref_slice %arg4[%dma_start3A_2230, %mul3A_2, %dma_start3A_2231] : memref<50x16384x32xf32, #tpu.memory_space<hbm>> -> memref<2x512x32xf32, #tpu.memory_space<hbm>>
    %dma_start3A_2233 = arith.constant 48 : i32
    %dma_start3A_2234 = arith.constant 0 : i32
    %dma_start3A_2235 = tpu.memref_slice %arg4[%dma_start3A_2233, %mul3A_2, %dma_start3A_2234] : memref<50x16384x32xf32, #tpu.memory_space<hbm>> -> memref<2x512x32xf32, #tpu.memory_space<hbm>>
    %dma_start3A_2236 = arith.constant 0 : i32
    %dma_start3A_2237 = arith.constant 0 : i32
    %dma_start3A_2238 = arith.constant 0 : i32
    %dma_start3A_2239 = tpu.memref_slice %arg6[%dma_start3A_2224, %dma_start3A_2236, %dma_start3A_2237, %dma_start3A_2238] : memref<2x2x512x32xf32, #tpu.memory_space<vmem>> -> memref<1x2x512x32xf32, #tpu.memory_space<vmem>>
    %dma_start3A_2240 = tpu.memref_squeeze %dma_start3A_2239 : memref<1x2x512x32xf32, #tpu.memory_space<vmem>> -> memref<2x512x32xf32, #tpu.memory_space<vmem>>
    tpu.enqueue_dma source(%dma_start3A_2240 : memref<2x512x32xf32, #tpu.memory_space<vmem>>) target(%dma_start3A_2235 : memref<2x512x32xf32, #tpu.memory_space<hbm>>) target_semaphore(%arg9 : memref<!tpu.dma_semaphore, #tpu.memory_space<semaphore_mem>>)
    %dma_wait3A_2241 = arith.constant 0 : i32
    %dma_wait3A_2242 = arith.constant 0 : i32
    %dma_wait3A_2243 = arith.constant 0 : i32
    %dma_wait3A_2244 = arith.constant 0 : i32
    %dma_wait3A_2245 = tpu.memref_slice %arg6[%dma_wait3A_2241, %dma_wait3A_2242, %dma_wait3A_2243, %dma_wait3A_2244] : memref<2x2x512x32xf32, #tpu.memory_space<vmem>> -> memref<1x2x512x32xf32, #tpu.memory_space<vmem>>
    %dma_wait3A_2246 = tpu.memref_squeeze %dma_wait3A_2245 : memref<1x2x512x32xf32, #tpu.memory_space<vmem>> -> memref<2x512x32xf32, #tpu.memory_space<vmem>>
    %dma_wait3A_2247 = arith.constant 48 : i32
    %dma_wait3A_2248 = arith.constant 0 : i32
    %dma_wait3A_2249 = tpu.memref_slice %arg4[%dma_wait3A_2247, %mul3A_2, %dma_wait3A_2248] : memref<50x16384x32xf32, #tpu.memory_space<hbm>> -> memref<2x512x32xf32, #tpu.memory_space<hbm>>
    %dma_wait3A_2250 = arith.constant 48 : i32
    %dma_wait3A_2251 = arith.constant 0 : i32
    %dma_wait3A_2252 = tpu.memref_slice %arg4[%dma_wait3A_2250, %mul3A_2, %dma_wait3A_2251] : memref<50x16384x32xf32, #tpu.memory_space<hbm>> -> memref<2x512x32xf32, #tpu.memory_space<hbm>>
    %dma_wait3A_2253 = arith.constant 0 : i32
    %dma_wait3A_2254 = arith.constant 0 : i32
    %dma_wait3A_2255 = arith.constant 0 : i32
    %dma_wait3A_2256 = tpu.memref_slice %arg6[%dma_wait3A_2241, %dma_wait3A_2253, %dma_wait3A_2254, %dma_wait3A_2255] : memref<2x2x512x32xf32, #tpu.memory_space<vmem>> -> memref<1x2x512x32xf32, #tpu.memory_space<vmem>>
    %dma_wait3A_2257 = tpu.memref_squeeze %dma_wait3A_2256 : memref<1x2x512x32xf32, #tpu.memory_space<vmem>> -> memref<2x512x32xf32, #tpu.memory_space<vmem>>
    tpu.wait_dma2 semaphore(%arg9 : memref<!tpu.dma_semaphore, #tpu.memory_space<semaphore_mem>>) src(%dma_wait3A_2257 : memref<2x512x32xf32, #tpu.memory_space<vmem>>) dst(%dma_wait3A_2252 : memref<2x512x32xf32, #tpu.memory_space<hbm>>)
    %dma_wait3A_2258 = arith.constant 1 : i32
    %dma_wait3A_2259 = arith.constant 0 : i32
    %dma_wait3A_2260 = arith.constant 0 : i32
    %dma_wait3A_2261 = arith.constant 0 : i32
    %dma_wait3A_2262 = tpu.memref_slice %arg6[%dma_wait3A_2258, %dma_wait3A_2259, %dma_wait3A_2260, %dma_wait3A_2261] : memref<2x2x512x32xf32, #tpu.memory_space<vmem>> -> memref<1x2x512x32xf32, #tpu.memory_space<vmem>>
    %dma_wait3A_2263 = tpu.memref_squeeze %dma_wait3A_2262 : memref<1x2x512x32xf32, #tpu.memory_space<vmem>> -> memref<2x512x32xf32, #tpu.memory_space<vmem>>
    %dma_wait3A_2264 = arith.constant 46 : i32
    %dma_wait3A_2265 = arith.constant 0 : i32
    %dma_wait3A_2266 = tpu.memref_slice %arg4[%dma_wait3A_2264, %mul3A_2, %dma_wait3A_2265] : memref<50x16384x32xf32, #tpu.memory_space<hbm>> -> memref<2x512x32xf32, #tpu.memory_space<hbm>>
    %dma_wait3A_2267 = arith.constant 46 : i32
    %dma_wait3A_2268 = arith.constant 0 : i32
    %dma_wait3A_2269 = tpu.memref_slice %arg4[%dma_wait3A_2267, %mul3A_2, %dma_wait3A_2268] : memref<50x16384x32xf32, #tpu.memory_space<hbm>> -> memref<2x512x32xf32, #tpu.memory_space<hbm>>
    %dma_wait3A_2270 = arith.constant 0 : i32
    %dma_wait3A_2271 = arith.constant 0 : i32
    %dma_wait3A_2272 = arith.constant 0 : i32
    %dma_wait3A_2273 = tpu.memref_slice %arg6[%dma_wait3A_2258, %dma_wait3A_2270, %dma_wait3A_2271, %dma_wait3A_2272] : memref<2x2x512x32xf32, #tpu.memory_space<vmem>> -> memref<1x2x512x32xf32, #tpu.memory_space<vmem>>
    %dma_wait3A_2274 = tpu.memref_squeeze %dma_wait3A_2273 : memref<1x2x512x32xf32, #tpu.memory_space<vmem>> -> memref<2x512x32xf32, #tpu.memory_space<vmem>>
    tpu.wait_dma2 semaphore(%arg10 : memref<!tpu.dma_semaphore, #tpu.memory_space<semaphore_mem>>) src(%dma_wait3A_2274 : memref<2x512x32xf32, #tpu.memory_space<vmem>>) dst(%dma_wait3A_2269 : memref<2x512x32xf32, #tpu.memory_space<hbm>>)
    return
  }
}

</mosaic_0001>

<sc_bundles>
// kernel: kernel.3.cloned.1.call-start
scs
__scs_entry_jumppad:
0x0: {  	(pc) =	sbr.rel $0x88, $3  }
0x1: {  	(tag) =	ssettag $0x0;
	lr =	simm.s32 $0x1  }
0x2: {  	[smem:$0x3F9F] =	sst lr;
	_ =	strace $0xD0000000  }
0x3: {  	_ = 	snop  }
0x4: {  	_ = 	snop  }
0x5: {  	_ = 	snop  }
0x6: {  	_ = 	snop  }
0x7: {  	_ = 	snop  }
__scs_overlays_trampoline_lowered:
0x8: {  	[smem:$0x3FAE] =	sst s0  }
0x9: {  	[smem:$0x3FAF] =	sst s1  }
0xa: {  	[smem:$0x3FB0] =	sst s2  }
0xb: {  	[smem:$0x3FB1] =	sst s3  }
0xc: {  	[smem:$0x3FB2] =	sst s4  }
0xd: {  	[smem:$0x3FB3] =	sst s5  }
0xe: {  	[smem:$0x3FB4] =	sst s6  }
0xf: {  	[smem:$0x3FB5] =	sst s7  }
0x10: {  	[smem:$0x3FB6] =	sst s8  }
0x11: {  	[smem:$0x3FB7] =	sst s9;
	s0 =	simm.s32 @!p0 $0x0  }
0x12: {  	s1 =	sld [smem:$0x3F9D];
	s0 =	simm.s32 @p0 $0x1  }
0x13: {  	[smem:$0x3FB8] =	sst s0;
	s0 =	simm.s32 @!p1 $0x0  }
0x14: {  	s2 =	sld [smem:$0x3F9C];
	s0 =	simm.s32 @p1 $0x1  }
0x15: {  	[smem:$0x3FB9] =	sst s0;
	s0 =	simm.s32 @!p2 $0x0  }
0x16: {  	s3 =	sld [smem:$0x3FDB];
	s0 =	simm.s32 @p2 $0x1  }
0x17: {  	s4 =	simm.s32 $0x1BF5;
	[smem:$0x3FBB] =	sst s0  }
0x18: {  	s0 =	sld [smem:$0x3F9E];
	_ =	swait.ge [sflag:s4], $0x0  }
0x19: {  	s7 =	sld [smem:$0x3F9F]  }
0x1a: {  	s8 =	sadd.s32 $0xFFFFE003, lr  }
0x1b: {  	s9 =	sadd.s32 $0xFFFFFEF7, lr;
	s5 =	simm.s32 $0xFFFFFFFF;
	p2 =	slt.u32 s8, $0xFFFFF086  }
0x1c: {  	p1 =	slt.u32 s9, $0xF7A;
	s5 =	simm.s32 @!p2 $0x0  }
0x1d: {  	s5 =	simm.s32 @p1 $0x1;
	p0 =	seq.s32 s7, s2  }
0x1e: {  	s7 =	smul.u32 @!p0 $0xF7A, s2;
	p2 =	seq.s32 @!p0 s5, $0x0  }
0x1f: {  	s9 =	smul.u32 $0xF7A, s1;
	s8 =	simm.s32 @!p0 $0x1BF5;
	p2 =	por !p2, p0  }
0x20: {  	[sflag:s8] =	ssyncset.s32 @!p0 $0xFFFFF086;
	s6 =	sadd.s32 @!p0 s3, s7;
	s7 =	simm.s32 @!p0 $0x108  }
0x21: {  	s3 =	sadd.s32 s3, s9;
	s6 =	sadd.s32 @!p0 $0x88, s6;
	s7 =	simm.s32 @p2 $0x1082  }
0x22: {  	[simem:s7], [sflag:s8] =	dma.local @!p0 [hbm:s6], $0xF7A  }
0x23: {  	s9 =	sor.u32 $0xD0000000, s2;
	s6 =	simm.s32 $0x108;
	_ =	swait.ge @!p0 [sflag:s8], $0x0  }
0x24: {  	s3 =	sadd.s32 $0x88, s3;
	s6 =	simm.s32 @!p1 $0x1082;
	[sflag:s4] =	ssyncset.s32 $0xFFFFF086  }
0x25: {  	[simem:s6], [sflag:s4] =	dma.local [hbm:s3], $0xF7A  }
0x26: {  	[smem:$0x3F9F] =	sst s1;
	(tag) =	ssettag s2;
	_ =	strace s9  }
0x27: {  	s1 =	sld [smem:$0x3FAF]  }
0x28: {  	s2 =	sld [smem:$0x3FB0]  }
0x29: {  	s4 =	sld [smem:$0x3FB2]  }
0x2a: {  	p0 =	seq.s32 s5, $0x0;
	s5 =	sld [smem:$0x3FB3]  }
0x2b: {  	s6 =	sld [smem:$0x3FB4]  }
0x2c: {  	s7 =	sld [smem:$0x3FB5]  }
0x2d: {  	s3 =	simm.s32 $0x108;
	s8 =	sld [smem:$0x3FB6]  }
0x2e: {  	s3 =	simm.s32 @!p0 $0x1082;
	s9 =	sld [smem:$0x3FB7]  }
0x2f: {  	lr =	sadd.s32 s0, s3;
	s0 =	sld [smem:$0x3FAE]  }
0x30: {  	s3 =	sld [smem:$0x3FB1]  }
0x31: {  	[smem:$0x3FBA] =	sst s10  }
0x32: {  	s10 =	sld [smem:$0x3FB8];
	_ =	sdelay $0x3  }
0x33: {  	p0 =	seq.s32 s10, $0x1;
	s10 =	sld [smem:$0x3FBA];
	_ =	sdelay $0x3  }
0x34: {  	[smem:$0x3FBA] =	sst s10  }
0x35: {  	s10 =	sld [smem:$0x3FB9];
	_ =	sdelay $0x3  }
0x36: {  	p1 =	seq.s32 s10, $0x1;
	s10 =	sld [smem:$0x3FBA];
	_ =	sdelay $0x3  }
0x37: {  	[smem:$0x3FBA] =	sst s10  }
0x38: {  	s10 =	sld [smem:$0x3FBB]  }
0x39: {  	_ = 	snop;
	(pc) =	sbr.ind lr, $3  }
0x3a: {  	_ = 	snop  }
0x3b: {  	_ = 	snop  }
0x3c: {  	p2 =	seq.s32 s10, $0x1;
	s10 =	sld [smem:$0x3FBA]  }
0x3d: {  	_ =	shalt  }
0x3e: {  	_ =	shalt  }
0x3f: {  	_ =	shalt  }
0x40: {  	_ =	shalt  }
0x41: {  	_ =	shalt  }
0x42: {  	_ =	shalt  }
0x43: {  	_ =	shalt  }
0x44: {  	_ =	shalt  }
0x45: {  	_ =	shalt  }
0x46: {  	_ =	shalt  }
0x47: {  	_ =	shalt  }
0x48: {  	_ =	shalt  }
0x49: {  	_ =	shalt  }
0x4a: {  	_ =	shalt  }
0x4b: {  	_ =	shalt  }
0x4c: {  	_ =	shalt  }
0x4d: {  	_ =	shalt  }
0x4e: {  	_ =	shalt  }
0x4f: {  	_ =	shalt  }
0x50: {  	_ =	shalt  }
0x51: {  	_ =	shalt  }
0x52: {  	_ =	shalt  }
0x53: {  	_ =	shalt  }
0x54: {  	_ =	shalt  }
0x55: {  	_ =	shalt  }
0x56: {  	_ =	shalt  }
0x57: {  	_ =	shalt  }
0x58: {  	_ =	shalt  }
0x59: {  	_ =	shalt  }
0x5a: {  	_ =	shalt  }
0x5b: {  	_ =	shalt  }
0x5c: {  	_ =	shalt  }
0x5d: {  	_ =	shalt  }
0x5e: {  	_ =	shalt  }
0x5f: {  	_ =	shalt  }
0x60: {  	_ =	shalt  }
0x61: {  	_ =	shalt  }
0x62: {  	_ =	shalt  }
0x63: {  	_ =	shalt  }
0x64: {  	_ =	shalt  }
0x65: {  	_ =	shalt  }
0x66: {  	_ =	shalt  }
0x67: {  	_ =	shalt  }
0x68: {  	_ =	shalt  }
0x69: {  	_ =	shalt  }
0x6a: {  	_ =	shalt  }
0x6b: {  	_ =	shalt  }
0x6c: {  	_ =	shalt  }
0x6d: {  	_ =	shalt  }
0x6e: {  	_ =	shalt  }
0x6f: {  	_ =	shalt  }
0x70: {  	_ =	shalt  }
0x71: {  	_ =	shalt  }
0x72: {  	_ =	shalt  }
0x73: {  	_ =	shalt  }
0x74: {  	_ =	shalt  }
0x75: {  	_ =	shalt  }
0x76: {  	_ =	shalt  }
0x77: {  	_ =	shalt  }
0x78: {  	_ =	shalt  }
0x79: {  	_ =	shalt  }
0x7a: {  	_ =	shalt  }
0x7b: {  	_ =	shalt  }
0x7c: {  	_ =	shalt  }
0x7d: {  	_ =	shalt  }
0x7e: {  	_ =	shalt  }
0x7f: {  	_ =	shalt  }
0x80: {  	_ =	shalt  }
0x81: {  	_ =	shalt  }
0x82: {  	_ =	shalt  }
0x83: {  	_ =	shalt  }
0x84: {  	_ =	shalt  }
0x85: {  	_ =	shalt  }
0x86: {  	_ =	shalt  }
0x87: {  	_ =	shalt  }
.Lfunc_end0:
.L_simem_size_0:
called_computation.1_lowered:
.L_overlay_start_0:
0x88: {  	s2 =	sld [smem:$0x3FD9]  }
0x89: {  	s3 =	sld [smem:$0x3FFE];
	_ =	sdelay $0x1  }
0x8a: {  	s1 =	srdreg.scid  }
0x8b: {  	s0 =	sand.u32 $0x1, s1  }
0x8c: {  	s17 =	sshll.u32 s0, $0xA;
	s2 =	sadd.s32 s3, s2  }
0x8d: {  	s2 =	sadd.s32 s2, s17  }
0x8e: {  	[smem:$0x3FC6] =	sst s2  }
0x8f: {  	_ = 	snop  }
0x90: {  	s2 =	sld [smem:$0x3FD0];
	(tm) =	ssettm $0x1  }
0x91: {  	s18 =	sld [smem:$0x3FFB];
	_ =	sdelay $0x3  }
0x92: {  	_ =	strace s18  }
0x93: {  	s3 =	sld [smem:$0x3FFC];
	_ =	sdelay $0x3  }
0x94: {  	_ =	strace s3  }
0x95: {  	s3 =	sld [smem:$0x3FFD];
	_ =	sdelay $0x3  }
0x96: {  	_ =	strace s3  }
0x97: {  	_ =	strace $0x8FFFFFFF  }
0x98: {  	s19 =	sld [smem:$0x3FDB];
	_ =	sdelay $0x1  }
0x99: {  	s4 =	simm.s32 $_scs_section_size  }
0x9a: {  	s5 =	simm.s32 $_size__tile_overlayer_lowered;
	s6 =	simm.s32 $_tile_overlayer_lowered  }
0x9b: {  	s22 =	simm.s32 $0x1BFF;
	s21 =	sshll.u32 s6, $0x1;
	s3 =	sadd.s32 s4, s19  }
0x9c: {  	s7 =	simm.s32 $0x0;
	s20 =	sshll.u32 s5, $0x1;
	s5 =	sadd.s32 s21, s3  }
0x9d: {  	[timem:s7], [sflag:s22] =	dma.local [hbm:s5], s20  }
0x9e: {  	_ =	swait.ge [sflag:s22], s20  }
0x9f: {  	s4 =	ssub.s32 $0x0, s20;
	[sflag:s22] =	ssyncset.done $0x0  }
0xa0: {  	[sflag:s22] =	ssyncadd.s32 s4;
	_ =	sdelay $0x1  }
0xa1: {  	s23 =	simm.s32 $0x1B8B  }
0xa2: {  	_ =	swait.ge [sflag:s23], $0x1  }
0xa3: {  	[sflag:s23] =	ssyncset.done $0x0  }
0xa4: {  	s25 =	simm.s32 $0x1B8E;
	s24 =	sld [smem:$0x3FFE];
	[sflag:s23] =	ssyncadd.s32 $0xFFFFFFFF  }
0xa5: {  	s26 =	simm.s32 $execute0_lowered;
	[smem:$0x3FD2] =	sst s25  }
0xa6: {  	s5 =	sshll.u32 s26, $0x1;
	_ =	strace $0x80000046;
	[dreg:$0x1] =	wrdreg $0xFFFFFFFF  }
0xa7: {  	s28 =	simm.s32 $_size_execute0_lowered;
	s3 =	sadd.s32 s3, s5;
	[dreg:$0x0] =	wrdreg $0x0  }
0xa8: {  	s5 =	sshll.u32 s28, $0x1;
	[dreg:$0x2] =	wrdreg s3  }
0xa9: {  	[dreg:$0x3] =	wrdreg s5  }
0xaa: {  	[dreg:$0x4] =	wrdreg $0xC0  }
0xab: {  	_ =	task [dreg:s7], $0x5FFFF  }
0xac: {  	[dreg:$0x1] =	wrdreg $0xFFFFFFFF  }
0xad: {  	[dreg:$0x0] =	wrdreg $0x60  }
0xae: {  	[dreg:$0x2] =	wrdreg s24  }
0xaf: {  	[dreg:$0x3] =	wrdreg s2  }
0xb0: {  	[dreg:$0x4] =	wrdreg $0x9  }
0xb1: {  	_ =	task.clear_ibuf [dreg:s7], $0x5FFFF;
	_ =	strace $0x90000046  }
0xb2: {  	s29 =	simm.s32 $0x9;
	_ =	strace $0x80000048  }
0xb3: {  	_ =	swait.ge [sflag:s29], $0x1  }
0xb4: {  	[sflag:s29] =	ssyncadd.s32 $0xFFFFFFFF  }
0xb5: {  	_ =	strace $0x90000048  }
0xb6: {  	_ =	sfence  }
0xb7: {  	s30 =	sld [smem:$0x0];
	_ =	sdelay $0x2  }
0xb8: {  	s31 =	sshll.u32 s1, $0xD;
	s1 =	sshrl.u32 s1, $0x2  }
0xb9: {  	s3 =	sand.u32 $0x4000, s31;
	s1 =	sadd.s32 s1, s30  }
0xba: {  	s0 =	sor.u32 s3, s0;
	s1 =	sshll.u32 s1, $0x11  }
0xbb: {  	s0 =	sor.u32 s1, s0  }
0xbc: {  	s0 =	sadd.s32 $0x8F2B, s0  }
0xbd: {  	[sflag:s0] =	ssyncadd.remote.s32 $0x1  }
0xbe: {  	_ =	sfence.sel $0xFFFF  }
0xbf: {  	[dreg:$0x0] =	wrdreg $0xFFFFFFFF;
	(pc) =	sbr.abs _section_cstart, $3  }
0xc0: {  	[dreg:$0x1] =	wrdreg $0xFFFFFFFF  }
0xc1: {  	_ =	task.clear_ibuf [dreg:s7], $0x2FFFF;
	_ =	strace $0x9FFFFFFF  }
0xc2: {  	(tm) =	ssettm $0x7FFFFFFF  }
0xc3: {  	_ =	shalt  }
tec
execute0_lowered:
.L_overlay_start_1:
0x0: {  	(tag) =	ssettag $0x1  }
0x1: {  	s0 =	srdreg.scid  }
0x2: {  	s1 =	stileid.u32;
	s4 =	sand.u32 $0x1, s0  }
0x3: {  	s6 =	sshll.u32 s1, $0xA;
	s7 =	sshll.u32 s4, $0x9  }
0x4: {  	s0 =	sor.u32 s7, s6  }
0x5: {  	s3 =	rddreg [dreg:$0x0];
	s2 =	simm.s32 $0x0;
	s1 =	sshrl.u32 s0, $0x3  }
0x6: {  	[smem:$0x7FF] =	sst s2;
	s1 =	sadd.s32 s1, s3  }
0x7: {  	s5 =	rddreg [dreg:$0x1];
	_ =	strace $0x80000047;
	s6 =	sadd.s32 $0xA00, s1  }
0x8: {  	s0 =	sshll.u32 s0, $0x2;
	s8 =	sadd.s32 $0x1A00, s1;
	[dreg:$0x3] =	wrdreg s6  }
0x9: {  	s31 =	sadd.s32 s5, s0;
	s9 =	sadd.s32 $0x2A00, s1;
	[dreg:$0x4] =	wrdreg s8  }
0xa: {  	s10 =	sadd.s32 $0x20000, s31;
	[dreg:$0x5] =	wrdreg s9  }
0xb: {  	s11 =	sadd.s32 $0x3A00, s1;
	[dreg:$0x6] =	wrdreg s10  }
0xc: {  	s12 =	sadd.s32 $0x40000, s31;
	[dreg:$0x7] =	wrdreg s11  }
0xd: {  	s13 =	sadd.s32 $0x4A00, s1;
	[dreg:$0x8] =	wrdreg s12  }
0xe: {  	s14 =	sadd.s32 $0x60000, s31;
	[dreg:$0x9] =	wrdreg s13  }
0xf: {  	s15 =	sadd.s32 $0x5A00, s1;
	[dreg:$0xa] =	wrdreg s14  }
0x10: {  	s16 =	sadd.s32 $0x80000, s31;
	[dreg:$0xb] =	wrdreg s15  }
0x11: {  	s17 =	sadd.s32 $0x6A00, s1;
	[dreg:$0xc] =	wrdreg s16  }
0x12: {  	s18 =	sadd.s32 $0xA0000, s31;
	[dreg:$0xd] =	wrdreg s17  }
0x13: {  	s19 =	sadd.s32 $0x7A00, s1;
	[dreg:$0xe] =	wrdreg s18  }
0x14: {  	s20 =	sadd.s32 $0xC0000, s31;
	[dreg:$0xf] =	wrdreg s19  }
0x15: {  	s21 =	sadd.s32 $0x8A00, s1;
	[dreg:$0x10] =	wrdreg s20  }
0x16: {  	s22 =	sadd.s32 $0xE0000, s31;
	[dreg:$0x11] =	wrdreg s21  }
0x17: {  	s23 =	sadd.s32 $0x9A00, s1;
	[dreg:$0x12] =	wrdreg s22  }
0x18: {  	s24 =	sadd.s32 $0x100000, s31;
	[dreg:$0x13] =	wrdreg s23  }
0x19: {  	s25 =	sadd.s32 $0xAA00, s1;
	[dreg:$0x14] =	wrdreg s24  }
0x1a: {  	s26 =	sadd.s32 $0x120000, s31;
	[dreg:$0x15] =	wrdreg s25  }
0x1b: {  	s5 =	sadd.s32 $0xBA00, s1;
	[dreg:$0x16] =	wrdreg s26  }
0x1c: {  	s7 =	sadd.s32 $0xCA00, s1;
	[dreg:$0x17] =	wrdreg s5  }
0x1d: {  	s6 =	sadd.s32 $0x140000, s31;
	[dreg:$0x19] =	wrdreg s7  }
0x1e: {  	s8 =	sadd.s32 $0x160000, s31;
	[dreg:$0x18] =	wrdreg s6  }
0x1f: {  	s9 =	sadd.s32 $0xDA00, s1;
	[dreg:$0x1a] =	wrdreg s8  }
0x20: {  	s10 =	sadd.s32 $0x180000, s31;
	[dreg:$0x1b] =	wrdreg s9  }
0x21: {  	s11 =	sadd.s32 $0xEA00, s1;
	[dreg:$0x1c] =	wrdreg s10  }
0x22: {  	p0 =	por $0x0, $0x0;
	s12 =	sadd.s32 $0x1A0000, s31;
	[dreg:$0x1d] =	wrdreg s11  }
0x23: {  	s4 =	ssub.s32 $0x2, s4;
	s13 =	sadd.s32 $0xFA00, s1;
	[dreg:$0x1e] =	wrdreg s12  }
0x24: {  	s3 =	sadd.s32 $0xF42E00, s3;
	s14 =	sadd.s32 $0x1C0000, s31;
	[dreg:$0x1f] =	wrdreg s13  }
0x25: {  	s30 =	sadd.s32 $0x240000, s31;
	s15 =	sadd.s32 $0x10A00, s1;
	[smem:$0x7F6] =	sst s14  }
0x26: {  	s29 =	sadd.s32 $0x14A00, s1;
	s16 =	sadd.s32 $0x1E0000, s31;
	[smem:$0x7F7] =	sst s15  }
0x27: {  	s28 =	sadd.s32 $0x260000, s31;
	s17 =	sadd.s32 $0x11A00, s1;
	[smem:$0x7F8] =	sst s16  }
0x28: {  	s18 =	sadd.s32 $0x200000, s31;
	s19 =	sadd.s32 $0x12A00, s1;
	[smem:$0x7F9] =	sst s17  }
0x29: {  	s20 =	sadd.s32 $0x220000, s31;
	s21 =	sshrl.u32 s4, $0x1;
	[smem:$0x7FA] =	sst s18  }
0x2a: {  	s22 =	sadd.s32 $0x13A00, s1;
	s26 =	sadd.s32 $0x15A00, s1;
	[smem:$0x7FB] =	sst s19  }
0x2b: {  	s25 =	sadd.s32 $0x280000, s31;
	s24 =	sadd.s32 $0x16A00, s1;
	[smem:$0x7FC] =	sst s20  }
0x2c: {  	s7 =	sadd.s32 $0x2E0000, s31;
	s5 =	ssub.s32 s4, s21;
	[smem:$0x7FD] =	sst s22  }
0x2d: {  	s20 =	sadd.s32 $0x2A0000, s31;
	s19 =	sadd.s32 $0x17A00, s1;
	s15 =	sadd.s32 $0x2C0000, s31  }
0x2e: {  	s14 =	sadd.s32 $0x18A00, s1;
	s4 =	sadd.s32 $0x300000, s31;
	s23 =	smax.u32 s5, $0x1  }
0x2f: {  	s13 =	simm.s32 $0x200;
	s16 =	simm.s32 $0x5;
	p1 =	sne.s32 s23, $0x1  }
.Ltmp0:
0x30: {  	s6 =	simm.s32 $0x800;
	s17 =	simm.s32 $0x4800;
	(pc) =	sbr.rel @!p1 .LBB2_3-.Ltmp0, $4  }
0x31: {  	s21 =	simm.s32 $0x400;
	s10 =	simm.s32 $0x8800;
	s22 =	simm.s32 $0x600  }
0x32: {  	s11 =	simm.s32 $0x1;
	s12 =	simm.s32 $0x80000;
	s9 =	simm.s32 $0x3  }
0x33: {  	s18 =	simm.s32 $0x2;
	s8 =	simm.s32 $0x4;
	s0 =	rddreg [dreg:$0x3]  }
0x34: {  	s5 =	simm.s32 $0x4000;
	s1 =	sadd.s32 $0xFFFFFFFF, s23;
	s23 =	simm.s32 $0xC800  }
0x35: {  	[tilespmem:s2], [sflag:$0x5] =	stream.strided.gather [hbm4b:s0+s13], $0x400, s5, s13, $0x38;
	[tilespmem:$0x10800] =	vst v63  }
0x36: {  	_ =	swait.ge [sflag:s16], $0x400  }
0x37: {  	[sflag:s16] =	ssyncset.done $0x0  }
0x38: {  	[sflag:s16] =	ssyncadd.s32 $0xFFFFFC00  }
0x39: {  	[tilespmem:s6], [sflag:$0x1] =	stream.indirect.gather [hbm4b:s3+s13], $0x20, s2, s13, $0xb8;
	[tilespmem:$0x10800] =	vst v63  }
0x3a: {  	_ = 	snop  }
0x3b: {  	[tilespmem:s17], [sflag:$0x1] =	stream.indirect.gather [hbm4b:s3+s13], $0x20, s13, s13, $0xb8;
	[tilespmem:$0x10800] =	vst v63  }
0x3c: {  	s0 =	rddreg [dreg:$0x4]  }
0x3d: {  	[tilespmem:s21], [sflag:$0x5] =	stream.strided.gather [hbm4b:s0+s13], $0x400, s5, s13, $0x38;
	[tilespmem:$0x10800] =	vst v63  }
0x3e: {  	_ =	swait.ge [sflag:s16], $0x400  }
0x3f: {  	[sflag:s16] =	ssyncset.done $0x0  }
0x40: {  	[sflag:s16] =	ssyncadd.s32 $0xFFFFFC00  }
0x41: {  	[tilespmem:s10], [sflag:$0x2] =	stream.indirect.gather [hbm4b:s3+s13], $0x20, s21, s13, $0xb8;
	[tilespmem:$0x10800] =	vst v63  }
0x42: {  	_ = 	snop  }
0x43: {  	[tilespmem:s23], [sflag:$0x2] =	stream.indirect.gather [hbm4b:s3+s13], $0x20, s22, s13, $0xb8;
	[tilespmem:$0x10800] =	vst v63  }
0x44: {  	_ =	swait.ge [sflag:s11], $0x4000  }
0x45: {  	[sflag:s11] =	ssyncset.done $0x0  }
0x46: {  	[sflag:s11] =	ssyncadd.s32 $0xFFFFC000  }
0x47: {  	_ =	swait.ge [sflag:s11], $0x4000  }
0x48: {  	[sflag:s11] =	ssyncset.done $0x0  }
0x49: {  	[sflag:s11] =	ssyncadd.s32 $0xFFFFC000  }
0x4a: {  	[hbm4b:s31+s5] =	stream.strided.scatter [tilespmem:s6], [sflag:$0x3], $0x8000, s12, s5, $0x38;
	[tilespmem:$0x10800] =	vst v63  }
0x4b: {  	_ =	swait.ge [sflag:s9], $0x8000  }
0x4c: {  	[sflag:s9] =	ssyncset.done $0x0  }
0x4d: {  	s0 =	rddreg [dreg:$0x5];
	[sflag:s9] =	ssyncadd.s32 $0xFFFF8000  }
0x4e: {  	[tilespmem:s2], [sflag:$0x5] =	stream.strided.gather [hbm4b:s0+s13], $0x400, s5, s13, $0x38;
	[tilespmem:$0x10800] =	vst v63  }
0x4f: {  	_ =	swait.ge [sflag:s16], $0x400  }
0x50: {  	[sflag:s16] =	ssyncset.done $0x0  }
0x51: {  	[sflag:s16] =	ssyncadd.s32 $0xFFFFFC00  }
0x52: {  	[tilespmem:s6], [sflag:$0x1] =	stream.indirect.gather [hbm4b:s3+s13], $0x20, s2, s13, $0xb8;
	[tilespmem:$0x10800] =	vst v63  }
0x53: {  	_ = 	snop  }
0x54: {  	[tilespmem:s17], [sflag:$0x1] =	stream.indirect.gather [hbm4b:s3+s13], $0x20, s13, s13, $0xb8;
	[tilespmem:$0x10800] =	vst v63  }
0x55: {  	_ =	swait.ge [sflag:s18], $0x4000  }
0x56: {  	[sflag:s18] =	ssyncset.done $0x0  }
0x57: {  	[sflag:s18] =	ssyncadd.s32 $0xFFFFC000  }
0x58: {  	_ =	swait.ge [sflag:s18], $0x4000  }
0x59: {  	[sflag:s18] =	ssyncset.done $0x0  }
0x5a: {  	s0 =	rddreg [dreg:$0x6];
	[sflag:s18] =	ssyncadd.s32 $0xFFFFC000  }
0x5b: {  	[hbm4b:s0+s5] =	stream.strided.scatter [tilespmem:s10], [sflag:$0x4], $0x8000, s12, s5, $0x38;
	[tilespmem:$0x10800] =	vst v63  }
0x5c: {  	_ =	swait.ge [sflag:s8], $0x8000  }
0x5d: {  	[sflag:s8] =	ssyncset.done $0x0  }
0x5e: {  	s0 =	rddreg [dreg:$0x7];
	[sflag:s8] =	ssyncadd.s32 $0xFFFF8000  }
0x5f: {  	[tilespmem:s21], [sflag:$0x5] =	stream.strided.gather [hbm4b:s0+s13], $0x400, s5, s13, $0x38;
	[tilespmem:$0x10800] =	vst v63  }
0x60: {  	_ =	swait.ge [sflag:s16], $0x400  }
0x61: {  	[sflag:s16] =	ssyncset.done $0x0  }
0x62: {  	[sflag:s16] =	ssyncadd.s32 $0xFFFFFC00  }
0x63: {  	[tilespmem:s10], [sflag:$0x2] =	stream.indirect.gather [hbm4b:s3+s13], $0x20, s21, s13, $0xb8;
	[tilespmem:$0x10800] =	vst v63  }
0x64: {  	_ = 	snop  }
0x65: {  	[tilespmem:s23], [sflag:$0x2] =	stream.indirect.gather [hbm4b:s3+s13], $0x20, s22, s13, $0xb8;
	[tilespmem:$0x10800] =	vst v63  }
0x66: {  	_ =	swait.ge [sflag:s11], $0x4000  }
0x67: {  	[sflag:s11] =	ssyncset.done $0x0  }
0x68: {  	[sflag:s11] =	ssyncadd.s32 $0xFFFFC000  }
0x69: {  	_ =	swait.ge [sflag:s11], $0x4000  }
0x6a: {  	[sflag:s11] =	ssyncset.done $0x0  }
0x6b: {  	s0 =	rddreg [dreg:$0x8];
	[sflag:s11] =	ssyncadd.s32 $0xFFFFC000  }
0x6c: {  	[hbm4b:s0+s5] =	stream.strided.scatter [tilespmem:s6], [sflag:$0x3], $0x8000, s12, s5, $0x38;
	[tilespmem:$0x10800] =	vst v63  }
0x6d: {  	_ =	swait.ge [sflag:s9], $0x8000  }
0x6e: {  	[sflag:s9] =	ssyncset.done $0x0  }
0x6f: {  	s0 =	rddreg [dreg:$0x9];
	[sflag:s9] =	ssyncadd.s32 $0xFFFF8000  }
0x70: {  	[tilespmem:s2], [sflag:$0x5] =	stream.strided.gather [hbm4b:s0+s13], $0x400, s5, s13, $0x38;
	[tilespmem:$0x10800] =	vst v63  }
0x71: {  	_ =	swait.ge [sflag:s16], $0x400  }
0x72: {  	[sflag:s16] =	ssyncset.done $0x0  }
0x73: {  	[sflag:s16] =	ssyncadd.s32 $0xFFFFFC00  }
0x74: {  	[tilespmem:s6], [sflag:$0x1] =	stream.indirect.gather [hbm4b:s3+s13], $0x20, s2, s13, $0xb8;
	[tilespmem:$0x10800] =	vst v63  }
0x75: {  	_ = 	snop  }
0x76: {  	[tilespmem:s17], [sflag:$0x1] =	stream.indirect.gather [hbm4b:s3+s13], $0x20, s13, s13, $0xb8;
	[tilespmem:$0x10800] =	vst v63  }
0x77: {  	_ =	swait.ge [sflag:s18], $0x4000  }
0x78: {  	[sflag:s18] =	ssyncset.done $0x0  }
0x79: {  	[sflag:s18] =	ssyncadd.s32 $0xFFFFC000  }
0x7a: {  	_ =	swait.ge [sflag:s18], $0x4000  }
0x7b: {  	[sflag:s18] =	ssyncset.done $0x0  }
0x7c: {  	s0 =	rddreg [dreg:$0xa];
	[sflag:s18] =	ssyncadd.s32 $0xFFFFC000  }
0x7d: {  	[hbm4b:s0+s5] =	stream.strided.scatter [tilespmem:s10], [sflag:$0x4], $0x8000, s12, s5, $0x38;
	[tilespmem:$0x10800] =	vst v63  }
0x7e: {  	_ =	swait.ge [sflag:s8], $0x8000  }
0x7f: {  	[sflag:s8] =	ssyncset.done $0x0  }
0x80: {  	s0 =	rddreg [dreg:$0xb];
	[sflag:s8] =	ssyncadd.s32 $0xFFFF8000  }
0x81: {  	[tilespmem:s21], [sflag:$0x5] =	stream.strided.gather [hbm4b:s0+s13], $0x400, s5, s13, $0x38;
	[tilespmem:$0x10800] =	vst v63  }
0x82: {  	_ =	swait.ge [sflag:s16], $0x400  }
0x83: {  	[sflag:s16] =	ssyncset.done $0x0  }
0x84: {  	[sflag:s16] =	ssyncadd.s32 $0xFFFFFC00  }
0x85: {  	[tilespmem:s10], [sflag:$0x2] =	stream.indirect.gather [hbm4b:s3+s13], $0x20, s21, s13, $0xb8;
	[tilespmem:$0x10800] =	vst v63  }
0x86: {  	_ = 	snop  }
0x87: {  	[tilespmem:s23], [sflag:$0x2] =	stream.indirect.gather [hbm4b:s3+s13], $0x20, s22, s13, $0xb8;
	[tilespmem:$0x10800] =	vst v63  }
0x88: {  	_ =	swait.ge [sflag:s11], $0x4000  }
0x89: {  	[sflag:s11] =	ssyncset.done $0x0  }
0x8a: {  	[sflag:s11] =	ssyncadd.s32 $0xFFFFC000  }
0x8b: {  	_ =	swait.ge [sflag:s11], $0x4000  }
0x8c: {  	[sflag:s11] =	ssyncset.done $0x0  }
0x8d: {  	s0 =	rddreg [dreg:$0xc];
	[sflag:s11] =	ssyncadd.s32 $0xFFFFC000  }
0x8e: {  	[hbm4b:s0+s5] =	stream.strided.scatter [tilespmem:s6], [sflag:$0x3], $0x8000, s12, s5, $0x38;
	[tilespmem:$0x10800] =	vst v63  }
0x8f: {  	_ =	swait.ge [sflag:s9], $0x8000  }
0x90: {  	[sflag:s9] =	ssyncset.done $0x0  }
0x91: {  	s0 =	rddreg [dreg:$0xd];
	[sflag:s9] =	ssyncadd.s32 $0xFFFF8000  }
0x92: {  	[tilespmem:s2], [sflag:$0x5] =	stream.strided.gather [hbm4b:s0+s13], $0x400, s5, s13, $0x38;
	[tilespmem:$0x10800] =	vst v63  }
0x93: {  	_ =	swait.ge [sflag:s16], $0x400  }
0x94: {  	[sflag:s16] =	ssyncset.done $0x0  }
0x95: {  	[sflag:s16] =	ssyncadd.s32 $0xFFFFFC00  }
0x96: {  	[tilespmem:s6], [sflag:$0x1] =	stream.indirect.gather [hbm4b:s3+s13], $0x20, s2, s13, $0xb8;
	[tilespmem:$0x10800] =	vst v63  }
0x97: {  	_ = 	snop  }
0x98: {  	[tilespmem:s17], [sflag:$0x1] =	stream.indirect.gather [hbm4b:s3+s13], $0x20, s13, s13, $0xb8;
	[tilespmem:$0x10800] =	vst v63  }
0x99: {  	_ =	swait.ge [sflag:s18], $0x4000  }
0x9a: {  	[sflag:s18] =	ssyncset.done $0x0  }
0x9b: {  	[sflag:s18] =	ssyncadd.s32 $0xFFFFC000  }
0x9c: {  	_ =	swait.ge [sflag:s18], $0x4000  }
0x9d: {  	[sflag:s18] =	ssyncset.done $0x0  }
0x9e: {  	s0 =	rddreg [dreg:$0xe];
	[sflag:s18] =	ssyncadd.s32 $0xFFFFC000  }
0x9f: {  	[hbm4b:s0+s5] =	stream.strided.scatter [tilespmem:s10], [sflag:$0x4], $0x8000, s12, s5, $0x38;
	[tilespmem:$0x10800] =	vst v63  }
0xa0: {  	_ =	swait.ge [sflag:s8], $0x8000  }
0xa1: {  	[sflag:s8] =	ssyncset.done $0x0  }
0xa2: {  	s0 =	rddreg [dreg:$0xf];
	[sflag:s8] =	ssyncadd.s32 $0xFFFF8000  }
0xa3: {  	[tilespmem:s21], [sflag:$0x5] =	stream.strided.gather [hbm4b:s0+s13], $0x400, s5, s13, $0x38;
	[tilespmem:$0x10800] =	vst v63  }
0xa4: {  	_ =	swait.ge [sflag:s16], $0x400  }
0xa5: {  	[sflag:s16] =	ssyncset.done $0x0  }
0xa6: {  	[sflag:s16] =	ssyncadd.s32 $0xFFFFFC00  }
0xa7: {  	[tilespmem:s10], [sflag:$0x2] =	stream.indirect.gather [hbm4b:s3+s13], $0x20, s21, s13, $0xb8;
	[tilespmem:$0x10800] =	vst v63  }
0xa8: {  	_ = 	snop  }
0xa9: {  	[tilespmem:s23], [sflag:$0x2] =	stream.indirect.gather [hbm4b:s3+s13], $0x20, s22, s13, $0xb8;
	[tilespmem:$0x10800] =	vst v63  }
0xaa: {  	_ =	swait.ge [sflag:s11], $0x4000  }
0xab: {  	[sflag:s11] =	ssyncset.done $0x0  }
0xac: {  	[sflag:s11] =	ssyncadd.s32 $0xFFFFC000  }
0xad: {  	_ =	swait.ge [sflag:s11], $0x4000  }
0xae: {  	[sflag:s11] =	ssyncset.done $0x0  }
0xaf: {  	s0 =	rddreg [dreg:$0x10];
	[sflag:s11] =	ssyncadd.s32 $0xFFFFC000  }
0xb0: {  	[hbm4b:s0+s5] =	stream.strided.scatter [tilespmem:s6], [sflag:$0x3], $0x8000, s12, s5, $0x38;
	[tilespmem:$0x10800] =	vst v63  }
0xb1: {  	_ =	swait.ge [sflag:s9], $0x8000  }
0xb2: {  	[sflag:s9] =	ssyncset.done $0x0  }
0xb3: {  	s0 =	rddreg [dreg:$0x11];
	[sflag:s9] =	ssyncadd.s32 $0xFFFF8000  }
0xb4: {  	[tilespmem:s2], [sflag:$0x5] =	stream.strided.gather [hbm4b:s0+s13], $0x400, s5, s13, $0x38;
	[tilespmem:$0x10800] =	vst v63  }
0xb5: {  	_ =	swait.ge [sflag:s16], $0x400  }
0xb6: {  	[sflag:s16] =	ssyncset.done $0x0  }
0xb7: {  	[sflag:s16] =	ssyncadd.s32 $0xFFFFFC00  }
0xb8: {  	[tilespmem:s6], [sflag:$0x1] =	stream.indirect.gather [hbm4b:s3+s13], $0x20, s2, s13, $0xb8;
	[tilespmem:$0x10800] =	vst v63  }
0xb9: {  	_ = 	snop  }
0xba: {  	[tilespmem:s17], [sflag:$0x1] =	stream.indirect.gather [hbm4b:s3+s13], $0x20, s13, s13, $0xb8;
	[tilespmem:$0x10800] =	vst v63  }
0xbb: {  	_ =	swait.ge [sflag:s18], $0x4000  }
0xbc: {  	[sflag:s18] =	ssyncset.done $0x0  }
0xbd: {  	[sflag:s18] =	ssyncadd.s32 $0xFFFFC000  }
0xbe: {  	_ =	swait.ge [sflag:s18], $0x4000  }
0xbf: {  	[sflag:s18] =	ssyncset.done $0x0  }
0xc0: {  	s0 =	rddreg [dreg:$0x12];
	[sflag:s18] =	ssyncadd.s32 $0xFFFFC000  }
0xc1: {  	[hbm4b:s0+s5] =	stream.strided.scatter [tilespmem:s10], [sflag:$0x4], $0x8000, s12, s5, $0x38;
	[tilespmem:$0x10800] =	vst v63  }
0xc2: {  	_ =	swait.ge [sflag:s8], $0x8000  }
0xc3: {  	[sflag:s8] =	ssyncset.done $0x0  }
0xc4: {  	s0 =	rddreg [dreg:$0x13];
	[sflag:s8] =	ssyncadd.s32 $0xFFFF8000  }
0xc5: {  	[tilespmem:s21], [sflag:$0x5] =	stream.strided.gather [hbm4b:s0+s13], $0x400, s5, s13, $0x38;
	[tilespmem:$0x10800] =	vst v63  }
0xc6: {  	_ =	swait.ge [sflag:s16], $0x400  }
0xc7: {  	[sflag:s16] =	ssyncset.done $0x0  }
0xc8: {  	[sflag:s16] =	ssyncadd.s32 $0xFFFFFC00  }
0xc9: {  	[tilespmem:s10], [sflag:$0x2] =	stream.indirect.gather [hbm4b:s3+s13], $0x20, s21, s13, $0xb8;
	[tilespmem:$0x10800] =	vst v63  }
0xca: {  	_ = 	snop  }
0xcb: {  	[tilespmem:s23], [sflag:$0x2] =	stream.indirect.gather [hbm4b:s3+s13], $0x20, s22, s13, $0xb8;
	[tilespmem:$0x10800] =	vst v63  }
0xcc: {  	_ =	swait.ge [sflag:s11], $0x4000  }
0xcd: {  	[sflag:s11] =	ssyncset.done $0x0  }
0xce: {  	[sflag:s11] =	ssyncadd.s32 $0xFFFFC000  }
0xcf: {  	_ =	swait.ge [sflag:s11], $0x4000  }
0xd0: {  	[sflag:s11] =	ssyncset.done $0x0  }
0xd1: {  	s0 =	rddreg [dreg:$0x14];
	[sflag:s11] =	ssyncadd.s32 $0xFFFFC000  }
0xd2: {  	[hbm4b:s0+s5] =	stream.strided.scatter [tilespmem:s6], [sflag:$0x3], $0x8000, s12, s5, $0x38;
	[tilespmem:$0x10800] =	vst v63  }
0xd3: {  	_ =	swait.ge [sflag:s9], $0x8000  }
0xd4: {  	[sflag:s9] =	ssyncset.done $0x0  }
0xd5: {  	s0 =	rddreg [dreg:$0x15];
	[sflag:s9] =	ssyncadd.s32 $0xFFFF8000  }
0xd6: {  	[tilespmem:s2], [sflag:$0x5] =	stream.strided.gather [hbm4b:s0+s13], $0x400, s5, s13, $0x38;
	[tilespmem:$0x10800] =	vst v63  }
0xd7: {  	_ =	swait.ge [sflag:s16], $0x400  }
0xd8: {  	[sflag:s16] =	ssyncset.done $0x0  }
0xd9: {  	[sflag:s16] =	ssyncadd.s32 $0xFFFFFC00  }
0xda: {  	[tilespmem:s6], [sflag:$0x1] =	stream.indirect.gather [hbm4b:s3+s13], $0x20, s2, s13, $0xb8;
	[tilespmem:$0x10800] =	vst v63  }
0xdb: {  	_ = 	snop  }
0xdc: {  	[tilespmem:s17], [sflag:$0x1] =	stream.indirect.gather [hbm4b:s3+s13], $0x20, s13, s13, $0xb8;
	[tilespmem:$0x10800] =	vst v63  }
0xdd: {  	_ =	swait.ge [sflag:s18], $0x4000  }
0xde: {  	[sflag:s18] =	ssyncset.done $0x0  }
0xdf: {  	[sflag:s18] =	ssyncadd.s32 $0xFFFFC000  }
0xe0: {  	_ =	swait.ge [sflag:s18], $0x4000  }
0xe1: {  	[sflag:s18] =	ssyncset.done $0x0  }
0xe2: {  	s0 =	rddreg [dreg:$0x16];
	[sflag:s18] =	ssyncadd.s32 $0xFFFFC000  }
0xe3: {  	[hbm4b:s0+s5] =	stream.strided.scatter [tilespmem:s10], [sflag:$0x4], $0x8000, s12, s5, $0x38;
	[tilespmem:$0x10800] =	vst v63  }
0xe4: {  	_ =	swait.ge [sflag:s8], $0x8000  }
0xe5: {  	[sflag:s8] =	ssyncset.done $0x0  }
0xe6: {  	s0 =	rddreg [dreg:$0x17];
	[sflag:s8] =	ssyncadd.s32 $0xFFFF8000  }
0xe7: {  	[tilespmem:s21], [sflag:$0x5] =	stream.strided.gather [hbm4b:s0+s13], $0x400, s5, s13, $0x38;
	[tilespmem:$0x10800] =	vst v63  }
0xe8: {  	_ =	swait.ge [sflag:s16], $0x400  }
0xe9: {  	[sflag:s16] =	ssyncset.done $0x0  }
0xea: {  	[sflag:s16] =	ssyncadd.s32 $0xFFFFFC00  }
0xeb: {  	[tilespmem:s10], [sflag:$0x2] =	stream.indirect.gather [hbm4b:s3+s13], $0x20, s21, s13, $0xb8;
	[tilespmem:$0x10800] =	vst v63  }
0xec: {  	_ = 	snop  }
0xed: {  	[tilespmem:s23], [sflag:$0x2] =	stream.indirect.gather [hbm4b:s3+s13], $0x20, s22, s13, $0xb8;
	[tilespmem:$0x10800] =	vst v63  }
0xee: {  	_ =	swait.ge [sflag:s11], $0x4000  }
0xef: {  	[sflag:s11] =	ssyncset.done $0x0  }
0xf0: {  	[sflag:s11] =	ssyncadd.s32 $0xFFFFC000  }
0xf1: {  	_ =	swait.ge [sflag:s11], $0x4000  }
0xf2: {  	[sflag:s11] =	ssyncset.done $0x0  }
0xf3: {  	s0 =	rddreg [dreg:$0x18];
	[sflag:s11] =	ssyncadd.s32 $0xFFFFC000  }
0xf4: {  	[hbm4b:s0+s5] =	stream.strided.scatter [tilespmem:s6], [sflag:$0x3], $0x8000, s12, s5, $0x38;
	[tilespmem:$0x10800] =	vst v63  }
0xf5: {  	_ =	swait.ge [sflag:s9], $0x8000  }
0xf6: {  	[sflag:s9] =	ssyncset.done $0x0  }
0xf7: {  	s0 =	rddreg [dreg:$0x19];
	[sflag:s9] =	ssyncadd.s32 $0xFFFF8000  }
0xf8: {  	[tilespmem:s2], [sflag:$0x5] =	stream.strided.gather [hbm4b:s0+s13], $0x400, s5, s13, $0x38;
	[tilespmem:$0x10800] =	vst v63  }
0xf9: {  	_ =	swait.ge [sflag:s16], $0x400  }
0xfa: {  	[sflag:s16] =	ssyncset.done $0x0  }
0xfb: {  	[sflag:s16] =	ssyncadd.s32 $0xFFFFFC00  }
0xfc: {  	[tilespmem:s6], [sflag:$0x1] =	stream.indirect.gather [hbm4b:s3+s13], $0x20, s2, s13, $0xb8;
	[tilespmem:$0x10800] =	vst v63  }
0xfd: {  	_ = 	snop  }
0xfe: {  	[tilespmem:s17], [sflag:$0x1] =	stream.indirect.gather [hbm4b:s3+s13], $0x20, s13, s13, $0xb8;
	[tilespmem:$0x10800] =	vst v63  }
0xff: {  	_ =	swait.ge [sflag:s18], $0x4000  }
0x100: {  	[sflag:s18] =	ssyncset.done $0x0  }
0x101: {  	[sflag:s18] =	ssyncadd.s32 $0xFFFFC000  }
0x102: {  	_ =	swait.ge [sflag:s18], $0x4000  }
0x103: {  	[sflag:s18] =	ssyncset.done $0x0  }
0x104: {  	s0 =	rddreg [dreg:$0x1a];
	[sflag:s18] =	ssyncadd.s32 $0xFFFFC000  }
0x105: {  	[hbm4b:s0+s5] =	stream.strided.scatter [tilespmem:s10], [sflag:$0x4], $0x8000, s12, s5, $0x38;
	[tilespmem:$0x10800] =	vst v63  }
0x106: {  	_ =	swait.ge [sflag:s8], $0x8000  }
0x107: {  	[sflag:s8] =	ssyncset.done $0x0  }
0x108: {  	s0 =	rddreg [dreg:$0x1b];
	[sflag:s8] =	ssyncadd.s32 $0xFFFF8000  }
0x109: {  	[tilespmem:s21], [sflag:$0x5] =	stream.strided.gather [hbm4b:s0+s13], $0x400, s5, s13, $0x38;
	[tilespmem:$0x10800] =	vst v63  }
0x10a: {  	_ =	swait.ge [sflag:s16], $0x400  }
0x10b: {  	[sflag:s16] =	ssyncset.done $0x0  }
0x10c: {  	[sflag:s16] =	ssyncadd.s32 $0xFFFFFC00  }
0x10d: {  	[tilespmem:s10], [sflag:$0x2] =	stream.indirect.gather [hbm4b:s3+s13], $0x20, s21, s13, $0xb8;
	[tilespmem:$0x10800] =	vst v63  }
0x10e: {  	_ = 	snop  }
0x10f: {  	[tilespmem:s23], [sflag:$0x2] =	stream.indirect.gather [hbm4b:s3+s13], $0x20, s22, s13, $0xb8;
	[tilespmem:$0x10800] =	vst v63  }
0x110: {  	_ =	swait.ge [sflag:s11], $0x4000  }
0x111: {  	[sflag:s11] =	ssyncset.done $0x0  }
0x112: {  	[sflag:s11] =	ssyncadd.s32 $0xFFFFC000  }
0x113: {  	_ =	swait.ge [sflag:s11], $0x4000  }
0x114: {  	[sflag:s11] =	ssyncset.done $0x0  }
0x115: {  	s0 =	rddreg [dreg:$0x1c];
	[sflag:s11] =	ssyncadd.s32 $0xFFFFC000  }
0x116: {  	[hbm4b:s0+s5] =	stream.strided.scatter [tilespmem:s6], [sflag:$0x3], $0x8000, s12, s5, $0x38;
	[tilespmem:$0x10800] =	vst v63  }
0x117: {  	_ =	swait.ge [sflag:s9], $0x8000  }
0x118: {  	[sflag:s9] =	ssyncset.done $0x0  }
0x119: {  	s0 =	rddreg [dreg:$0x1d];
	[sflag:s9] =	ssyncadd.s32 $0xFFFF8000  }
0x11a: {  	[tilespmem:s2], [sflag:$0x5] =	stream.strided.gather [hbm4b:s0+s13], $0x400, s5, s13, $0x38;
	[tilespmem:$0x10800] =	vst v63  }
0x11b: {  	_ =	swait.ge [sflag:s16], $0x400  }
0x11c: {  	[sflag:s16] =	ssyncset.done $0x0  }
0x11d: {  	[sflag:s16] =	ssyncadd.s32 $0xFFFFFC00  }
0x11e: {  	[tilespmem:s6], [sflag:$0x1] =	stream.indirect.gather [hbm4b:s3+s13], $0x20, s2, s13, $0xb8;
	[tilespmem:$0x10800] =	vst v63  }
0x11f: {  	_ = 	snop  }
0x120: {  	[tilespmem:s17], [sflag:$0x1] =	stream.indirect.gather [hbm4b:s3+s13], $0x20, s13, s13, $0xb8;
	[tilespmem:$0x10800] =	vst v63  }
0x121: {  	_ =	swait.ge [sflag:s18], $0x4000  }
0x122: {  	[sflag:s18] =	ssyncset.done $0x0  }
0x123: {  	[sflag:s18] =	ssyncadd.s32 $0xFFFFC000  }
0x124: {  	_ =	swait.ge [sflag:s18], $0x4000  }
0x125: {  	[sflag:s18] =	ssyncset.done $0x0  }
0x126: {  	s0 =	rddreg [dreg:$0x1e];
	[sflag:s18] =	ssyncadd.s32 $0xFFFFC000  }
0x127: {  	[hbm4b:s0+s5] =	stream.strided.scatter [tilespmem:s10], [sflag:$0x4], $0x8000, s12, s5, $0x38;
	[tilespmem:$0x10800] =	vst v63  }
0x128: {  	_ =	swait.ge [sflag:s8], $0x8000  }
0x129: {  	[sflag:s8] =	ssyncset.done $0x0  }
0x12a: {  	s0 =	rddreg [dreg:$0x1f];
	[sflag:s8] =	ssyncadd.s32 $0xFFFF8000  }
0x12b: {  	[tilespmem:s21], [sflag:$0x5] =	stream.strided.gather [hbm4b:s0+s13], $0x400, s5, s13, $0x38;
	[tilespmem:$0x10800] =	vst v63  }
0x12c: {  	_ =	swait.ge [sflag:s16], $0x400  }
0x12d: {  	[sflag:s16] =	ssyncset.done $0x0  }
0x12e: {  	[sflag:s16] =	ssyncadd.s32 $0xFFFFFC00  }
0x12f: {  	[tilespmem:s10], [sflag:$0x2] =	stream.indirect.gather [hbm4b:s3+s13], $0x20, s21, s13, $0xb8;
	[tilespmem:$0x10800] =	vst v63  }
0x130: {  	_ = 	snop  }
0x131: {  	[tilespmem:s23], [sflag:$0x2] =	stream.indirect.gather [hbm4b:s3+s13], $0x20, s22, s13, $0xb8;
	[tilespmem:$0x10800] =	vst v63  }
0x132: {  	_ =	swait.ge [sflag:s11], $0x4000  }
0x133: {  	[sflag:s11] =	ssyncset.done $0x0  }
0x134: {  	[sflag:s11] =	ssyncadd.s32 $0xFFFFC000  }
0x135: {  	_ =	swait.ge [sflag:s11], $0x4000  }
0x136: {  	s0 =	sld [smem:$0x7F6]  }
0x137: {  	[sflag:s11] =	ssyncset.done $0x0  }
0x138: {  	[sflag:s11] =	ssyncadd.s32 $0xFFFFC000  }
0x139: {  	[hbm4b:s0+s5] =	stream.strided.scatter [tilespmem:s6], [sflag:$0x3], $0x8000, s12, s5, $0x38;
	[tilespmem:$0x10800] =	vst v63  }
0x13a: {  	_ =	swait.ge [sflag:s9], $0x8000  }
0x13b: {  	s0 =	sld [smem:$0x7F7]  }
0x13c: {  	[sflag:s9] =	ssyncset.done $0x0  }
0x13d: {  	[sflag:s9] =	ssyncadd.s32 $0xFFFF8000  }
0x13e: {  	[tilespmem:s2], [sflag:$0x5] =	stream.strided.gather [hbm4b:s0+s13], $0x400, s5, s13, $0x38;
	[tilespmem:$0x10800] =	vst v63  }
0x13f: {  	_ =	swait.ge [sflag:s16], $0x400  }
0x140: {  	[sflag:s16] =	ssyncset.done $0x0  }
0x141: {  	[sflag:s16] =	ssyncadd.s32 $0xFFFFFC00  }
0x142: {  	[tilespmem:s6], [sflag:$0x1] =	stream.indirect.gather [hbm4b:s3+s13], $0x20, s2, s13, $0xb8;
	[tilespmem:$0x10800] =	vst v63  }
0x143: {  	_ = 	snop  }
0x144: {  	[tilespmem:s17], [sflag:$0x1] =	stream.indirect.gather [hbm4b:s3+s13], $0x20, s13, s13, $0xb8;
	[tilespmem:$0x10800] =	vst v63  }
0x145: {  	_ =	swait.ge [sflag:s18], $0x4000  }
0x146: {  	[sflag:s18] =	ssyncset.done $0x0  }
0x147: {  	[sflag:s18] =	ssyncadd.s32 $0xFFFFC000  }
0x148: {  	_ =	swait.ge [sflag:s18], $0x4000  }
0x149: {  	s0 =	sld [smem:$0x7F8]  }
0x14a: {  	[sflag:s18] =	ssyncset.done $0x0  }
0x14b: {  	[sflag:s18] =	ssyncadd.s32 $0xFFFFC000  }
0x14c: {  	[hbm4b:s0+s5] =	stream.strided.scatter [tilespmem:s10], [sflag:$0x4], $0x8000, s12, s5, $0x38;
	[tilespmem:$0x10800] =	vst v63  }
0x14d: {  	_ =	swait.ge [sflag:s8], $0x8000  }
0x14e: {  	s0 =	sld [smem:$0x7F9]  }
0x14f: {  	[sflag:s8] =	ssyncset.done $0x0  }
0x150: {  	[sflag:s8] =	ssyncadd.s32 $0xFFFF8000  }
0x151: {  	[tilespmem:s21], [sflag:$0x5] =	stream.strided.gather [hbm4b:s0+s13], $0x400, s5, s13, $0x38;
	[tilespmem:$0x10800] =	vst v63  }
0x152: {  	_ =	swait.ge [sflag:s16], $0x400  }
0x153: {  	[sflag:s16] =	ssyncset.done $0x0  }
0x154: {  	[sflag:s16] =	ssyncadd.s32 $0xFFFFFC00  }
0x155: {  	[tilespmem:s10], [sflag:$0x2] =	stream.indirect.gather [hbm4b:s3+s13], $0x20, s21, s13, $0xb8;
	[tilespmem:$0x10800] =	vst v63  }
0x156: {  	_ = 	snop  }
0x157: {  	[tilespmem:s23], [sflag:$0x2] =	stream.indirect.gather [hbm4b:s3+s13], $0x20, s22, s13, $0xb8;
	[tilespmem:$0x10800] =	vst v63  }
0x158: {  	_ =	swait.ge [sflag:s11], $0x4000  }
0x159: {  	[sflag:s11] =	ssyncset.done $0x0  }
0x15a: {  	[sflag:s11] =	ssyncadd.s32 $0xFFFFC000  }
0x15b: {  	_ =	swait.ge [sflag:s11], $0x4000  }
0x15c: {  	s0 =	sld [smem:$0x7FA]  }
0x15d: {  	[sflag:s11] =	ssyncset.done $0x0  }
0x15e: {  	[sflag:s11] =	ssyncadd.s32 $0xFFFFC000  }
0x15f: {  	[hbm4b:s0+s5] =	stream.strided.scatter [tilespmem:s6], [sflag:$0x3], $0x8000, s12, s5, $0x38;
	[tilespmem:$0x10800] =	vst v63  }
0x160: {  	_ =	swait.ge [sflag:s9], $0x8000  }
0x161: {  	s0 =	sld [smem:$0x7FB]  }
0x162: {  	[sflag:s9] =	ssyncset.done $0x0  }
0x163: {  	[sflag:s9] =	ssyncadd.s32 $0xFFFF8000  }
0x164: {  	[tilespmem:s2], [sflag:$0x5] =	stream.strided.gather [hbm4b:s0+s13], $0x400, s5, s13, $0x38;
	[tilespmem:$0x10800] =	vst v63  }
0x165: {  	_ =	swait.ge [sflag:s16], $0x400  }
0x166: {  	[sflag:s16] =	ssyncset.done $0x0  }
0x167: {  	[sflag:s16] =	ssyncadd.s32 $0xFFFFFC00  }
0x168: {  	[tilespmem:s6], [sflag:$0x1] =	stream.indirect.gather [hbm4b:s3+s13], $0x20, s2, s13, $0xb8;
	[tilespmem:$0x10800] =	vst v63  }
0x169: {  	_ = 	snop  }
0x16a: {  	[tilespmem:s17], [sflag:$0x1] =	stream.indirect.gather [hbm4b:s3+s13], $0x20, s13, s13, $0xb8;
	[tilespmem:$0x10800] =	vst v63  }
0x16b: {  	_ =	swait.ge [sflag:s18], $0x4000  }
0x16c: {  	[sflag:s18] =	ssyncset.done $0x0  }
0x16d: {  	[sflag:s18] =	ssyncadd.s32 $0xFFFFC000  }
0x16e: {  	_ =	swait.ge [sflag:s18], $0x4000  }
0x16f: {  	s0 =	sld [smem:$0x7FC]  }
0x170: {  	[sflag:s18] =	ssyncset.done $0x0  }
0x171: {  	[sflag:s18] =	ssyncadd.s32 $0xFFFFC000  }
0x172: {  	[hbm4b:s0+s5] =	stream.strided.scatter [tilespmem:s10], [sflag:$0x4], $0x8000, s12, s5, $0x38;
	[tilespmem:$0x10800] =	vst v63  }
0x173: {  	_ =	swait.ge [sflag:s8], $0x8000  }
0x174: {  	s0 =	sld [smem:$0x7FD]  }
0x175: {  	[sflag:s8] =	ssyncset.done $0x0  }
0x176: {  	[sflag:s8] =	ssyncadd.s32 $0xFFFF8000  }
0x177: {  	[tilespmem:s21], [sflag:$0x5] =	stream.strided.gather [hbm4b:s0+s13], $0x400, s5, s13, $0x38;
	[tilespmem:$0x10800] =	vst v63  }
0x178: {  	_ =	swait.ge [sflag:s16], $0x400  }
0x179: {  	[sflag:s16] =	ssyncset.done $0x0  }
0x17a: {  	[sflag:s16] =	ssyncadd.s32 $0xFFFFFC00  }
0x17b: {  	[tilespmem:s10], [sflag:$0x2] =	stream.indirect.gather [hbm4b:s3+s13], $0x20, s21, s13, $0xb8;
	[tilespmem:$0x10800] =	vst v63  }
0x17c: {  	_ = 	snop  }
0x17d: {  	[tilespmem:s23], [sflag:$0x2] =	stream.indirect.gather [hbm4b:s3+s13], $0x20, s22, s13, $0xb8;
	[tilespmem:$0x10800] =	vst v63  }
0x17e: {  	_ =	swait.ge [sflag:s11], $0x4000  }
0x17f: {  	[sflag:s11] =	ssyncset.done $0x0  }
0x180: {  	[sflag:s11] =	ssyncadd.s32 $0xFFFFC000  }
0x181: {  	_ =	swait.ge [sflag:s11], $0x4000  }
0x182: {  	[sflag:s11] =	ssyncset.done $0x0  }
0x183: {  	[sflag:s11] =	ssyncadd.s32 $0xFFFFC000  }
0x184: {  	[hbm4b:s30+s5] =	stream.strided.scatter [tilespmem:s6], [sflag:$0x3], $0x8000, s12, s5, $0x38;
	[tilespmem:$0x10800] =	vst v63  }
0x185: {  	_ =	swait.ge [sflag:s9], $0x8000  }
0x186: {  	[sflag:s9] =	ssyncset.done $0x0  }
0x187: {  	[sflag:s9] =	ssyncadd.s32 $0xFFFF8000  }
0x188: {  	[tilespmem:s2], [sflag:$0x5] =	stream.strided.gather [hbm4b:s29+s13], $0x400, s5, s13, $0x38;
	[tilespmem:$0x10800] =	vst v63  }
0x189: {  	_ =	swait.ge [sflag:s16], $0x400  }
0x18a: {  	[sflag:s16] =	ssyncset.done $0x0  }
0x18b: {  	[sflag:s16] =	ssyncadd.s32 $0xFFFFFC00  }
0x18c: {  	[tilespmem:s6], [sflag:$0x1] =	stream.indirect.gather [hbm4b:s3+s13], $0x20, s2, s13, $0xb8;
	[tilespmem:$0x10800] =	vst v63  }
0x18d: {  	_ = 	snop  }
0x18e: {  	[tilespmem:s17], [sflag:$0x1] =	stream.indirect.gather [hbm4b:s3+s13], $0x20, s13, s13, $0xb8;
	[tilespmem:$0x10800] =	vst v63  }
0x18f: {  	_ =	swait.ge [sflag:s18], $0x4000  }
0x190: {  	[sflag:s18] =	ssyncset.done $0x0  }
0x191: {  	[sflag:s18] =	ssyncadd.s32 $0xFFFFC000  }
0x192: {  	_ =	swait.ge [sflag:s18], $0x4000  }
0x193: {  	[sflag:s18] =	ssyncset.done $0x0  }
0x194: {  	[sflag:s18] =	ssyncadd.s32 $0xFFFFC000  }
0x195: {  	[hbm4b:s28+s5] =	stream.strided.scatter [tilespmem:s10], [sflag:$0x4], $0x8000, s12, s5, $0x38;
	[tilespmem:$0x10800] =	vst v63  }
0x196: {  	_ =	swait.ge [sflag:s8], $0x8000  }
0x197: {  	[sflag:s8] =	ssyncset.done $0x0  }
0x198: {  	[sflag:s8] =	ssyncadd.s32 $0xFFFF8000  }
0x199: {  	[tilespmem:s21], [sflag:$0x5] =	stream.strided.gather [hbm4b:s26+s13], $0x400, s5, s13, $0x38;
	[tilespmem:$0x10800] =	vst v63  }
0x19a: {  	_ =	swait.ge [sflag:s16], $0x400  }
0x19b: {  	[sflag:s16] =	ssyncset.done $0x0  }
0x19c: {  	[sflag:s16] =	ssyncadd.s32 $0xFFFFFC00  }
0x19d: {  	[tilespmem:s10], [sflag:$0x2] =	stream.indirect.gather [hbm4b:s3+s13], $0x20, s21, s13, $0xb8;
	[tilespmem:$0x10800] =	vst v63  }
0x19e: {  	_ = 	snop  }
0x19f: {  	[tilespmem:s23], [sflag:$0x2] =	stream.indirect.gather [hbm4b:s3+s13], $0x20, s22, s13, $0xb8;
	[tilespmem:$0x10800] =	vst v63  }
0x1a0: {  	_ =	swait.ge [sflag:s11], $0x4000  }
0x1a1: {  	[sflag:s11] =	ssyncset.done $0x0  }
0x1a2: {  	[sflag:s11] =	ssyncadd.s32 $0xFFFFC000  }
0x1a3: {  	_ =	swait.ge [sflag:s11], $0x4000  }
0x1a4: {  	[sflag:s11] =	ssyncset.done $0x0  }
0x1a5: {  	[sflag:s11] =	ssyncadd.s32 $0xFFFFC000  }
0x1a6: {  	[hbm4b:s25+s5] =	stream.strided.scatter [tilespmem:s6], [sflag:$0x3], $0x8000, s12, s5, $0x38;
	[tilespmem:$0x10800] =	vst v63  }
0x1a7: {  	_ =	swait.ge [sflag:s9], $0x8000  }
0x1a8: {  	[sflag:s9] =	ssyncset.done $0x0  }
0x1a9: {  	[sflag:s9] =	ssyncadd.s32 $0xFFFF8000  }
0x1aa: {  	[tilespmem:s2], [sflag:$0x5] =	stream.strided.gather [hbm4b:s24+s13], $0x400, s5, s13, $0x38;
	[tilespmem:$0x10800] =	vst v63  }
0x1ab: {  	_ =	swait.ge [sflag:s16], $0x400  }
0x1ac: {  	[sflag:s16] =	ssyncset.done $0x0  }
0x1ad: {  	[sflag:s16] =	ssyncadd.s32 $0xFFFFFC00  }
0x1ae: {  	[tilespmem:s6], [sflag:$0x1] =	stream.indirect.gather [hbm4b:s3+s13], $0x20, s2, s13, $0xb8;
	[tilespmem:$0x10800] =	vst v63  }
0x1af: {  	_ = 	snop  }
0x1b0: {  	[tilespmem:s17], [sflag:$0x1] =	stream.indirect.gather [hbm4b:s3+s13], $0x20, s13, s13, $0xb8;
	[tilespmem:$0x10800] =	vst v63  }
0x1b1: {  	_ =	swait.ge [sflag:s18], $0x4000  }
0x1b2: {  	[sflag:s18] =	ssyncset.done $0x0  }
0x1b3: {  	[sflag:s18] =	ssyncadd.s32 $0xFFFFC000  }
0x1b4: {  	_ =	swait.ge [sflag:s18], $0x4000  }
0x1b5: {  	[sflag:s18] =	ssyncset.done $0x0  }
0x1b6: {  	[sflag:s18] =	ssyncadd.s32 $0xFFFFC000  }
0x1b7: {  	[hbm4b:s20+s5] =	stream.strided.scatter [tilespmem:s10], [sflag:$0x4], $0x8000, s12, s5, $0x38;
	[tilespmem:$0x10800] =	vst v63  }
0x1b8: {  	_ =	swait.ge [sflag:s8], $0x8000  }
0x1b9: {  	[sflag:s8] =	ssyncset.done $0x0  }
0x1ba: {  	[sflag:s8] =	ssyncadd.s32 $0xFFFF8000  }
0x1bb: {  	[tilespmem:s21], [sflag:$0x5] =	stream.strided.gather [hbm4b:s19+s13], $0x400, s5, s13, $0x38;
	[tilespmem:$0x10800] =	vst v63  }
0x1bc: {  	_ =	swait.ge [sflag:s16], $0x400  }
0x1bd: {  	[sflag:s16] =	ssyncset.done $0x0  }
0x1be: {  	[sflag:s16] =	ssyncadd.s32 $0xFFFFFC00  }
0x1bf: {  	[tilespmem:s10], [sflag:$0x2] =	stream.indirect.gather [hbm4b:s3+s13], $0x20, s21, s13, $0xb8;
	[tilespmem:$0x10800] =	vst v63  }
0x1c0: {  	_ = 	snop  }
0x1c1: {  	[tilespmem:s23], [sflag:$0x2] =	stream.indirect.gather [hbm4b:s3+s13], $0x20, s22, s13, $0xb8;
	[tilespmem:$0x10800] =	vst v63  }
0x1c2: {  	_ =	swait.ge [sflag:s11], $0x4000  }
0x1c3: {  	[sflag:s11] =	ssyncset.done $0x0  }
0x1c4: {  	[sflag:s11] =	ssyncadd.s32 $0xFFFFC000  }
0x1c5: {  	_ =	swait.ge [sflag:s11], $0x4000  }
0x1c6: {  	[sflag:s11] =	ssyncset.done $0x0  }
0x1c7: {  	[sflag:s11] =	ssyncadd.s32 $0xFFFFC000  }
0x1c8: {  	[hbm4b:s15+s5] =	stream.strided.scatter [tilespmem:s6], [sflag:$0x3], $0x8000, s12, s5, $0x38;
	[tilespmem:$0x10800] =	vst v63  }
0x1c9: {  	_ =	swait.ge [sflag:s9], $0x8000  }
0x1ca: {  	[sflag:s9] =	ssyncset.done $0x0  }
0x1cb: {  	[sflag:s9] =	ssyncadd.s32 $0xFFFF8000  }
0x1cc: {  	[tilespmem:s2], [sflag:$0x5] =	stream.strided.gather [hbm4b:s14+s13], $0x400, s5, s13, $0x38;
	[tilespmem:$0x10800] =	vst v63  }
0x1cd: {  	_ =	swait.ge [sflag:s16], $0x400  }
0x1ce: {  	[sflag:s16] =	ssyncset.done $0x0  }
0x1cf: {  	[sflag:s16] =	ssyncadd.s32 $0xFFFFFC00  }
0x1d0: {  	[tilespmem:s6], [sflag:$0x1] =	stream.indirect.gather [hbm4b:s3+s13], $0x20, s2, s13, $0xb8;
	[tilespmem:$0x10800] =	vst v63  }
0x1d1: {  	_ = 	snop  }
0x1d2: {  	[tilespmem:s17], [sflag:$0x1] =	stream.indirect.gather [hbm4b:s3+s13], $0x20, s13, s13, $0xb8;
	[tilespmem:$0x10800] =	vst v63  }
0x1d3: {  	_ =	swait.ge [sflag:s18], $0x4000  }
0x1d4: {  	[sflag:s18] =	ssyncset.done $0x0  }
0x1d5: {  	[sflag:s18] =	ssyncadd.s32 $0xFFFFC000  }
0x1d6: {  	_ =	swait.ge [sflag:s18], $0x4000  }
0x1d7: {  	[sflag:s18] =	ssyncset.done $0x0  }
0x1d8: {  	[sflag:s18] =	ssyncadd.s32 $0xFFFFC000  }
0x1d9: {  	[hbm4b:s7+s5] =	stream.strided.scatter [tilespmem:s10], [sflag:$0x4], $0x8000, s12, s5, $0x38;
	[tilespmem:$0x10800] =	vst v63  }
0x1da: {  	_ =	swait.ge [sflag:s11], $0x4000  }
0x1db: {  	[sflag:s11] =	ssyncset.done $0x0  }
0x1dc: {  	[sflag:s11] =	ssyncadd.s32 $0xFFFFC000  }
0x1dd: {  	_ =	swait.ge [sflag:s11], $0x4000  }
0x1de: {  	[sflag:s11] =	ssyncset.done $0x0  }
0x1df: {  	p1 =	sne.s32 s1, $0x1;
	[sflag:s11] =	ssyncadd.s32 $0xFFFFC000  }
0x1e0: {  	[hbm4b:s4+s5] =	stream.strided.scatter [tilespmem:s6], [sflag:$0x3], $0x8000, s12, s5, $0x38;
	[tilespmem:$0x10800] =	vst v63  }
.Ltmp1:
0x1e1: {  	_ =	swait.ge [sflag:s9], $0x8000;
	(pc) =	sbr.rel @!p1 .LBB2_3-.Ltmp1, $4  }
0x1e2: {  	[sflag:s9] =	ssyncset.done $0x0  }
0x1e3: {  	[sflag:s9] =	ssyncadd.s32 $0xFFFF8000  }
0x1e4: {  	s1 =	sadd.s32 $0xFFFFFFFF, s1;
	_ =	swait.ge [sflag:s8], $0x8000  }
0x1e5: {  	p0 =	por $0x1, $0x1;
	s0 =	rddreg [dreg:$0x3];
	[sflag:s8] =	ssyncset.done $0x0  }
.LBB2_2:
0x1e6: {  	[sflag:s8] =	ssyncadd.s32 $0xFFFF8000  }
0x1e7: {  	[tilespmem:s2], [sflag:$0x5] =	stream.strided.gather [hbm4b:s0+s13], $0x400, s5, s13, $0x38;
	[tilespmem:$0x10800] =	vst v63  }
0x1e8: {  	_ =	swait.ge [sflag:s16], $0x400  }
0x1e9: {  	[sflag:s16] =	ssyncset.done $0x0  }
0x1ea: {  	[sflag:s16] =	ssyncadd.s32 $0xFFFFFC00  }
0x1eb: {  	[tilespmem:s6], [sflag:$0x1] =	stream.indirect.gather [hbm4b:s3+s13], $0x20, s2, s13, $0xb8;
	[tilespmem:$0x10800] =	vst v63  }
0x1ec: {  	_ = 	snop  }
0x1ed: {  	[tilespmem:s17], [sflag:$0x1] =	stream.indirect.gather [hbm4b:s3+s13], $0x20, s13, s13, $0xb8;
	[tilespmem:$0x10800] =	vst v63  }
0x1ee: {  	s0 =	rddreg [dreg:$0x4]  }
0x1ef: {  	[tilespmem:s21], [sflag:$0x5] =	stream.strided.gather [hbm4b:s0+s13], $0x400, s5, s13, $0x38;
	[tilespmem:$0x10800] =	vst v63  }
0x1f0: {  	_ =	swait.ge [sflag:s16], $0x400  }
0x1f1: {  	[sflag:s16] =	ssyncset.done $0x0  }
0x1f2: {  	[sflag:s16] =	ssyncadd.s32 $0xFFFFFC00  }
0x1f3: {  	[tilespmem:s10], [sflag:$0x2] =	stream.indirect.gather [hbm4b:s3+s13], $0x20, s21, s13, $0xb8;
	[tilespmem:$0x10800] =	vst v63  }
0x1f4: {  	_ = 	snop  }
0x1f5: {  	[tilespmem:s23], [sflag:$0x2] =	stream.indirect.gather [hbm4b:s3+s13], $0x20, s22, s13, $0xb8;
	[tilespmem:$0x10800] =	vst v63  }
0x1f6: {  	_ =	swait.ge [sflag:s11], $0x4000  }
0x1f7: {  	[sflag:s11] =	ssyncset.done $0x0  }
0x1f8: {  	[sflag:s11] =	ssyncadd.s32 $0xFFFFC000  }
0x1f9: {  	_ =	swait.ge [sflag:s11], $0x4000  }
0x1fa: {  	[sflag:s11] =	ssyncset.done $0x0  }
0x1fb: {  	[sflag:s11] =	ssyncadd.s32 $0xFFFFC000  }
0x1fc: {  	[hbm4b:s31+s5] =	stream.strided.scatter [tilespmem:s6], [sflag:$0x3], $0x8000, s12, s5, $0x38;
	[tilespmem:$0x10800] =	vst v63  }
0x1fd: {  	_ =	swait.ge [sflag:s9], $0x8000  }
0x1fe: {  	[sflag:s9] =	ssyncset.done $0x0  }
0x1ff: {  	s0 =	rddreg [dreg:$0x5];
	[sflag:s9] =	ssyncadd.s32 $0xFFFF8000  }
0x200: {  	[tilespmem:s2], [sflag:$0x5] =	stream.strided.gather [hbm4b:s0+s13], $0x400, s5, s13, $0x38;
	[tilespmem:$0x10800] =	vst v63  }
0x201: {  	_ =	swait.ge [sflag:s16], $0x400  }
0x202: {  	[sflag:s16] =	ssyncset.done $0x0  }
0x203: {  	[sflag:s16] =	ssyncadd.s32 $0xFFFFFC00  }
0x204: {  	[tilespmem:s6], [sflag:$0x1] =	stream.indirect.gather [hbm4b:s3+s13], $0x20, s2, s13, $0xb8;
	[tilespmem:$0x10800] =	vst v63  }
0x205: {  	_ = 	snop  }
0x206: {  	[tilespmem:s17], [sflag:$0x1] =	stream.indirect.gather [hbm4b:s3+s13], $0x20, s13, s13, $0xb8;
	[tilespmem:$0x10800] =	vst v63  }
0x207: {  	_ =	swait.ge [sflag:s18], $0x4000  }
0x208: {  	[sflag:s18] =	ssyncset.done $0x0  }
0x209: {  	[sflag:s18] =	ssyncadd.s32 $0xFFFFC000  }
0x20a: {  	_ =	swait.ge [sflag:s18], $0x4000  }
0x20b: {  	[sflag:s18] =	ssyncset.done $0x0  }
0x20c: {  	s0 =	rddreg [dreg:$0x6];
	[sflag:s18] =	ssyncadd.s32 $0xFFFFC000  }
0x20d: {  	[hbm4b:s0+s5] =	stream.strided.scatter [tilespmem:s10], [sflag:$0x4], $0x8000, s12, s5, $0x38;
	[tilespmem:$0x10800] =	vst v63  }
0x20e: {  	_ =	swait.ge [sflag:s8], $0x8000  }
0x20f: {  	[sflag:s8] =	ssyncset.done $0x0  }
0x210: {  	s0 =	rddreg [dreg:$0x7];
	[sflag:s8] =	ssyncadd.s32 $0xFFFF8000  }
0x211: {  	[tilespmem:s21], [sflag:$0x5] =	stream.strided.gather [hbm4b:s0+s13], $0x400, s5, s13, $0x38;
	[tilespmem:$0x10800] =	vst v63  }
0x212: {  	_ =	swait.ge [sflag:s16], $0x400  }
0x213: {  	[sflag:s16] =	ssyncset.done $0x0  }
0x214: {  	[sflag:s16] =	ssyncadd.s32 $0xFFFFFC00  }
0x215: {  	[tilespmem:s10], [sflag:$0x2] =	stream.indirect.gather [hbm4b:s3+s13], $0x20, s21, s13, $0xb8;
	[tilespmem:$0x10800] =	vst v63  }
0x216: {  	_ = 	snop  }
0x217: {  	[tilespmem:s23], [sflag:$0x2] =	stream.indirect.gather [hbm4b:s3+s13], $0x20, s22, s13, $0xb8;
	[tilespmem:$0x10800] =	vst v63  }
0x218: {  	_ =	swait.ge [sflag:s11], $0x4000  }
0x219: {  	[sflag:s11] =	ssyncset.done $0x0  }
0x21a: {  	[sflag:s11] =	ssyncadd.s32 $0xFFFFC000  }
0x21b: {  	_ =	swait.ge [sflag:s11], $0x4000  }
0x21c: {  	[sflag:s11] =	ssyncset.done $0x0  }
0x21d: {  	s0 =	rddreg [dreg:$0x8];
	[sflag:s11] =	ssyncadd.s32 $0xFFFFC000  }
0x21e: {  	[hbm4b:s0+s5] =	stream.strided.scatter [tilespmem:s6], [sflag:$0x3], $0x8000, s12, s5, $0x38;
	[tilespmem:$0x10800] =	vst v63  }
0x21f: {  	_ =	swait.ge [sflag:s9], $0x8000  }
0x220: {  	[sflag:s9] =	ssyncset.done $0x0  }
0x221: {  	s0 =	rddreg [dreg:$0x9];
	[sflag:s9] =	ssyncadd.s32 $0xFFFF8000  }
0x222: {  	[tilespmem:s2], [sflag:$0x5] =	stream.strided.gather [hbm4b:s0+s13], $0x400, s5, s13, $0x38;
	[tilespmem:$0x10800] =	vst v63  }
0x223: {  	_ =	swait.ge [sflag:s16], $0x400  }
0x224: {  	[sflag:s16] =	ssyncset.done $0x0  }
0x225: {  	[sflag:s16] =	ssyncadd.s32 $0xFFFFFC00  }
0x226: {  	[tilespmem:s6], [sflag:$0x1] =	stream.indirect.gather [hbm4b:s3+s13], $0x20, s2, s13, $0xb8;
	[tilespmem:$0x10800] =	vst v63  }
0x227: {  	_ = 	snop  }
0x228: {  	[tilespmem:s17], [sflag:$0x1] =	stream.indirect.gather [hbm4b:s3+s13], $0x20, s13, s13, $0xb8;
	[tilespmem:$0x10800] =	vst v63  }
0x229: {  	_ =	swait.ge [sflag:s18], $0x4000  }
0x22a: {  	[sflag:s18] =	ssyncset.done $0x0  }
0x22b: {  	[sflag:s18] =	ssyncadd.s32 $0xFFFFC000  }
0x22c: {  	_ =	swait.ge [sflag:s18], $0x4000  }
0x22d: {  	[sflag:s18] =	ssyncset.done $0x0  }
0x22e: {  	s0 =	rddreg [dreg:$0xa];
	[sflag:s18] =	ssyncadd.s32 $0xFFFFC000  }
0x22f: {  	[hbm4b:s0+s5] =	stream.strided.scatter [tilespmem:s10], [sflag:$0x4], $0x8000, s12, s5, $0x38;
	[tilespmem:$0x10800] =	vst v63  }
0x230: {  	_ =	swait.ge [sflag:s8], $0x8000  }
0x231: {  	[sflag:s8] =	ssyncset.done $0x0  }
0x232: {  	s0 =	rddreg [dreg:$0xb];
	[sflag:s8] =	ssyncadd.s32 $0xFFFF8000  }
0x233: {  	[tilespmem:s21], [sflag:$0x5] =	stream.strided.gather [hbm4b:s0+s13], $0x400, s5, s13, $0x38;
	[tilespmem:$0x10800] =	vst v63  }
0x234: {  	_ =	swait.ge [sflag:s16], $0x400  }
0x235: {  	[sflag:s16] =	ssyncset.done $0x0  }
0x236: {  	[sflag:s16] =	ssyncadd.s32 $0xFFFFFC00  }
0x237: {  	[tilespmem:s10], [sflag:$0x2] =	stream.indirect.gather [hbm4b:s3+s13], $0x20, s21, s13, $0xb8;
	[tilespmem:$0x10800] =	vst v63  }
0x238: {  	_ = 	snop  }
0x239: {  	[tilespmem:s23], [sflag:$0x2] =	stream.indirect.gather [hbm4b:s3+s13], $0x20, s22, s13, $0xb8;
	[tilespmem:$0x10800] =	vst v63  }
0x23a: {  	_ =	swait.ge [sflag:s11], $0x4000  }
0x23b: {  	[sflag:s11] =	ssyncset.done $0x0  }
0x23c: {  	[sflag:s11] =	ssyncadd.s32 $0xFFFFC000  }
0x23d: {  	_ =	swait.ge [sflag:s11], $0x4000  }
0x23e: {  	[sflag:s11] =	ssyncset.done $0x0  }
0x23f: {  	s0 =	rddreg [dreg:$0xc];
	[sflag:s11] =	ssyncadd.s32 $0xFFFFC000  }
0x240: {  	[hbm4b:s0+s5] =	stream.strided.scatter [tilespmem:s6], [sflag:$0x3], $0x8000, s12, s5, $0x38;
	[tilespmem:$0x10800] =	vst v63  }
0x241: {  	_ =	swait.ge [sflag:s9], $0x8000  }
0x242: {  	[sflag:s9] =	ssyncset.done $0x0  }
0x243: {  	s0 =	rddreg [dreg:$0xd];
	[sflag:s9] =	ssyncadd.s32 $0xFFFF8000  }
0x244: {  	[tilespmem:s2], [sflag:$0x5] =	stream.strided.gather [hbm4b:s0+s13], $0x400, s5, s13, $0x38;
	[tilespmem:$0x10800] =	vst v63  }
0x245: {  	_ =	swait.ge [sflag:s16], $0x400  }
0x246: {  	[sflag:s16] =	ssyncset.done $0x0  }
0x247: {  	[sflag:s16] =	ssyncadd.s32 $0xFFFFFC00  }
0x248: {  	[tilespmem:s6], [sflag:$0x1] =	stream.indirect.gather [hbm4b:s3+s13], $0x20, s2, s13, $0xb8;
	[tilespmem:$0x10800] =	vst v63  }
0x249: {  	_ = 	snop  }
0x24a: {  	[tilespmem:s17], [sflag:$0x1] =	stream.indirect.gather [hbm4b:s3+s13], $0x20, s13, s13, $0xb8;
	[tilespmem:$0x10800] =	vst v63  }
0x24b: {  	_ =	swait.ge [sflag:s18], $0x4000  }
0x24c: {  	[sflag:s18] =	ssyncset.done $0x0  }
0x24d: {  	[sflag:s18] =	ssyncadd.s32 $0xFFFFC000  }
0x24e: {  	_ =	swait.ge [sflag:s18], $0x4000  }
0x24f: {  	[sflag:s18] =	ssyncset.done $0x0  }
0x250: {  	s0 =	rddreg [dreg:$0xe];
	[sflag:s18] =	ssyncadd.s32 $0xFFFFC000  }
0x251: {  	[hbm4b:s0+s5] =	stream.strided.scatter [tilespmem:s10], [sflag:$0x4], $0x8000, s12, s5, $0x38;
	[tilespmem:$0x10800] =	vst v63  }
0x252: {  	_ =	swait.ge [sflag:s8], $0x8000  }
0x253: {  	[sflag:s8] =	ssyncset.done $0x0  }
0x254: {  	s0 =	rddreg [dreg:$0xf];
	[sflag:s8] =	ssyncadd.s32 $0xFFFF8000  }
0x255: {  	[tilespmem:s21], [sflag:$0x5] =	stream.strided.gather [hbm4b:s0+s13], $0x400, s5, s13, $0x38;
	[tilespmem:$0x10800] =	vst v63  }
0x256: {  	_ =	swait.ge [sflag:s16], $0x400  }
0x257: {  	[sflag:s16] =	ssyncset.done $0x0  }
0x258: {  	[sflag:s16] =	ssyncadd.s32 $0xFFFFFC00  }
0x259: {  	[tilespmem:s10], [sflag:$0x2] =	stream.indirect.gather [hbm4b:s3+s13], $0x20, s21, s13, $0xb8;
	[tilespmem:$0x10800] =	vst v63  }
0x25a: {  	_ = 	snop  }
0x25b: {  	[tilespmem:s23], [sflag:$0x2] =	stream.indirect.gather [hbm4b:s3+s13], $0x20, s22, s13, $0xb8;
	[tilespmem:$0x10800] =	vst v63  }
0x25c: {  	_ =	swait.ge [sflag:s11], $0x4000  }
0x25d: {  	[sflag:s11] =	ssyncset.done $0x0  }
0x25e: {  	[sflag:s11] =	ssyncadd.s32 $0xFFFFC000  }
0x25f: {  	_ =	swait.ge [sflag:s11], $0x4000  }
0x260: {  	[sflag:s11] =	ssyncset.done $0x0  }
0x261: {  	s0 =	rddreg [dreg:$0x10];
	[sflag:s11] =	ssyncadd.s32 $0xFFFFC000  }
0x262: {  	[hbm4b:s0+s5] =	stream.strided.scatter [tilespmem:s6], [sflag:$0x3], $0x8000, s12, s5, $0x38;
	[tilespmem:$0x10800] =	vst v63  }
0x263: {  	_ =	swait.ge [sflag:s9], $0x8000  }
0x264: {  	[sflag:s9] =	ssyncset.done $0x0  }
0x265: {  	s0 =	rddreg [dreg:$0x11];
	[sflag:s9] =	ssyncadd.s32 $0xFFFF8000  }
0x266: {  	[tilespmem:s2], [sflag:$0x5] =	stream.strided.gather [hbm4b:s0+s13], $0x400, s5, s13, $0x38;
	[tilespmem:$0x10800] =	vst v63  }
0x267: {  	_ =	swait.ge [sflag:s16], $0x400  }
0x268: {  	[sflag:s16] =	ssyncset.done $0x0  }
0x269: {  	[sflag:s16] =	ssyncadd.s32 $0xFFFFFC00  }
0x26a: {  	[tilespmem:s6], [sflag:$0x1] =	stream.indirect.gather [hbm4b:s3+s13], $0x20, s2, s13, $0xb8;
	[tilespmem:$0x10800] =	vst v63  }
0x26b: {  	_ = 	snop  }
0x26c: {  	[tilespmem:s17], [sflag:$0x1] =	stream.indirect.gather [hbm4b:s3+s13], $0x20, s13, s13, $0xb8;
	[tilespmem:$0x10800] =	vst v63  }
0x26d: {  	_ =	swait.ge [sflag:s18], $0x4000  }
0x26e: {  	[sflag:s18] =	ssyncset.done $0x0  }
0x26f: {  	[sflag:s18] =	ssyncadd.s32 $0xFFFFC000  }
0x270: {  	_ =	swait.ge [sflag:s18], $0x4000  }
0x271: {  	[sflag:s18] =	ssyncset.done $0x0  }
0x272: {  	s0 =	rddreg [dreg:$0x12];
	[sflag:s18] =	ssyncadd.s32 $0xFFFFC000  }
0x273: {  	[hbm4b:s0+s5] =	stream.strided.scatter [tilespmem:s10], [sflag:$0x4], $0x8000, s12, s5, $0x38;
	[tilespmem:$0x10800] =	vst v63  }
0x274: {  	_ =	swait.ge [sflag:s8], $0x8000  }
0x275: {  	[sflag:s8] =	ssyncset.done $0x0  }
0x276: {  	s0 =	rddreg [dreg:$0x13];
	[sflag:s8] =	ssyncadd.s32 $0xFFFF8000  }
0x277: {  	[tilespmem:s21], [sflag:$0x5] =	stream.strided.gather [hbm4b:s0+s13], $0x400, s5, s13, $0x38;
	[tilespmem:$0x10800] =	vst v63  }
0x278: {  	_ =	swait.ge [sflag:s16], $0x400  }
0x279: {  	[sflag:s16] =	ssyncset.done $0x0  }
0x27a: {  	[sflag:s16] =	ssyncadd.s32 $0xFFFFFC00  }
0x27b: {  	[tilespmem:s10], [sflag:$0x2] =	stream.indirect.gather [hbm4b:s3+s13], $0x20, s21, s13, $0xb8;
	[tilespmem:$0x10800] =	vst v63  }
0x27c: {  	_ = 	snop  }
0x27d: {  	[tilespmem:s23], [sflag:$0x2] =	stream.indirect.gather [hbm4b:s3+s13], $0x20, s22, s13, $0xb8;
	[tilespmem:$0x10800] =	vst v63  }
0x27e: {  	_ =	swait.ge [sflag:s11], $0x4000  }
0x27f: {  	[sflag:s11] =	ssyncset.done $0x0  }
0x280: {  	[sflag:s11] =	ssyncadd.s32 $0xFFFFC000  }
0x281: {  	_ =	swait.ge [sflag:s11], $0x4000  }
0x282: {  	[sflag:s11] =	ssyncset.done $0x0  }
0x283: {  	s0 =	rddreg [dreg:$0x14];
	[sflag:s11] =	ssyncadd.s32 $0xFFFFC000  }
0x284: {  	[hbm4b:s0+s5] =	stream.strided.scatter [tilespmem:s6], [sflag:$0x3], $0x8000, s12, s5, $0x38;
	[tilespmem:$0x10800] =	vst v63  }
0x285: {  	_ =	swait.ge [sflag:s9], $0x8000  }
0x286: {  	[sflag:s9] =	ssyncset.done $0x0  }
0x287: {  	s0 =	rddreg [dreg:$0x15];
	[sflag:s9] =	ssyncadd.s32 $0xFFFF8000  }
0x288: {  	[tilespmem:s2], [sflag:$0x5] =	stream.strided.gather [hbm4b:s0+s13], $0x400, s5, s13, $0x38;
	[tilespmem:$0x10800] =	vst v63  }
0x289: {  	_ =	swait.ge [sflag:s16], $0x400  }
0x28a: {  	[sflag:s16] =	ssyncset.done $0x0  }
0x28b: {  	[sflag:s16] =	ssyncadd.s32 $0xFFFFFC00  }
0x28c: {  	[tilespmem:s6], [sflag:$0x1] =	stream.indirect.gather [hbm4b:s3+s13], $0x20, s2, s13, $0xb8;
	[tilespmem:$0x10800] =	vst v63  }
0x28d: {  	_ = 	snop  }
0x28e: {  	[tilespmem:s17], [sflag:$0x1] =	stream.indirect.gather [hbm4b:s3+s13], $0x20, s13, s13, $0xb8;
	[tilespmem:$0x10800] =	vst v63  }
0x28f: {  	_ =	swait.ge [sflag:s18], $0x4000  }
0x290: {  	[sflag:s18] =	ssyncset.done $0x0  }
0x291: {  	[sflag:s18] =	ssyncadd.s32 $0xFFFFC000  }
0x292: {  	_ =	swait.ge [sflag:s18], $0x4000  }
0x293: {  	[sflag:s18] =	ssyncset.done $0x0  }
0x294: {  	s0 =	rddreg [dreg:$0x16];
	[sflag:s18] =	ssyncadd.s32 $0xFFFFC000  }
0x295: {  	[hbm4b:s0+s5] =	stream.strided.scatter [tilespmem:s10], [sflag:$0x4], $0x8000, s12, s5, $0x38;
	[tilespmem:$0x10800] =	vst v63  }
0x296: {  	_ =	swait.ge [sflag:s8], $0x8000  }
0x297: {  	[sflag:s8] =	ssyncset.done $0x0  }
0x298: {  	s0 =	rddreg [dreg:$0x17];
	[sflag:s8] =	ssyncadd.s32 $0xFFFF8000  }
0x299: {  	[tilespmem:s21], [sflag:$0x5] =	stream.strided.gather [hbm4b:s0+s13], $0x400, s5, s13, $0x38;
	[tilespmem:$0x10800] =	vst v63  }
0x29a: {  	_ =	swait.ge [sflag:s16], $0x400  }
0x29b: {  	[sflag:s16] =	ssyncset.done $0x0  }
0x29c: {  	[sflag:s16] =	ssyncadd.s32 $0xFFFFFC00  }
0x29d: {  	[tilespmem:s10], [sflag:$0x2] =	stream.indirect.gather [hbm4b:s3+s13], $0x20, s21, s13, $0xb8;
	[tilespmem:$0x10800] =	vst v63  }
0x29e: {  	_ = 	snop  }
0x29f: {  	[tilespmem:s23], [sflag:$0x2] =	stream.indirect.gather [hbm4b:s3+s13], $0x20, s22, s13, $0xb8;
	[tilespmem:$0x10800] =	vst v63  }
0x2a0: {  	_ =	swait.ge [sflag:s11], $0x4000  }
0x2a1: {  	[sflag:s11] =	ssyncset.done $0x0  }
0x2a2: {  	[sflag:s11] =	ssyncadd.s32 $0xFFFFC000  }
0x2a3: {  	_ =	swait.ge [sflag:s11], $0x4000  }
0x2a4: {  	[sflag:s11] =	ssyncset.done $0x0  }
0x2a5: {  	s0 =	rddreg [dreg:$0x18];
	[sflag:s11] =	ssyncadd.s32 $0xFFFFC000  }
0x2a6: {  	[hbm4b:s0+s5] =	stream.strided.scatter [tilespmem:s6], [sflag:$0x3], $0x8000, s12, s5, $0x38;
	[tilespmem:$0x10800] =	vst v63  }
0x2a7: {  	_ =	swait.ge [sflag:s9], $0x8000  }
0x2a8: {  	[sflag:s9] =	ssyncset.done $0x0  }
0x2a9: {  	s0 =	rddreg [dreg:$0x19];
	[sflag:s9] =	ssyncadd.s32 $0xFFFF8000  }
0x2aa: {  	[tilespmem:s2], [sflag:$0x5] =	stream.strided.gather [hbm4b:s0+s13], $0x400, s5, s13, $0x38;
	[tilespmem:$0x10800] =	vst v63  }
0x2ab: {  	_ =	swait.ge [sflag:s16], $0x400  }
0x2ac: {  	[sflag:s16] =	ssyncset.done $0x0  }
0x2ad: {  	[sflag:s16] =	ssyncadd.s32 $0xFFFFFC00  }
0x2ae: {  	[tilespmem:s6], [sflag:$0x1] =	stream.indirect.gather [hbm4b:s3+s13], $0x20, s2, s13, $0xb8;
	[tilespmem:$0x10800] =	vst v63  }
0x2af: {  	_ = 	snop  }
0x2b0: {  	[tilespmem:s17], [sflag:$0x1] =	stream.indirect.gather [hbm4b:s3+s13], $0x20, s13, s13, $0xb8;
	[tilespmem:$0x10800] =	vst v63  }
0x2b1: {  	_ =	swait.ge [sflag:s18], $0x4000  }
0x2b2: {  	[sflag:s18] =	ssyncset.done $0x0  }
0x2b3: {  	[sflag:s18] =	ssyncadd.s32 $0xFFFFC000  }
0x2b4: {  	_ =	swait.ge [sflag:s18], $0x4000  }
0x2b5: {  	[sflag:s18] =	ssyncset.done $0x0  }
0x2b6: {  	s0 =	rddreg [dreg:$0x1a];
	[sflag:s18] =	ssyncadd.s32 $0xFFFFC000  }
0x2b7: {  	[hbm4b:s0+s5] =	stream.strided.scatter [tilespmem:s10], [sflag:$0x4], $0x8000, s12, s5, $0x38;
	[tilespmem:$0x10800] =	vst v63  }
0x2b8: {  	_ =	swait.ge [sflag:s8], $0x8000  }
0x2b9: {  	[sflag:s8] =	ssyncset.done $0x0  }
0x2ba: {  	s0 =	rddreg [dreg:$0x1b];
	[sflag:s8] =	ssyncadd.s32 $0xFFFF8000  }
0x2bb: {  	[tilespmem:s21], [sflag:$0x5] =	stream.strided.gather [hbm4b:s0+s13], $0x400, s5, s13, $0x38;
	[tilespmem:$0x10800] =	vst v63  }
0x2bc: {  	_ =	swait.ge [sflag:s16], $0x400  }
0x2bd: {  	[sflag:s16] =	ssyncset.done $0x0  }
0x2be: {  	[sflag:s16] =	ssyncadd.s32 $0xFFFFFC00  }
0x2bf: {  	[tilespmem:s10], [sflag:$0x2] =	stream.indirect.gather [hbm4b:s3+s13], $0x20, s21, s13, $0xb8;
	[tilespmem:$0x10800] =	vst v63  }
0x2c0: {  	_ = 	snop  }
0x2c1: {  	[tilespmem:s23], [sflag:$0x2] =	stream.indirect.gather [hbm4b:s3+s13], $0x20, s22, s13, $0xb8;
	[tilespmem:$0x10800] =	vst v63  }
0x2c2: {  	_ =	swait.ge [sflag:s11], $0x4000  }
0x2c3: {  	[sflag:s11] =	ssyncset.done $0x0  }
0x2c4: {  	[sflag:s11] =	ssyncadd.s32 $0xFFFFC000  }
0x2c5: {  	_ =	swait.ge [sflag:s11], $0x4000  }
0x2c6: {  	[sflag:s11] =	ssyncset.done $0x0  }
0x2c7: {  	s0 =	rddreg [dreg:$0x1c];
	[sflag:s11] =	ssyncadd.s32 $0xFFFFC000  }
0x2c8: {  	[hbm4b:s0+s5] =	stream.strided.scatter [tilespmem:s6], [sflag:$0x3], $0x8000, s12, s5, $0x38;
	[tilespmem:$0x10800] =	vst v63  }
0x2c9: {  	_ =	swait.ge [sflag:s9], $0x8000  }
0x2ca: {  	[sflag:s9] =	ssyncset.done $0x0  }
0x2cb: {  	s0 =	rddreg [dreg:$0x1d];
	[sflag:s9] =	ssyncadd.s32 $0xFFFF8000  }
0x2cc: {  	[tilespmem:s2], [sflag:$0x5] =	stream.strided.gather [hbm4b:s0+s13], $0x400, s5, s13, $0x38;
	[tilespmem:$0x10800] =	vst v63  }
0x2cd: {  	_ =	swait.ge [sflag:s16], $0x400  }
0x2ce: {  	[sflag:s16] =	ssyncset.done $0x0  }
0x2cf: {  	[sflag:s16] =	ssyncadd.s32 $0xFFFFFC00  }
0x2d0: {  	[tilespmem:s6], [sflag:$0x1] =	stream.indirect.gather [hbm4b:s3+s13], $0x20, s2, s13, $0xb8;
	[tilespmem:$0x10800] =	vst v63  }
0x2d1: {  	_ = 	snop  }
0x2d2: {  	[tilespmem:s17], [sflag:$0x1] =	stream.indirect.gather [hbm4b:s3+s13], $0x20, s13, s13, $0xb8;
	[tilespmem:$0x10800] =	vst v63  }
0x2d3: {  	_ =	swait.ge [sflag:s18], $0x4000  }
0x2d4: {  	[sflag:s18] =	ssyncset.done $0x0  }
0x2d5: {  	[sflag:s18] =	ssyncadd.s32 $0xFFFFC000  }
0x2d6: {  	_ =	swait.ge [sflag:s18], $0x4000  }
0x2d7: {  	[sflag:s18] =	ssyncset.done $0x0  }
0x2d8: {  	s0 =	rddreg [dreg:$0x1e];
	[sflag:s18] =	ssyncadd.s32 $0xFFFFC000  }
0x2d9: {  	[hbm4b:s0+s5] =	stream.strided.scatter [tilespmem:s10], [sflag:$0x4], $0x8000, s12, s5, $0x38;
	[tilespmem:$0x10800] =	vst v63  }
0x2da: {  	_ =	swait.ge [sflag:s8], $0x8000  }
0x2db: {  	[sflag:s8] =	ssyncset.done $0x0  }
0x2dc: {  	s0 =	rddreg [dreg:$0x1f];
	[sflag:s8] =	ssyncadd.s32 $0xFFFF8000  }
0x2dd: {  	[tilespmem:s21], [sflag:$0x5] =	stream.strided.gather [hbm4b:s0+s13], $0x400, s5, s13, $0x38;
	[tilespmem:$0x10800] =	vst v63  }
0x2de: {  	_ =	swait.ge [sflag:s16], $0x400  }
0x2df: {  	[sflag:s16] =	ssyncset.done $0x0  }
0x2e0: {  	[sflag:s16] =	ssyncadd.s32 $0xFFFFFC00  }
0x2e1: {  	[tilespmem:s10], [sflag:$0x2] =	stream.indirect.gather [hbm4b:s3+s13], $0x20, s21, s13, $0xb8;
	[tilespmem:$0x10800] =	vst v63  }
0x2e2: {  	_ = 	snop  }
0x2e3: {  	[tilespmem:s23], [sflag:$0x2] =	stream.indirect.gather [hbm4b:s3+s13], $0x20, s22, s13, $0xb8;
	[tilespmem:$0x10800] =	vst v63  }
0x2e4: {  	_ =	swait.ge [sflag:s11], $0x4000  }
0x2e5: {  	[sflag:s11] =	ssyncset.done $0x0  }
0x2e6: {  	[sflag:s11] =	ssyncadd.s32 $0xFFFFC000  }
0x2e7: {  	_ =	swait.ge [sflag:s11], $0x4000  }
0x2e8: {  	s0 =	sld [smem:$0x7F6]  }
0x2e9: {  	[sflag:s11] =	ssyncset.done $0x0  }
0x2ea: {  	[sflag:s11] =	ssyncadd.s32 $0xFFFFC000  }
0x2eb: {  	[hbm4b:s0+s5] =	stream.strided.scatter [tilespmem:s6], [sflag:$0x3], $0x8000, s12, s5, $0x38;
	[tilespmem:$0x10800] =	vst v63  }
0x2ec: {  	_ =	swait.ge [sflag:s9], $0x8000  }
0x2ed: {  	s0 =	sld [smem:$0x7F7]  }
0x2ee: {  	[sflag:s9] =	ssyncset.done $0x0  }
0x2ef: {  	[sflag:s9] =	ssyncadd.s32 $0xFFFF8000  }
0x2f0: {  	[tilespmem:s2], [sflag:$0x5] =	stream.strided.gather [hbm4b:s0+s13], $0x400, s5, s13, $0x38;
	[tilespmem:$0x10800] =	vst v63  }
0x2f1: {  	_ =	swait.ge [sflag:s16], $0x400  }
0x2f2: {  	[sflag:s16] =	ssyncset.done $0x0  }
0x2f3: {  	[sflag:s16] =	ssyncadd.s32 $0xFFFFFC00  }
0x2f4: {  	[tilespmem:s6], [sflag:$0x1] =	stream.indirect.gather [hbm4b:s3+s13], $0x20, s2, s13, $0xb8;
	[tilespmem:$0x10800] =	vst v63  }
0x2f5: {  	_ = 	snop  }
0x2f6: {  	[tilespmem:s17], [sflag:$0x1] =	stream.indirect.gather [hbm4b:s3+s13], $0x20, s13, s13, $0xb8;
	[tilespmem:$0x10800] =	vst v63  }
0x2f7: {  	_ =	swait.ge [sflag:s18], $0x4000  }
0x2f8: {  	[sflag:s18] =	ssyncset.done $0x0  }
0x2f9: {  	[sflag:s18] =	ssyncadd.s32 $0xFFFFC000  }
0x2fa: {  	_ =	swait.ge [sflag:s18], $0x4000  }
0x2fb: {  	s0 =	sld [smem:$0x7F8]  }
0x2fc: {  	[sflag:s18] =	ssyncset.done $0x0  }
0x2fd: {  	[sflag:s18] =	ssyncadd.s32 $0xFFFFC000  }
0x2fe: {  	[hbm4b:s0+s5] =	stream.strided.scatter [tilespmem:s10], [sflag:$0x4], $0x8000, s12, s5, $0x38;
	[tilespmem:$0x10800] =	vst v63  }
0x2ff: {  	_ =	swait.ge [sflag:s8], $0x8000  }
0x300: {  	s0 =	sld [smem:$0x7F9]  }
0x301: {  	[sflag:s8] =	ssyncset.done $0x0  }
0x302: {  	[sflag:s8] =	ssyncadd.s32 $0xFFFF8000  }
0x303: {  	[tilespmem:s21], [sflag:$0x5] =	stream.strided.gather [hbm4b:s0+s13], $0x400, s5, s13, $0x38;
	[tilespmem:$0x10800] =	vst v63  }
0x304: {  	_ =	swait.ge [sflag:s16], $0x400  }
0x305: {  	[sflag:s16] =	ssyncset.done $0x0  }
0x306: {  	[sflag:s16] =	ssyncadd.s32 $0xFFFFFC00  }
0x307: {  	[tilespmem:s10], [sflag:$0x2] =	stream.indirect.gather [hbm4b:s3+s13], $0x20, s21, s13, $0xb8;
	[tilespmem:$0x10800] =	vst v63  }
0x308: {  	_ = 	snop  }
0x309: {  	[tilespmem:s23], [sflag:$0x2] =	stream.indirect.gather [hbm4b:s3+s13], $0x20, s22, s13, $0xb8;
	[tilespmem:$0x10800] =	vst v63  }
0x30a: {  	_ =	swait.ge [sflag:s11], $0x4000  }
0x30b: {  	[sflag:s11] =	ssyncset.done $0x0  }
0x30c: {  	[sflag:s11] =	ssyncadd.s32 $0xFFFFC000  }
0x30d: {  	_ =	swait.ge [sflag:s11], $0x4000  }
0x30e: {  	s0 =	sld [smem:$0x7FA]  }
0x30f: {  	[sflag:s11] =	ssyncset.done $0x0  }
0x310: {  	[sflag:s11] =	ssyncadd.s32 $0xFFFFC000  }
0x311: {  	[hbm4b:s0+s5] =	stream.strided.scatter [tilespmem:s6], [sflag:$0x3], $0x8000, s12, s5, $0x38;
	[tilespmem:$0x10800] =	vst v63  }
0x312: {  	_ =	swait.ge [sflag:s9], $0x8000  }
0x313: {  	s0 =	sld [smem:$0x7FB]  }
0x314: {  	[sflag:s9] =	ssyncset.done $0x0  }
0x315: {  	[sflag:s9] =	ssyncadd.s32 $0xFFFF8000  }
0x316: {  	[tilespmem:s2], [sflag:$0x5] =	stream.strided.gather [hbm4b:s0+s13], $0x400, s5, s13, $0x38;
	[tilespmem:$0x10800] =	vst v63  }
0x317: {  	_ =	swait.ge [sflag:s16], $0x400  }
0x318: {  	[sflag:s16] =	ssyncset.done $0x0  }
0x319: {  	[sflag:s16] =	ssyncadd.s32 $0xFFFFFC00  }
0x31a: {  	[tilespmem:s6], [sflag:$0x1] =	stream.indirect.gather [hbm4b:s3+s13], $0x20, s2, s13, $0xb8;
	[tilespmem:$0x10800] =	vst v63  }
0x31b: {  	_ = 	snop  }
0x31c: {  	[tilespmem:s17], [sflag:$0x1] =	stream.indirect.gather [hbm4b:s3+s13], $0x20, s13, s13, $0xb8;
	[tilespmem:$0x10800] =	vst v63  }
0x31d: {  	_ =	swait.ge [sflag:s18], $0x4000  }
0x31e: {  	[sflag:s18] =	ssyncset.done $0x0  }
0x31f: {  	[sflag:s18] =	ssyncadd.s32 $0xFFFFC000  }
0x320: {  	_ =	swait.ge [sflag:s18], $0x4000  }
0x321: {  	s0 =	sld [smem:$0x7FC]  }
0x322: {  	[sflag:s18] =	ssyncset.done $0x0  }
0x323: {  	[sflag:s18] =	ssyncadd.s32 $0xFFFFC000  }
0x324: {  	[hbm4b:s0+s5] =	stream.strided.scatter [tilespmem:s10], [sflag:$0x4], $0x8000, s12, s5, $0x38;
	[tilespmem:$0x10800] =	vst v63  }
0x325: {  	_ =	swait.ge [sflag:s8], $0x8000  }
0x326: {  	s0 =	sld [smem:$0x7FD]  }
0x327: {  	[sflag:s8] =	ssyncset.done $0x0  }
0x328: {  	[sflag:s8] =	ssyncadd.s32 $0xFFFF8000  }
0x329: {  	[tilespmem:s21], [sflag:$0x5] =	stream.strided.gather [hbm4b:s0+s13], $0x400, s5, s13, $0x38;
	[tilespmem:$0x10800] =	vst v63  }
0x32a: {  	_ =	swait.ge [sflag:s16], $0x400  }
0x32b: {  	[sflag:s16] =	ssyncset.done $0x0  }
0x32c: {  	[sflag:s16] =	ssyncadd.s32 $0xFFFFFC00  }
0x32d: {  	[tilespmem:s10], [sflag:$0x2] =	stream.indirect.gather [hbm4b:s3+s13], $0x20, s21, s13, $0xb8;
	[tilespmem:$0x10800] =	vst v63  }
0x32e: {  	_ = 	snop  }
0x32f: {  	[tilespmem:s23], [sflag:$0x2] =	stream.indirect.gather [hbm4b:s3+s13], $0x20, s22, s13, $0xb8;
	[tilespmem:$0x10800] =	vst v63  }
0x330: {  	_ =	swait.ge [sflag:s11], $0x4000  }
0x331: {  	[sflag:s11] =	ssyncset.done $0x0  }
0x332: {  	[sflag:s11] =	ssyncadd.s32 $0xFFFFC000  }
0x333: {  	_ =	swait.ge [sflag:s11], $0x4000  }
0x334: {  	[sflag:s11] =	ssyncset.done $0x0  }
0x335: {  	[sflag:s11] =	ssyncadd.s32 $0xFFFFC000  }
0x336: {  	[hbm4b:s30+s5] =	stream.strided.scatter [tilespmem:s6], [sflag:$0x3], $0x8000, s12, s5, $0x38;
	[tilespmem:$0x10800] =	vst v63  }
0x337: {  	_ =	swait.ge [sflag:s9], $0x8000  }
0x338: {  	[sflag:s9] =	ssyncset.done $0x0  }
0x339: {  	[sflag:s9] =	ssyncadd.s32 $0xFFFF8000  }
0x33a: {  	[tilespmem:s2], [sflag:$0x5] =	stream.strided.gather [hbm4b:s29+s13], $0x400, s5, s13, $0x38;
	[tilespmem:$0x10800] =	vst v63  }
0x33b: {  	_ =	swait.ge [sflag:s16], $0x400  }
0x33c: {  	[sflag:s16] =	ssyncset.done $0x0  }
0x33d: {  	[sflag:s16] =	ssyncadd.s32 $0xFFFFFC00  }
0x33e: {  	[tilespmem:s6], [sflag:$0x1] =	stream.indirect.gather [hbm4b:s3+s13], $0x20, s2, s13, $0xb8;
	[tilespmem:$0x10800] =	vst v63  }
0x33f: {  	_ = 	snop  }
0x340: {  	[tilespmem:s17], [sflag:$0x1] =	stream.indirect.gather [hbm4b:s3+s13], $0x20, s13, s13, $0xb8;
	[tilespmem:$0x10800] =	vst v63  }
0x341: {  	_ =	swait.ge [sflag:s18], $0x4000  }
0x342: {  	[sflag:s18] =	ssyncset.done $0x0  }
0x343: {  	[sflag:s18] =	ssyncadd.s32 $0xFFFFC000  }
0x344: {  	_ =	swait.ge [sflag:s18], $0x4000  }
0x345: {  	[sflag:s18] =	ssyncset.done $0x0  }
0x346: {  	[sflag:s18] =	ssyncadd.s32 $0xFFFFC000  }
0x347: {  	[hbm4b:s28+s5] =	stream.strided.scatter [tilespmem:s10], [sflag:$0x4], $0x8000, s12, s5, $0x38;
	[tilespmem:$0x10800] =	vst v63  }
0x348: {  	_ =	swait.ge [sflag:s8], $0x8000  }
0x349: {  	[sflag:s8] =	ssyncset.done $0x0  }
0x34a: {  	[sflag:s8] =	ssyncadd.s32 $0xFFFF8000  }
0x34b: {  	[tilespmem:s21], [sflag:$0x5] =	stream.strided.gather [hbm4b:s26+s13], $0x400, s5, s13, $0x38;
	[tilespmem:$0x10800] =	vst v63  }
0x34c: {  	_ =	swait.ge [sflag:s16], $0x400  }
0x34d: {  	[sflag:s16] =	ssyncset.done $0x0  }
0x34e: {  	[sflag:s16] =	ssyncadd.s32 $0xFFFFFC00  }
0x34f: {  	[tilespmem:s10], [sflag:$0x2] =	stream.indirect.gather [hbm4b:s3+s13], $0x20, s21, s13, $0xb8;
	[tilespmem:$0x10800] =	vst v63  }
0x350: {  	_ = 	snop  }
0x351: {  	[tilespmem:s23], [sflag:$0x2] =	stream.indirect.gather [hbm4b:s3+s13], $0x20, s22, s13, $0xb8;
	[tilespmem:$0x10800] =	vst v63  }
0x352: {  	_ =	swait.ge [sflag:s11], $0x4000  }
0x353: {  	[sflag:s11] =	ssyncset.done $0x0  }
0x354: {  	[sflag:s11] =	ssyncadd.s32 $0xFFFFC000  }
0x355: {  	_ =	swait.ge [sflag:s11], $0x4000  }
0x356: {  	[sflag:s11] =	ssyncset.done $0x0  }
0x357: {  	[sflag:s11] =	ssyncadd.s32 $0xFFFFC000  }
0x358: {  	[hbm4b:s25+s5] =	stream.strided.scatter [tilespmem:s6], [sflag:$0x3], $0x8000, s12, s5, $0x38;
	[tilespmem:$0x10800] =	vst v63  }
0x359: {  	_ =	swait.ge [sflag:s9], $0x8000  }
0x35a: {  	[sflag:s9] =	ssyncset.done $0x0  }
0x35b: {  	[sflag:s9] =	ssyncadd.s32 $0xFFFF8000  }
0x35c: {  	[tilespmem:s2], [sflag:$0x5] =	stream.strided.gather [hbm4b:s24+s13], $0x400, s5, s13, $0x38;
	[tilespmem:$0x10800] =	vst v63  }
0x35d: {  	_ =	swait.ge [sflag:s16], $0x400  }
0x35e: {  	[sflag:s16] =	ssyncset.done $0x0  }
0x35f: {  	[sflag:s16] =	ssyncadd.s32 $0xFFFFFC00  }
0x360: {  	[tilespmem:s6], [sflag:$0x1] =	stream.indirect.gather [hbm4b:s3+s13], $0x20, s2, s13, $0xb8;
	[tilespmem:$0x10800] =	vst v63  }
0x361: {  	_ = 	snop  }
0x362: {  	[tilespmem:s17], [sflag:$0x1] =	stream.indirect.gather [hbm4b:s3+s13], $0x20, s13, s13, $0xb8;
	[tilespmem:$0x10800] =	vst v63  }
0x363: {  	_ =	swait.ge [sflag:s18], $0x4000  }
0x364: {  	[sflag:s18] =	ssyncset.done $0x0  }
0x365: {  	[sflag:s18] =	ssyncadd.s32 $0xFFFFC000  }
0x366: {  	_ =	swait.ge [sflag:s18], $0x4000  }
0x367: {  	[sflag:s18] =	ssyncset.done $0x0  }
0x368: {  	[sflag:s18] =	ssyncadd.s32 $0xFFFFC000  }
0x369: {  	[hbm4b:s20+s5] =	stream.strided.scatter [tilespmem:s10], [sflag:$0x4], $0x8000, s12, s5, $0x38;
	[tilespmem:$0x10800] =	vst v63  }
0x36a: {  	_ =	swait.ge [sflag:s8], $0x8000  }
0x36b: {  	[sflag:s8] =	ssyncset.done $0x0  }
0x36c: {  	[sflag:s8] =	ssyncadd.s32 $0xFFFF8000  }
0x36d: {  	[tilespmem:s21], [sflag:$0x5] =	stream.strided.gather [hbm4b:s19+s13], $0x400, s5, s13, $0x38;
	[tilespmem:$0x10800] =	vst v63  }
0x36e: {  	_ =	swait.ge [sflag:s16], $0x400  }
0x36f: {  	[sflag:s16] =	ssyncset.done $0x0  }
0x370: {  	[sflag:s16] =	ssyncadd.s32 $0xFFFFFC00  }
0x371: {  	[tilespmem:s10], [sflag:$0x2] =	stream.indirect.gather [hbm4b:s3+s13], $0x20, s21, s13, $0xb8;
	[tilespmem:$0x10800] =	vst v63  }
0x372: {  	_ = 	snop  }
0x373: {  	[tilespmem:s23], [sflag:$0x2] =	stream.indirect.gather [hbm4b:s3+s13], $0x20, s22, s13, $0xb8;
	[tilespmem:$0x10800] =	vst v63  }
0x374: {  	_ =	swait.ge [sflag:s11], $0x4000  }
0x375: {  	[sflag:s11] =	ssyncset.done $0x0  }
0x376: {  	[sflag:s11] =	ssyncadd.s32 $0xFFFFC000  }
0x377: {  	_ =	swait.ge [sflag:s11], $0x4000  }
0x378: {  	[sflag:s11] =	ssyncset.done $0x0  }
0x379: {  	[sflag:s11] =	ssyncadd.s32 $0xFFFFC000  }
0x37a: {  	[hbm4b:s15+s5] =	stream.strided.scatter [tilespmem:s6], [sflag:$0x3], $0x8000, s12, s5, $0x38;
	[tilespmem:$0x10800] =	vst v63  }
0x37b: {  	_ =	swait.ge [sflag:s9], $0x8000  }
0x37c: {  	[sflag:s9] =	ssyncset.done $0x0  }
0x37d: {  	[sflag:s9] =	ssyncadd.s32 $0xFFFF8000  }
0x37e: {  	[tilespmem:s2], [sflag:$0x5] =	stream.strided.gather [hbm4b:s14+s13], $0x400, s5, s13, $0x38;
	[tilespmem:$0x10800] =	vst v63  }
0x37f: {  	_ =	swait.ge [sflag:s16], $0x400  }
0x380: {  	[sflag:s16] =	ssyncset.done $0x0  }
0x381: {  	[sflag:s16] =	ssyncadd.s32 $0xFFFFFC00  }
0x382: {  	[tilespmem:s6], [sflag:$0x1] =	stream.indirect.gather [hbm4b:s3+s13], $0x20, s2, s13, $0xb8;
	[tilespmem:$0x10800] =	vst v63  }
0x383: {  	_ = 	snop  }
0x384: {  	[tilespmem:s17], [sflag:$0x1] =	stream.indirect.gather [hbm4b:s3+s13], $0x20, s13, s13, $0xb8;
	[tilespmem:$0x10800] =	vst v63  }
0x385: {  	_ =	swait.ge [sflag:s18], $0x4000  }
0x386: {  	[sflag:s18] =	ssyncset.done $0x0  }
0x387: {  	[sflag:s18] =	ssyncadd.s32 $0xFFFFC000  }
0x388: {  	_ =	swait.ge [sflag:s18], $0x4000  }
0x389: {  	[sflag:s18] =	ssyncset.done $0x0  }
0x38a: {  	[sflag:s18] =	ssyncadd.s32 $0xFFFFC000  }
0x38b: {  	[hbm4b:s7+s5] =	stream.strided.scatter [tilespmem:s10], [sflag:$0x4], $0x8000, s12, s5, $0x38;
	[tilespmem:$0x10800] =	vst v63  }
0x38c: {  	_ =	swait.ge [sflag:s11], $0x4000  }
0x38d: {  	[sflag:s11] =	ssyncset.done $0x0  }
0x38e: {  	[sflag:s11] =	ssyncadd.s32 $0xFFFFC000  }
0x38f: {  	_ =	swait.ge [sflag:s11], $0x4000  }
0x390: {  	[sflag:s11] =	ssyncset.done $0x0  }
0x391: {  	p1 =	sne.s32 s1, $0x1;
	[sflag:s11] =	ssyncadd.s32 $0xFFFFC000  }
0x392: {  	[hbm4b:s4+s5] =	stream.strided.scatter [tilespmem:s6], [sflag:$0x3], $0x8000, s12, s5, $0x38;
	[tilespmem:$0x10800] =	vst v63  }
.Ltmp2:
0x393: {  	_ =	swait.ge [sflag:s9], $0x8000;
	(pc) =	sbr.rel @p1 .LBB2_2-.Ltmp2, $4  }
0x394: {  	[sflag:s9] =	ssyncset.done $0x0  }
0x395: {  	[sflag:s9] =	ssyncadd.s32 $0xFFFF8000  }
0x396: {  	_ =	swait.ge [sflag:s8], $0x8000  }
0x397: {  	s1 =	sadd.s32 $0xFFFFFFFF, s1;
	s0 =	rddreg [dreg:$0x3];
	[sflag:s8] =	ssyncset.done $0x0  }
.LBB2_3:
0x398: {  	[sflag:s8] =	ssyncadd.s32 @p0 $0xFFFF8000  }
0x399: {  	[tilespmem:s2], [sflag:$0x5] =	stream.strided.gather [hbm4b:s0+s13], $0x400, s5, s13, $0x38;
	[tilespmem:$0x10800] =	vst v63  }
0x39a: {  	_ =	swait.ge [sflag:s16], $0x400  }
0x39b: {  	[sflag:s16] =	ssyncset.done $0x0  }
0x39c: {  	[sflag:s16] =	ssyncadd.s32 $0xFFFFFC00  }
0x39d: {  	[tilespmem:s6], [sflag:$0x1] =	stream.indirect.gather [hbm4b:s3+s13], $0x20, s2, s13, $0xb8;
	[tilespmem:$0x10800] =	vst v63  }
0x39e: {  	_ = 	snop  }
0x39f: {  	[tilespmem:s17], [sflag:$0x1] =	stream.indirect.gather [hbm4b:s3+s13], $0x20, s13, s13, $0xb8;
	[tilespmem:$0x10800] =	vst v63  }
0x3a0: {  	s1 =	rddreg [dreg:$0x4]  }
0x3a1: {  	[tilespmem:s21], [sflag:$0x5] =	stream.strided.gather [hbm4b:s1+s13], $0x400, s5, s13, $0x38;
	[tilespmem:$0x10800] =	vst v63  }
0x3a2: {  	_ =	swait.ge [sflag:s16], $0x400  }
0x3a3: {  	[sflag:s16] =	ssyncset.done $0x0  }
0x3a4: {  	[sflag:s16] =	ssyncadd.s32 $0xFFFFFC00  }
0x3a5: {  	[tilespmem:s10], [sflag:$0x2] =	stream.indirect.gather [hbm4b:s3+s13], $0x20, s21, s13, $0xb8;
	[tilespmem:$0x10800] =	vst v63  }
0x3a6: {  	_ = 	snop  }
0x3a7: {  	[tilespmem:s23], [sflag:$0x2] =	stream.indirect.gather [hbm4b:s3+s13], $0x20, s22, s13, $0xb8;
	[tilespmem:$0x10800] =	vst v63  }
0x3a8: {  	_ =	swait.ge [sflag:s11], $0x4000  }
0x3a9: {  	[sflag:s11] =	ssyncset.done $0x0  }
0x3aa: {  	[sflag:s11] =	ssyncadd.s32 $0xFFFFC000  }
0x3ab: {  	_ =	swait.ge [sflag:s11], $0x4000  }
0x3ac: {  	[sflag:s11] =	ssyncset.done $0x0  }
0x3ad: {  	[sflag:s11] =	ssyncadd.s32 $0xFFFFC000  }
0x3ae: {  	[hbm4b:s31+s5] =	stream.strided.scatter [tilespmem:s6], [sflag:$0x3], $0x8000, s12, s5, $0x38;
	[tilespmem:$0x10800] =	vst v63  }
0x3af: {  	_ =	swait.ge [sflag:s9], $0x8000  }
0x3b0: {  	[sflag:s9] =	ssyncset.done $0x0  }
0x3b1: {  	s1 =	rddreg [dreg:$0x5];
	[sflag:s9] =	ssyncadd.s32 $0xFFFF8000  }
0x3b2: {  	[tilespmem:s2], [sflag:$0x5] =	stream.strided.gather [hbm4b:s1+s13], $0x400, s5, s13, $0x38;
	[tilespmem:$0x10800] =	vst v63  }
0x3b3: {  	_ =	swait.ge [sflag:s16], $0x400  }
0x3b4: {  	[sflag:s16] =	ssyncset.done $0x0  }
0x3b5: {  	[sflag:s16] =	ssyncadd.s32 $0xFFFFFC00  }
0x3b6: {  	[tilespmem:s6], [sflag:$0x1] =	stream.indirect.gather [hbm4b:s3+s13], $0x20, s2, s13, $0xb8;
	[tilespmem:$0x10800] =	vst v63  }
0x3b7: {  	_ = 	snop  }
0x3b8: {  	[tilespmem:s17], [sflag:$0x1] =	stream.indirect.gather [hbm4b:s3+s13], $0x20, s13, s13, $0xb8;
	[tilespmem:$0x10800] =	vst v63  }
0x3b9: {  	_ =	swait.ge [sflag:s18], $0x4000  }
0x3ba: {  	[sflag:s18] =	ssyncset.done $0x0  }
0x3bb: {  	[sflag:s18] =	ssyncadd.s32 $0xFFFFC000  }
0x3bc: {  	_ =	swait.ge [sflag:s18], $0x4000  }
0x3bd: {  	[sflag:s18] =	ssyncset.done $0x0  }
0x3be: {  	s31 =	rddreg [dreg:$0x6];
	[sflag:s18] =	ssyncadd.s32 $0xFFFFC000  }
0x3bf: {  	[hbm4b:s31+s5] =	stream.strided.scatter [tilespmem:s10], [sflag:$0x4], $0x8000, s12, s5, $0x38;
	[tilespmem:$0x10800] =	vst v63  }
0x3c0: {  	_ =	swait.ge [sflag:s8], $0x8000  }
0x3c1: {  	[sflag:s8] =	ssyncset.done $0x0  }
0x3c2: {  	s1 =	rddreg [dreg:$0x7];
	[sflag:s8] =	ssyncadd.s32 $0xFFFF8000  }
0x3c3: {  	[tilespmem:s21], [sflag:$0x5] =	stream.strided.gather [hbm4b:s1+s13], $0x400, s5, s13, $0x38;
	[tilespmem:$0x10800] =	vst v63  }
0x3c4: {  	_ =	swait.ge [sflag:s16], $0x400  }
0x3c5: {  	[sflag:s16] =	ssyncset.done $0x0  }
0x3c6: {  	[sflag:s16] =	ssyncadd.s32 $0xFFFFFC00  }
0x3c7: {  	[tilespmem:s10], [sflag:$0x2] =	stream.indirect.gather [hbm4b:s3+s13], $0x20, s21, s13, $0xb8;
	[tilespmem:$0x10800] =	vst v63  }
0x3c8: {  	_ = 	snop  }
0x3c9: {  	[tilespmem:s23], [sflag:$0x2] =	stream.indirect.gather [hbm4b:s3+s13], $0x20, s22, s13, $0xb8;
	[tilespmem:$0x10800] =	vst v63  }
0x3ca: {  	_ =	swait.ge [sflag:s11], $0x4000  }
0x3cb: {  	[sflag:s11] =	ssyncset.done $0x0  }
0x3cc: {  	[sflag:s11] =	ssyncadd.s32 $0xFFFFC000  }
0x3cd: {  	_ =	swait.ge [sflag:s11], $0x4000  }
0x3ce: {  	[sflag:s11] =	ssyncset.done $0x0  }
0x3cf: {  	s31 =	rddreg [dreg:$0x8];
	[sflag:s11] =	ssyncadd.s32 $0xFFFFC000  }
0x3d0: {  	[hbm4b:s31+s5] =	stream.strided.scatter [tilespmem:s6], [sflag:$0x3], $0x8000, s12, s5, $0x38;
	[tilespmem:$0x10800] =	vst v63  }
0x3d1: {  	_ =	swait.ge [sflag:s9], $0x8000  }
0x3d2: {  	[sflag:s9] =	ssyncset.done $0x0  }
0x3d3: {  	s1 =	rddreg [dreg:$0x9];
	[sflag:s9] =	ssyncadd.s32 $0xFFFF8000  }
0x3d4: {  	[tilespmem:s2], [sflag:$0x5] =	stream.strided.gather [hbm4b:s1+s13], $0x400, s5, s13, $0x38;
	[tilespmem:$0x10800] =	vst v63  }
0x3d5: {  	_ =	swait.ge [sflag:s16], $0x400  }
0x3d6: {  	[sflag:s16] =	ssyncset.done $0x0  }
0x3d7: {  	[sflag:s16] =	ssyncadd.s32 $0xFFFFFC00  }
0x3d8: {  	[tilespmem:s6], [sflag:$0x1] =	stream.indirect.gather [hbm4b:s3+s13], $0x20, s2, s13, $0xb8;
	[tilespmem:$0x10800] =	vst v63  }
0x3d9: {  	_ = 	snop  }
0x3da: {  	[tilespmem:s17], [sflag:$0x1] =	stream.indirect.gather [hbm4b:s3+s13], $0x20, s13, s13, $0xb8;
	[tilespmem:$0x10800] =	vst v63  }
0x3db: {  	_ =	swait.ge [sflag:s18], $0x4000  }
0x3dc: {  	[sflag:s18] =	ssyncset.done $0x0  }
0x3dd: {  	[sflag:s18] =	ssyncadd.s32 $0xFFFFC000  }
0x3de: {  	_ =	swait.ge [sflag:s18], $0x4000  }
0x3df: {  	[sflag:s18] =	ssyncset.done $0x0  }
0x3e0: {  	s31 =	rddreg [dreg:$0xa];
	[sflag:s18] =	ssyncadd.s32 $0xFFFFC000  }
0x3e1: {  	[hbm4b:s31+s5] =	stream.strided.scatter [tilespmem:s10], [sflag:$0x4], $0x8000, s12, s5, $0x38;
	[tilespmem:$0x10800] =	vst v63  }
0x3e2: {  	_ =	swait.ge [sflag:s8], $0x8000  }
0x3e3: {  	[sflag:s8] =	ssyncset.done $0x0  }
0x3e4: {  	s1 =	rddreg [dreg:$0xb];
	[sflag:s8] =	ssyncadd.s32 $0xFFFF8000  }
0x3e5: {  	[tilespmem:s21], [sflag:$0x5] =	stream.strided.gather [hbm4b:s1+s13], $0x400, s5, s13, $0x38;
	[tilespmem:$0x10800] =	vst v63  }
0x3e6: {  	_ =	swait.ge [sflag:s16], $0x400  }
0x3e7: {  	[sflag:s16] =	ssyncset.done $0x0  }
0x3e8: {  	[sflag:s16] =	ssyncadd.s32 $0xFFFFFC00  }
0x3e9: {  	[tilespmem:s10], [sflag:$0x2] =	stream.indirect.gather [hbm4b:s3+s13], $0x20, s21, s13, $0xb8;
	[tilespmem:$0x10800] =	vst v63  }
0x3ea: {  	_ = 	snop  }
0x3eb: {  	[tilespmem:s23], [sflag:$0x2] =	stream.indirect.gather [hbm4b:s3+s13], $0x20, s22, s13, $0xb8;
	[tilespmem:$0x10800] =	vst v63  }
0x3ec: {  	_ =	swait.ge [sflag:s11], $0x4000  }
0x3ed: {  	[sflag:s11] =	ssyncset.done $0x0  }
0x3ee: {  	[sflag:s11] =	ssyncadd.s32 $0xFFFFC000  }
0x3ef: {  	_ =	swait.ge [sflag:s11], $0x4000  }
0x3f0: {  	[sflag:s11] =	ssyncset.done $0x0  }
0x3f1: {  	s31 =	rddreg [dreg:$0xc];
	[sflag:s11] =	ssyncadd.s32 $0xFFFFC000  }
0x3f2: {  	[hbm4b:s31+s5] =	stream.strided.scatter [tilespmem:s6], [sflag:$0x3], $0x8000, s12, s5, $0x38;
	[tilespmem:$0x10800] =	vst v63  }
0x3f3: {  	_ =	swait.ge [sflag:s9], $0x8000  }
0x3f4: {  	[sflag:s9] =	ssyncset.done $0x0  }
0x3f5: {  	s1 =	rddreg [dreg:$0xd];
	[sflag:s9] =	ssyncadd.s32 $0xFFFF8000  }
0x3f6: {  	[tilespmem:s2], [sflag:$0x5] =	stream.strided.gather [hbm4b:s1+s13], $0x400, s5, s13, $0x38;
	[tilespmem:$0x10800] =	vst v63  }
0x3f7: {  	_ =	swait.ge [sflag:s16], $0x400  }
0x3f8: {  	[sflag:s16] =	ssyncset.done $0x0  }
0x3f9: {  	[sflag:s16] =	ssyncadd.s32 $0xFFFFFC00  }
0x3fa: {  	[tilespmem:s6], [sflag:$0x1] =	stream.indirect.gather [hbm4b:s3+s13], $0x20, s2, s13, $0xb8;
	[tilespmem:$0x10800] =	vst v63  }
0x3fb: {  	_ = 	snop  }
0x3fc: {  	[tilespmem:s17], [sflag:$0x1] =	stream.indirect.gather [hbm4b:s3+s13], $0x20, s13, s13, $0xb8;
	[tilespmem:$0x10800] =	vst v63  }
0x3fd: {  	_ =	swait.ge [sflag:s18], $0x4000  }
0x3fe: {  	[sflag:s18] =	ssyncset.done $0x0  }
0x3ff: {  	[sflag:s18] =	ssyncadd.s32 $0xFFFFC000  }
0x400: {  	_ =	swait.ge [sflag:s18], $0x4000  }
0x401: {  	[sflag:s18] =	ssyncset.done $0x0  }
0x402: {  	s31 =	rddreg [dreg:$0xe];
	[sflag:s18] =	ssyncadd.s32 $0xFFFFC000  }
0x403: {  	[hbm4b:s31+s5] =	stream.strided.scatter [tilespmem:s10], [sflag:$0x4], $0x8000, s12, s5, $0x38;
	[tilespmem:$0x10800] =	vst v63  }
0x404: {  	_ =	swait.ge [sflag:s8], $0x8000  }
0x405: {  	[sflag:s8] =	ssyncset.done $0x0  }
0x406: {  	s1 =	rddreg [dreg:$0xf];
	[sflag:s8] =	ssyncadd.s32 $0xFFFF8000  }
0x407: {  	[tilespmem:s21], [sflag:$0x5] =	stream.strided.gather [hbm4b:s1+s13], $0x400, s5, s13, $0x38;
	[tilespmem:$0x10800] =	vst v63  }
0x408: {  	_ =	swait.ge [sflag:s16], $0x400  }
0x409: {  	[sflag:s16] =	ssyncset.done $0x0  }
0x40a: {  	[sflag:s16] =	ssyncadd.s32 $0xFFFFFC00  }
0x40b: {  	[tilespmem:s10], [sflag:$0x2] =	stream.indirect.gather [hbm4b:s3+s13], $0x20, s21, s13, $0xb8;
	[tilespmem:$0x10800] =	vst v63  }
0x40c: {  	_ = 	snop  }
0x40d: {  	[tilespmem:s23], [sflag:$0x2] =	stream.indirect.gather [hbm4b:s3+s13], $0x20, s22, s13, $0xb8;
	[tilespmem:$0x10800] =	vst v63  }
0x40e: {  	_ =	swait.ge [sflag:s11], $0x4000  }
0x40f: {  	[sflag:s11] =	ssyncset.done $0x0  }
0x410: {  	[sflag:s11] =	ssyncadd.s32 $0xFFFFC000  }
0x411: {  	_ =	swait.ge [sflag:s11], $0x4000  }
0x412: {  	[sflag:s11] =	ssyncset.done $0x0  }
0x413: {  	s31 =	rddreg [dreg:$0x10];
	[sflag:s11] =	ssyncadd.s32 $0xFFFFC000  }
0x414: {  	[hbm4b:s31+s5] =	stream.strided.scatter [tilespmem:s6], [sflag:$0x3], $0x8000, s12, s5, $0x38;
	[tilespmem:$0x10800] =	vst v63  }
0x415: {  	_ =	swait.ge [sflag:s9], $0x8000  }
0x416: {  	[sflag:s9] =	ssyncset.done $0x0  }
0x417: {  	s1 =	rddreg [dreg:$0x11];
	[sflag:s9] =	ssyncadd.s32 $0xFFFF8000  }
0x418: {  	[tilespmem:s2], [sflag:$0x5] =	stream.strided.gather [hbm4b:s1+s13], $0x400, s5, s13, $0x38;
	[tilespmem:$0x10800] =	vst v63  }
0x419: {  	_ =	swait.ge [sflag:s16], $0x400  }
0x41a: {  	[sflag:s16] =	ssyncset.done $0x0  }
0x41b: {  	[sflag:s16] =	ssyncadd.s32 $0xFFFFFC00  }
0x41c: {  	[tilespmem:s6], [sflag:$0x1] =	stream.indirect.gather [hbm4b:s3+s13], $0x20, s2, s13, $0xb8;
	[tilespmem:$0x10800] =	vst v63  }
0x41d: {  	_ = 	snop  }
0x41e: {  	[tilespmem:s17], [sflag:$0x1] =	stream.indirect.gather [hbm4b:s3+s13], $0x20, s13, s13, $0xb8;
	[tilespmem:$0x10800] =	vst v63  }
0x41f: {  	_ =	swait.ge [sflag:s18], $0x4000  }
0x420: {  	[sflag:s18] =	ssyncset.done $0x0  }
0x421: {  	[sflag:s18] =	ssyncadd.s32 $0xFFFFC000  }
0x422: {  	_ =	swait.ge [sflag:s18], $0x4000  }
0x423: {  	[sflag:s18] =	ssyncset.done $0x0  }
0x424: {  	s31 =	rddreg [dreg:$0x12];
	[sflag:s18] =	ssyncadd.s32 $0xFFFFC000  }
0x425: {  	[hbm4b:s31+s5] =	stream.strided.scatter [tilespmem:s10], [sflag:$0x4], $0x8000, s12, s5, $0x38;
	[tilespmem:$0x10800] =	vst v63  }
0x426: {  	_ =	swait.ge [sflag:s8], $0x8000  }
0x427: {  	[sflag:s8] =	ssyncset.done $0x0  }
0x428: {  	s1 =	rddreg [dreg:$0x13];
	[sflag:s8] =	ssyncadd.s32 $0xFFFF8000  }
0x429: {  	[tilespmem:s21], [sflag:$0x5] =	stream.strided.gather [hbm4b:s1+s13], $0x400, s5, s13, $0x38;
	[tilespmem:$0x10800] =	vst v63  }
0x42a: {  	_ =	swait.ge [sflag:s16], $0x400  }
0x42b: {  	[sflag:s16] =	ssyncset.done $0x0  }
0x42c: {  	[sflag:s16] =	ssyncadd.s32 $0xFFFFFC00  }
0x42d: {  	[tilespmem:s10], [sflag:$0x2] =	stream.indirect.gather [hbm4b:s3+s13], $0x20, s21, s13, $0xb8;
	[tilespmem:$0x10800] =	vst v63  }
0x42e: {  	_ = 	snop  }
0x42f: {  	[tilespmem:s23], [sflag:$0x2] =	stream.indirect.gather [hbm4b:s3+s13], $0x20, s22, s13, $0xb8;
	[tilespmem:$0x10800] =	vst v63  }
0x430: {  	_ =	swait.ge [sflag:s11], $0x4000  }
0x431: {  	[sflag:s11] =	ssyncset.done $0x0  }
0x432: {  	[sflag:s11] =	ssyncadd.s32 $0xFFFFC000  }
0x433: {  	_ =	swait.ge [sflag:s11], $0x4000  }
0x434: {  	[sflag:s11] =	ssyncset.done $0x0  }
0x435: {  	s31 =	rddreg [dreg:$0x14];
	[sflag:s11] =	ssyncadd.s32 $0xFFFFC000  }
0x436: {  	[hbm4b:s31+s5] =	stream.strided.scatter [tilespmem:s6], [sflag:$0x3], $0x8000, s12, s5, $0x38;
	[tilespmem:$0x10800] =	vst v63  }
0x437: {  	_ =	swait.ge [sflag:s9], $0x8000  }
0x438: {  	[sflag:s9] =	ssyncset.done $0x0  }
0x439: {  	s1 =	rddreg [dreg:$0x15];
	[sflag:s9] =	ssyncadd.s32 $0xFFFF8000  }
0x43a: {  	[tilespmem:s2], [sflag:$0x5] =	stream.strided.gather [hbm4b:s1+s13], $0x400, s5, s13, $0x38;
	[tilespmem:$0x10800] =	vst v63  }
0x43b: {  	_ =	swait.ge [sflag:s16], $0x400  }
0x43c: {  	[sflag:s16] =	ssyncset.done $0x0  }
0x43d: {  	[sflag:s16] =	ssyncadd.s32 $0xFFFFFC00  }
0x43e: {  	[tilespmem:s6], [sflag:$0x1] =	stream.indirect.gather [hbm4b:s3+s13], $0x20, s2, s13, $0xb8;
	[tilespmem:$0x10800] =	vst v63  }
0x43f: {  	_ = 	snop  }
0x440: {  	[tilespmem:s17], [sflag:$0x1] =	stream.indirect.gather [hbm4b:s3+s13], $0x20, s13, s13, $0xb8;
	[tilespmem:$0x10800] =	vst v63  }
0x441: {  	_ =	swait.ge [sflag:s18], $0x4000  }
0x442: {  	[sflag:s18] =	ssyncset.done $0x0  }
0x443: {  	[sflag:s18] =	ssyncadd.s32 $0xFFFFC000  }
0x444: {  	_ =	swait.ge [sflag:s18], $0x4000  }
0x445: {  	[sflag:s18] =	ssyncset.done $0x0  }
0x446: {  	s31 =	rddreg [dreg:$0x16];
	[sflag:s18] =	ssyncadd.s32 $0xFFFFC000  }
0x447: {  	[hbm4b:s31+s5] =	stream.strided.scatter [tilespmem:s10], [sflag:$0x4], $0x8000, s12, s5, $0x38;
	[tilespmem:$0x10800] =	vst v63  }
0x448: {  	_ =	swait.ge [sflag:s8], $0x8000  }
0x449: {  	[sflag:s8] =	ssyncset.done $0x0  }
0x44a: {  	s1 =	rddreg [dreg:$0x17];
	[sflag:s8] =	ssyncadd.s32 $0xFFFF8000  }
0x44b: {  	[tilespmem:s21], [sflag:$0x5] =	stream.strided.gather [hbm4b:s1+s13], $0x400, s5, s13, $0x38;
	[tilespmem:$0x10800] =	vst v63  }
0x44c: {  	_ =	swait.ge [sflag:s16], $0x400  }
0x44d: {  	[sflag:s16] =	ssyncset.done $0x0  }
0x44e: {  	[sflag:s16] =	ssyncadd.s32 $0xFFFFFC00  }
0x44f: {  	[tilespmem:s10], [sflag:$0x2] =	stream.indirect.gather [hbm4b:s3+s13], $0x20, s21, s13, $0xb8;
	[tilespmem:$0x10800] =	vst v63  }
0x450: {  	_ = 	snop  }
0x451: {  	[tilespmem:s23], [sflag:$0x2] =	stream.indirect.gather [hbm4b:s3+s13], $0x20, s22, s13, $0xb8;
	[tilespmem:$0x10800] =	vst v63  }
0x452: {  	_ =	swait.ge [sflag:s11], $0x4000  }
0x453: {  	[sflag:s11] =	ssyncset.done $0x0  }
0x454: {  	[sflag:s11] =	ssyncadd.s32 $0xFFFFC000  }
0x455: {  	_ =	swait.ge [sflag:s11], $0x4000  }
0x456: {  	[sflag:s11] =	ssyncset.done $0x0  }
0x457: {  	s31 =	rddreg [dreg:$0x18];
	[sflag:s11] =	ssyncadd.s32 $0xFFFFC000  }
0x458: {  	[hbm4b:s31+s5] =	stream.strided.scatter [tilespmem:s6], [sflag:$0x3], $0x8000, s12, s5, $0x38;
	[tilespmem:$0x10800] =	vst v63  }
0x459: {  	_ =	swait.ge [sflag:s9], $0x8000  }
0x45a: {  	[sflag:s9] =	ssyncset.done $0x0  }
0x45b: {  	s1 =	rddreg [dreg:$0x19];
	[sflag:s9] =	ssyncadd.s32 $0xFFFF8000  }
0x45c: {  	[tilespmem:s2], [sflag:$0x5] =	stream.strided.gather [hbm4b:s1+s13], $0x400, s5, s13, $0x38;
	[tilespmem:$0x10800] =	vst v63  }
0x45d: {  	_ =	swait.ge [sflag:s16], $0x400  }
0x45e: {  	[sflag:s16] =	ssyncset.done $0x0  }
0x45f: {  	[sflag:s16] =	ssyncadd.s32 $0xFFFFFC00  }
0x460: {  	[tilespmem:s6], [sflag:$0x1] =	stream.indirect.gather [hbm4b:s3+s13], $0x20, s2, s13, $0xb8;
	[tilespmem:$0x10800] =	vst v63  }
0x461: {  	_ = 	snop  }
0x462: {  	[tilespmem:s17], [sflag:$0x1] =	stream.indirect.gather [hbm4b:s3+s13], $0x20, s13, s13, $0xb8;
	[tilespmem:$0x10800] =	vst v63  }
0x463: {  	_ =	swait.ge [sflag:s18], $0x4000  }
0x464: {  	[sflag:s18] =	ssyncset.done $0x0  }
0x465: {  	[sflag:s18] =	ssyncadd.s32 $0xFFFFC000  }
0x466: {  	_ =	swait.ge [sflag:s18], $0x4000  }
0x467: {  	[sflag:s18] =	ssyncset.done $0x0  }
0x468: {  	s31 =	rddreg [dreg:$0x1a];
	[sflag:s18] =	ssyncadd.s32 $0xFFFFC000  }
0x469: {  	[hbm4b:s31+s5] =	stream.strided.scatter [tilespmem:s10], [sflag:$0x4], $0x8000, s12, s5, $0x38;
	[tilespmem:$0x10800] =	vst v63  }
0x46a: {  	_ =	swait.ge [sflag:s8], $0x8000  }
0x46b: {  	[sflag:s8] =	ssyncset.done $0x0  }
0x46c: {  	s1 =	rddreg [dreg:$0x1b];
	[sflag:s8] =	ssyncadd.s32 $0xFFFF8000  }
0x46d: {  	[tilespmem:s21], [sflag:$0x5] =	stream.strided.gather [hbm4b:s1+s13], $0x400, s5, s13, $0x38;
	[tilespmem:$0x10800] =	vst v63  }
0x46e: {  	_ =	swait.ge [sflag:s16], $0x400  }
0x46f: {  	[sflag:s16] =	ssyncset.done $0x0  }
0x470: {  	[sflag:s16] =	ssyncadd.s32 $0xFFFFFC00  }
0x471: {  	[tilespmem:s10], [sflag:$0x2] =	stream.indirect.gather [hbm4b:s3+s13], $0x20, s21, s13, $0xb8;
	[tilespmem:$0x10800] =	vst v63  }
0x472: {  	_ = 	snop  }
0x473: {  	[tilespmem:s23], [sflag:$0x2] =	stream.indirect.gather [hbm4b:s3+s13], $0x20, s22, s13, $0xb8;
	[tilespmem:$0x10800] =	vst v63  }
0x474: {  	_ =	swait.ge [sflag:s11], $0x4000  }
0x475: {  	[sflag:s11] =	ssyncset.done $0x0  }
0x476: {  	[sflag:s11] =	ssyncadd.s32 $0xFFFFC000  }
0x477: {  	_ =	swait.ge [sflag:s11], $0x4000  }
0x478: {  	[sflag:s11] =	ssyncset.done $0x0  }
0x479: {  	s31 =	rddreg [dreg:$0x1c];
	[sflag:s11] =	ssyncadd.s32 $0xFFFFC000  }
0x47a: {  	[hbm4b:s31+s5] =	stream.strided.scatter [tilespmem:s6], [sflag:$0x3], $0x8000, s12, s5, $0x38;
	[tilespmem:$0x10800] =	vst v63  }
0x47b: {  	_ =	swait.ge [sflag:s9], $0x8000  }
0x47c: {  	[sflag:s9] =	ssyncset.done $0x0  }
0x47d: {  	s1 =	rddreg [dreg:$0x1d];
	[sflag:s9] =	ssyncadd.s32 $0xFFFF8000  }
0x47e: {  	[tilespmem:s2], [sflag:$0x5] =	stream.strided.gather [hbm4b:s1+s13], $0x400, s5, s13, $0x38;
	[tilespmem:$0x10800] =	vst v63  }
0x47f: {  	_ =	swait.ge [sflag:s16], $0x400  }
0x480: {  	[sflag:s16] =	ssyncset.done $0x0  }
0x481: {  	[sflag:s16] =	ssyncadd.s32 $0xFFFFFC00  }
0x482: {  	[tilespmem:s6], [sflag:$0x1] =	stream.indirect.gather [hbm4b:s3+s13], $0x20, s2, s13, $0xb8;
	[tilespmem:$0x10800] =	vst v63  }
0x483: {  	_ = 	snop  }
0x484: {  	[tilespmem:s17], [sflag:$0x1] =	stream.indirect.gather [hbm4b:s3+s13], $0x20, s13, s13, $0xb8;
	[tilespmem:$0x10800] =	vst v63  }
0x485: {  	_ =	swait.ge [sflag:s18], $0x4000  }
0x486: {  	[sflag:s18] =	ssyncset.done $0x0  }
0x487: {  	[sflag:s18] =	ssyncadd.s32 $0xFFFFC000  }
0x488: {  	_ =	swait.ge [sflag:s18], $0x4000  }
0x489: {  	[sflag:s18] =	ssyncset.done $0x0  }
0x48a: {  	s31 =	rddreg [dreg:$0x1e];
	[sflag:s18] =	ssyncadd.s32 $0xFFFFC000  }
0x48b: {  	[hbm4b:s31+s5] =	stream.strided.scatter [tilespmem:s10], [sflag:$0x4], $0x8000, s12, s5, $0x38;
	[tilespmem:$0x10800] =	vst v63  }
0x48c: {  	_ =	swait.ge [sflag:s8], $0x8000  }
0x48d: {  	[sflag:s8] =	ssyncset.done $0x0  }
0x48e: {  	s1 =	rddreg [dreg:$0x1f];
	[sflag:s8] =	ssyncadd.s32 $0xFFFF8000  }
0x48f: {  	[tilespmem:s21], [sflag:$0x5] =	stream.strided.gather [hbm4b:s1+s13], $0x400, s5, s13, $0x38;
	[tilespmem:$0x10800] =	vst v63  }
0x490: {  	_ =	swait.ge [sflag:s16], $0x400  }
0x491: {  	[sflag:s16] =	ssyncset.done $0x0  }
0x492: {  	[sflag:s16] =	ssyncadd.s32 $0xFFFFFC00  }
0x493: {  	[tilespmem:s10], [sflag:$0x2] =	stream.indirect.gather [hbm4b:s3+s13], $0x20, s21, s13, $0xb8;
	[tilespmem:$0x10800] =	vst v63  }
0x494: {  	_ = 	snop  }
0x495: {  	[tilespmem:s23], [sflag:$0x2] =	stream.indirect.gather [hbm4b:s3+s13], $0x20, s22, s13, $0xb8;
	[tilespmem:$0x10800] =	vst v63  }
0x496: {  	_ =	swait.ge [sflag:s11], $0x4000  }
0x497: {  	[sflag:s11] =	ssyncset.done $0x0  }
0x498: {  	[sflag:s11] =	ssyncadd.s32 $0xFFFFC000  }
0x499: {  	_ =	swait.ge [sflag:s11], $0x4000  }
0x49a: {  	s31 =	sld [smem:$0x7F6]  }
0x49b: {  	[sflag:s11] =	ssyncset.done $0x0  }
0x49c: {  	[sflag:s11] =	ssyncadd.s32 $0xFFFFC000  }
0x49d: {  	[hbm4b:s31+s5] =	stream.strided.scatter [tilespmem:s6], [sflag:$0x3], $0x8000, s12, s5, $0x38;
	[tilespmem:$0x10800] =	vst v63  }
0x49e: {  	_ =	swait.ge [sflag:s9], $0x8000  }
0x49f: {  	s1 =	sld [smem:$0x7F7]  }
0x4a0: {  	[sflag:s9] =	ssyncset.done $0x0  }
0x4a1: {  	[sflag:s9] =	ssyncadd.s32 $0xFFFF8000  }
0x4a2: {  	[tilespmem:s2], [sflag:$0x5] =	stream.strided.gather [hbm4b:s1+s13], $0x400, s5, s13, $0x38;
	[tilespmem:$0x10800] =	vst v63  }
0x4a3: {  	_ =	swait.ge [sflag:s16], $0x400  }
0x4a4: {  	[sflag:s16] =	ssyncset.done $0x0  }
0x4a5: {  	[sflag:s16] =	ssyncadd.s32 $0xFFFFFC00  }
0x4a6: {  	[tilespmem:s6], [sflag:$0x1] =	stream.indirect.gather [hbm4b:s3+s13], $0x20, s2, s13, $0xb8;
	[tilespmem:$0x10800] =	vst v63  }
0x4a7: {  	_ = 	snop  }
0x4a8: {  	[tilespmem:s17], [sflag:$0x1] =	stream.indirect.gather [hbm4b:s3+s13], $0x20, s13, s13, $0xb8;
	[tilespmem:$0x10800] =	vst v63  }
0x4a9: {  	_ =	swait.ge [sflag:s18], $0x4000  }
0x4aa: {  	[sflag:s18] =	ssyncset.done $0x0  }
0x4ab: {  	[sflag:s18] =	ssyncadd.s32 $0xFFFFC000  }
0x4ac: {  	_ =	swait.ge [sflag:s18], $0x4000  }
0x4ad: {  	s31 =	sld [smem:$0x7F8]  }
0x4ae: {  	[sflag:s18] =	ssyncset.done $0x0  }
0x4af: {  	[sflag:s18] =	ssyncadd.s32 $0xFFFFC000  }
0x4b0: {  	[hbm4b:s31+s5] =	stream.strided.scatter [tilespmem:s10], [sflag:$0x4], $0x8000, s12, s5, $0x38;
	[tilespmem:$0x10800] =	vst v63  }
0x4b1: {  	_ =	swait.ge [sflag:s8], $0x8000  }
0x4b2: {  	s1 =	sld [smem:$0x7F9]  }
0x4b3: {  	[sflag:s8] =	ssyncset.done $0x0  }
0x4b4: {  	[sflag:s8] =	ssyncadd.s32 $0xFFFF8000  }
0x4b5: {  	[tilespmem:s21], [sflag:$0x5] =	stream.strided.gather [hbm4b:s1+s13], $0x400, s5, s13, $0x38;
	[tilespmem:$0x10800] =	vst v63  }
0x4b6: {  	_ =	swait.ge [sflag:s16], $0x400  }
0x4b7: {  	[sflag:s16] =	ssyncset.done $0x0  }
0x4b8: {  	[sflag:s16] =	ssyncadd.s32 $0xFFFFFC00  }
0x4b9: {  	[tilespmem:s10], [sflag:$0x2] =	stream.indirect.gather [hbm4b:s3+s13], $0x20, s21, s13, $0xb8;
	[tilespmem:$0x10800] =	vst v63  }
0x4ba: {  	_ = 	snop  }
0x4bb: {  	[tilespmem:s23], [sflag:$0x2] =	stream.indirect.gather [hbm4b:s3+s13], $0x20, s22, s13, $0xb8;
	[tilespmem:$0x10800] =	vst v63  }
0x4bc: {  	_ =	swait.ge [sflag:s11], $0x4000  }
0x4bd: {  	[sflag:s11] =	ssyncset.done $0x0  }
0x4be: {  	[sflag:s11] =	ssyncadd.s32 $0xFFFFC000  }
0x4bf: {  	_ =	swait.ge [sflag:s11], $0x4000  }
0x4c0: {  	s31 =	sld [smem:$0x7FA]  }
0x4c1: {  	[sflag:s11] =	ssyncset.done $0x0  }
0x4c2: {  	[sflag:s11] =	ssyncadd.s32 $0xFFFFC000  }
0x4c3: {  	[hbm4b:s31+s5] =	stream.strided.scatter [tilespmem:s6], [sflag:$0x3], $0x8000, s12, s5, $0x38;
	[tilespmem:$0x10800] =	vst v63  }
0x4c4: {  	_ =	swait.ge [sflag:s9], $0x8000  }
0x4c5: {  	s1 =	sld [smem:$0x7FB]  }
0x4c6: {  	[sflag:s9] =	ssyncset.done $0x0  }
0x4c7: {  	[sflag:s9] =	ssyncadd.s32 $0xFFFF8000  }
0x4c8: {  	[tilespmem:s2], [sflag:$0x5] =	stream.strided.gather [hbm4b:s1+s13], $0x400, s5, s13, $0x38;
	[tilespmem:$0x10800] =	vst v63  }
0x4c9: {  	_ =	swait.ge [sflag:s16], $0x400  }
0x4ca: {  	[sflag:s16] =	ssyncset.done $0x0  }
0x4cb: {  	[sflag:s16] =	ssyncadd.s32 $0xFFFFFC00  }
0x4cc: {  	[tilespmem:s6], [sflag:$0x1] =	stream.indirect.gather [hbm4b:s3+s13], $0x20, s2, s13, $0xb8;
	[tilespmem:$0x10800] =	vst v63  }
0x4cd: {  	_ = 	snop  }
0x4ce: {  	[tilespmem:s17], [sflag:$0x1] =	stream.indirect.gather [hbm4b:s3+s13], $0x20, s13, s13, $0xb8;
	[tilespmem:$0x10800] =	vst v63  }
0x4cf: {  	_ =	swait.ge [sflag:s18], $0x4000  }
0x4d0: {  	[sflag:s18] =	ssyncset.done $0x0  }
0x4d1: {  	[sflag:s18] =	ssyncadd.s32 $0xFFFFC000  }
0x4d2: {  	_ =	swait.ge [sflag:s18], $0x4000  }
0x4d3: {  	s31 =	sld [smem:$0x7FC]  }
0x4d4: {  	[sflag:s18] =	ssyncset.done $0x0  }
0x4d5: {  	[sflag:s18] =	ssyncadd.s32 $0xFFFFC000  }
0x4d6: {  	[hbm4b:s31+s5] =	stream.strided.scatter [tilespmem:s10], [sflag:$0x4], $0x8000, s12, s5, $0x38;
	[tilespmem:$0x10800] =	vst v63  }
0x4d7: {  	_ =	swait.ge [sflag:s8], $0x8000  }
0x4d8: {  	s1 =	sld [smem:$0x7FD]  }
0x4d9: {  	[sflag:s8] =	ssyncset.done $0x0  }
0x4da: {  	[sflag:s8] =	ssyncadd.s32 $0xFFFF8000  }
0x4db: {  	[tilespmem:s21], [sflag:$0x5] =	stream.strided.gather [hbm4b:s1+s13], $0x400, s5, s13, $0x38;
	[tilespmem:$0x10800] =	vst v63  }
0x4dc: {  	_ =	swait.ge [sflag:s16], $0x400  }
0x4dd: {  	[sflag:s16] =	ssyncset.done $0x0  }
0x4de: {  	[sflag:s16] =	ssyncadd.s32 $0xFFFFFC00  }
0x4df: {  	[tilespmem:s10], [sflag:$0x2] =	stream.indirect.gather [hbm4b:s3+s13], $0x20, s21, s13, $0xb8;
	[tilespmem:$0x10800] =	vst v63  }
0x4e0: {  	_ = 	snop  }
0x4e1: {  	[tilespmem:s23], [sflag:$0x2] =	stream.indirect.gather [hbm4b:s3+s13], $0x20, s22, s13, $0xb8;
	[tilespmem:$0x10800] =	vst v63  }
0x4e2: {  	_ =	swait.ge [sflag:s11], $0x4000  }
0x4e3: {  	[sflag:s11] =	ssyncset.done $0x0  }
0x4e4: {  	[sflag:s11] =	ssyncadd.s32 $0xFFFFC000  }
0x4e5: {  	_ =	swait.ge [sflag:s11], $0x4000  }
0x4e6: {  	[sflag:s11] =	ssyncset.done $0x0  }
0x4e7: {  	[sflag:s11] =	ssyncadd.s32 $0xFFFFC000  }
0x4e8: {  	[hbm4b:s30+s5] =	stream.strided.scatter [tilespmem:s6], [sflag:$0x3], $0x8000, s12, s5, $0x38;
	[tilespmem:$0x10800] =	vst v63  }
0x4e9: {  	_ =	swait.ge [sflag:s9], $0x8000  }
0x4ea: {  	[sflag:s9] =	ssyncset.done $0x0  }
0x4eb: {  	[sflag:s9] =	ssyncadd.s32 $0xFFFF8000  }
0x4ec: {  	[tilespmem:s2], [sflag:$0x5] =	stream.strided.gather [hbm4b:s29+s13], $0x400, s5, s13, $0x38;
	[tilespmem:$0x10800] =	vst v63  }
0x4ed: {  	_ =	swait.ge [sflag:s16], $0x400  }
0x4ee: {  	[sflag:s16] =	ssyncset.done $0x0  }
0x4ef: {  	[sflag:s16] =	ssyncadd.s32 $0xFFFFFC00  }
0x4f0: {  	[tilespmem:s6], [sflag:$0x1] =	stream.indirect.gather [hbm4b:s3+s13], $0x20, s2, s13, $0xb8;
	[tilespmem:$0x10800] =	vst v63  }
0x4f1: {  	_ = 	snop  }
0x4f2: {  	[tilespmem:s17], [sflag:$0x1] =	stream.indirect.gather [hbm4b:s3+s13], $0x20, s13, s13, $0xb8;
	[tilespmem:$0x10800] =	vst v63  }
0x4f3: {  	_ =	swait.ge [sflag:s18], $0x4000  }
0x4f4: {  	[sflag:s18] =	ssyncset.done $0x0  }
0x4f5: {  	[sflag:s18] =	ssyncadd.s32 $0xFFFFC000  }
0x4f6: {  	_ =	swait.ge [sflag:s18], $0x4000  }
0x4f7: {  	[sflag:s18] =	ssyncset.done $0x0  }
0x4f8: {  	[sflag:s18] =	ssyncadd.s32 $0xFFFFC000  }
0x4f9: {  	[hbm4b:s28+s5] =	stream.strided.scatter [tilespmem:s10], [sflag:$0x4], $0x8000, s12, s5, $0x38;
	[tilespmem:$0x10800] =	vst v63  }
0x4fa: {  	_ =	swait.ge [sflag:s8], $0x8000  }
0x4fb: {  	[sflag:s8] =	ssyncset.done $0x0  }
0x4fc: {  	[sflag:s8] =	ssyncadd.s32 $0xFFFF8000  }
0x4fd: {  	[tilespmem:s21], [sflag:$0x5] =	stream.strided.gather [hbm4b:s26+s13], $0x400, s5, s13, $0x38;
	[tilespmem:$0x10800] =	vst v63  }
0x4fe: {  	_ =	swait.ge [sflag:s16], $0x400  }
0x4ff: {  	[sflag:s16] =	ssyncset.done $0x0  }
0x500: {  	[sflag:s16] =	ssyncadd.s32 $0xFFFFFC00  }
0x501: {  	[tilespmem:s10], [sflag:$0x2] =	stream.indirect.gather [hbm4b:s3+s13], $0x20, s21, s13, $0xb8;
	[tilespmem:$0x10800] =	vst v63  }
0x502: {  	_ = 	snop  }
0x503: {  	[tilespmem:s23], [sflag:$0x2] =	stream.indirect.gather [hbm4b:s3+s13], $0x20, s22, s13, $0xb8;
	[tilespmem:$0x10800] =	vst v63  }
0x504: {  	_ =	swait.ge [sflag:s11], $0x4000  }
0x505: {  	[sflag:s11] =	ssyncset.done $0x0  }
0x506: {  	[sflag:s11] =	ssyncadd.s32 $0xFFFFC000  }
0x507: {  	_ =	swait.ge [sflag:s11], $0x4000  }
0x508: {  	[sflag:s11] =	ssyncset.done $0x0  }
0x509: {  	[sflag:s11] =	ssyncadd.s32 $0xFFFFC000  }
0x50a: {  	[hbm4b:s25+s5] =	stream.strided.scatter [tilespmem:s6], [sflag:$0x3], $0x8000, s12, s5, $0x38;
	[tilespmem:$0x10800] =	vst v63  }
0x50b: {  	_ =	swait.ge [sflag:s9], $0x8000  }
0x50c: {  	[sflag:s9] =	ssyncset.done $0x0  }
0x50d: {  	[sflag:s9] =	ssyncadd.s32 $0xFFFF8000  }
0x50e: {  	[tilespmem:s2], [sflag:$0x5] =	stream.strided.gather [hbm4b:s24+s13], $0x400, s5, s13, $0x38;
	[tilespmem:$0x10800] =	vst v63  }
0x50f: {  	_ =	swait.ge [sflag:s16], $0x400  }
0x510: {  	[sflag:s16] =	ssyncset.done $0x0  }
0x511: {  	[sflag:s16] =	ssyncadd.s32 $0xFFFFFC00  }
0x512: {  	[tilespmem:s6], [sflag:$0x1] =	stream.indirect.gather [hbm4b:s3+s13], $0x20, s2, s13, $0xb8;
	[tilespmem:$0x10800] =	vst v63  }
0x513: {  	_ = 	snop  }
0x514: {  	[tilespmem:s17], [sflag:$0x1] =	stream.indirect.gather [hbm4b:s3+s13], $0x20, s13, s13, $0xb8;
	[tilespmem:$0x10800] =	vst v63  }
0x515: {  	_ =	swait.ge [sflag:s18], $0x4000  }
0x516: {  	[sflag:s18] =	ssyncset.done $0x0  }
0x517: {  	[sflag:s18] =	ssyncadd.s32 $0xFFFFC000  }
0x518: {  	_ =	swait.ge [sflag:s18], $0x4000  }
0x519: {  	[sflag:s18] =	ssyncset.done $0x0  }
0x51a: {  	[sflag:s18] =	ssyncadd.s32 $0xFFFFC000  }
0x51b: {  	[hbm4b:s20+s5] =	stream.strided.scatter [tilespmem:s10], [sflag:$0x4], $0x8000, s12, s5, $0x38;
	[tilespmem:$0x10800] =	vst v63  }
0x51c: {  	_ =	swait.ge [sflag:s8], $0x8000  }
0x51d: {  	[sflag:s8] =	ssyncset.done $0x0  }
0x51e: {  	[sflag:s8] =	ssyncadd.s32 $0xFFFF8000  }
0x51f: {  	[tilespmem:s21], [sflag:$0x5] =	stream.strided.gather [hbm4b:s19+s13], $0x400, s5, s13, $0x38;
	[tilespmem:$0x10800] =	vst v63  }
0x520: {  	_ =	swait.ge [sflag:s16], $0x400  }
0x521: {  	[sflag:s16] =	ssyncset.done $0x0  }
0x522: {  	[sflag:s16] =	ssyncadd.s32 $0xFFFFFC00  }
0x523: {  	[tilespmem:s10], [sflag:$0x2] =	stream.indirect.gather [hbm4b:s3+s13], $0x20, s21, s13, $0xb8;
	[tilespmem:$0x10800] =	vst v63  }
0x524: {  	_ = 	snop  }
0x525: {  	[tilespmem:s23], [sflag:$0x2] =	stream.indirect.gather [hbm4b:s3+s13], $0x20, s22, s13, $0xb8;
	[tilespmem:$0x10800] =	vst v63  }
0x526: {  	_ =	swait.ge [sflag:s11], $0x4000  }
0x527: {  	[sflag:s11] =	ssyncset.done $0x0  }
0x528: {  	[sflag:s11] =	ssyncadd.s32 $0xFFFFC000  }
0x529: {  	_ =	swait.ge [sflag:s11], $0x4000  }
0x52a: {  	[sflag:s11] =	ssyncset.done $0x0  }
0x52b: {  	[sflag:s11] =	ssyncadd.s32 $0xFFFFC000  }
0x52c: {  	[hbm4b:s15+s5] =	stream.strided.scatter [tilespmem:s6], [sflag:$0x3], $0x8000, s12, s5, $0x38;
	[tilespmem:$0x10800] =	vst v63  }
0x52d: {  	_ =	swait.ge [sflag:s9], $0x8000  }
0x52e: {  	[sflag:s9] =	ssyncset.done $0x0  }
0x52f: {  	[sflag:s9] =	ssyncadd.s32 $0xFFFF8000  }
0x530: {  	[tilespmem:s2], [sflag:$0x5] =	stream.strided.gather [hbm4b:s14+s13], $0x400, s5, s13, $0x38;
	[tilespmem:$0x10800] =	vst v63  }
0x531: {  	_ =	swait.ge [sflag:s16], $0x400  }
0x532: {  	[sflag:s16] =	ssyncset.done $0x0  }
0x533: {  	[sflag:s16] =	ssyncadd.s32 $0xFFFFFC00  }
0x534: {  	[tilespmem:s6], [sflag:$0x1] =	stream.indirect.gather [hbm4b:s3+s13], $0x20, s2, s13, $0xb8;
	[tilespmem:$0x10800] =	vst v63  }
0x535: {  	_ = 	snop  }
0x536: {  	[tilespmem:s17], [sflag:$0x1] =	stream.indirect.gather [hbm4b:s3+s13], $0x20, s13, s13, $0xb8;
	[tilespmem:$0x10800] =	vst v63  }
0x537: {  	_ =	swait.ge [sflag:s18], $0x4000  }
0x538: {  	[sflag:s18] =	ssyncset.done $0x0  }
0x539: {  	[sflag:s18] =	ssyncadd.s32 $0xFFFFC000  }
0x53a: {  	_ =	swait.ge [sflag:s18], $0x4000  }
0x53b: {  	[sflag:s18] =	ssyncset.done $0x0  }
0x53c: {  	[sflag:s18] =	ssyncadd.s32 $0xFFFFC000  }
0x53d: {  	[hbm4b:s7+s5] =	stream.strided.scatter [tilespmem:s10], [sflag:$0x4], $0x8000, s12, s5, $0x38;
	[tilespmem:$0x10800] =	vst v63  }
0x53e: {  	_ =	swait.ge [sflag:s11], $0x4000  }
0x53f: {  	[sflag:s11] =	ssyncset.done $0x0  }
0x540: {  	[sflag:s11] =	ssyncadd.s32 $0xFFFFC000  }
0x541: {  	_ =	swait.ge [sflag:s11], $0x4000  }
0x542: {  	[sflag:s11] =	ssyncset.done $0x0  }
0x543: {  	[sflag:s11] =	ssyncadd.s32 $0xFFFFC000  }
0x544: {  	[hbm4b:s4+s5] =	stream.strided.scatter [tilespmem:s6], [sflag:$0x3], $0x8000, s12, s5, $0x38;
	[tilespmem:$0x10800] =	vst v63  }
0x545: {  	_ =	swait.ge [sflag:s9], $0x8000  }
0x546: {  	[sflag:s9] =	ssyncset.done $0x0  }
0x547: {  	[sflag:s9] =	ssyncadd.s32 $0xFFFF8000  }
0x548: {  	_ =	swait.ge [sflag:s8], $0x8000  }
0x549: {  	[sflag:s8] =	ssyncset.done $0x0  }
0x54a: {  	[sflag:s8] =	ssyncadd.s32 $0xFFFF8000  }
0x54b: {  	_ =	sfence.sel $0x180000  }
0x54c: {  	[bflag:$0x0] =	sbarrier.arrive $0xFFFF  }
0x54d: {  	_ =	strace $0x90000047  }
0x54e: {  	s31 =	stileid.u32;
	[bflag:$0x2] =	sbarrier.arrive $0xFFFF  }
0x54f: {  	p0 =	sne.s32 s31, $0x0;
	s0 =	rddreg [dreg:$0x2]  }
0x550: {  	s0 =	sadd.s32 @!p0 $0x100000, s0  }
0x551: {  	[sflag:s0] =	ssyncadd.tile.s32 @!p0 $0x1;
	_ =	shalt  }
.Lfunc_end2:
_tile_overlayer_lowered:
.L_overlay_start_2:
0x552: {  	(tag) =	ssettag $0x2  }
0x553: {  	s0 =	rddreg [dreg:$0x0];
	s2 =	stileid.u32  }
0x554: {  	s1 =	rddreg [dreg:$0x1];
	p0 =	sne.s32 s2, $0x0  }
0x555: {  	s3 =	rddreg [dreg:$0x2];
	[bflag:$0x3] =	sbarrier.arrive $0xFFFF;
	s2 =	simm.s32 @!p0 $0x1C05  }
0x556: {  	[timem:s3], [sflag:s2] =	dma.local @!p0 [hbm:s0], s1  }
0x557: {  	s0 =	simm.s32 @!p0 $0x5  }
0x558: {  	_ =	swait.ge @!p0 [sflag:s0], s1  }
0x559: {  	s1 =	ssub.s32 @!p0 $0x0, s1;
	[sflag:s0] =	ssyncset.done @!p0 $0x0  }
0x55a: {  	[sflag:s0] =	ssyncadd.s32 @!p0 s1  }
0x55b: {  	[bflag:$0x3] =	sbarrier.arrive $0xFFFF  }
0x55c: {  	_ =	shalt  }

// kernel: sparse-core-data-format-call.cloned.1.call-start
scs
called_computation_lowered:
.L_overlay_start_0:
0x0: {  	s2 =	sld [smem:$0x3FD9]  }
0x1: {  	s3 =	sld [smem:$0x3FFE];
	_ =	sdelay $0x1  }
0x2: {  	s1 =	srdreg.scid  }
0x3: {  	s0 =	sand.u32 $0x1, s1  }
0x4: {  	s18 =	sshll.u32 s0, $0xA;
	s2 =	sadd.s32 s3, s2  }
0x5: {  	s2 =	sadd.s32 s2, s18  }
0x6: {  	[smem:$0x3FC6] =	sst s2  }
0x7: {  	_ = 	snop  }
0x8: {  	s2 =	sld [smem:$0x3FD0];
	(tm) =	ssettm $0x1  }
0x9: {  	s19 =	sld [smem:$0x3FFB];
	_ =	sdelay $0x3  }
0xa: {  	_ =	strace s19  }
0xb: {  	s3 =	sld [smem:$0x3FFC];
	_ =	sdelay $0x3  }
0xc: {  	_ =	strace s3  }
0xd: {  	s3 =	sld [smem:$0x3FFD];
	_ =	sdelay $0x3  }
0xe: {  	_ =	strace s3  }
0xf: {  	_ =	strace $0x8FFFFFFF  }
0x10: {  	s20 =	sld [smem:$0x3FDB];
	_ =	sdelay $0x1  }
0x11: {  	s4 =	simm.s32 $_scs_section_size  }
0x12: {  	s5 =	simm.s32 $_size__tile_overlayer_lowered;
	s6 =	simm.s32 $_tile_overlayer_lowered  }
0x13: {  	s23 =	simm.s32 $0x1BFF;
	s22 =	sshll.u32 s6, $0x1;
	s3 =	sadd.s32 s4, s20  }
0x14: {  	s7 =	simm.s32 $0x0;
	s21 =	sshll.u32 s5, $0x1;
	s5 =	sadd.s32 s22, s3  }
0x15: {  	[timem:s7], [sflag:s23] =	dma.local [hbm:s5], s21  }
0x16: {  	_ =	swait.ge [sflag:s23], s21  }
0x17: {  	s4 =	ssub.s32 $0x0, s21;
	[sflag:s23] =	ssyncset.done $0x0  }
0x18: {  	[sflag:s23] =	ssyncadd.s32 s4;
	_ =	sdelay $0x1  }
0x19: {  	s24 =	simm.s32 $0x1B8B  }
0x1a: {  	_ =	swait.ge [sflag:s24], $0x1  }
0x1b: {  	[sflag:s24] =	ssyncset.done $0x0  }
0x1c: {  	s26 =	simm.s32 $0x1B8E;
	s25 =	sld [smem:$0x3FFE];
	[sflag:s24] =	ssyncadd.s32 $0xFFFFFFFF  }
0x1d: {  	s27 =	simm.s32 $execute0_lowered;
	[smem:$0x3FD2] =	sst s26  }
0x1e: {  	s5 =	sshll.u32 s27, $0x1;
	_ =	strace $0x80000049;
	[dreg:$0x1] =	wrdreg $0xFFFFFFFF  }
0x1f: {  	s28 =	simm.s32 $_size_execute0_lowered;
	s3 =	sadd.s32 s3, s5;
	[dreg:$0x0] =	wrdreg $0x0  }
0x20: {  	s5 =	sshll.u32 s28, $0x1;
	[dreg:$0x2] =	wrdreg s3  }
0x21: {  	[dreg:$0x3] =	wrdreg s5  }
0x22: {  	[dreg:$0x4] =	wrdreg $0xC0  }
0x23: {  	_ =	task [dreg:s7], $0x5FFFF  }
0x24: {  	[dreg:$0x1] =	wrdreg $0xFFFFFFFF  }
0x25: {  	[dreg:$0x0] =	wrdreg $0x60  }
0x26: {  	[dreg:$0x2] =	wrdreg s25  }
0x27: {  	[dreg:$0x3] =	wrdreg s2  }
0x28: {  	[dreg:$0x4] =	wrdreg $0x9  }
0x29: {  	_ =	task.clear_ibuf [dreg:s7], $0x5FFFF;
	_ =	strace $0x90000049  }
0x2a: {  	s29 =	simm.s32 $0x9;
	_ =	strace $0x8000004B  }
0x2b: {  	_ =	swait.ge [sflag:s29], $0x1  }
0x2c: {  	[sflag:s29] =	ssyncadd.s32 $0xFFFFFFFF  }
0x2d: {  	_ =	strace $0x9000004B  }
0x2e: {  	_ =	sfence  }
0x2f: {  	s30 =	sld [smem:$0x0];
	_ =	sdelay $0x2  }
0x30: {  	s31 =	sshll.u32 s1, $0xD;
	s1 =	sshrl.u32 s1, $0x2  }
0x31: {  	s3 =	sand.u32 $0x4000, s31;
	s1 =	sadd.s32 s1, s30  }
0x32: {  	s0 =	sor.u32 s3, s0;
	s1 =	sshll.u32 s1, $0x11  }
0x33: {  	s0 =	sor.u32 s1, s0  }
0x34: {  	s0 =	sadd.s32 $0x8F2B, s0  }
0x35: {  	[sflag:s0] =	ssyncadd.remote.s32 $0x1  }
0x36: {  	_ =	sfence.sel $0xFFFF  }
0x37: {  	[dreg:$0x0] =	wrdreg $0xFFFFFFFF;
	(pc) =	sbr.abs _section_cstart, $3  }
0x38: {  	[dreg:$0x1] =	wrdreg $0xFFFFFFFF  }
0x39: {  	_ =	task.clear_ibuf [dreg:s7], $0x2FFFF;
	_ =	strace $0x9FFFFFFF  }
0x3a: {  	(tm) =	ssettm $0x7FFFFFFF  }
0x3b: {  	_ =	shalt  }
tec
execute0_lowered:
.L_overlay_start_1:
0x0: {  	(tag) =	ssettag $0x1  }
0x1: {  	s0 =	srdreg.scid  }
0x2: {  	s1 =	sshll.u32 s0, $0x4  }
0x3: {  	s0 =	stileid.u32;
	s1 =	sand.u32 $0x10, s1  }
0x4: {  	s7 =	rddreg [dreg:$0x0];
	s1 =	sor.u32 s0, s1  }
0x5: {  	s4 =	simm.s32 $0x1;
	s8 =	simm.s32 $0x2;
	s2 =	sshll.u32 s1, $0x7  }
0x6: {  	s13 =	simm.s32 $0x0;
	s9 =	simm.s32 $0x20000;
	s1 =	ssub.s32 $0x4000, s2  }
0x7: {  	s14 =	simm.s32 $0x0;
	s11 =	simm.s32 $0x0;
	s3 =	sand.u32 $0xF80, s1  }
0x8: {  	s12 =	simm.s32 $0x0;
	s5 =	sshrl.u32 s1, $0xC;
	p0 =	sne.s32 s3, $0x0  }
.Ltmp0:
0x9: {  	s1 =	rddreg [dreg:$0x2];
	s4 =	simm.s32 @!p0 $0x0;
	(pc) =	sbr.rel .LBB1_1-.Ltmp0, $4  }
0xa: {  	s6 =	sadd.s32 $0xA00, s7;
	s3 =	rddreg [dreg:$0x1];
	s5 =	sadd.s32 s4, s5  }
0xb: {  	_ =	strace $0x8000004A;
	s4 =	simm.s32 $0x1;
	s5 =	smul.u32 $0x19, s5  }
0xc: {  	s7 =	sadd.s32 $0x40A00, s7;
	s10 =	smov.u32 s2;
	[sflag:s4] =	ssyncpa.u1 $0x0  }
0xd: {  	p0 =	por $0x0, $0x0;
	[sflag:s8] =	ssyncpa.u1 $0x0;
	s8 =	sadd.s32 $0x1, s5  }
.LBB1_7:
0xe: {  	s15 =	sadd.s32 $0x1000, s10  }
0xf: {  	s13 =	sadd.s32 $0x2, s11;
	s17 =	smov.u32 s11;
	p2 =	sgt.s32 s15, $0x3FFF  }
0x10: {  	s17 =	smov.u32 @p2 s13  }
0x11: {  	s15 =	smov.u32 @p2 s2;
	p2 =	sgt.s32 s17, $0x31  }
0x12: {  	s17 =	simm.s32 @p2 $0x0;
	p2 =	sne.s32 s12, s8  }
.Ltmp1:
0x13: {  	p1 =	slt.u32 s12, $0x2;
	(pc) =	sbr.rel @!p2 .LBB1_8-.Ltmp1, $4  }
0x14: {  	s16 =	simm.s32 @!p1 $0x2  }
0x15: {  	s14 =	smov.u32 s11;
	p0 =	por !p0, !p0;
	_ =	swait.ge @!p1 [sflag:s16], $0x2000  }
0x16: {  	s13 =	smov.u32 s10;
	[sflag:s16] =	ssyncset.done @!p1 $0x0;
	s10 =	smov.u32 s15  }
0x17: {  	s12 =	sadd.s32 $0x1, s12;
	[sflag:s16] =	ssyncadd.s32 @!p1 $0xFFFFE000;
	s11 =	smov.u32 s17  }
.LBB1_1:
0x18: {  	p1 =	sge.u32 s12, s5  }
0x19: {  	s15 =	sxor.u32 @!p1 $0xFFFFFFFF, s12;
	s16 =	sshll.u32 @!p1 s11, $0x12  }
0x1a: {  	s17 =	sshll.u32 @!p1 s10, $0x4;
	s19 =	simm.s32 @!p1 $0x20;
	s20 =	simm.s32 @!p1 $0x80  }
0x1b: {  	s15 =	sshll.u32 @!p1 s15, $0xD;
	s17 =	sand.u32 @!p1 $0x3FFF0, s17;
	s18 =	sadd.s32 @!p1 s6, s16  }
0x1c: {  	s16 =	sadd.s32 @!p1 s16, s7;
	s15 =	sand.u32 @!p1 $0x2000, s15;
	s18 =	sadd.s32 @!p1 s17, s18  }
0x1d: {  	[tilespmem:s15], [sflag:$0x1] =	stream.strided.gather @!p1 [hbm4b:s18+s19], $0x1000, s20, s19, $0x38;
	[tilespmem:$0x8080] =	vst v63  }
0x1e: {  	s31 =	sadd.s32 $0xFFFFFFFF, s12;
	s16 =	sadd.s32 @!p1 s17, s16;
	s15 =	sor.u32 @!p1 $0x1000, s15  }
0x1f: {  	[tilespmem:s15], [sflag:$0x1] =	stream.strided.gather @!p1 [hbm4b:s16+s19], $0x1000, s20, s19, $0x38;
	[tilespmem:$0x8080] =	vst v63  }
0x20: {  	p1 =	sge.u32 s31, s5  }
.Ltmp2:
0x21: {  	_ = 	snop;
	(pc) =	sbr.rel @p1 .LBB1_7-.Ltmp2, $1  }
0x22: {  	_ =	sdelay $0x3  }
0x23: {  	s15 =	simm.s32 $0x1;
	s17 =	sand.u32 $0x1, s12  }
0x24: {  	_ =	swait.ge [sflag:s4], $0x2000;
	s15 =	simm.s32 @!p0 $0x0;
	s17 =	smul.u32 $0x8100, s17  }
0x25: {  	p2 =	por $0x1, $0x1;
	[sflag:s4] =	ssyncset.done $0x0;
	s16 =	smul.u32 $0x8100, s15  }
0x26: {  	s18 =	sshll.u32 s15, $0xF;
	[sflag:s4] =	ssyncadd.s32 $0xFFFFE000;
	s30 =	sshrl.u32 s17, $0x2  }
0x27: {  	s31 =	sshrl.u32 s18, $0x2;
	s18 =	simm.s32 $0x0;
	s16 =	sshrl.u32 s16, $0x2  }
0x28: {  	s15 =	sor.u32 $0x4000, s30;
	s17 =	sadd.s32 $0x10, s31;
	s16 =	sor.u32 $0x4000, s16  }
.LBB1_3:
0x29: {  	s19 =	sshll.u32 s18, $0xC  }
0x2a: {  	s19 =	sand.u32 $0x3FFFF000, s19  }
0x2b: {  	s20 =	sadd.s32 s19, s17  }
0x2c: {  	s31 =	smul.u32 $0x4080, s18;
	v1 =	vld [tilespmem:s20+$0x0]  }
0x2d: {  	v0 =	vld [tilespmem:s20+$0xFFFFFFF0]  }
0x2e: {  	s18 =	sshra.s32 s31, $0x2  }
0x2f: {  	s18 =	sadd.s32 s18, s16  }
0x30: {  	s21 =	sadd.s32 $0x0, s18  }
0x31: {  	p1 =	por p2, p2;
	s19 =	simm.s32 $0x4;
	s20 =	sadd.s32 $0x20, s20;
	[tilespmem:s21+$0x810 ss:$0x81] =	vst.msk $0xffff, v1  }
.LBB1_4:
0x32: {  	v1 =	vld [tilespmem:s20+$0x0];
	p2 =	sne.s32 s19, $0x1FC;
	[tilespmem:s21+$0x0 ss:$0x81] =	vst.msk $0xffff, v0;
	s21 =	smov.u32 s19;
	s19 =	sadd.s32 $0x4, s19  }
.Ltmp3:
0x33: {  	v0 =	vld [tilespmem:s20+$0xFFFFFFF0];
	(pc) =	sbr.rel @p2 .LBB1_4-.Ltmp3, $4  }
0x34: {  	_ = 	snop  }
0x35: {  	s21 =	sshra.s32 s21, $0x2  }
0x36: {  	s21 =	sadd.s32 s21, s18  }
0x37: {  	s20 =	sadd.s32 $0x20, s20;
	[tilespmem:s21+$0x810 ss:$0x81] =	vst.msk $0xffff, v1  }
.Ltmp4:
0x38: {  	(pc) =	sbr.rel @p1 .LBB1_3-.Ltmp4, $2  }
0x39: {  	_ =	sdelay $0x2  }
0x3a: {  	[tilespmem:s21+$0x0 ss:$0x81] =	vst.msk $0xffff, v0;
	s18 =	simm.s32 $0x1;
	p2 =	por $0x0, $0x0  }
0x3b: {  	s16 =	sshll.u32 s13, $0x3;
	s17 =	sand.u32 $0x78, s13;
	s14 =	sshll.u32 s14, $0x10  }
.Ltmp5:
0x3c: {  	s30 =	sand.u32 $0xF800, s13;
	s16 =	sand.u32 $0x3C00, s16;
	(pc) =	sbr.rel .LBB1_7-.Ltmp5, $4  }
0x3d: {  	s31 =	sand.u32 $0x7, s13;
	s14 =	sadd.s32 s3, s14;
	s16 =	sor.u32 s17, s16  }
0x3e: {  	s13 =	sshll.u32 s31, $0x12;
	s14 =	sadd.s32 s30, s14;
	s16 =	sshrl.u32 s16, $0x3  }
0x3f: {  	s13 =	sor.u32 $0x400, s13;
	s14 =	sadd.s32 s16, s14  }
0x40: {  	[hbm4b:s14+s13] =	stream.strided.scatter [tilespmem:s15], [sflag:$0x2], $0x2000, s9, s13, $0x20;
	[tilespmem:$0x8080] =	vst v63  }
.LBB1_8:
0x41: {  	_ =	sfence.sel $0x180000  }
0x42: {  	s2 =	simm.s32 $0x1;
	[bflag:$0x0] =	sbarrier.arrive $0xFFFF  }
0x43: {  	s31 =	simm.s32 $0x2;
	[sflag:s2] =	ssyncpa.u1 $0x1  }
0x44: {  	[sflag:s31] =	ssyncpa.u1 $0x1  }
0x45: {  	p0 =	sne.s32 s0, $0x0;
	_ =	strace $0x9000004A  }
0x46: {  	s0 =	sadd.s32 @!p0 $0x100000, s1;
	[bflag:$0x2] =	sbarrier.arrive $0xFFFF  }
0x47: {  	[sflag:s0] =	ssyncadd.tile.s32 @!p0 $0x1;
	_ =	shalt  }
.Lfunc_end1:
_tile_overlayer_lowered:
.L_overlay_start_2:
0x48: {  	(tag) =	ssettag $0x2  }
0x49: {  	s0 =	rddreg [dreg:$0x0];
	s2 =	stileid.u32  }
0x4a: {  	s1 =	rddreg [dreg:$0x1];
	p0 =	sne.s32 s2, $0x0  }
0x4b: {  	s3 =	rddreg [dreg:$0x2];
	[bflag:$0x3] =	sbarrier.arrive $0xFFFF;
	s2 =	simm.s32 @!p0 $0x1C01  }
0x4c: {  	[timem:s3], [sflag:s2] =	dma.local @!p0 [hbm:s0], s1  }
0x4d: {  	s0 =	simm.s32 @!p0 $0x1  }
0x4e: {  	_ =	swait.ge @!p0 [sflag:s0], s1  }
0x4f: {  	s1 =	ssub.s32 @!p0 $0x0, s1;
	[sflag:s0] =	ssyncset.done @!p0 $0x0  }
0x50: {  	[sflag:s0] =	ssyncadd.s32 @!p0 s1  }
0x51: {  	[bflag:$0x3] =	sbarrier.arrive $0xFFFF  }
0x52: {  	_ =	shalt  }

</sc_bundles>
